<compile_context>
chip_gen: v7x
topology: tpu7x:2x2x1
jax: 0.10.2.dev20260603
libtpu: 0.0.44.dev20260713+nightly
codegen_flags: <defaults>
</compile_context>

<pallas_src>
import jax
import jax.numpy as jnp
from jax import lax
from jax.experimental import pallas as pl
from jax.experimental.pallas import tpu as pltpu
from jax.experimental.pallas import tpu_sc as plsc

_N, _F, _H0, _H1, _K, _V = 10000, 128, 64, 32, 16, 1
_BM = 400
_bf16, _f32 = jnp.bfloat16, jnp.float32

_NC, _NS = 2, 16
_NW = _NC * _NS
_NP = 10240
_RPW = _NP // _NW
_GROUPS = _RPW // 16


def _decoder_body(e3_ref, et_ref, w1d_ref, b1d_ref, w2d_ref, b2d_ref,
                  recon_ref, xbar_ref):
    lhs = e3_ref[0]
    recon_ref[...] = lax.dot_general(
        lhs, et_ref[...], (((0,), (0,)), ((), ())),
        preferred_element_type=_f32)
    e = lhs.T
    mid = lax.dot_general(e, w1d_ref[...], (((1,), (0,)), ((), ())),
                          preferred_element_type=_f32) + b1d_ref[...]
    mid_bf = jnp.maximum(mid, 0.0).astype(_bf16)
    xbar_ref[...] = lax.dot_general(
        mid_bf, w2d_ref[...], (((1,), (0,)), ((), ())),
        preferred_element_type=_f32) + b2d_ref[...]


def _bfly_min(x, iota):
    for k in (1, 2, 4, 8):
        x = jnp.minimum(x, x.at[iota ^ k].get(mode="promise_in_bounds"))
    return x


def _bfly_sum(x, iota):
    for k in (1, 2, 4, 8):
        x = x + x.at[iota ^ k].get(mode="promise_in_bounds")
    return x


def _assign_sc(dist_hbm, q_hbm, t1_hbm, t2_hbm, dist_v, q_v, t1_v, t2_v):
    wid = lax.axis_index("s") * _NC + lax.axis_index("c")
    base = wid * _RPW
    pltpu.sync_copy(dist_hbm.at[pl.ds(base, _RPW)], dist_v)
    iota = lax.iota(jnp.int32, 16)

    def group(g, carry):
        t1acc = jnp.zeros((16,), jnp.int32)
        t2acc = jnp.zeros((16,), jnp.int32)
        for r in range(16):
            row = dist_v[g * 16 + r, :]
            qr = 1.0 / (1.0 + row)
            q_v[g * 16 + r, :] = qr / _bfly_sum(qr, iota)
            m1 = _bfly_min(row, iota)
            t1 = _bfly_min(jnp.where(row == m1, iota, 16), iota)
            masked = jnp.where(iota == t1, jnp.inf, row)
            m2 = _bfly_min(masked, iota)
            t2 = _bfly_min(jnp.where(masked == m2, iota, 16), iota)
            t1acc = jnp.where(iota == r, t1, t1acc)
            t2acc = jnp.where(iota == r, t2, t2acc)
        t1_v[pl.ds(g * 16, 16)] = t1acc
        t2_v[pl.ds(g * 16, 16)] = t2acc
        return carry

    lax.fori_loop(0, _GROUPS, group, 0)
    pltpu.sync_copy(q_v, q_hbm.at[pl.ds(base, _RPW)])
    pltpu.sync_copy(t1_v, t1_hbm.at[pl.ds(base, _RPW)])
    pltpu.sync_copy(t2_v, t2_hbm.at[pl.ds(base, _RPW)])


def kernel(features, adjs, input_view, W_s1, W_s2, dec_W1, dec_b1, dec_W2,
           dec_b2, cluster_layer):
    adj = adjs.reshape(_N, _N)

    xw1_bf = lax.dot_general(features, W_s1, (((1,), (0,)), ((), ())),
                             preferred_element_type=_bf16)
    h1preT = lax.dot_general(xw1_bf, adj, (((0,), (1,)), ((), ())),
                             preferred_element_type=_bf16)
    h1T_bf = jnp.maximum(h1preT.astype(_f32), 0.0).astype(_bf16)
    h1w2_bf = lax.dot_general(h1T_bf, W_s2, (((0,), (0,)), ((), ())),
                              preferred_element_type=_bf16)
    embT = jnp.maximum(lax.dot_general(h1w2_bf, adj, (((0,), (1,)), ((), ())),
                                       preferred_element_type=_f32), 0.0)
    emb = embT.T

    diff = emb[:, None, :] - cluster_layer[None, :, :]
    dist = jnp.sum(diff * diff, axis=2)

    emb3d = jnp.moveaxis(embT.reshape(_H1, _N // _BM, _BM), 1, 0)
    recon2d, x_bar = pl.pallas_call(
        _decoder_body,
        grid=(_N // _BM,),
        in_specs=[
            pl.BlockSpec((1, _H1, _BM), lambda i: (i, 0, 0)),
            pl.BlockSpec((_H1, _N), lambda i: (0, 0)),
            pl.BlockSpec((_H1, _H0), lambda i: (0, 0)),
            pl.BlockSpec((1, _H0), lambda i: (0, 0)),
            pl.BlockSpec((_H0, _F), lambda i: (0, 0)),
            pl.BlockSpec((1, _F), lambda i: (0, 0)),
        ],
        out_specs=[
            pl.BlockSpec((_BM, _N), lambda i: (i, 0)),
            pl.BlockSpec((_BM, _F), lambda i: (i, 0)),
        ],
        out_shape=[
            jax.ShapeDtypeStruct((_N, _N), _f32),
            jax.ShapeDtypeStruct((_N, _F), _f32),
        ],
        compiler_params=pltpu.CompilerParams(
            dimension_semantics=("arbitrary",)),
    )(emb3d, embT, dec_W1, dec_b1.reshape(1, _H0), dec_W2,
      dec_b2.reshape(1, _F))
    recon = recon2d[None]

    dist_pad = jnp.pad(dist, ((0, _NP - _N), (0, 0)))
    q_pad, t1_pad, t2_pad = pl.kernel(
        _assign_sc,
        out_type=[
            jax.ShapeDtypeStruct((_NP, _K), _f32),
            jax.ShapeDtypeStruct((_NP,), jnp.int32),
            jax.ShapeDtypeStruct((_NP,), jnp.int32),
        ],
        mesh=plsc.VectorSubcoreMesh(core_axis_name="c", subcore_axis_name="s"),
        scratch_types=[
            pltpu.VMEM((_RPW, _K), _f32),
            pltpu.VMEM((_RPW, _K), _f32),
            pltpu.VMEM((_RPW,), jnp.int32),
            pltpu.VMEM((_RPW,), jnp.int32),
        ],
    )(dist_pad)
    q = q_pad[:_N]
    top1 = t1_pad[:_N]
    top2 = t2_pad[:_N]

    return (emb, recon, x_bar, q, top1, top2, cluster_layer)

# --- scband reference (transcript-rebuilt; emitter-appended) ---
"""Pipeline reference for scband-model-gcn-encoder-65274912964660 (READ-ONLY COPY).

The authoritative reference and input builder live on the scoring server;
editing this copy changes nothing except your own understanding.
"""

import jax, jax.numpy as jnp
import numpy as np

N, F, H0, H1, K, V = 10000, 128, 64, 32, 16, 1

def _glorot(key, shape):
    scale = np.sqrt(6.0 / (shape[0] + shape[1]))
    return jax.random.uniform(key, shape, minval=-scale, maxval=scale, dtype=jnp.float32)

def setup_inputs(seed: int = 0) -> dict:
    key = jax.random.key(seed)
    ks = jax.random.split(key, 8)
    features = jax.random.normal(ks[0], (N, F), dtype=jnp.float32)
    adjs = jax.random.uniform(ks[1], (V, N, N), dtype=jnp.float32)
    W_s1 = _glorot(ks[2], (F, H0))
    W_s2 = _glorot(ks[3], (H0, H1))
    dec_W1 = _glorot(ks[4], (H1, H0))
    dec_b1 = jnp.zeros((H0,), dtype=jnp.float32)
    dec_W2 = _glorot(ks[5], (H0, F))
    dec_b2 = jnp.zeros((F,), dtype=jnp.float32)
    cluster_layer = jax.random.normal(ks[6], (K, H1), dtype=jnp.float32) * np.sqrt(2.0 / (K + H1))
    return {"features": features, "adjs": adjs, "input_view": 0,
            "W_s1": W_s1, "W_s2": W_s2, "dec_W1": dec_W1, "dec_b1": dec_b1,
            "dec_W2": dec_W2, "dec_b2": dec_b2, "cluster_layer": cluster_layer}

def reference(features, adjs, input_view, W_s1, W_s2, dec_W1, dec_b1, dec_W2, dec_b2, cluster_layer):
    adj = adjs[input_view]
    # GraphConvolution layers (Kipf-style: act(adj @ (x @ W)), dropout=0)
    h1 = jax.nn.relu(adj @ (features @ W_s1))
    h2 = jax.nn.relu(adj @ (h1 @ W_s2))
    emb = h2
    # student-t cluster assignment
    diff = emb[:, None, :] - cluster_layer[None, :, :]
    dist = jnp.sum(diff * diff, axis=2)
    q = 1.0 / (1.0 + dist)
    q = q ** ((1.0 + 1.0) / 2.0)
    q = q / jnp.sum(q, axis=1, keepdims=True)
    # top-2 smallest distances (torch.topk largest=False)
    _, idx = jax.lax.top_k(-dist, 2)
    top1 = idx[:, 0]
    top2 = idx[:, 1]
    # inner product decoder(s), act = identity (model default act=lambda x: x)
    recon = jnp.stack([emb @ emb.T for _ in range(V)], axis=0)
    # MLP decoder
    x_bar = jax.nn.relu(emb @ dec_W1 + dec_b1) @ dec_W2 + dec_b2
    return (emb, recon, x_bar, q, top1, top2, cluster_layer)

if __name__ == "__main__":
    import jax
    _d = setup_inputs()
    print(jax.jit(kernel)(*tuple(_d.values())))

</pallas_src>

<mosaic_0001>
#map = affine_map<(d0, d1) -> (0, 0)>
#map1 = affine_map<(d0, d1) -> (0)>
module attributes {stable_mosaic.version = 14 : i64} {
  func.func @_assign_sc(%arg0: i32, %arg1: i32, %arg2: memref<10240x16xf32, #tpu.memory_space<hbm>>, %arg3: memref<10240x16xf32, #tpu.memory_space<hbm>>, %arg4: memref<10240xi32, #tpu.memory_space<hbm>>, %arg5: memref<10240xi32, #tpu.memory_space<hbm>>, %arg6: memref<320x16xf32, #tpu.memory_space<vmem>>, %arg7: memref<320x16xf32, #tpu.memory_space<vmem>>, %arg8: memref<320xi32, #tpu.memory_space<vmem>>, %arg9: memref<320xi32, #tpu.memory_space<vmem>>) attributes {dimension_semantics = [#tpu.dimension_semantics<core_parallel>, #tpu.dimension_semantics<subcore_parallel>], iteration_bounds = array<i64: 2, 16>, scalar_prefetch = 0 : i64, scratch_operands = 4 : i64, tpu.core_type = #tpu.core_type<sc_vector_subcore>, window_params = [{transform_indices = #map}, {transform_indices = #map}, {transform_indices = #map1}, {transform_indices = #map1}]} {
    %mul3A = arith.constant 2 : i32
    %mul3A_0 = arith.muli %arg1, %mul3A : i32
    %add3A = arith.addi %mul3A_0, %arg0 : i32
    %mul3A_1 = arith.constant 320 : i32
    %mul3A_2 = arith.muli %add3A, %mul3A_1 : i32
    "tpu.region"() ({
      %run_scoped3A = tpu.sem_alloc : memref<!tpu.dma_semaphore, #tpu.memory_space<semaphore_mem>>
      %dma_start3A = arith.constant 0 : i32
      %dma_start3A_8 = tpu.memref_slice %arg2[%mul3A_2, %dma_start3A] : memref<10240x16xf32, #tpu.memory_space<hbm>> -> memref<320x16xf32, #tpu.memory_space<hbm>>
      %dma_start3A_9 = arith.constant 0 : i32
      %dma_start3A_10 = tpu.memref_slice %arg2[%mul3A_2, %dma_start3A_9] : memref<10240x16xf32, #tpu.memory_space<hbm>> -> memref<320x16xf32, #tpu.memory_space<hbm>>
      tpu.enqueue_dma source(%dma_start3A_10 : memref<320x16xf32, #tpu.memory_space<hbm>>) target(%arg6 : memref<320x16xf32, #tpu.memory_space<vmem>>) target_semaphore(%run_scoped3A : memref<!tpu.dma_semaphore, #tpu.memory_space<semaphore_mem>>)
      %dma_wait3A = arith.constant 0 : i32
      %dma_wait3A_11 = tpu.memref_slice %arg2[%mul3A_2, %dma_wait3A] : memref<10240x16xf32, #tpu.memory_space<hbm>> -> memref<320x16xf32, #tpu.memory_space<hbm>>
      %dma_wait3A_12 = arith.constant 0 : i32
      %dma_wait3A_13 = tpu.memref_slice %arg2[%mul3A_2, %dma_wait3A_12] : memref<10240x16xf32, #tpu.memory_space<hbm>> -> memref<320x16xf32, #tpu.memory_space<hbm>>
      tpu.wait_dma2 semaphore(%run_scoped3A : memref<!tpu.dma_semaphore, #tpu.memory_space<semaphore_mem>>) src(%dma_wait3A_13 : memref<320x16xf32, #tpu.memory_space<hbm>>) dst(%arg6 : memref<320x16xf32, #tpu.memory_space<vmem>>)
      tpu.yield
    }) : () -> ()
    %iota3A = tpu.iota {dimensions = array<i32: 0>} : vector<16xi32>
    %scan3A = arith.constant 0 : i32
    %scan3A_3 = arith.constant 0 : i32
    %scan3A_4 = arith.constant 20 : i32
    %scan3A_5 = arith.addi %scan3A_3, %scan3A_4 : i32
    %scan3A_6 = arith.constant 1 : i32
    scf.for %scan3A_8 = %scan3A_3 to %scan3A_5 step %scan3A_6  : i32 {
      %broadcast_in_dim3A = arith.constant 0 : i32
      %broadcast_in_dim3A_9 = vector.broadcast %broadcast_in_dim3A : i32 to vector<16xi32>
      %broadcast_in_dim3A_10 = arith.constant 0 : i32
      %broadcast_in_dim3A_11 = vector.broadcast %broadcast_in_dim3A_10 : i32 to vector<16xi32>
      %mul3A_12 = arith.constant 16 : i32
      %mul3A_13 = arith.muli %scan3A_8, %mul3A_12 : i32
      %add3A_14 = arith.constant 0 : i32
      %add3A_15 = arith.addi %mul3A_13, %add3A_14 : i32
      %get3A = arith.index_cast %add3A_15 : i32 to index
      %get3A_16 = arith.constant 0 : index
      %get3A_17 = tpu.vector_load %arg6[%get3A, %get3A_16] {strides = array<i32>} : memref<320x16xf32, #tpu.memory_space<vmem>>, vector<1x16xf32>,
      %get3A_18 = vector.shape_cast %get3A_17 : vector<1x16xf32> to vector<16xf32>
      %add3A_19 = arith.constant 1.000000e+00 : f32
      %add3A_20 = vector.broadcast %add3A_19 : f32 to vector<16xf32>
      %add3A_21 = arith.addf %add3A_20, %get3A_18 : vector<16xf32>
      %div3A = arith.constant 1.000000e+00 : f32
      %div3A_22 = vector.broadcast %div3A : f32 to vector<16xf32>
      %div3A_23 = arith.divf %div3A_22, %add3A_21 : vector<16xf32>
      %xor3A = arith.constant 1 : i32
      %xor3A_24 = vector.broadcast %xor3A : i32 to vector<16xi32>
      %xor3A_25 = arith.xori %iota3A, %xor3A_24 : vector<16xi32>
      %lt3A = arith.constant 0 : i32
      %lt3A_26 = vector.broadcast %lt3A : i32 to vector<16xi32>
      %lt3A_27 = arith.cmpi slt, %xor3A_25, %lt3A_26 : vector<16xi32>
      %add3A_28 = arith.constant 16 : i32
      %add3A_29 = vector.broadcast %add3A_28 : i32 to vector<16xi32>
      %add3A_30 = arith.addi %xor3A_25, %add3A_29 : vector<16xi32>
      %select_n3A = arith.select %lt3A_27, %add3A_30, %xor3A_25 : vector<16xi1>, vector<16xi32>
      %broadcast_in_dim3A_31 = vector.shape_cast %select_n3A : vector<16xi32> to vector<16x1xi32>
      %gather3A = vector.shape_cast %broadcast_in_dim3A_31 : vector<16x1xi32> to vector<16xi32>
      %gather3A_32 = tpu.dynamic_gather %div3A_23[%gather3A] in [0] : vector<16xf32>, vector<16xi32> -> vector<16xf32>
      %add3A_33 = arith.addf %div3A_23, %gather3A_32 : vector<16xf32>
      %xor3A_34 = arith.constant 2 : i32
      %xor3A_35 = vector.broadcast %xor3A_34 : i32 to vector<16xi32>
      %xor3A_36 = arith.xori %iota3A, %xor3A_35 : vector<16xi32>
      %lt3A_37 = arith.constant 0 : i32
      %lt3A_38 = vector.broadcast %lt3A_37 : i32 to vector<16xi32>
      %lt3A_39 = arith.cmpi slt, %xor3A_36, %lt3A_38 : vector<16xi32>
      %add3A_40 = arith.constant 16 : i32
      %add3A_41 = vector.broadcast %add3A_40 : i32 to vector<16xi32>
      %add3A_42 = arith.addi %xor3A_36, %add3A_41 : vector<16xi32>
      %select_n3A_43 = arith.select %lt3A_39, %add3A_42, %xor3A_36 : vector<16xi1>, vector<16xi32>
      %broadcast_in_dim3A_44 = vector.shape_cast %select_n3A_43 : vector<16xi32> to vector<16x1xi32>
      %gather3A_45 = vector.shape_cast %broadcast_in_dim3A_44 : vector<16x1xi32> to vector<16xi32>
      %gather3A_46 = tpu.dynamic_gather %add3A_33[%gather3A_45] in [0] : vector<16xf32>, vector<16xi32> -> vector<16xf32>
      %add3A_47 = arith.addf %add3A_33, %gather3A_46 : vector<16xf32>
      %xor3A_48 = arith.constant 4 : i32
      %xor3A_49 = vector.broadcast %xor3A_48 : i32 to vector<16xi32>
      %xor3A_50 = arith.xori %iota3A, %xor3A_49 : vector<16xi32>
      %lt3A_51 = arith.constant 0 : i32
      %lt3A_52 = vector.broadcast %lt3A_51 : i32 to vector<16xi32>
      %lt3A_53 = arith.cmpi slt, %xor3A_50, %lt3A_52 : vector<16xi32>
      %add3A_54 = arith.constant 16 : i32
      %add3A_55 = vector.broadcast %add3A_54 : i32 to vector<16xi32>
      %add3A_56 = arith.addi %xor3A_50, %add3A_55 : vector<16xi32>
      %select_n3A_57 = arith.select %lt3A_53, %add3A_56, %xor3A_50 : vector<16xi1>, vector<16xi32>
      %broadcast_in_dim3A_58 = vector.shape_cast %select_n3A_57 : vector<16xi32> to vector<16x1xi32>
      %gather3A_59 = vector.shape_cast %broadcast_in_dim3A_58 : vector<16x1xi32> to vector<16xi32>
      %gather3A_60 = tpu.dynamic_gather %add3A_47[%gather3A_59] in [0] : vector<16xf32>, vector<16xi32> -> vector<16xf32>
      %add3A_61 = arith.addf %add3A_47, %gather3A_60 : vector<16xf32>
      %xor3A_62 = arith.constant 8 : i32
      %xor3A_63 = vector.broadcast %xor3A_62 : i32 to vector<16xi32>
      %xor3A_64 = arith.xori %iota3A, %xor3A_63 : vector<16xi32>
      %lt3A_65 = arith.constant 0 : i32
      %lt3A_66 = vector.broadcast %lt3A_65 : i32 to vector<16xi32>
      %lt3A_67 = arith.cmpi slt, %xor3A_64, %lt3A_66 : vector<16xi32>
      %add3A_68 = arith.constant 16 : i32
      %add3A_69 = vector.broadcast %add3A_68 : i32 to vector<16xi32>
      %add3A_70 = arith.addi %xor3A_64, %add3A_69 : vector<16xi32>
      %select_n3A_71 = arith.select %lt3A_67, %add3A_70, %xor3A_64 : vector<16xi1>, vector<16xi32>
      %broadcast_in_dim3A_72 = vector.shape_cast %select_n3A_71 : vector<16xi32> to vector<16x1xi32>
      %gather3A_73 = vector.shape_cast %broadcast_in_dim3A_72 : vector<16x1xi32> to vector<16xi32>
      %gather3A_74 = tpu.dynamic_gather %add3A_61[%gather3A_73] in [0] : vector<16xf32>, vector<16xi32> -> vector<16xf32>
      %add3A_75 = arith.addf %add3A_61, %gather3A_74 : vector<16xf32>
      %div3A_76 = arith.divf %div3A_23, %add3A_75 : vector<16xf32>
      %mul3A_77 = arith.constant 16 : i32
      %mul3A_78 = arith.muli %scan3A_8, %mul3A_77 : i32
      %add3A_79 = arith.constant 0 : i32
      %add3A_80 = arith.addi %mul3A_78, %add3A_79 : i32
      %swap3A = arith.index_cast %add3A_80 : i32 to index
      %swap3A_81 = arith.constant 0 : index
      %swap3A_82 = tpu.vector_load %arg7[%swap3A, %swap3A_81] {strides = array<i32>} : memref<320x16xf32, #tpu.memory_space<vmem>>, vector<1x16xf32>,
      %swap3A_83 = vector.shape_cast %swap3A_82 : vector<1x16xf32> to vector<16xf32>
      %swap3A_84 = vector.shape_cast %div3A_76 : vector<16xf32> to vector<1x16xf32>
      tpu.vector_store %arg7[%swap3A, %swap3A_81], %swap3A_84 {strides = array<i32>} : memref<320x16xf32, #tpu.memory_space<vmem>>, vector<1x16xf32>,
      %xor3A_85 = arith.constant 1 : i32
      %xor3A_86 = vector.broadcast %xor3A_85 : i32 to vector<16xi32>
      %xor3A_87 = arith.xori %iota3A, %xor3A_86 : vector<16xi32>
      %lt3A_88 = arith.constant 0 : i32
      %lt3A_89 = vector.broadcast %lt3A_88 : i32 to vector<16xi32>
      %lt3A_90 = arith.cmpi slt, %xor3A_87, %lt3A_89 : vector<16xi32>
      %add3A_91 = arith.constant 16 : i32
      %add3A_92 = vector.broadcast %add3A_91 : i32 to vector<16xi32>
      %add3A_93 = arith.addi %xor3A_87, %add3A_92 : vector<16xi32>
      %select_n3A_94 = arith.select %lt3A_90, %add3A_93, %xor3A_87 : vector<16xi1>, vector<16xi32>
      %broadcast_in_dim3A_95 = vector.shape_cast %select_n3A_94 : vector<16xi32> to vector<16x1xi32>
      %gather3A_96 = vector.shape_cast %broadcast_in_dim3A_95 : vector<16x1xi32> to vector<16xi32>
      %gather3A_97 = tpu.dynamic_gather %get3A_18[%gather3A_96] in [0] : vector<16xf32>, vector<16xi32> -> vector<16xf32>
      %min3A = arith.minimumf %get3A_18, %gather3A_97 : vector<16xf32>
      %xor3A_98 = arith.constant 2 : i32
      %xor3A_99 = vector.broadcast %xor3A_98 : i32 to vector<16xi32>
      %xor3A_100 = arith.xori %iota3A, %xor3A_99 : vector<16xi32>
      %lt3A_101 = arith.constant 0 : i32
      %lt3A_102 = vector.broadcast %lt3A_101 : i32 to vector<16xi32>
      %lt3A_103 = arith.cmpi slt, %xor3A_100, %lt3A_102 : vector<16xi32>
      %add3A_104 = arith.constant 16 : i32
      %add3A_105 = vector.broadcast %add3A_104 : i32 to vector<16xi32>
      %add3A_106 = arith.addi %xor3A_100, %add3A_105 : vector<16xi32>
      %select_n3A_107 = arith.select %lt3A_103, %add3A_106, %xor3A_100 : vector<16xi1>, vector<16xi32>
      %broadcast_in_dim3A_108 = vector.shape_cast %select_n3A_107 : vector<16xi32> to vector<16x1xi32>
      %gather3A_109 = vector.shape_cast %broadcast_in_dim3A_108 : vector<16x1xi32> to vector<16xi32>
      %gather3A_110 = tpu.dynamic_gather %min3A[%gather3A_109] in [0] : vector<16xf32>, vector<16xi32> -> vector<16xf32>
      %min3A_111 = arith.minimumf %min3A, %gather3A_110 : vector<16xf32>
      %xor3A_112 = arith.constant 4 : i32
      %xor3A_113 = vector.broadcast %xor3A_112 : i32 to vector<16xi32>
      %xor3A_114 = arith.xori %iota3A, %xor3A_113 : vector<16xi32>
      %lt3A_115 = arith.constant 0 : i32
      %lt3A_116 = vector.broadcast %lt3A_115 : i32 to vector<16xi32>
      %lt3A_117 = arith.cmpi slt, %xor3A_114, %lt3A_116 : vector<16xi32>
      %add3A_118 = arith.constant 16 : i32
      %add3A_119 = vector.broadcast %add3A_118 : i32 to vector<16xi32>
      %add3A_120 = arith.addi %xor3A_114, %add3A_119 : vector<16xi32>
      %select_n3A_121 = arith.select %lt3A_117, %add3A_120, %xor3A_114 : vector<16xi1>, vector<16xi32>
      %broadcast_in_dim3A_122 = vector.shape_cast %select_n3A_121 : vector<16xi32> to vector<16x1xi32>
      %gather3A_123 = vector.shape_cast %broadcast_in_dim3A_122 : vector<16x1xi32> to vector<16xi32>
      %gather3A_124 = tpu.dynamic_gather %min3A_111[%gather3A_123] in [0] : vector<16xf32>, vector<16xi32> -> vector<16xf32>
      %min3A_125 = arith.minimumf %min3A_111, %gather3A_124 : vector<16xf32>
      %xor3A_126 = arith.constant 8 : i32
      %xor3A_127 = vector.broadcast %xor3A_126 : i32 to vector<16xi32>
      %xor3A_128 = arith.xori %iota3A, %xor3A_127 : vector<16xi32>
      %lt3A_129 = arith.constant 0 : i32
      %lt3A_130 = vector.broadcast %lt3A_129 : i32 to vector<16xi32>
      %lt3A_131 = arith.cmpi slt, %xor3A_128, %lt3A_130 : vector<16xi32>
      %add3A_132 = arith.constant 16 : i32
      %add3A_133 = vector.broadcast %add3A_132 : i32 to vector<16xi32>
      %add3A_134 = arith.addi %xor3A_128, %add3A_133 : vector<16xi32>
      %select_n3A_135 = arith.select %lt3A_131, %add3A_134, %xor3A_128 : vector<16xi1>, vector<16xi32>
      %broadcast_in_dim3A_136 = vector.shape_cast %select_n3A_135 : vector<16xi32> to vector<16x1xi32>
      %gather3A_137 = vector.shape_cast %broadcast_in_dim3A_136 : vector<16x1xi32> to vector<16xi32>
      %gather3A_138 = tpu.dynamic_gather %min3A_125[%gather3A_137] in [0] : vector<16xf32>, vector<16xi32> -> vector<16xf32>
      %min3A_139 = arith.minimumf %min3A_125, %gather3A_138 : vector<16xf32>
      %eq3A = arith.cmpf oeq, %get3A_18, %min3A_139 : vector<16xf32>
      %jit3A = arith.constant 16 : i32
      %broadcast_in_dim3A_140 = vector.broadcast %jit3A : i32 to vector<16xi32>
      %select_n3A_141 = arith.select %eq3A, %iota3A, %broadcast_in_dim3A_140 : vector<16xi1>, vector<16xi32>
      %xor3A_142 = arith.constant 1 : i32
      %xor3A_143 = vector.broadcast %xor3A_142 : i32 to vector<16xi32>
      %xor3A_144 = arith.xori %iota3A, %xor3A_143 : vector<16xi32>
      %lt3A_145 = arith.constant 0 : i32
      %lt3A_146 = vector.broadcast %lt3A_145 : i32 to vector<16xi32>
      %lt3A_147 = arith.cmpi slt, %xor3A_144, %lt3A_146 : vector<16xi32>
      %add3A_148 = arith.constant 16 : i32
      %add3A_149 = vector.broadcast %add3A_148 : i32 to vector<16xi32>
      %add3A_150 = arith.addi %xor3A_144, %add3A_149 : vector<16xi32>
      %select_n3A_151 = arith.select %lt3A_147, %add3A_150, %xor3A_144 : vector<16xi1>, vector<16xi32>
      %broadcast_in_dim3A_152 = vector.shape_cast %select_n3A_151 : vector<16xi32> to vector<16x1xi32>
      %gather3A_153 = vector.shape_cast %broadcast_in_dim3A_152 : vector<16x1xi32> to vector<16xi32>
      %gather3A_154 = tpu.dynamic_gather %select_n3A_141[%gather3A_153] in [0] : vector<16xi32>, vector<16xi32> -> vector<16xi32>
      %min3A_155 = arith.minsi %select_n3A_141, %gather3A_154 : vector<16xi32>
      %xor3A_156 = arith.constant 2 : i32
      %xor3A_157 = vector.broadcast %xor3A_156 : i32 to vector<16xi32>
      %xor3A_158 = arith.xori %iota3A, %xor3A_157 : vector<16xi32>
      %lt3A_159 = arith.constant 0 : i32
      %lt3A_160 = vector.broadcast %lt3A_159 : i32 to vector<16xi32>
      %lt3A_161 = arith.cmpi slt, %xor3A_158, %lt3A_160 : vector<16xi32>
      %add3A_162 = arith.constant 16 : i32
      %add3A_163 = vector.broadcast %add3A_162 : i32 to vector<16xi32>
      %add3A_164 = arith.addi %xor3A_158, %add3A_163 : vector<16xi32>
      %select_n3A_165 = arith.select %lt3A_161, %add3A_164, %xor3A_158 : vector<16xi1>, vector<16xi32>
      %broadcast_in_dim3A_166 = vector.shape_cast %select_n3A_165 : vector<16xi32> to vector<16x1xi32>
      %gather3A_167 = vector.shape_cast %broadcast_in_dim3A_166 : vector<16x1xi32> to vector<16xi32>
      %gather3A_168 = tpu.dynamic_gather %min3A_155[%gather3A_167] in [0] : vector<16xi32>, vector<16xi32> -> vector<16xi32>
      %min3A_169 = arith.minsi %min3A_155, %gather3A_168 : vector<16xi32>
      %xor3A_170 = arith.constant 4 : i32
      %xor3A_171 = vector.broadcast %xor3A_170 : i32 to vector<16xi32>
      %xor3A_172 = arith.xori %iota3A, %xor3A_171 : vector<16xi32>
      %lt3A_173 = arith.constant 0 : i32
      %lt3A_174 = vector.broadcast %lt3A_173 : i32 to vector<16xi32>
      %lt3A_175 = arith.cmpi slt, %xor3A_172, %lt3A_174 : vector<16xi32>
      %add3A_176 = arith.constant 16 : i32
      %add3A_177 = vector.broadcast %add3A_176 : i32 to vector<16xi32>
      %add3A_178 = arith.addi %xor3A_172, %add3A_177 : vector<16xi32>
      %select_n3A_179 = arith.select %lt3A_175, %add3A_178, %xor3A_172 : vector<16xi1>, vector<16xi32>
      %broadcast_in_dim3A_180 = vector.shape_cast %select_n3A_179 : vector<16xi32> to vector<16x1xi32>
      %gather3A_181 = vector.shape_cast %broadcast_in_dim3A_180 : vector<16x1xi32> to vector<16xi32>
      %gather3A_182 = tpu.dynamic_gather %min3A_169[%gather3A_181] in [0] : vector<16xi32>, vector<16xi32> -> vector<16xi32>
      %min3A_183 = arith.minsi %min3A_169, %gather3A_182 : vector<16xi32>
      %xor3A_184 = arith.constant 8 : i32
      %xor3A_185 = vector.broadcast %xor3A_184 : i32 to vector<16xi32>
      %xor3A_186 = arith.xori %iota3A, %xor3A_185 : vector<16xi32>
      %lt3A_187 = arith.constant 0 : i32
      %lt3A_188 = vector.broadcast %lt3A_187 : i32 to vector<16xi32>
      %lt3A_189 = arith.cmpi slt, %xor3A_186, %lt3A_188 : vector<16xi32>
      %add3A_190 = arith.constant 16 : i32
      %add3A_191 = vector.broadcast %add3A_190 : i32 to vector<16xi32>
      %add3A_192 = arith.addi %xor3A_186, %add3A_191 : vector<16xi32>
      %select_n3A_193 = arith.select %lt3A_189, %add3A_192, %xor3A_186 : vector<16xi1>, vector<16xi32>
      %broadcast_in_dim3A_194 = vector.shape_cast %select_n3A_193 : vector<16xi32> to vector<16x1xi32>
      %gather3A_195 = vector.shape_cast %broadcast_in_dim3A_194 : vector<16x1xi32> to vector<16xi32>
      %gather3A_196 = tpu.dynamic_gather %min3A_183[%gather3A_195] in [0] : vector<16xi32>, vector<16xi32> -> vector<16xi32>
      %min3A_197 = arith.minsi %min3A_183, %gather3A_196 : vector<16xi32>
      %eq3A_198 = arith.cmpi eq, %iota3A, %min3A_197 : vector<16xi32>
      %jit3A_199 = arith.constant 0x7F800000 : f32
      %broadcast_in_dim3A_200 = vector.broadcast %jit3A_199 : f32 to vector<16xf32>
      %select_n3A_201 = arith.select %eq3A_198, %broadcast_in_dim3A_200, %get3A_18 : vector<16xi1>, vector<16xf32>
      %xor3A_202 = arith.constant 1 : i32
      %xor3A_203 = vector.broadcast %xor3A_202 : i32 to vector<16xi32>
      %xor3A_204 = arith.xori %iota3A, %xor3A_203 : vector<16xi32>
      %lt3A_205 = arith.constant 0 : i32
      %lt3A_206 = vector.broadcast %lt3A_205 : i32 to vector<16xi32>
      %lt3A_207 = arith.cmpi slt, %xor3A_204, %lt3A_206 : vector<16xi32>
      %add3A_208 = arith.constant 16 : i32
      %add3A_209 = vector.broadcast %add3A_208 : i32 to vector<16xi32>
      %add3A_210 = arith.addi %xor3A_204, %add3A_209 : vector<16xi32>
      %select_n3A_211 = arith.select %lt3A_207, %add3A_210, %xor3A_204 : vector<16xi1>, vector<16xi32>
      %broadcast_in_dim3A_212 = vector.shape_cast %select_n3A_211 : vector<16xi32> to vector<16x1xi32>
      %gather3A_213 = vector.shape_cast %broadcast_in_dim3A_212 : vector<16x1xi32> to vector<16xi32>
      %gather3A_214 = tpu.dynamic_gather %select_n3A_201[%gather3A_213] in [0] : vector<16xf32>, vector<16xi32> -> vector<16xf32>
      %min3A_215 = arith.minimumf %select_n3A_201, %gather3A_214 : vector<16xf32>
      %xor3A_216 = arith.constant 2 : i32
      %xor3A_217 = vector.broadcast %xor3A_216 : i32 to vector<16xi32>
      %xor3A_218 = arith.xori %iota3A, %xor3A_217 : vector<16xi32>
      %lt3A_219 = arith.constant 0 : i32
      %lt3A_220 = vector.broadcast %lt3A_219 : i32 to vector<16xi32>
      %lt3A_221 = arith.cmpi slt, %xor3A_218, %lt3A_220 : vector<16xi32>
      %add3A_222 = arith.constant 16 : i32
      %add3A_223 = vector.broadcast %add3A_222 : i32 to vector<16xi32>
      %add3A_224 = arith.addi %xor3A_218, %add3A_223 : vector<16xi32>
      %select_n3A_225 = arith.select %lt3A_221, %add3A_224, %xor3A_218 : vector<16xi1>, vector<16xi32>
      %broadcast_in_dim3A_226 = vector.shape_cast %select_n3A_225 : vector<16xi32> to vector<16x1xi32>
      %gather3A_227 = vector.shape_cast %broadcast_in_dim3A_226 : vector<16x1xi32> to vector<16xi32>
      %gather3A_228 = tpu.dynamic_gather %min3A_215[%gather3A_227] in [0] : vector<16xf32>, vector<16xi32> -> vector<16xf32>
      %min3A_229 = arith.minimumf %min3A_215, %gather3A_228 : vector<16xf32>
      %xor3A_230 = arith.constant 4 : i32
      %xor3A_231 = vector.broadcast %xor3A_230 : i32 to vector<16xi32>
      %xor3A_232 = arith.xori %iota3A, %xor3A_231 : vector<16xi32>
      %lt3A_233 = arith.constant 0 : i32
      %lt3A_234 = vector.broadcast %lt3A_233 : i32 to vector<16xi32>
      %lt3A_235 = arith.cmpi slt, %xor3A_232, %lt3A_234 : vector<16xi32>
      %add3A_236 = arith.constant 16 : i32
      %add3A_237 = vector.broadcast %add3A_236 : i32 to vector<16xi32>
      %add3A_238 = arith.addi %xor3A_232, %add3A_237 : vector<16xi32>
      %select_n3A_239 = arith.select %lt3A_235, %add3A_238, %xor3A_232 : vector<16xi1>, vector<16xi32>
      %broadcast_in_dim3A_240 = vector.shape_cast %select_n3A_239 : vector<16xi32> to vector<16x1xi32>
      %gather3A_241 = vector.shape_cast %broadcast_in_dim3A_240 : vector<16x1xi32> to vector<16xi32>
      %gather3A_242 = tpu.dynamic_gather %min3A_229[%gather3A_241] in [0] : vector<16xf32>, vector<16xi32> -> vector<16xf32>
      %min3A_243 = arith.minimumf %min3A_229, %gather3A_242 : vector<16xf32>
      %xor3A_244 = arith.constant 8 : i32
      %xor3A_245 = vector.broadcast %xor3A_244 : i32 to vector<16xi32>
      %xor3A_246 = arith.xori %iota3A, %xor3A_245 : vector<16xi32>
      %lt3A_247 = arith.constant 0 : i32
      %lt3A_248 = vector.broadcast %lt3A_247 : i32 to vector<16xi32>
      %lt3A_249 = arith.cmpi slt, %xor3A_246, %lt3A_248 : vector<16xi32>
      %add3A_250 = arith.constant 16 : i32
      %add3A_251 = vector.broadcast %add3A_250 : i32 to vector<16xi32>
      %add3A_252 = arith.addi %xor3A_246, %add3A_251 : vector<16xi32>
      %select_n3A_253 = arith.select %lt3A_249, %add3A_252, %xor3A_246 : vector<16xi1>, vector<16xi32>
      %broadcast_in_dim3A_254 = vector.shape_cast %select_n3A_253 : vector<16xi32> to vector<16x1xi32>
      %gather3A_255 = vector.shape_cast %broadcast_in_dim3A_254 : vector<16x1xi32> to vector<16xi32>
      %gather3A_256 = tpu.dynamic_gather %min3A_243[%gather3A_255] in [0] : vector<16xf32>, vector<16xi32> -> vector<16xf32>
      %min3A_257 = arith.minimumf %min3A_243, %gather3A_256 : vector<16xf32>
      %eq3A_258 = arith.cmpf oeq, %select_n3A_201, %min3A_257 : vector<16xf32>
      %jit3A_259 = arith.constant 16 : i32
      %broadcast_in_dim3A_260 = vector.broadcast %jit3A_259 : i32 to vector<16xi32>
      %select_n3A_261 = arith.select %eq3A_258, %iota3A, %broadcast_in_dim3A_260 : vector<16xi1>, vector<16xi32>
      %xor3A_262 = arith.constant 1 : i32
      %xor3A_263 = vector.broadcast %xor3A_262 : i32 to vector<16xi32>
      %xor3A_264 = arith.xori %iota3A, %xor3A_263 : vector<16xi32>
      %lt3A_265 = arith.constant 0 : i32
      %lt3A_266 = vector.broadcast %lt3A_265 : i32 to vector<16xi32>
      %lt3A_267 = arith.cmpi slt, %xor3A_264, %lt3A_266 : vector<16xi32>
      %add3A_268 = arith.constant 16 : i32
      %add3A_269 = vector.broadcast %add3A_268 : i32 to vector<16xi32>
      %add3A_270 = arith.addi %xor3A_264, %add3A_269 : vector<16xi32>
      %select_n3A_271 = arith.select %lt3A_267, %add3A_270, %xor3A_264 : vector<16xi1>, vector<16xi32>
      %broadcast_in_dim3A_272 = vector.shape_cast %select_n3A_271 : vector<16xi32> to vector<16x1xi32>
      %gather3A_273 = vector.shape_cast %broadcast_in_dim3A_272 : vector<16x1xi32> to vector<16xi32>
      %gather3A_274 = tpu.dynamic_gather %select_n3A_261[%gather3A_273] in [0] : vector<16xi32>, vector<16xi32> -> vector<16xi32>
      %min3A_275 = arith.minsi %select_n3A_261, %gather3A_274 : vector<16xi32>
      %xor3A_276 = arith.constant 2 : i32
      %xor3A_277 = vector.broadcast %xor3A_276 : i32 to vector<16xi32>
      %xor3A_278 = arith.xori %iota3A, %xor3A_277 : vector<16xi32>
      %lt3A_279 = arith.constant 0 : i32
      %lt3A_280 = vector.broadcast %lt3A_279 : i32 to vector<16xi32>
      %lt3A_281 = arith.cmpi slt, %xor3A_278, %lt3A_280 : vector<16xi32>
      %add3A_282 = arith.constant 16 : i32
      %add3A_283 = vector.broadcast %add3A_282 : i32 to vector<16xi32>
      %add3A_284 = arith.addi %xor3A_278, %add3A_283 : vector<16xi32>
      %select_n3A_285 = arith.select %lt3A_281, %add3A_284, %xor3A_278 : vector<16xi1>, vector<16xi32>
      %broadcast_in_dim3A_286 = vector.shape_cast %select_n3A_285 : vector<16xi32> to vector<16x1xi32>
      %gather3A_287 = vector.shape_cast %broadcast_in_dim3A_286 : vector<16x1xi32> to vector<16xi32>
      %gather3A_288 = tpu.dynamic_gather %min3A_275[%gather3A_287] in [0] : vector<16xi32>, vector<16xi32> -> vector<16xi32>
      %min3A_289 = arith.minsi %min3A_275, %gather3A_288 : vector<16xi32>
      %xor3A_290 = arith.constant 4 : i32
      %xor3A_291 = vector.broadcast %xor3A_290 : i32 to vector<16xi32>
      %xor3A_292 = arith.xori %iota3A, %xor3A_291 : vector<16xi32>
      %lt3A_293 = arith.constant 0 : i32
      %lt3A_294 = vector.broadcast %lt3A_293 : i32 to vector<16xi32>
      %lt3A_295 = arith.cmpi slt, %xor3A_292, %lt3A_294 : vector<16xi32>
      %add3A_296 = arith.constant 16 : i32
      %add3A_297 = vector.broadcast %add3A_296 : i32 to vector<16xi32>
      %add3A_298 = arith.addi %xor3A_292, %add3A_297 : vector<16xi32>
      %select_n3A_299 = arith.select %lt3A_295, %add3A_298, %xor3A_292 : vector<16xi1>, vector<16xi32>
      %broadcast_in_dim3A_300 = vector.shape_cast %select_n3A_299 : vector<16xi32> to vector<16x1xi32>
      %gather3A_301 = vector.shape_cast %broadcast_in_dim3A_300 : vector<16x1xi32> to vector<16xi32>
      %gather3A_302 = tpu.dynamic_gather %min3A_289[%gather3A_301] in [0] : vector<16xi32>, vector<16xi32> -> vector<16xi32>
      %min3A_303 = arith.minsi %min3A_289, %gather3A_302 : vector<16xi32>
      %xor3A_304 = arith.constant 8 : i32
      %xor3A_305 = vector.broadcast %xor3A_304 : i32 to vector<16xi32>
      %xor3A_306 = arith.xori %iota3A, %xor3A_305 : vector<16xi32>
      %lt3A_307 = arith.constant 0 : i32
      %lt3A_308 = vector.broadcast %lt3A_307 : i32 to vector<16xi32>
      %lt3A_309 = arith.cmpi slt, %xor3A_306, %lt3A_308 : vector<16xi32>
      %add3A_310 = arith.constant 16 : i32
      %add3A_311 = vector.broadcast %add3A_310 : i32 to vector<16xi32>
      %add3A_312 = arith.addi %xor3A_306, %add3A_311 : vector<16xi32>
      %select_n3A_313 = arith.select %lt3A_309, %add3A_312, %xor3A_306 : vector<16xi1>, vector<16xi32>
      %broadcast_in_dim3A_314 = vector.shape_cast %select_n3A_313 : vector<16xi32> to vector<16x1xi32>
      %gather3A_315 = vector.shape_cast %broadcast_in_dim3A_314 : vector<16x1xi32> to vector<16xi32>
      %gather3A_316 = tpu.dynamic_gather %min3A_303[%gather3A_315] in [0] : vector<16xi32>, vector<16xi32> -> vector<16xi32>
      %min3A_317 = arith.minsi %min3A_303, %gather3A_316 : vector<16xi32>
      %eq3A_318 = arith.constant 0 : i32
      %eq3A_319 = vector.broadcast %eq3A_318 : i32 to vector<16xi32>
      %eq3A_320 = arith.cmpi eq, %iota3A, %eq3A_319 : vector<16xi32>
      %select_n3A_321 = arith.select %eq3A_320, %min3A_197, %broadcast_in_dim3A_9 : vector<16xi1>, vector<16xi32>
      %eq3A_322 = arith.constant 0 : i32
      %eq3A_323 = vector.broadcast %eq3A_322 : i32 to vector<16xi32>
      %eq3A_324 = arith.cmpi eq, %iota3A, %eq3A_323 : vector<16xi32>
      %select_n3A_325 = arith.select %eq3A_324, %min3A_317, %broadcast_in_dim3A_11 : vector<16xi1>, vector<16xi32>
      %mul3A_326 = arith.constant 16 : i32
      %mul3A_327 = arith.muli %scan3A_8, %mul3A_326 : i32
      %add3A_328 = arith.constant 1 : i32
      %add3A_329 = arith.addi %mul3A_327, %add3A_328 : i32
      %get3A_330 = arith.index_cast %add3A_329 : i32 to index
      %get3A_331 = arith.constant 0 : index
      %get3A_332 = tpu.vector_load %arg6[%get3A_330, %get3A_331] {strides = array<i32>} : memref<320x16xf32, #tpu.memory_space<vmem>>, vector<1x16xf32>,
      %get3A_333 = vector.shape_cast %get3A_332 : vector<1x16xf32> to vector<16xf32>
      %add3A_334 = arith.constant 1.000000e+00 : f32
      %add3A_335 = vector.broadcast %add3A_334 : f32 to vector<16xf32>
      %add3A_336 = arith.addf %add3A_335, %get3A_333 : vector<16xf32>
      %div3A_337 = arith.constant 1.000000e+00 : f32
      %div3A_338 = vector.broadcast %div3A_337 : f32 to vector<16xf32>
      %div3A_339 = arith.divf %div3A_338, %add3A_336 : vector<16xf32>
      %xor3A_340 = arith.constant 1 : i32
      %xor3A_341 = vector.broadcast %xor3A_340 : i32 to vector<16xi32>
      %xor3A_342 = arith.xori %iota3A, %xor3A_341 : vector<16xi32>
      %lt3A_343 = arith.constant 0 : i32
      %lt3A_344 = vector.broadcast %lt3A_343 : i32 to vector<16xi32>
      %lt3A_345 = arith.cmpi slt, %xor3A_342, %lt3A_344 : vector<16xi32>
      %add3A_346 = arith.constant 16 : i32
      %add3A_347 = vector.broadcast %add3A_346 : i32 to vector<16xi32>
      %add3A_348 = arith.addi %xor3A_342, %add3A_347 : vector<16xi32>
      %select_n3A_349 = arith.select %lt3A_345, %add3A_348, %xor3A_342 : vector<16xi1>, vector<16xi32>
      %broadcast_in_dim3A_350 = vector.shape_cast %select_n3A_349 : vector<16xi32> to vector<16x1xi32>
      %gather3A_351 = vector.shape_cast %broadcast_in_dim3A_350 : vector<16x1xi32> to vector<16xi32>
      %gather3A_352 = tpu.dynamic_gather %div3A_339[%gather3A_351] in [0] : vector<16xf32>, vector<16xi32> -> vector<16xf32>
      %add3A_353 = arith.addf %div3A_339, %gather3A_352 : vector<16xf32>
      %xor3A_354 = arith.constant 2 : i32
      %xor3A_355 = vector.broadcast %xor3A_354 : i32 to vector<16xi32>
      %xor3A_356 = arith.xori %iota3A, %xor3A_355 : vector<16xi32>
      %lt3A_357 = arith.constant 0 : i32
      %lt3A_358 = vector.broadcast %lt3A_357 : i32 to vector<16xi32>
      %lt3A_359 = arith.cmpi slt, %xor3A_356, %lt3A_358 : vector<16xi32>
      %add3A_360 = arith.constant 16 : i32
      %add3A_361 = vector.broadcast %add3A_360 : i32 to vector<16xi32>
      %add3A_362 = arith.addi %xor3A_356, %add3A_361 : vector<16xi32>
      %select_n3A_363 = arith.select %lt3A_359, %add3A_362, %xor3A_356 : vector<16xi1>, vector<16xi32>
      %broadcast_in_dim3A_364 = vector.shape_cast %select_n3A_363 : vector<16xi32> to vector<16x1xi32>
      %gather3A_365 = vector.shape_cast %broadcast_in_dim3A_364 : vector<16x1xi32> to vector<16xi32>
      %gather3A_366 = tpu.dynamic_gather %add3A_353[%gather3A_365] in [0] : vector<16xf32>, vector<16xi32> -> vector<16xf32>
      %add3A_367 = arith.addf %add3A_353, %gather3A_366 : vector<16xf32>
      %xor3A_368 = arith.constant 4 : i32
      %xor3A_369 = vector.broadcast %xor3A_368 : i32 to vector<16xi32>
      %xor3A_370 = arith.xori %iota3A, %xor3A_369 : vector<16xi32>
      %lt3A_371 = arith.constant 0 : i32
      %lt3A_372 = vector.broadcast %lt3A_371 : i32 to vector<16xi32>
      %lt3A_373 = arith.cmpi slt, %xor3A_370, %lt3A_372 : vector<16xi32>
      %add3A_374 = arith.constant 16 : i32
      %add3A_375 = vector.broadcast %add3A_374 : i32 to vector<16xi32>
      %add3A_376 = arith.addi %xor3A_370, %add3A_375 : vector<16xi32>
      %select_n3A_377 = arith.select %lt3A_373, %add3A_376, %xor3A_370 : vector<16xi1>, vector<16xi32>
      %broadcast_in_dim3A_378 = vector.shape_cast %select_n3A_377 : vector<16xi32> to vector<16x1xi32>
      %gather3A_379 = vector.shape_cast %broadcast_in_dim3A_378 : vector<16x1xi32> to vector<16xi32>
      %gather3A_380 = tpu.dynamic_gather %add3A_367[%gather3A_379] in [0] : vector<16xf32>, vector<16xi32> -> vector<16xf32>
      %add3A_381 = arith.addf %add3A_367, %gather3A_380 : vector<16xf32>
      %xor3A_382 = arith.constant 8 : i32
      %xor3A_383 = vector.broadcast %xor3A_382 : i32 to vector<16xi32>
      %xor3A_384 = arith.xori %iota3A, %xor3A_383 : vector<16xi32>
      %lt3A_385 = arith.constant 0 : i32
      %lt3A_386 = vector.broadcast %lt3A_385 : i32 to vector<16xi32>
      %lt3A_387 = arith.cmpi slt, %xor3A_384, %lt3A_386 : vector<16xi32>
      %add3A_388 = arith.constant 16 : i32
      %add3A_389 = vector.broadcast %add3A_388 : i32 to vector<16xi32>
      %add3A_390 = arith.addi %xor3A_384, %add3A_389 : vector<16xi32>
      %select_n3A_391 = arith.select %lt3A_387, %add3A_390, %xor3A_384 : vector<16xi1>, vector<16xi32>
      %broadcast_in_dim3A_392 = vector.shape_cast %select_n3A_391 : vector<16xi32> to vector<16x1xi32>
      %gather3A_393 = vector.shape_cast %broadcast_in_dim3A_392 : vector<16x1xi32> to vector<16xi32>
      %gather3A_394 = tpu.dynamic_gather %add3A_381[%gather3A_393] in [0] : vector<16xf32>, vector<16xi32> -> vector<16xf32>
      %add3A_395 = arith.addf %add3A_381, %gather3A_394 : vector<16xf32>
      %div3A_396 = arith.divf %div3A_339, %add3A_395 : vector<16xf32>
      %mul3A_397 = arith.constant 16 : i32
      %mul3A_398 = arith.muli %scan3A_8, %mul3A_397 : i32
      %add3A_399 = arith.constant 1 : i32
      %add3A_400 = arith.addi %mul3A_398, %add3A_399 : i32
      %swap3A_401 = arith.index_cast %add3A_400 : i32 to index
      %swap3A_402 = arith.constant 0 : index
      %swap3A_403 = tpu.vector_load %arg7[%swap3A_401, %swap3A_402] {strides = array<i32>} : memref<320x16xf32, #tpu.memory_space<vmem>>, vector<1x16xf32>,
      %swap3A_404 = vector.shape_cast %swap3A_403 : vector<1x16xf32> to vector<16xf32>
      %swap3A_405 = vector.shape_cast %div3A_396 : vector<16xf32> to vector<1x16xf32>
      tpu.vector_store %arg7[%swap3A_401, %swap3A_402], %swap3A_405 {strides = array<i32>} : memref<320x16xf32, #tpu.memory_space<vmem>>, vector<1x16xf32>,
      %xor3A_406 = arith.constant 1 : i32
      %xor3A_407 = vector.broadcast %xor3A_406 : i32 to vector<16xi32>
      %xor3A_408 = arith.xori %iota3A, %xor3A_407 : vector<16xi32>
      %lt3A_409 = arith.constant 0 : i32
      %lt3A_410 = vector.broadcast %lt3A_409 : i32 to vector<16xi32>
      %lt3A_411 = arith.cmpi slt, %xor3A_408, %lt3A_410 : vector<16xi32>
      %add3A_412 = arith.constant 16 : i32
      %add3A_413 = vector.broadcast %add3A_412 : i32 to vector<16xi32>
      %add3A_414 = arith.addi %xor3A_408, %add3A_413 : vector<16xi32>
      %select_n3A_415 = arith.select %lt3A_411, %add3A_414, %xor3A_408 : vector<16xi1>, vector<16xi32>
      %broadcast_in_dim3A_416 = vector.shape_cast %select_n3A_415 : vector<16xi32> to vector<16x1xi32>
      %gather3A_417 = vector.shape_cast %broadcast_in_dim3A_416 : vector<16x1xi32> to vector<16xi32>
      %gather3A_418 = tpu.dynamic_gather %get3A_333[%gather3A_417] in [0] : vector<16xf32>, vector<16xi32> -> vector<16xf32>
      %min3A_419 = arith.minimumf %get3A_333, %gather3A_418 : vector<16xf32>
      %xor3A_420 = arith.constant 2 : i32
      %xor3A_421 = vector.broadcast %xor3A_420 : i32 to vector<16xi32>
      %xor3A_422 = arith.xori %iota3A, %xor3A_421 : vector<16xi32>
      %lt3A_423 = arith.constant 0 : i32
      %lt3A_424 = vector.broadcast %lt3A_423 : i32 to vector<16xi32>
      %lt3A_425 = arith.cmpi slt, %xor3A_422, %lt3A_424 : vector<16xi32>
      %add3A_426 = arith.constant 16 : i32
      %add3A_427 = vector.broadcast %add3A_426 : i32 to vector<16xi32>
      %add3A_428 = arith.addi %xor3A_422, %add3A_427 : vector<16xi32>
      %select_n3A_429 = arith.select %lt3A_425, %add3A_428, %xor3A_422 : vector<16xi1>, vector<16xi32>
      %broadcast_in_dim3A_430 = vector.shape_cast %select_n3A_429 : vector<16xi32> to vector<16x1xi32>
      %gather3A_431 = vector.shape_cast %broadcast_in_dim3A_430 : vector<16x1xi32> to vector<16xi32>
      %gather3A_432 = tpu.dynamic_gather %min3A_419[%gather3A_431] in [0] : vector<16xf32>, vector<16xi32> -> vector<16xf32>
      %min3A_433 = arith.minimumf %min3A_419, %gather3A_432 : vector<16xf32>
      %xor3A_434 = arith.constant 4 : i32
      %xor3A_435 = vector.broadcast %xor3A_434 : i32 to vector<16xi32>
      %xor3A_436 = arith.xori %iota3A, %xor3A_435 : vector<16xi32>
      %lt3A_437 = arith.constant 0 : i32
      %lt3A_438 = vector.broadcast %lt3A_437 : i32 to vector<16xi32>
      %lt3A_439 = arith.cmpi slt, %xor3A_436, %lt3A_438 : vector<16xi32>
      %add3A_440 = arith.constant 16 : i32
      %add3A_441 = vector.broadcast %add3A_440 : i32 to vector<16xi32>
      %add3A_442 = arith.addi %xor3A_436, %add3A_441 : vector<16xi32>
      %select_n3A_443 = arith.select %lt3A_439, %add3A_442, %xor3A_436 : vector<16xi1>, vector<16xi32>
      %broadcast_in_dim3A_444 = vector.shape_cast %select_n3A_443 : vector<16xi32> to vector<16x1xi32>
      %gather3A_445 = vector.shape_cast %broadcast_in_dim3A_444 : vector<16x1xi32> to vector<16xi32>
      %gather3A_446 = tpu.dynamic_gather %min3A_433[%gather3A_445] in [0] : vector<16xf32>, vector<16xi32> -> vector<16xf32>
      %min3A_447 = arith.minimumf %min3A_433, %gather3A_446 : vector<16xf32>
      %xor3A_448 = arith.constant 8 : i32
      %xor3A_449 = vector.broadcast %xor3A_448 : i32 to vector<16xi32>
      %xor3A_450 = arith.xori %iota3A, %xor3A_449 : vector<16xi32>
      %lt3A_451 = arith.constant 0 : i32
      %lt3A_452 = vector.broadcast %lt3A_451 : i32 to vector<16xi32>
      %lt3A_453 = arith.cmpi slt, %xor3A_450, %lt3A_452 : vector<16xi32>
      %add3A_454 = arith.constant 16 : i32
      %add3A_455 = vector.broadcast %add3A_454 : i32 to vector<16xi32>
      %add3A_456 = arith.addi %xor3A_450, %add3A_455 : vector<16xi32>
      %select_n3A_457 = arith.select %lt3A_453, %add3A_456, %xor3A_450 : vector<16xi1>, vector<16xi32>
      %broadcast_in_dim3A_458 = vector.shape_cast %select_n3A_457 : vector<16xi32> to vector<16x1xi32>
      %gather3A_459 = vector.shape_cast %broadcast_in_dim3A_458 : vector<16x1xi32> to vector<16xi32>
      %gather3A_460 = tpu.dynamic_gather %min3A_447[%gather3A_459] in [0] : vector<16xf32>, vector<16xi32> -> vector<16xf32>
      %min3A_461 = arith.minimumf %min3A_447, %gather3A_460 : vector<16xf32>
      %eq3A_462 = arith.cmpf oeq, %get3A_333, %min3A_461 : vector<16xf32>
      %jit3A_463 = arith.constant 16 : i32
      %broadcast_in_dim3A_464 = vector.broadcast %jit3A_463 : i32 to vector<16xi32>
      %select_n3A_465 = arith.select %eq3A_462, %iota3A, %broadcast_in_dim3A_464 : vector<16xi1>, vector<16xi32>
      %xor3A_466 = arith.constant 1 : i32
      %xor3A_467 = vector.broadcast %xor3A_466 : i32 to vector<16xi32>
      %xor3A_468 = arith.xori %iota3A, %xor3A_467 : vector<16xi32>
      %lt3A_469 = arith.constant 0 : i32
      %lt3A_470 = vector.broadcast %lt3A_469 : i32 to vector<16xi32>
      %lt3A_471 = arith.cmpi slt, %xor3A_468, %lt3A_470 : vector<16xi32>
      %add3A_472 = arith.constant 16 : i32
      %add3A_473 = vector.broadcast %add3A_472 : i32 to vector<16xi32>
      %add3A_474 = arith.addi %xor3A_468, %add3A_473 : vector<16xi32>
      %select_n3A_475 = arith.select %lt3A_471, %add3A_474, %xor3A_468 : vector<16xi1>, vector<16xi32>
      %broadcast_in_dim3A_476 = vector.shape_cast %select_n3A_475 : vector<16xi32> to vector<16x1xi32>
      %gather3A_477 = vector.shape_cast %broadcast_in_dim3A_476 : vector<16x1xi32> to vector<16xi32>
      %gather3A_478 = tpu.dynamic_gather %select_n3A_465[%gather3A_477] in [0] : vector<16xi32>, vector<16xi32> -> vector<16xi32>
      %min3A_479 = arith.minsi %select_n3A_465, %gather3A_478 : vector<16xi32>
      %xor3A_480 = arith.constant 2 : i32
      %xor3A_481 = vector.broadcast %xor3A_480 : i32 to vector<16xi32>
      %xor3A_482 = arith.xori %iota3A, %xor3A_481 : vector<16xi32>
      %lt3A_483 = arith.constant 0 : i32
      %lt3A_484 = vector.broadcast %lt3A_483 : i32 to vector<16xi32>
      %lt3A_485 = arith.cmpi slt, %xor3A_482, %lt3A_484 : vector<16xi32>
      %add3A_486 = arith.constant 16 : i32
      %add3A_487 = vector.broadcast %add3A_486 : i32 to vector<16xi32>
      %add3A_488 = arith.addi %xor3A_482, %add3A_487 : vector<16xi32>
      %select_n3A_489 = arith.select %lt3A_485, %add3A_488, %xor3A_482 : vector<16xi1>, vector<16xi32>
      %broadcast_in_dim3A_490 = vector.shape_cast %select_n3A_489 : vector<16xi32> to vector<16x1xi32>
      %gather3A_491 = vector.shape_cast %broadcast_in_dim3A_490 : vector<16x1xi32> to vector<16xi32>
      %gather3A_492 = tpu.dynamic_gather %min3A_479[%gather3A_491] in [0] : vector<16xi32>, vector<16xi32> -> vector<16xi32>
      %min3A_493 = arith.minsi %min3A_479, %gather3A_492 : vector<16xi32>
      %xor3A_494 = arith.constant 4 : i32
      %xor3A_495 = vector.broadcast %xor3A_494 : i32 to vector<16xi32>
      %xor3A_496 = arith.xori %iota3A, %xor3A_495 : vector<16xi32>
      %lt3A_497 = arith.constant 0 : i32
      %lt3A_498 = vector.broadcast %lt3A_497 : i32 to vector<16xi32>
      %lt3A_499 = arith.cmpi slt, %xor3A_496, %lt3A_498 : vector<16xi32>
      %add3A_500 = arith.constant 16 : i32
      %add3A_501 = vector.broadcast %add3A_500 : i32 to vector<16xi32>
      %add3A_502 = arith.addi %xor3A_496, %add3A_501 : vector<16xi32>
      %select_n3A_503 = arith.select %lt3A_499, %add3A_502, %xor3A_496 : vector<16xi1>, vector<16xi32>
      %broadcast_in_dim3A_504 = vector.shape_cast %select_n3A_503 : vector<16xi32> to vector<16x1xi32>
      %gather3A_505 = vector.shape_cast %broadcast_in_dim3A_504 : vector<16x1xi32> to vector<16xi32>
      %gather3A_506 = tpu.dynamic_gather %min3A_493[%gather3A_505] in [0] : vector<16xi32>, vector<16xi32> -> vector<16xi32>
      %min3A_507 = arith.minsi %min3A_493, %gather3A_506 : vector<16xi32>
      %xor3A_508 = arith.constant 8 : i32
      %xor3A_509 = vector.broadcast %xor3A_508 : i32 to vector<16xi32>
      %xor3A_510 = arith.xori %iota3A, %xor3A_509 : vector<16xi32>
      %lt3A_511 = arith.constant 0 : i32
      %lt3A_512 = vector.broadcast %lt3A_511 : i32 to vector<16xi32>
      %lt3A_513 = arith.cmpi slt, %xor3A_510, %lt3A_512 : vector<16xi32>
      %add3A_514 = arith.constant 16 : i32
      %add3A_515 = vector.broadcast %add3A_514 : i32 to vector<16xi32>
      %add3A_516 = arith.addi %xor3A_510, %add3A_515 : vector<16xi32>
      %select_n3A_517 = arith.select %lt3A_513, %add3A_516, %xor3A_510 : vector<16xi1>, vector<16xi32>
      %broadcast_in_dim3A_518 = vector.shape_cast %select_n3A_517 : vector<16xi32> to vector<16x1xi32>
      %gather3A_519 = vector.shape_cast %broadcast_in_dim3A_518 : vector<16x1xi32> to vector<16xi32>
      %gather3A_520 = tpu.dynamic_gather %min3A_507[%gather3A_519] in [0] : vector<16xi32>, vector<16xi32> -> vector<16xi32>
      %min3A_521 = arith.minsi %min3A_507, %gather3A_520 : vector<16xi32>
      %eq3A_522 = arith.cmpi eq, %iota3A, %min3A_521 : vector<16xi32>
      %jit3A_523 = arith.constant 0x7F800000 : f32
      %broadcast_in_dim3A_524 = vector.broadcast %jit3A_523 : f32 to vector<16xf32>
      %select_n3A_525 = arith.select %eq3A_522, %broadcast_in_dim3A_524, %get3A_333 : vector<16xi1>, vector<16xf32>
      %xor3A_526 = arith.constant 1 : i32
      %xor3A_527 = vector.broadcast %xor3A_526 : i32 to vector<16xi32>
      %xor3A_528 = arith.xori %iota3A, %xor3A_527 : vector<16xi32>
      %lt3A_529 = arith.constant 0 : i32
      %lt3A_530 = vector.broadcast %lt3A_529 : i32 to vector<16xi32>
      %lt3A_531 = arith.cmpi slt, %xor3A_528, %lt3A_530 : vector<16xi32>
      %add3A_532 = arith.constant 16 : i32
      %add3A_533 = vector.broadcast %add3A_532 : i32 to vector<16xi32>
      %add3A_534 = arith.addi %xor3A_528, %add3A_533 : vector<16xi32>
      %select_n3A_535 = arith.select %lt3A_531, %add3A_534, %xor3A_528 : vector<16xi1>, vector<16xi32>
      %broadcast_in_dim3A_536 = vector.shape_cast %select_n3A_535 : vector<16xi32> to vector<16x1xi32>
      %gather3A_537 = vector.shape_cast %broadcast_in_dim3A_536 : vector<16x1xi32> to vector<16xi32>
      %gather3A_538 = tpu.dynamic_gather %select_n3A_525[%gather3A_537] in [0] : vector<16xf32>, vector<16xi32> -> vector<16xf32>
      %min3A_539 = arith.minimumf %select_n3A_525, %gather3A_538 : vector<16xf32>
      %xor3A_540 = arith.constant 2 : i32
      %xor3A_541 = vector.broadcast %xor3A_540 : i32 to vector<16xi32>
      %xor3A_542 = arith.xori %iota3A, %xor3A_541 : vector<16xi32>
      %lt3A_543 = arith.constant 0 : i32
      %lt3A_544 = vector.broadcast %lt3A_543 : i32 to vector<16xi32>
      %lt3A_545 = arith.cmpi slt, %xor3A_542, %lt3A_544 : vector<16xi32>
      %add3A_546 = arith.constant 16 : i32
      %add3A_547 = vector.broadcast %add3A_546 : i32 to vector<16xi32>
      %add3A_548 = arith.addi %xor3A_542, %add3A_547 : vector<16xi32>
      %select_n3A_549 = arith.select %lt3A_545, %add3A_548, %xor3A_542 : vector<16xi1>, vector<16xi32>
      %broadcast_in_dim3A_550 = vector.shape_cast %select_n3A_549 : vector<16xi32> to vector<16x1xi32>
      %gather3A_551 = vector.shape_cast %broadcast_in_dim3A_550 : vector<16x1xi32> to vector<16xi32>
      %gather3A_552 = tpu.dynamic_gather %min3A_539[%gather3A_551] in [0] : vector<16xf32>, vector<16xi32> -> vector<16xf32>
      %min3A_553 = arith.minimumf %min3A_539, %gather3A_552 : vector<16xf32>
      %xor3A_554 = arith.constant 4 : i32
      %xor3A_555 = vector.broadcast %xor3A_554 : i32 to vector<16xi32>
      %xor3A_556 = arith.xori %iota3A, %xor3A_555 : vector<16xi32>
      %lt3A_557 = arith.constant 0 : i32
      %lt3A_558 = vector.broadcast %lt3A_557 : i32 to vector<16xi32>
      %lt3A_559 = arith.cmpi slt, %xor3A_556, %lt3A_558 : vector<16xi32>
      %add3A_560 = arith.constant 16 : i32
      %add3A_561 = vector.broadcast %add3A_560 : i32 to vector<16xi32>
      %add3A_562 = arith.addi %xor3A_556, %add3A_561 : vector<16xi32>
      %select_n3A_563 = arith.select %lt3A_559, %add3A_562, %xor3A_556 : vector<16xi1>, vector<16xi32>
      %broadcast_in_dim3A_564 = vector.shape_cast %select_n3A_563 : vector<16xi32> to vector<16x1xi32>
      %gather3A_565 = vector.shape_cast %broadcast_in_dim3A_564 : vector<16x1xi32> to vector<16xi32>
      %gather3A_566 = tpu.dynamic_gather %min3A_553[%gather3A_565] in [0] : vector<16xf32>, vector<16xi32> -> vector<16xf32>
      %min3A_567 = arith.minimumf %min3A_553, %gather3A_566 : vector<16xf32>
      %xor3A_568 = arith.constant 8 : i32
      %xor3A_569 = vector.broadcast %xor3A_568 : i32 to vector<16xi32>
      %xor3A_570 = arith.xori %iota3A, %xor3A_569 : vector<16xi32>
      %lt3A_571 = arith.constant 0 : i32
      %lt3A_572 = vector.broadcast %lt3A_571 : i32 to vector<16xi32>
      %lt3A_573 = arith.cmpi slt, %xor3A_570, %lt3A_572 : vector<16xi32>
      %add3A_574 = arith.constant 16 : i32
      %add3A_575 = vector.broadcast %add3A_574 : i32 to vector<16xi32>
      %add3A_576 = arith.addi %xor3A_570, %add3A_575 : vector<16xi32>
      %select_n3A_577 = arith.select %lt3A_573, %add3A_576, %xor3A_570 : vector<16xi1>, vector<16xi32>
      %broadcast_in_dim3A_578 = vector.shape_cast %select_n3A_577 : vector<16xi32> to vector<16x1xi32>
      %gather3A_579 = vector.shape_cast %broadcast_in_dim3A_578 : vector<16x1xi32> to vector<16xi32>
      %gather3A_580 = tpu.dynamic_gather %min3A_567[%gather3A_579] in [0] : vector<16xf32>, vector<16xi32> -> vector<16xf32>
      %min3A_581 = arith.minimumf %min3A_567, %gather3A_580 : vector<16xf32>
      %eq3A_582 = arith.cmpf oeq, %select_n3A_525, %min3A_581 : vector<16xf32>
      %jit3A_583 = arith.constant 16 : i32
      %broadcast_in_dim3A_584 = vector.broadcast %jit3A_583 : i32 to vector<16xi32>
      %select_n3A_585 = arith.select %eq3A_582, %iota3A, %broadcast_in_dim3A_584 : vector<16xi1>, vector<16xi32>
      %xor3A_586 = arith.constant 1 : i32
      %xor3A_587 = vector.broadcast %xor3A_586 : i32 to vector<16xi32>
      %xor3A_588 = arith.xori %iota3A, %xor3A_587 : vector<16xi32>
      %lt3A_589 = arith.constant 0 : i32
      %lt3A_590 = vector.broadcast %lt3A_589 : i32 to vector<16xi32>
      %lt3A_591 = arith.cmpi slt, %xor3A_588, %lt3A_590 : vector<16xi32>
      %add3A_592 = arith.constant 16 : i32
      %add3A_593 = vector.broadcast %add3A_592 : i32 to vector<16xi32>
      %add3A_594 = arith.addi %xor3A_588, %add3A_593 : vector<16xi32>
      %select_n3A_595 = arith.select %lt3A_591, %add3A_594, %xor3A_588 : vector<16xi1>, vector<16xi32>
      %broadcast_in_dim3A_596 = vector.shape_cast %select_n3A_595 : vector<16xi32> to vector<16x1xi32>
      %gather3A_597 = vector.shape_cast %broadcast_in_dim3A_596 : vector<16x1xi32> to vector<16xi32>
      %gather3A_598 = tpu.dynamic_gather %select_n3A_585[%gather3A_597] in [0] : vector<16xi32>, vector<16xi32> -> vector<16xi32>
      %min3A_599 = arith.minsi %select_n3A_585, %gather3A_598 : vector<16xi32>
      %xor3A_600 = arith.constant 2 : i32
      %xor3A_601 = vector.broadcast %xor3A_600 : i32 to vector<16xi32>
      %xor3A_602 = arith.xori %iota3A, %xor3A_601 : vector<16xi32>
      %lt3A_603 = arith.constant 0 : i32
      %lt3A_604 = vector.broadcast %lt3A_603 : i32 to vector<16xi32>
      %lt3A_605 = arith.cmpi slt, %xor3A_602, %lt3A_604 : vector<16xi32>
      %add3A_606 = arith.constant 16 : i32
      %add3A_607 = vector.broadcast %add3A_606 : i32 to vector<16xi32>
      %add3A_608 = arith.addi %xor3A_602, %add3A_607 : vector<16xi32>
      %select_n3A_609 = arith.select %lt3A_605, %add3A_608, %xor3A_602 : vector<16xi1>, vector<16xi32>
      %broadcast_in_dim3A_610 = vector.shape_cast %select_n3A_609 : vector<16xi32> to vector<16x1xi32>
      %gather3A_611 = vector.shape_cast %broadcast_in_dim3A_610 : vector<16x1xi32> to vector<16xi32>
      %gather3A_612 = tpu.dynamic_gather %min3A_599[%gather3A_611] in [0] : vector<16xi32>, vector<16xi32> -> vector<16xi32>
      %min3A_613 = arith.minsi %min3A_599, %gather3A_612 : vector<16xi32>
      %xor3A_614 = arith.constant 4 : i32
      %xor3A_615 = vector.broadcast %xor3A_614 : i32 to vector<16xi32>
      %xor3A_616 = arith.xori %iota3A, %xor3A_615 : vector<16xi32>
      %lt3A_617 = arith.constant 0 : i32
      %lt3A_618 = vector.broadcast %lt3A_617 : i32 to vector<16xi32>
      %lt3A_619 = arith.cmpi slt, %xor3A_616, %lt3A_618 : vector<16xi32>
      %add3A_620 = arith.constant 16 : i32
      %add3A_621 = vector.broadcast %add3A_620 : i32 to vector<16xi32>
      %add3A_622 = arith.addi %xor3A_616, %add3A_621 : vector<16xi32>
      %select_n3A_623 = arith.select %lt3A_619, %add3A_622, %xor3A_616 : vector<16xi1>, vector<16xi32>
      %broadcast_in_dim3A_624 = vector.shape_cast %select_n3A_623 : vector<16xi32> to vector<16x1xi32>
      %gather3A_625 = vector.shape_cast %broadcast_in_dim3A_624 : vector<16x1xi32> to vector<16xi32>
      %gather3A_626 = tpu.dynamic_gather %min3A_613[%gather3A_625] in [0] : vector<16xi32>, vector<16xi32> -> vector<16xi32>
      %min3A_627 = arith.minsi %min3A_613, %gather3A_626 : vector<16xi32>
      %xor3A_628 = arith.constant 8 : i32
      %xor3A_629 = vector.broadcast %xor3A_628 : i32 to vector<16xi32>
      %xor3A_630 = arith.xori %iota3A, %xor3A_629 : vector<16xi32>
      %lt3A_631 = arith.constant 0 : i32
      %lt3A_632 = vector.broadcast %lt3A_631 : i32 to vector<16xi32>
      %lt3A_633 = arith.cmpi slt, %xor3A_630, %lt3A_632 : vector<16xi32>
      %add3A_634 = arith.constant 16 : i32
      %add3A_635 = vector.broadcast %add3A_634 : i32 to vector<16xi32>
      %add3A_636 = arith.addi %xor3A_630, %add3A_635 : vector<16xi32>
      %select_n3A_637 = arith.select %lt3A_633, %add3A_636, %xor3A_630 : vector<16xi1>, vector<16xi32>
      %broadcast_in_dim3A_638 = vector.shape_cast %select_n3A_637 : vector<16xi32> to vector<16x1xi32>
      %gather3A_639 = vector.shape_cast %broadcast_in_dim3A_638 : vector<16x1xi32> to vector<16xi32>
      %gather3A_640 = tpu.dynamic_gather %min3A_627[%gather3A_639] in [0] : vector<16xi32>, vector<16xi32> -> vector<16xi32>
      %min3A_641 = arith.minsi %min3A_627, %gather3A_640 : vector<16xi32>
      %eq3A_642 = arith.constant 1 : i32
      %eq3A_643 = vector.broadcast %eq3A_642 : i32 to vector<16xi32>
      %eq3A_644 = arith.cmpi eq, %iota3A, %eq3A_643 : vector<16xi32>
      %select_n3A_645 = arith.select %eq3A_644, %min3A_521, %select_n3A_321 : vector<16xi1>, vector<16xi32>
      %eq3A_646 = arith.constant 1 : i32
      %eq3A_647 = vector.broadcast %eq3A_646 : i32 to vector<16xi32>
      %eq3A_648 = arith.cmpi eq, %iota3A, %eq3A_647 : vector<16xi32>
      %select_n3A_649 = arith.select %eq3A_648, %min3A_641, %select_n3A_325 : vector<16xi1>, vector<16xi32>
      %mul3A_650 = arith.constant 16 : i32
      %mul3A_651 = arith.muli %scan3A_8, %mul3A_650 : i32
      %add3A_652 = arith.constant 2 : i32
      %add3A_653 = arith.addi %mul3A_651, %add3A_652 : i32
      %get3A_654 = arith.index_cast %add3A_653 : i32 to index
      %get3A_655 = arith.constant 0 : index
      %get3A_656 = tpu.vector_load %arg6[%get3A_654, %get3A_655] {strides = array<i32>} : memref<320x16xf32, #tpu.memory_space<vmem>>, vector<1x16xf32>,
      %get3A_657 = vector.shape_cast %get3A_656 : vector<1x16xf32> to vector<16xf32>
      %add3A_658 = arith.constant 1.000000e+00 : f32
      %add3A_659 = vector.broadcast %add3A_658 : f32 to vector<16xf32>
      %add3A_660 = arith.addf %add3A_659, %get3A_657 : vector<16xf32>
      %div3A_661 = arith.constant 1.000000e+00 : f32
      %div3A_662 = vector.broadcast %div3A_661 : f32 to vector<16xf32>
      %div3A_663 = arith.divf %div3A_662, %add3A_660 : vector<16xf32>
      %xor3A_664 = arith.constant 1 : i32
      %xor3A_665 = vector.broadcast %xor3A_664 : i32 to vector<16xi32>
      %xor3A_666 = arith.xori %iota3A, %xor3A_665 : vector<16xi32>
      %lt3A_667 = arith.constant 0 : i32
      %lt3A_668 = vector.broadcast %lt3A_667 : i32 to vector<16xi32>
      %lt3A_669 = arith.cmpi slt, %xor3A_666, %lt3A_668 : vector<16xi32>
      %add3A_670 = arith.constant 16 : i32
      %add3A_671 = vector.broadcast %add3A_670 : i32 to vector<16xi32>
      %add3A_672 = arith.addi %xor3A_666, %add3A_671 : vector<16xi32>
      %select_n3A_673 = arith.select %lt3A_669, %add3A_672, %xor3A_666 : vector<16xi1>, vector<16xi32>
      %broadcast_in_dim3A_674 = vector.shape_cast %select_n3A_673 : vector<16xi32> to vector<16x1xi32>
      %gather3A_675 = vector.shape_cast %broadcast_in_dim3A_674 : vector<16x1xi32> to vector<16xi32>
      %gather3A_676 = tpu.dynamic_gather %div3A_663[%gather3A_675] in [0] : vector<16xf32>, vector<16xi32> -> vector<16xf32>
      %add3A_677 = arith.addf %div3A_663, %gather3A_676 : vector<16xf32>
      %xor3A_678 = arith.constant 2 : i32
      %xor3A_679 = vector.broadcast %xor3A_678 : i32 to vector<16xi32>
      %xor3A_680 = arith.xori %iota3A, %xor3A_679 : vector<16xi32>
      %lt3A_681 = arith.constant 0 : i32
      %lt3A_682 = vector.broadcast %lt3A_681 : i32 to vector<16xi32>
      %lt3A_683 = arith.cmpi slt, %xor3A_680, %lt3A_682 : vector<16xi32>
      %add3A_684 = arith.constant 16 : i32
      %add3A_685 = vector.broadcast %add3A_684 : i32 to vector<16xi32>
      %add3A_686 = arith.addi %xor3A_680, %add3A_685 : vector<16xi32>
      %select_n3A_687 = arith.select %lt3A_683, %add3A_686, %xor3A_680 : vector<16xi1>, vector<16xi32>
      %broadcast_in_dim3A_688 = vector.shape_cast %select_n3A_687 : vector<16xi32> to vector<16x1xi32>
      %gather3A_689 = vector.shape_cast %broadcast_in_dim3A_688 : vector<16x1xi32> to vector<16xi32>
      %gather3A_690 = tpu.dynamic_gather %add3A_677[%gather3A_689] in [0] : vector<16xf32>, vector<16xi32> -> vector<16xf32>
      %add3A_691 = arith.addf %add3A_677, %gather3A_690 : vector<16xf32>
      %xor3A_692 = arith.constant 4 : i32
      %xor3A_693 = vector.broadcast %xor3A_692 : i32 to vector<16xi32>
      %xor3A_694 = arith.xori %iota3A, %xor3A_693 : vector<16xi32>
      %lt3A_695 = arith.constant 0 : i32
      %lt3A_696 = vector.broadcast %lt3A_695 : i32 to vector<16xi32>
      %lt3A_697 = arith.cmpi slt, %xor3A_694, %lt3A_696 : vector<16xi32>
      %add3A_698 = arith.constant 16 : i32
      %add3A_699 = vector.broadcast %add3A_698 : i32 to vector<16xi32>
      %add3A_700 = arith.addi %xor3A_694, %add3A_699 : vector<16xi32>
      %select_n3A_701 = arith.select %lt3A_697, %add3A_700, %xor3A_694 : vector<16xi1>, vector<16xi32>
      %broadcast_in_dim3A_702 = vector.shape_cast %select_n3A_701 : vector<16xi32> to vector<16x1xi32>
      %gather3A_703 = vector.shape_cast %broadcast_in_dim3A_702 : vector<16x1xi32> to vector<16xi32>
      %gather3A_704 = tpu.dynamic_gather %add3A_691[%gather3A_703] in [0] : vector<16xf32>, vector<16xi32> -> vector<16xf32>
      %add3A_705 = arith.addf %add3A_691, %gather3A_704 : vector<16xf32>
      %xor3A_706 = arith.constant 8 : i32
      %xor3A_707 = vector.broadcast %xor3A_706 : i32 to vector<16xi32>
      %xor3A_708 = arith.xori %iota3A, %xor3A_707 : vector<16xi32>
      %lt3A_709 = arith.constant 0 : i32
      %lt3A_710 = vector.broadcast %lt3A_709 : i32 to vector<16xi32>
      %lt3A_711 = arith.cmpi slt, %xor3A_708, %lt3A_710 : vector<16xi32>
      %add3A_712 = arith.constant 16 : i32
      %add3A_713 = vector.broadcast %add3A_712 : i32 to vector<16xi32>
      %add3A_714 = arith.addi %xor3A_708, %add3A_713 : vector<16xi32>
      %select_n3A_715 = arith.select %lt3A_711, %add3A_714, %xor3A_708 : vector<16xi1>, vector<16xi32>
      %broadcast_in_dim3A_716 = vector.shape_cast %select_n3A_715 : vector<16xi32> to vector<16x1xi32>
      %gather3A_717 = vector.shape_cast %broadcast_in_dim3A_716 : vector<16x1xi32> to vector<16xi32>
      %gather3A_718 = tpu.dynamic_gather %add3A_705[%gather3A_717] in [0] : vector<16xf32>, vector<16xi32> -> vector<16xf32>
      %add3A_719 = arith.addf %add3A_705, %gather3A_718 : vector<16xf32>
      %div3A_720 = arith.divf %div3A_663, %add3A_719 : vector<16xf32>
      %mul3A_721 = arith.constant 16 : i32
      %mul3A_722 = arith.muli %scan3A_8, %mul3A_721 : i32
      %add3A_723 = arith.constant 2 : i32
      %add3A_724 = arith.addi %mul3A_722, %add3A_723 : i32
      %swap3A_725 = arith.index_cast %add3A_724 : i32 to index
      %swap3A_726 = arith.constant 0 : index
      %swap3A_727 = tpu.vector_load %arg7[%swap3A_725, %swap3A_726] {strides = array<i32>} : memref<320x16xf32, #tpu.memory_space<vmem>>, vector<1x16xf32>,
      %swap3A_728 = vector.shape_cast %swap3A_727 : vector<1x16xf32> to vector<16xf32>
      %swap3A_729 = vector.shape_cast %div3A_720 : vector<16xf32> to vector<1x16xf32>
      tpu.vector_store %arg7[%swap3A_725, %swap3A_726], %swap3A_729 {strides = array<i32>} : memref<320x16xf32, #tpu.memory_space<vmem>>, vector<1x16xf32>,
      %xor3A_730 = arith.constant 1 : i32
      %xor3A_731 = vector.broadcast %xor3A_730 : i32 to vector<16xi32>
      %xor3A_732 = arith.xori %iota3A, %xor3A_731 : vector<16xi32>
      %lt3A_733 = arith.constant 0 : i32
      %lt3A_734 = vector.broadcast %lt3A_733 : i32 to vector<16xi32>
      %lt3A_735 = arith.cmpi slt, %xor3A_732, %lt3A_734 : vector<16xi32>
      %add3A_736 = arith.constant 16 : i32
      %add3A_737 = vector.broadcast %add3A_736 : i32 to vector<16xi32>
      %add3A_738 = arith.addi %xor3A_732, %add3A_737 : vector<16xi32>
      %select_n3A_739 = arith.select %lt3A_735, %add3A_738, %xor3A_732 : vector<16xi1>, vector<16xi32>
      %broadcast_in_dim3A_740 = vector.shape_cast %select_n3A_739 : vector<16xi32> to vector<16x1xi32>
      %gather3A_741 = vector.shape_cast %broadcast_in_dim3A_740 : vector<16x1xi32> to vector<16xi32>
      %gather3A_742 = tpu.dynamic_gather %get3A_657[%gather3A_741] in [0] : vector<16xf32>, vector<16xi32> -> vector<16xf32>
      %min3A_743 = arith.minimumf %get3A_657, %gather3A_742 : vector<16xf32>
      %xor3A_744 = arith.constant 2 : i32
      %xor3A_745 = vector.broadcast %xor3A_744 : i32 to vector<16xi32>
      %xor3A_746 = arith.xori %iota3A, %xor3A_745 : vector<16xi32>
      %lt3A_747 = arith.constant 0 : i32
      %lt3A_748 = vector.broadcast %lt3A_747 : i32 to vector<16xi32>
      %lt3A_749 = arith.cmpi slt, %xor3A_746, %lt3A_748 : vector<16xi32>
      %add3A_750 = arith.constant 16 : i32
      %add3A_751 = vector.broadcast %add3A_750 : i32 to vector<16xi32>
      %add3A_752 = arith.addi %xor3A_746, %add3A_751 : vector<16xi32>
      %select_n3A_753 = arith.select %lt3A_749, %add3A_752, %xor3A_746 : vector<16xi1>, vector<16xi32>
      %broadcast_in_dim3A_754 = vector.shape_cast %select_n3A_753 : vector<16xi32> to vector<16x1xi32>
      %gather3A_755 = vector.shape_cast %broadcast_in_dim3A_754 : vector<16x1xi32> to vector<16xi32>
      %gather3A_756 = tpu.dynamic_gather %min3A_743[%gather3A_755] in [0] : vector<16xf32>, vector<16xi32> -> vector<16xf32>
      %min3A_757 = arith.minimumf %min3A_743, %gather3A_756 : vector<16xf32>
      %xor3A_758 = arith.constant 4 : i32
      %xor3A_759 = vector.broadcast %xor3A_758 : i32 to vector<16xi32>
      %xor3A_760 = arith.xori %iota3A, %xor3A_759 : vector<16xi32>
      %lt3A_761 = arith.constant 0 : i32
      %lt3A_762 = vector.broadcast %lt3A_761 : i32 to vector<16xi32>
      %lt3A_763 = arith.cmpi slt, %xor3A_760, %lt3A_762 : vector<16xi32>
      %add3A_764 = arith.constant 16 : i32
      %add3A_765 = vector.broadcast %add3A_764 : i32 to vector<16xi32>
      %add3A_766 = arith.addi %xor3A_760, %add3A_765 : vector<16xi32>
      %select_n3A_767 = arith.select %lt3A_763, %add3A_766, %xor3A_760 : vector<16xi1>, vector<16xi32>
      %broadcast_in_dim3A_768 = vector.shape_cast %select_n3A_767 : vector<16xi32> to vector<16x1xi32>
      %gather3A_769 = vector.shape_cast %broadcast_in_dim3A_768 : vector<16x1xi32> to vector<16xi32>
      %gather3A_770 = tpu.dynamic_gather %min3A_757[%gather3A_769] in [0] : vector<16xf32>, vector<16xi32> -> vector<16xf32>
      %min3A_771 = arith.minimumf %min3A_757, %gather3A_770 : vector<16xf32>
      %xor3A_772 = arith.constant 8 : i32
      %xor3A_773 = vector.broadcast %xor3A_772 : i32 to vector<16xi32>
      %xor3A_774 = arith.xori %iota3A, %xor3A_773 : vector<16xi32>
      %lt3A_775 = arith.constant 0 : i32
      %lt3A_776 = vector.broadcast %lt3A_775 : i32 to vector<16xi32>
      %lt3A_777 = arith.cmpi slt, %xor3A_774, %lt3A_776 : vector<16xi32>
      %add3A_778 = arith.constant 16 : i32
      %add3A_779 = vector.broadcast %add3A_778 : i32 to vector<16xi32>
      %add3A_780 = arith.addi %xor3A_774, %add3A_779 : vector<16xi32>
      %select_n3A_781 = arith.select %lt3A_777, %add3A_780, %xor3A_774 : vector<16xi1>, vector<16xi32>
      %broadcast_in_dim3A_782 = vector.shape_cast %select_n3A_781 : vector<16xi32> to vector<16x1xi32>
      %gather3A_783 = vector.shape_cast %broadcast_in_dim3A_782 : vector<16x1xi32> to vector<16xi32>
      %gather3A_784 = tpu.dynamic_gather %min3A_771[%gather3A_783] in [0] : vector<16xf32>, vector<16xi32> -> vector<16xf32>
      %min3A_785 = arith.minimumf %min3A_771, %gather3A_784 : vector<16xf32>
      %eq3A_786 = arith.cmpf oeq, %get3A_657, %min3A_785 : vector<16xf32>
      %jit3A_787 = arith.constant 16 : i32
      %broadcast_in_dim3A_788 = vector.broadcast %jit3A_787 : i32 to vector<16xi32>
      %select_n3A_789 = arith.select %eq3A_786, %iota3A, %broadcast_in_dim3A_788 : vector<16xi1>, vector<16xi32>
      %xor3A_790 = arith.constant 1 : i32
      %xor3A_791 = vector.broadcast %xor3A_790 : i32 to vector<16xi32>
      %xor3A_792 = arith.xori %iota3A, %xor3A_791 : vector<16xi32>
      %lt3A_793 = arith.constant 0 : i32
      %lt3A_794 = vector.broadcast %lt3A_793 : i32 to vector<16xi32>
      %lt3A_795 = arith.cmpi slt, %xor3A_792, %lt3A_794 : vector<16xi32>
      %add3A_796 = arith.constant 16 : i32
      %add3A_797 = vector.broadcast %add3A_796 : i32 to vector<16xi32>
      %add3A_798 = arith.addi %xor3A_792, %add3A_797 : vector<16xi32>
      %select_n3A_799 = arith.select %lt3A_795, %add3A_798, %xor3A_792 : vector<16xi1>, vector<16xi32>
      %broadcast_in_dim3A_800 = vector.shape_cast %select_n3A_799 : vector<16xi32> to vector<16x1xi32>
      %gather3A_801 = vector.shape_cast %broadcast_in_dim3A_800 : vector<16x1xi32> to vector<16xi32>
      %gather3A_802 = tpu.dynamic_gather %select_n3A_789[%gather3A_801] in [0] : vector<16xi32>, vector<16xi32> -> vector<16xi32>
      %min3A_803 = arith.minsi %select_n3A_789, %gather3A_802 : vector<16xi32>
      %xor3A_804 = arith.constant 2 : i32
      %xor3A_805 = vector.broadcast %xor3A_804 : i32 to vector<16xi32>
      %xor3A_806 = arith.xori %iota3A, %xor3A_805 : vector<16xi32>
      %lt3A_807 = arith.constant 0 : i32
      %lt3A_808 = vector.broadcast %lt3A_807 : i32 to vector<16xi32>
      %lt3A_809 = arith.cmpi slt, %xor3A_806, %lt3A_808 : vector<16xi32>
      %add3A_810 = arith.constant 16 : i32
      %add3A_811 = vector.broadcast %add3A_810 : i32 to vector<16xi32>
      %add3A_812 = arith.addi %xor3A_806, %add3A_811 : vector<16xi32>
      %select_n3A_813 = arith.select %lt3A_809, %add3A_812, %xor3A_806 : vector<16xi1>, vector<16xi32>
      %broadcast_in_dim3A_814 = vector.shape_cast %select_n3A_813 : vector<16xi32> to vector<16x1xi32>
      %gather3A_815 = vector.shape_cast %broadcast_in_dim3A_814 : vector<16x1xi32> to vector<16xi32>
      %gather3A_816 = tpu.dynamic_gather %min3A_803[%gather3A_815] in [0] : vector<16xi32>, vector<16xi32> -> vector<16xi32>
      %min3A_817 = arith.minsi %min3A_803, %gather3A_816 : vector<16xi32>
      %xor3A_818 = arith.constant 4 : i32
      %xor3A_819 = vector.broadcast %xor3A_818 : i32 to vector<16xi32>
      %xor3A_820 = arith.xori %iota3A, %xor3A_819 : vector<16xi32>
      %lt3A_821 = arith.constant 0 : i32
      %lt3A_822 = vector.broadcast %lt3A_821 : i32 to vector<16xi32>
      %lt3A_823 = arith.cmpi slt, %xor3A_820, %lt3A_822 : vector<16xi32>
      %add3A_824 = arith.constant 16 : i32
      %add3A_825 = vector.broadcast %add3A_824 : i32 to vector<16xi32>
      %add3A_826 = arith.addi %xor3A_820, %add3A_825 : vector<16xi32>
      %select_n3A_827 = arith.select %lt3A_823, %add3A_826, %xor3A_820 : vector<16xi1>, vector<16xi32>
      %broadcast_in_dim3A_828 = vector.shape_cast %select_n3A_827 : vector<16xi32> to vector<16x1xi32>
      %gather3A_829 = vector.shape_cast %broadcast_in_dim3A_828 : vector<16x1xi32> to vector<16xi32>
      %gather3A_830 = tpu.dynamic_gather %min3A_817[%gather3A_829] in [0] : vector<16xi32>, vector<16xi32> -> vector<16xi32>
      %min3A_831 = arith.minsi %min3A_817, %gather3A_830 : vector<16xi32>
      %xor3A_832 = arith.constant 8 : i32
      %xor3A_833 = vector.broadcast %xor3A_832 : i32 to vector<16xi32>
      %xor3A_834 = arith.xori %iota3A, %xor3A_833 : vector<16xi32>
      %lt3A_835 = arith.constant 0 : i32
      %lt3A_836 = vector.broadcast %lt3A_835 : i32 to vector<16xi32>
      %lt3A_837 = arith.cmpi slt, %xor3A_834, %lt3A_836 : vector<16xi32>
      %add3A_838 = arith.constant 16 : i32
      %add3A_839 = vector.broadcast %add3A_838 : i32 to vector<16xi32>
      %add3A_840 = arith.addi %xor3A_834, %add3A_839 : vector<16xi32>
      %select_n3A_841 = arith.select %lt3A_837, %add3A_840, %xor3A_834 : vector<16xi1>, vector<16xi32>
      %broadcast_in_dim3A_842 = vector.shape_cast %select_n3A_841 : vector<16xi32> to vector<16x1xi32>
      %gather3A_843 = vector.shape_cast %broadcast_in_dim3A_842 : vector<16x1xi32> to vector<16xi32>
      %gather3A_844 = tpu.dynamic_gather %min3A_831[%gather3A_843] in [0] : vector<16xi32>, vector<16xi32> -> vector<16xi32>
      %min3A_845 = arith.minsi %min3A_831, %gather3A_844 : vector<16xi32>
      %eq3A_846 = arith.cmpi eq, %iota3A, %min3A_845 : vector<16xi32>
      %jit3A_847 = arith.constant 0x7F800000 : f32
      %broadcast_in_dim3A_848 = vector.broadcast %jit3A_847 : f32 to vector<16xf32>
      %select_n3A_849 = arith.select %eq3A_846, %broadcast_in_dim3A_848, %get3A_657 : vector<16xi1>, vector<16xf32>
      %xor3A_850 = arith.constant 1 : i32
      %xor3A_851 = vector.broadcast %xor3A_850 : i32 to vector<16xi32>
      %xor3A_852 = arith.xori %iota3A, %xor3A_851 : vector<16xi32>
      %lt3A_853 = arith.constant 0 : i32
      %lt3A_854 = vector.broadcast %lt3A_853 : i32 to vector<16xi32>
      %lt3A_855 = arith.cmpi slt, %xor3A_852, %lt3A_854 : vector<16xi32>
      %add3A_856 = arith.constant 16 : i32
      %add3A_857 = vector.broadcast %add3A_856 : i32 to vector<16xi32>
      %add3A_858 = arith.addi %xor3A_852, %add3A_857 : vector<16xi32>
      %select_n3A_859 = arith.select %lt3A_855, %add3A_858, %xor3A_852 : vector<16xi1>, vector<16xi32>
      %broadcast_in_dim3A_860 = vector.shape_cast %select_n3A_859 : vector<16xi32> to vector<16x1xi32>
      %gather3A_861 = vector.shape_cast %broadcast_in_dim3A_860 : vector<16x1xi32> to vector<16xi32>
      %gather3A_862 = tpu.dynamic_gather %select_n3A_849[%gather3A_861] in [0] : vector<16xf32>, vector<16xi32> -> vector<16xf32>
      %min3A_863 = arith.minimumf %select_n3A_849, %gather3A_862 : vector<16xf32>
      %xor3A_864 = arith.constant 2 : i32
      %xor3A_865 = vector.broadcast %xor3A_864 : i32 to vector<16xi32>
      %xor3A_866 = arith.xori %iota3A, %xor3A_865 : vector<16xi32>
      %lt3A_867 = arith.constant 0 : i32
      %lt3A_868 = vector.broadcast %lt3A_867 : i32 to vector<16xi32>
      %lt3A_869 = arith.cmpi slt, %xor3A_866, %lt3A_868 : vector<16xi32>
      %add3A_870 = arith.constant 16 : i32
      %add3A_871 = vector.broadcast %add3A_870 : i32 to vector<16xi32>
      %add3A_872 = arith.addi %xor3A_866, %add3A_871 : vector<16xi32>
      %select_n3A_873 = arith.select %lt3A_869, %add3A_872, %xor3A_866 : vector<16xi1>, vector<16xi32>
      %broadcast_in_dim3A_874 = vector.shape_cast %select_n3A_873 : vector<16xi32> to vector<16x1xi32>
      %gather3A_875 = vector.shape_cast %broadcast_in_dim3A_874 : vector<16x1xi32> to vector<16xi32>
      %gather3A_876 = tpu.dynamic_gather %min3A_863[%gather3A_875] in [0] : vector<16xf32>, vector<16xi32> -> vector<16xf32>
      %min3A_877 = arith.minimumf %min3A_863, %gather3A_876 : vector<16xf32>
      %xor3A_878 = arith.constant 4 : i32
      %xor3A_879 = vector.broadcast %xor3A_878 : i32 to vector<16xi32>
      %xor3A_880 = arith.xori %iota3A, %xor3A_879 : vector<16xi32>
      %lt3A_881 = arith.constant 0 : i32
      %lt3A_882 = vector.broadcast %lt3A_881 : i32 to vector<16xi32>
      %lt3A_883 = arith.cmpi slt, %xor3A_880, %lt3A_882 : vector<16xi32>
      %add3A_884 = arith.constant 16 : i32
      %add3A_885 = vector.broadcast %add3A_884 : i32 to vector<16xi32>
      %add3A_886 = arith.addi %xor3A_880, %add3A_885 : vector<16xi32>
      %select_n3A_887 = arith.select %lt3A_883, %add3A_886, %xor3A_880 : vector<16xi1>, vector<16xi32>
      %broadcast_in_dim3A_888 = vector.shape_cast %select_n3A_887 : vector<16xi32> to vector<16x1xi32>
      %gather3A_889 = vector.shape_cast %broadcast_in_dim3A_888 : vector<16x1xi32> to vector<16xi32>
      %gather3A_890 = tpu.dynamic_gather %min3A_877[%gather3A_889] in [0] : vector<16xf32>, vector<16xi32> -> vector<16xf32>
      %min3A_891 = arith.minimumf %min3A_877, %gather3A_890 : vector<16xf32>
      %xor3A_892 = arith.constant 8 : i32
      %xor3A_893 = vector.broadcast %xor3A_892 : i32 to vector<16xi32>
      %xor3A_894 = arith.xori %iota3A, %xor3A_893 : vector<16xi32>
      %lt3A_895 = arith.constant 0 : i32
      %lt3A_896 = vector.broadcast %lt3A_895 : i32 to vector<16xi32>
      %lt3A_897 = arith.cmpi slt, %xor3A_894, %lt3A_896 : vector<16xi32>
      %add3A_898 = arith.constant 16 : i32
      %add3A_899 = vector.broadcast %add3A_898 : i32 to vector<16xi32>
      %add3A_900 = arith.addi %xor3A_894, %add3A_899 : vector<16xi32>
      %select_n3A_901 = arith.select %lt3A_897, %add3A_900, %xor3A_894 : vector<16xi1>, vector<16xi32>
      %broadcast_in_dim3A_902 = vector.shape_cast %select_n3A_901 : vector<16xi32> to vector<16x1xi32>
      %gather3A_903 = vector.shape_cast %broadcast_in_dim3A_902 : vector<16x1xi32> to vector<16xi32>
      %gather3A_904 = tpu.dynamic_gather %min3A_891[%gather3A_903] in [0] : vector<16xf32>, vector<16xi32> -> vector<16xf32>
      %min3A_905 = arith.minimumf %min3A_891, %gather3A_904 : vector<16xf32>
      %eq3A_906 = arith.cmpf oeq, %select_n3A_849, %min3A_905 : vector<16xf32>
      %jit3A_907 = arith.constant 16 : i32
      %broadcast_in_dim3A_908 = vector.broadcast %jit3A_907 : i32 to vector<16xi32>
      %select_n3A_909 = arith.select %eq3A_906, %iota3A, %broadcast_in_dim3A_908 : vector<16xi1>, vector<16xi32>
      %xor3A_910 = arith.constant 1 : i32
      %xor3A_911 = vector.broadcast %xor3A_910 : i32 to vector<16xi32>
      %xor3A_912 = arith.xori %iota3A, %xor3A_911 : vector<16xi32>
      %lt3A_913 = arith.constant 0 : i32
      %lt3A_914 = vector.broadcast %lt3A_913 : i32 to vector<16xi32>
      %lt3A_915 = arith.cmpi slt, %xor3A_912, %lt3A_914 : vector<16xi32>
      %add3A_916 = arith.constant 16 : i32
      %add3A_917 = vector.broadcast %add3A_916 : i32 to vector<16xi32>
      %add3A_918 = arith.addi %xor3A_912, %add3A_917 : vector<16xi32>
      %select_n3A_919 = arith.select %lt3A_915, %add3A_918, %xor3A_912 : vector<16xi1>, vector<16xi32>
      %broadcast_in_dim3A_920 = vector.shape_cast %select_n3A_919 : vector<16xi32> to vector<16x1xi32>
      %gather3A_921 = vector.shape_cast %broadcast_in_dim3A_920 : vector<16x1xi32> to vector<16xi32>
      %gather3A_922 = tpu.dynamic_gather %select_n3A_909[%gather3A_921] in [0] : vector<16xi32>, vector<16xi32> -> vector<16xi32>
      %min3A_923 = arith.minsi %select_n3A_909, %gather3A_922 : vector<16xi32>
      %xor3A_924 = arith.constant 2 : i32
      %xor3A_925 = vector.broadcast %xor3A_924 : i32 to vector<16xi32>
      %xor3A_926 = arith.xori %iota3A, %xor3A_925 : vector<16xi32>
      %lt3A_927 = arith.constant 0 : i32
      %lt3A_928 = vector.broadcast %lt3A_927 : i32 to vector<16xi32>
      %lt3A_929 = arith.cmpi slt, %xor3A_926, %lt3A_928 : vector<16xi32>
      %add3A_930 = arith.constant 16 : i32
      %add3A_931 = vector.broadcast %add3A_930 : i32 to vector<16xi32>
      %add3A_932 = arith.addi %xor3A_926, %add3A_931 : vector<16xi32>
      %select_n3A_933 = arith.select %lt3A_929, %add3A_932, %xor3A_926 : vector<16xi1>, vector<16xi32>
      %broadcast_in_dim3A_934 = vector.shape_cast %select_n3A_933 : vector<16xi32> to vector<16x1xi32>
      %gather3A_935 = vector.shape_cast %broadcast_in_dim3A_934 : vector<16x1xi32> to vector<16xi32>
      %gather3A_936 = tpu.dynamic_gather %min3A_923[%gather3A_935] in [0] : vector<16xi32>, vector<16xi32> -> vector<16xi32>
      %min3A_937 = arith.minsi %min3A_923, %gather3A_936 : vector<16xi32>
      %xor3A_938 = arith.constant 4 : i32
      %xor3A_939 = vector.broadcast %xor3A_938 : i32 to vector<16xi32>
      %xor3A_940 = arith.xori %iota3A, %xor3A_939 : vector<16xi32>
      %lt3A_941 = arith.constant 0 : i32
      %lt3A_942 = vector.broadcast %lt3A_941 : i32 to vector<16xi32>
      %lt3A_943 = arith.cmpi slt, %xor3A_940, %lt3A_942 : vector<16xi32>
      %add3A_944 = arith.constant 16 : i32
      %add3A_945 = vector.broadcast %add3A_944 : i32 to vector<16xi32>
      %add3A_946 = arith.addi %xor3A_940, %add3A_945 : vector<16xi32>
      %select_n3A_947 = arith.select %lt3A_943, %add3A_946, %xor3A_940 : vector<16xi1>, vector<16xi32>
      %broadcast_in_dim3A_948 = vector.shape_cast %select_n3A_947 : vector<16xi32> to vector<16x1xi32>
      %gather3A_949 = vector.shape_cast %broadcast_in_dim3A_948 : vector<16x1xi32> to vector<16xi32>
      %gather3A_950 = tpu.dynamic_gather %min3A_937[%gather3A_949] in [0] : vector<16xi32>, vector<16xi32> -> vector<16xi32>
      %min3A_951 = arith.minsi %min3A_937, %gather3A_950 : vector<16xi32>
      %xor3A_952 = arith.constant 8 : i32
      %xor3A_953 = vector.broadcast %xor3A_952 : i32 to vector<16xi32>
      %xor3A_954 = arith.xori %iota3A, %xor3A_953 : vector<16xi32>
      %lt3A_955 = arith.constant 0 : i32
      %lt3A_956 = vector.broadcast %lt3A_955 : i32 to vector<16xi32>
      %lt3A_957 = arith.cmpi slt, %xor3A_954, %lt3A_956 : vector<16xi32>
      %add3A_958 = arith.constant 16 : i32
      %add3A_959 = vector.broadcast %add3A_958 : i32 to vector<16xi32>
      %add3A_960 = arith.addi %xor3A_954, %add3A_959 : vector<16xi32>
      %select_n3A_961 = arith.select %lt3A_957, %add3A_960, %xor3A_954 : vector<16xi1>, vector<16xi32>
      %broadcast_in_dim3A_962 = vector.shape_cast %select_n3A_961 : vector<16xi32> to vector<16x1xi32>
      %gather3A_963 = vector.shape_cast %broadcast_in_dim3A_962 : vector<16x1xi32> to vector<16xi32>
      %gather3A_964 = tpu.dynamic_gather %min3A_951[%gather3A_963] in [0] : vector<16xi32>, vector<16xi32> -> vector<16xi32>
      %min3A_965 = arith.minsi %min3A_951, %gather3A_964 : vector<16xi32>
      %eq3A_966 = arith.constant 2 : i32
      %eq3A_967 = vector.broadcast %eq3A_966 : i32 to vector<16xi32>
      %eq3A_968 = arith.cmpi eq, %iota3A, %eq3A_967 : vector<16xi32>
      %select_n3A_969 = arith.select %eq3A_968, %min3A_845, %select_n3A_645 : vector<16xi1>, vector<16xi32>
      %eq3A_970 = arith.constant 2 : i32
      %eq3A_971 = vector.broadcast %eq3A_970 : i32 to vector<16xi32>
      %eq3A_972 = arith.cmpi eq, %iota3A, %eq3A_971 : vector<16xi32>
      %select_n3A_973 = arith.select %eq3A_972, %min3A_965, %select_n3A_649 : vector<16xi1>, vector<16xi32>
      %mul3A_974 = arith.constant 16 : i32
      %mul3A_975 = arith.muli %scan3A_8, %mul3A_974 : i32
      %add3A_976 = arith.constant 3 : i32
      %add3A_977 = arith.addi %mul3A_975, %add3A_976 : i32
      %get3A_978 = arith.index_cast %add3A_977 : i32 to index
      %get3A_979 = arith.constant 0 : index
      %get3A_980 = tpu.vector_load %arg6[%get3A_978, %get3A_979] {strides = array<i32>} : memref<320x16xf32, #tpu.memory_space<vmem>>, vector<1x16xf32>,
      %get3A_981 = vector.shape_cast %get3A_980 : vector<1x16xf32> to vector<16xf32>
      %add3A_982 = arith.constant 1.000000e+00 : f32
      %add3A_983 = vector.broadcast %add3A_982 : f32 to vector<16xf32>
      %add3A_984 = arith.addf %add3A_983, %get3A_981 : vector<16xf32>
      %div3A_985 = arith.constant 1.000000e+00 : f32
      %div3A_986 = vector.broadcast %div3A_985 : f32 to vector<16xf32>
      %div3A_987 = arith.divf %div3A_986, %add3A_984 : vector<16xf32>
      %xor3A_988 = arith.constant 1 : i32
      %xor3A_989 = vector.broadcast %xor3A_988 : i32 to vector<16xi32>
      %xor3A_990 = arith.xori %iota3A, %xor3A_989 : vector<16xi32>
      %lt3A_991 = arith.constant 0 : i32
      %lt3A_992 = vector.broadcast %lt3A_991 : i32 to vector<16xi32>
      %lt3A_993 = arith.cmpi slt, %xor3A_990, %lt3A_992 : vector<16xi32>
      %add3A_994 = arith.constant 16 : i32
      %add3A_995 = vector.broadcast %add3A_994 : i32 to vector<16xi32>
      %add3A_996 = arith.addi %xor3A_990, %add3A_995 : vector<16xi32>
      %select_n3A_997 = arith.select %lt3A_993, %add3A_996, %xor3A_990 : vector<16xi1>, vector<16xi32>
      %broadcast_in_dim3A_998 = vector.shape_cast %select_n3A_997 : vector<16xi32> to vector<16x1xi32>
      %gather3A_999 = vector.shape_cast %broadcast_in_dim3A_998 : vector<16x1xi32> to vector<16xi32>
      %gather3A_1000 = tpu.dynamic_gather %div3A_987[%gather3A_999] in [0] : vector<16xf32>, vector<16xi32> -> vector<16xf32>
      %add3A_1001 = arith.addf %div3A_987, %gather3A_1000 : vector<16xf32>
      %xor3A_1002 = arith.constant 2 : i32
      %xor3A_1003 = vector.broadcast %xor3A_1002 : i32 to vector<16xi32>
      %xor3A_1004 = arith.xori %iota3A, %xor3A_1003 : vector<16xi32>
      %lt3A_1005 = arith.constant 0 : i32
      %lt3A_1006 = vector.broadcast %lt3A_1005 : i32 to vector<16xi32>
      %lt3A_1007 = arith.cmpi slt, %xor3A_1004, %lt3A_1006 : vector<16xi32>
      %add3A_1008 = arith.constant 16 : i32
      %add3A_1009 = vector.broadcast %add3A_1008 : i32 to vector<16xi32>
      %add3A_1010 = arith.addi %xor3A_1004, %add3A_1009 : vector<16xi32>
      %select_n3A_1011 = arith.select %lt3A_1007, %add3A_1010, %xor3A_1004 : vector<16xi1>, vector<16xi32>
      %broadcast_in_dim3A_1012 = vector.shape_cast %select_n3A_1011 : vector<16xi32> to vector<16x1xi32>
      %gather3A_1013 = vector.shape_cast %broadcast_in_dim3A_1012 : vector<16x1xi32> to vector<16xi32>
      %gather3A_1014 = tpu.dynamic_gather %add3A_1001[%gather3A_1013] in [0] : vector<16xf32>, vector<16xi32> -> vector<16xf32>
      %add3A_1015 = arith.addf %add3A_1001, %gather3A_1014 : vector<16xf32>
      %xor3A_1016 = arith.constant 4 : i32
      %xor3A_1017 = vector.broadcast %xor3A_1016 : i32 to vector<16xi32>
      %xor3A_1018 = arith.xori %iota3A, %xor3A_1017 : vector<16xi32>
      %lt3A_1019 = arith.constant 0 : i32
      %lt3A_1020 = vector.broadcast %lt3A_1019 : i32 to vector<16xi32>
      %lt3A_1021 = arith.cmpi slt, %xor3A_1018, %lt3A_1020 : vector<16xi32>
      %add3A_1022 = arith.constant 16 : i32
      %add3A_1023 = vector.broadcast %add3A_1022 : i32 to vector<16xi32>
      %add3A_1024 = arith.addi %xor3A_1018, %add3A_1023 : vector<16xi32>
      %select_n3A_1025 = arith.select %lt3A_1021, %add3A_1024, %xor3A_1018 : vector<16xi1>, vector<16xi32>
      %broadcast_in_dim3A_1026 = vector.shape_cast %select_n3A_1025 : vector<16xi32> to vector<16x1xi32>
      %gather3A_1027 = vector.shape_cast %broadcast_in_dim3A_1026 : vector<16x1xi32> to vector<16xi32>
      %gather3A_1028 = tpu.dynamic_gather %add3A_1015[%gather3A_1027] in [0] : vector<16xf32>, vector<16xi32> -> vector<16xf32>
      %add3A_1029 = arith.addf %add3A_1015, %gather3A_1028 : vector<16xf32>
      %xor3A_1030 = arith.constant 8 : i32
      %xor3A_1031 = vector.broadcast %xor3A_1030 : i32 to vector<16xi32>
      %xor3A_1032 = arith.xori %iota3A, %xor3A_1031 : vector<16xi32>
      %lt3A_1033 = arith.constant 0 : i32
      %lt3A_1034 = vector.broadcast %lt3A_1033 : i32 to vector<16xi32>
      %lt3A_1035 = arith.cmpi slt, %xor3A_1032, %lt3A_1034 : vector<16xi32>
      %add3A_1036 = arith.constant 16 : i32
      %add3A_1037 = vector.broadcast %add3A_1036 : i32 to vector<16xi32>
      %add3A_1038 = arith.addi %xor3A_1032, %add3A_1037 : vector<16xi32>
      %select_n3A_1039 = arith.select %lt3A_1035, %add3A_1038, %xor3A_1032 : vector<16xi1>, vector<16xi32>
      %broadcast_in_dim3A_1040 = vector.shape_cast %select_n3A_1039 : vector<16xi32> to vector<16x1xi32>
      %gather3A_1041 = vector.shape_cast %broadcast_in_dim3A_1040 : vector<16x1xi32> to vector<16xi32>
      %gather3A_1042 = tpu.dynamic_gather %add3A_1029[%gather3A_1041] in [0] : vector<16xf32>, vector<16xi32> -> vector<16xf32>
      %add3A_1043 = arith.addf %add3A_1029, %gather3A_1042 : vector<16xf32>
      %div3A_1044 = arith.divf %div3A_987, %add3A_1043 : vector<16xf32>
      %mul3A_1045 = arith.constant 16 : i32
      %mul3A_1046 = arith.muli %scan3A_8, %mul3A_1045 : i32
      %add3A_1047 = arith.constant 3 : i32
      %add3A_1048 = arith.addi %mul3A_1046, %add3A_1047 : i32
      %swap3A_1049 = arith.index_cast %add3A_1048 : i32 to index
      %swap3A_1050 = arith.constant 0 : index
      %swap3A_1051 = tpu.vector_load %arg7[%swap3A_1049, %swap3A_1050] {strides = array<i32>} : memref<320x16xf32, #tpu.memory_space<vmem>>, vector<1x16xf32>,
      %swap3A_1052 = vector.shape_cast %swap3A_1051 : vector<1x16xf32> to vector<16xf32>
      %swap3A_1053 = vector.shape_cast %div3A_1044 : vector<16xf32> to vector<1x16xf32>
      tpu.vector_store %arg7[%swap3A_1049, %swap3A_1050], %swap3A_1053 {strides = array<i32>} : memref<320x16xf32, #tpu.memory_space<vmem>>, vector<1x16xf32>,
      %xor3A_1054 = arith.constant 1 : i32
      %xor3A_1055 = vector.broadcast %xor3A_1054 : i32 to vector<16xi32>
      %xor3A_1056 = arith.xori %iota3A, %xor3A_1055 : vector<16xi32>
      %lt3A_1057 = arith.constant 0 : i32
      %lt3A_1058 = vector.broadcast %lt3A_1057 : i32 to vector<16xi32>
      %lt3A_1059 = arith.cmpi slt, %xor3A_1056, %lt3A_1058 : vector<16xi32>
      %add3A_1060 = arith.constant 16 : i32
      %add3A_1061 = vector.broadcast %add3A_1060 : i32 to vector<16xi32>
      %add3A_1062 = arith.addi %xor3A_1056, %add3A_1061 : vector<16xi32>
      %select_n3A_1063 = arith.select %lt3A_1059, %add3A_1062, %xor3A_1056 : vector<16xi1>, vector<16xi32>
      %broadcast_in_dim3A_1064 = vector.shape_cast %select_n3A_1063 : vector<16xi32> to vector<16x1xi32>
      %gather3A_1065 = vector.shape_cast %broadcast_in_dim3A_1064 : vector<16x1xi32> to vector<16xi32>
      %gather3A_1066 = tpu.dynamic_gather %get3A_981[%gather3A_1065] in [0] : vector<16xf32>, vector<16xi32> -> vector<16xf32>
      %min3A_1067 = arith.minimumf %get3A_981, %gather3A_1066 : vector<16xf32>
      %xor3A_1068 = arith.constant 2 : i32
      %xor3A_1069 = vector.broadcast %xor3A_1068 : i32 to vector<16xi32>
      %xor3A_1070 = arith.xori %iota3A, %xor3A_1069 : vector<16xi32>
      %lt3A_1071 = arith.constant 0 : i32
      %lt3A_1072 = vector.broadcast %lt3A_1071 : i32 to vector<16xi32>
      %lt3A_1073 = arith.cmpi slt, %xor3A_1070, %lt3A_1072 : vector<16xi32>
      %add3A_1074 = arith.constant 16 : i32
      %add3A_1075 = vector.broadcast %add3A_1074 : i32 to vector<16xi32>
      %add3A_1076 = arith.addi %xor3A_1070, %add3A_1075 : vector<16xi32>
      %select_n3A_1077 = arith.select %lt3A_1073, %add3A_1076, %xor3A_1070 : vector<16xi1>, vector<16xi32>
      %broadcast_in_dim3A_1078 = vector.shape_cast %select_n3A_1077 : vector<16xi32> to vector<16x1xi32>
      %gather3A_1079 = vector.shape_cast %broadcast_in_dim3A_1078 : vector<16x1xi32> to vector<16xi32>
      %gather3A_1080 = tpu.dynamic_gather %min3A_1067[%gather3A_1079] in [0] : vector<16xf32>, vector<16xi32> -> vector<16xf32>
      %min3A_1081 = arith.minimumf %min3A_1067, %gather3A_1080 : vector<16xf32>
      %xor3A_1082 = arith.constant 4 : i32
      %xor3A_1083 = vector.broadcast %xor3A_1082 : i32 to vector<16xi32>
      %xor3A_1084 = arith.xori %iota3A, %xor3A_1083 : vector<16xi32>
      %lt3A_1085 = arith.constant 0 : i32
      %lt3A_1086 = vector.broadcast %lt3A_1085 : i32 to vector<16xi32>
      %lt3A_1087 = arith.cmpi slt, %xor3A_1084, %lt3A_1086 : vector<16xi32>
      %add3A_1088 = arith.constant 16 : i32
      %add3A_1089 = vector.broadcast %add3A_1088 : i32 to vector<16xi32>
      %add3A_1090 = arith.addi %xor3A_1084, %add3A_1089 : vector<16xi32>
      %select_n3A_1091 = arith.select %lt3A_1087, %add3A_1090, %xor3A_1084 : vector<16xi1>, vector<16xi32>
      %broadcast_in_dim3A_1092 = vector.shape_cast %select_n3A_1091 : vector<16xi32> to vector<16x1xi32>
      %gather3A_1093 = vector.shape_cast %broadcast_in_dim3A_1092 : vector<16x1xi32> to vector<16xi32>
      %gather3A_1094 = tpu.dynamic_gather %min3A_1081[%gather3A_1093] in [0] : vector<16xf32>, vector<16xi32> -> vector<16xf32>
      %min3A_1095 = arith.minimumf %min3A_1081, %gather3A_1094 : vector<16xf32>
      %xor3A_1096 = arith.constant 8 : i32
      %xor3A_1097 = vector.broadcast %xor3A_1096 : i32 to vector<16xi32>
      %xor3A_1098 = arith.xori %iota3A, %xor3A_1097 : vector<16xi32>
      %lt3A_1099 = arith.constant 0 : i32
      %lt3A_1100 = vector.broadcast %lt3A_1099 : i32 to vector<16xi32>
      %lt3A_1101 = arith.cmpi slt, %xor3A_1098, %lt3A_1100 : vector<16xi32>
      %add3A_1102 = arith.constant 16 : i32
      %add3A_1103 = vector.broadcast %add3A_1102 : i32 to vector<16xi32>
      %add3A_1104 = arith.addi %xor3A_1098, %add3A_1103 : vector<16xi32>
      %select_n3A_1105 = arith.select %lt3A_1101, %add3A_1104, %xor3A_1098 : vector<16xi1>, vector<16xi32>
      %broadcast_in_dim3A_1106 = vector.shape_cast %select_n3A_1105 : vector<16xi32> to vector<16x1xi32>
      %gather3A_1107 = vector.shape_cast %broadcast_in_dim3A_1106 : vector<16x1xi32> to vector<16xi32>
      %gather3A_1108 = tpu.dynamic_gather %min3A_1095[%gather3A_1107] in [0] : vector<16xf32>, vector<16xi32> -> vector<16xf32>
      %min3A_1109 = arith.minimumf %min3A_1095, %gather3A_1108 : vector<16xf32>
      %eq3A_1110 = arith.cmpf oeq, %get3A_981, %min3A_1109 : vector<16xf32>
      %jit3A_1111 = arith.constant 16 : i32
      %broadcast_in_dim3A_1112 = vector.broadcast %jit3A_1111 : i32 to vector<16xi32>
      %select_n3A_1113 = arith.select %eq3A_1110, %iota3A, %broadcast_in_dim3A_1112 : vector<16xi1>, vector<16xi32>
      %xor3A_1114 = arith.constant 1 : i32
      %xor3A_1115 = vector.broadcast %xor3A_1114 : i32 to vector<16xi32>
      %xor3A_1116 = arith.xori %iota3A, %xor3A_1115 : vector<16xi32>
      %lt3A_1117 = arith.constant 0 : i32
      %lt3A_1118 = vector.broadcast %lt3A_1117 : i32 to vector<16xi32>
      %lt3A_1119 = arith.cmpi slt, %xor3A_1116, %lt3A_1118 : vector<16xi32>
      %add3A_1120 = arith.constant 16 : i32
      %add3A_1121 = vector.broadcast %add3A_1120 : i32 to vector<16xi32>
      %add3A_1122 = arith.addi %xor3A_1116, %add3A_1121 : vector<16xi32>
      %select_n3A_1123 = arith.select %lt3A_1119, %add3A_1122, %xor3A_1116 : vector<16xi1>, vector<16xi32>
      %broadcast_in_dim3A_1124 = vector.shape_cast %select_n3A_1123 : vector<16xi32> to vector<16x1xi32>
      %gather3A_1125 = vector.shape_cast %broadcast_in_dim3A_1124 : vector<16x1xi32> to vector<16xi32>
      %gather3A_1126 = tpu.dynamic_gather %select_n3A_1113[%gather3A_1125] in [0] : vector<16xi32>, vector<16xi32> -> vector<16xi32>
      %min3A_1127 = arith.minsi %select_n3A_1113, %gather3A_1126 : vector<16xi32>
      %xor3A_1128 = arith.constant 2 : i32
      %xor3A_1129 = vector.broadcast %xor3A_1128 : i32 to vector<16xi32>
      %xor3A_1130 = arith.xori %iota3A, %xor3A_1129 : vector<16xi32>
      %lt3A_1131 = arith.constant 0 : i32
      %lt3A_1132 = vector.broadcast %lt3A_1131 : i32 to vector<16xi32>
      %lt3A_1133 = arith.cmpi slt, %xor3A_1130, %lt3A_1132 : vector<16xi32>
      %add3A_1134 = arith.constant 16 : i32
      %add3A_1135 = vector.broadcast %add3A_1134 : i32 to vector<16xi32>
      %add3A_1136 = arith.addi %xor3A_1130, %add3A_1135 : vector<16xi32>
      %select_n3A_1137 = arith.select %lt3A_1133, %add3A_1136, %xor3A_1130 : vector<16xi1>, vector<16xi32>
      %broadcast_in_dim3A_1138 = vector.shape_cast %select_n3A_1137 : vector<16xi32> to vector<16x1xi32>
      %gather3A_1139 = vector.shape_cast %broadcast_in_dim3A_1138 : vector<16x1xi32> to vector<16xi32>
      %gather3A_1140 = tpu.dynamic_gather %min3A_1127[%gather3A_1139] in [0] : vector<16xi32>, vector<16xi32> -> vector<16xi32>
      %min3A_1141 = arith.minsi %min3A_1127, %gather3A_1140 : vector<16xi32>
      %xor3A_1142 = arith.constant 4 : i32
      %xor3A_1143 = vector.broadcast %xor3A_1142 : i32 to vector<16xi32>
      %xor3A_1144 = arith.xori %iota3A, %xor3A_1143 : vector<16xi32>
      %lt3A_1145 = arith.constant 0 : i32
      %lt3A_1146 = vector.broadcast %lt3A_1145 : i32 to vector<16xi32>
      %lt3A_1147 = arith.cmpi slt, %xor3A_1144, %lt3A_1146 : vector<16xi32>
      %add3A_1148 = arith.constant 16 : i32
      %add3A_1149 = vector.broadcast %add3A_1148 : i32 to vector<16xi32>
      %add3A_1150 = arith.addi %xor3A_1144, %add3A_1149 : vector<16xi32>
      %select_n3A_1151 = arith.select %lt3A_1147, %add3A_1150, %xor3A_1144 : vector<16xi1>, vector<16xi32>
      %broadcast_in_dim3A_1152 = vector.shape_cast %select_n3A_1151 : vector<16xi32> to vector<16x1xi32>
      %gather3A_1153 = vector.shape_cast %broadcast_in_dim3A_1152 : vector<16x1xi32> to vector<16xi32>
      %gather3A_1154 = tpu.dynamic_gather %min3A_1141[%gather3A_1153] in [0] : vector<16xi32>, vector<16xi32> -> vector<16xi32>
      %min3A_1155 = arith.minsi %min3A_1141, %gather3A_1154 : vector<16xi32>
      %xor3A_1156 = arith.constant 8 : i32
      %xor3A_1157 = vector.broadcast %xor3A_1156 : i32 to vector<16xi32>
      %xor3A_1158 = arith.xori %iota3A, %xor3A_1157 : vector<16xi32>
      %lt3A_1159 = arith.constant 0 : i32
      %lt3A_1160 = vector.broadcast %lt3A_1159 : i32 to vector<16xi32>
      %lt3A_1161 = arith.cmpi slt, %xor3A_1158, %lt3A_1160 : vector<16xi32>
      %add3A_1162 = arith.constant 16 : i32
      %add3A_1163 = vector.broadcast %add3A_1162 : i32 to vector<16xi32>
      %add3A_1164 = arith.addi %xor3A_1158, %add3A_1163 : vector<16xi32>
      %select_n3A_1165 = arith.select %lt3A_1161, %add3A_1164, %xor3A_1158 : vector<16xi1>, vector<16xi32>
      %broadcast_in_dim3A_1166 = vector.shape_cast %select_n3A_1165 : vector<16xi32> to vector<16x1xi32>
      %gather3A_1167 = vector.shape_cast %broadcast_in_dim3A_1166 : vector<16x1xi32> to vector<16xi32>
      %gather3A_1168 = tpu.dynamic_gather %min3A_1155[%gather3A_1167] in [0] : vector<16xi32>, vector<16xi32> -> vector<16xi32>
      %min3A_1169 = arith.minsi %min3A_1155, %gather3A_1168 : vector<16xi32>
      %eq3A_1170 = arith.cmpi eq, %iota3A, %min3A_1169 : vector<16xi32>
      %jit3A_1171 = arith.constant 0x7F800000 : f32
      %broadcast_in_dim3A_1172 = vector.broadcast %jit3A_1171 : f32 to vector<16xf32>
      %select_n3A_1173 = arith.select %eq3A_1170, %broadcast_in_dim3A_1172, %get3A_981 : vector<16xi1>, vector<16xf32>
      %xor3A_1174 = arith.constant 1 : i32
      %xor3A_1175 = vector.broadcast %xor3A_1174 : i32 to vector<16xi32>
      %xor3A_1176 = arith.xori %iota3A, %xor3A_1175 : vector<16xi32>
      %lt3A_1177 = arith.constant 0 : i32
      %lt3A_1178 = vector.broadcast %lt3A_1177 : i32 to vector<16xi32>
      %lt3A_1179 = arith.cmpi slt, %xor3A_1176, %lt3A_1178 : vector<16xi32>
      %add3A_1180 = arith.constant 16 : i32
      %add3A_1181 = vector.broadcast %add3A_1180 : i32 to vector<16xi32>
      %add3A_1182 = arith.addi %xor3A_1176, %add3A_1181 : vector<16xi32>
      %select_n3A_1183 = arith.select %lt3A_1179, %add3A_1182, %xor3A_1176 : vector<16xi1>, vector<16xi32>
      %broadcast_in_dim3A_1184 = vector.shape_cast %select_n3A_1183 : vector<16xi32> to vector<16x1xi32>
      %gather3A_1185 = vector.shape_cast %broadcast_in_dim3A_1184 : vector<16x1xi32> to vector<16xi32>
      %gather3A_1186 = tpu.dynamic_gather %select_n3A_1173[%gather3A_1185] in [0] : vector<16xf32>, vector<16xi32> -> vector<16xf32>
      %min3A_1187 = arith.minimumf %select_n3A_1173, %gather3A_1186 : vector<16xf32>
      %xor3A_1188 = arith.constant 2 : i32
      %xor3A_1189 = vector.broadcast %xor3A_1188 : i32 to vector<16xi32>
      %xor3A_1190 = arith.xori %iota3A, %xor3A_1189 : vector<16xi32>
      %lt3A_1191 = arith.constant 0 : i32
      %lt3A_1192 = vector.broadcast %lt3A_1191 : i32 to vector<16xi32>
      %lt3A_1193 = arith.cmpi slt, %xor3A_1190, %lt3A_1192 : vector<16xi32>
      %add3A_1194 = arith.constant 16 : i32
      %add3A_1195 = vector.broadcast %add3A_1194 : i32 to vector<16xi32>
      %add3A_1196 = arith.addi %xor3A_1190, %add3A_1195 : vector<16xi32>
      %select_n3A_1197 = arith.select %lt3A_1193, %add3A_1196, %xor3A_1190 : vector<16xi1>, vector<16xi32>
      %broadcast_in_dim3A_1198 = vector.shape_cast %select_n3A_1197 : vector<16xi32> to vector<16x1xi32>
      %gather3A_1199 = vector.shape_cast %broadcast_in_dim3A_1198 : vector<16x1xi32> to vector<16xi32>
      %gather3A_1200 = tpu.dynamic_gather %min3A_1187[%gather3A_1199] in [0] : vector<16xf32>, vector<16xi32> -> vector<16xf32>
      %min3A_1201 = arith.minimumf %min3A_1187, %gather3A_1200 : vector<16xf32>
      %xor3A_1202 = arith.constant 4 : i32
      %xor3A_1203 = vector.broadcast %xor3A_1202 : i32 to vector<16xi32>
      %xor3A_1204 = arith.xori %iota3A, %xor3A_1203 : vector<16xi32>
      %lt3A_1205 = arith.constant 0 : i32
      %lt3A_1206 = vector.broadcast %lt3A_1205 : i32 to vector<16xi32>
      %lt3A_1207 = arith.cmpi slt, %xor3A_1204, %lt3A_1206 : vector<16xi32>
      %add3A_1208 = arith.constant 16 : i32
      %add3A_1209 = vector.broadcast %add3A_1208 : i32 to vector<16xi32>
      %add3A_1210 = arith.addi %xor3A_1204, %add3A_1209 : vector<16xi32>
      %select_n3A_1211 = arith.select %lt3A_1207, %add3A_1210, %xor3A_1204 : vector<16xi1>, vector<16xi32>
      %broadcast_in_dim3A_1212 = vector.shape_cast %select_n3A_1211 : vector<16xi32> to vector<16x1xi32>
      %gather3A_1213 = vector.shape_cast %broadcast_in_dim3A_1212 : vector<16x1xi32> to vector<16xi32>
      %gather3A_1214 = tpu.dynamic_gather %min3A_1201[%gather3A_1213] in [0] : vector<16xf32>, vector<16xi32> -> vector<16xf32>
      %min3A_1215 = arith.minimumf %min3A_1201, %gather3A_1214 : vector<16xf32>
      %xor3A_1216 = arith.constant 8 : i32
      %xor3A_1217 = vector.broadcast %xor3A_1216 : i32 to vector<16xi32>
      %xor3A_1218 = arith.xori %iota3A, %xor3A_1217 : vector<16xi32>
      %lt3A_1219 = arith.constant 0 : i32
      %lt3A_1220 = vector.broadcast %lt3A_1219 : i32 to vector<16xi32>
      %lt3A_1221 = arith.cmpi slt, %xor3A_1218, %lt3A_1220 : vector<16xi32>
      %add3A_1222 = arith.constant 16 : i32
      %add3A_1223 = vector.broadcast %add3A_1222 : i32 to vector<16xi32>
      %add3A_1224 = arith.addi %xor3A_1218, %add3A_1223 : vector<16xi32>
      %select_n3A_1225 = arith.select %lt3A_1221, %add3A_1224, %xor3A_1218 : vector<16xi1>, vector<16xi32>
      %broadcast_in_dim3A_1226 = vector.shape_cast %select_n3A_1225 : vector<16xi32> to vector<16x1xi32>
      %gather3A_1227 = vector.shape_cast %broadcast_in_dim3A_1226 : vector<16x1xi32> to vector<16xi32>
      %gather3A_1228 = tpu.dynamic_gather %min3A_1215[%gather3A_1227] in [0] : vector<16xf32>, vector<16xi32> -> vector<16xf32>
      %min3A_1229 = arith.minimumf %min3A_1215, %gather3A_1228 : vector<16xf32>
      %eq3A_1230 = arith.cmpf oeq, %select_n3A_1173, %min3A_1229 : vector<16xf32>
      %jit3A_1231 = arith.constant 16 : i32
      %broadcast_in_dim3A_1232 = vector.broadcast %jit3A_1231 : i32 to vector<16xi32>
      %select_n3A_1233 = arith.select %eq3A_1230, %iota3A, %broadcast_in_dim3A_1232 : vector<16xi1>, vector<16xi32>
      %xor3A_1234 = arith.constant 1 : i32
      %xor3A_1235 = vector.broadcast %xor3A_1234 : i32 to vector<16xi32>
      %xor3A_1236 = arith.xori %iota3A, %xor3A_1235 : vector<16xi32>
      %lt3A_1237 = arith.constant 0 : i32
      %lt3A_1238 = vector.broadcast %lt3A_1237 : i32 to vector<16xi32>
      %lt3A_1239 = arith.cmpi slt, %xor3A_1236, %lt3A_1238 : vector<16xi32>
      %add3A_1240 = arith.constant 16 : i32
      %add3A_1241 = vector.broadcast %add3A_1240 : i32 to vector<16xi32>
      %add3A_1242 = arith.addi %xor3A_1236, %add3A_1241 : vector<16xi32>
      %select_n3A_1243 = arith.select %lt3A_1239, %add3A_1242, %xor3A_1236 : vector<16xi1>, vector<16xi32>
      %broadcast_in_dim3A_1244 = vector.shape_cast %select_n3A_1243 : vector<16xi32> to vector<16x1xi32>
      %gather3A_1245 = vector.shape_cast %broadcast_in_dim3A_1244 : vector<16x1xi32> to vector<16xi32>
      %gather3A_1246 = tpu.dynamic_gather %select_n3A_1233[%gather3A_1245] in [0] : vector<16xi32>, vector<16xi32> -> vector<16xi32>
      %min3A_1247 = arith.minsi %select_n3A_1233, %gather3A_1246 : vector<16xi32>
      %xor3A_1248 = arith.constant 2 : i32
      %xor3A_1249 = vector.broadcast %xor3A_1248 : i32 to vector<16xi32>
      %xor3A_1250 = arith.xori %iota3A, %xor3A_1249 : vector<16xi32>
      %lt3A_1251 = arith.constant 0 : i32
      %lt3A_1252 = vector.broadcast %lt3A_1251 : i32 to vector<16xi32>
      %lt3A_1253 = arith.cmpi slt, %xor3A_1250, %lt3A_1252 : vector<16xi32>
      %add3A_1254 = arith.constant 16 : i32
      %add3A_1255 = vector.broadcast %add3A_1254 : i32 to vector<16xi32>
      %add3A_1256 = arith.addi %xor3A_1250, %add3A_1255 : vector<16xi32>
      %select_n3A_1257 = arith.select %lt3A_1253, %add3A_1256, %xor3A_1250 : vector<16xi1>, vector<16xi32>
      %broadcast_in_dim3A_1258 = vector.shape_cast %select_n3A_1257 : vector<16xi32> to vector<16x1xi32>
      %gather3A_1259 = vector.shape_cast %broadcast_in_dim3A_1258 : vector<16x1xi32> to vector<16xi32>
      %gather3A_1260 = tpu.dynamic_gather %min3A_1247[%gather3A_1259] in [0] : vector<16xi32>, vector<16xi32> -> vector<16xi32>
      %min3A_1261 = arith.minsi %min3A_1247, %gather3A_1260 : vector<16xi32>
      %xor3A_1262 = arith.constant 4 : i32
      %xor3A_1263 = vector.broadcast %xor3A_1262 : i32 to vector<16xi32>
      %xor3A_1264 = arith.xori %iota3A, %xor3A_1263 : vector<16xi32>
      %lt3A_1265 = arith.constant 0 : i32
      %lt3A_1266 = vector.broadcast %lt3A_1265 : i32 to vector<16xi32>
      %lt3A_1267 = arith.cmpi slt, %xor3A_1264, %lt3A_1266 : vector<16xi32>
      %add3A_1268 = arith.constant 16 : i32
      %add3A_1269 = vector.broadcast %add3A_1268 : i32 to vector<16xi32>
      %add3A_1270 = arith.addi %xor3A_1264, %add3A_1269 : vector<16xi32>
      %select_n3A_1271 = arith.select %lt3A_1267, %add3A_1270, %xor3A_1264 : vector<16xi1>, vector<16xi32>
      %broadcast_in_dim3A_1272 = vector.shape_cast %select_n3A_1271 : vector<16xi32> to vector<16x1xi32>
      %gather3A_1273 = vector.shape_cast %broadcast_in_dim3A_1272 : vector<16x1xi32> to vector<16xi32>
      %gather3A_1274 = tpu.dynamic_gather %min3A_1261[%gather3A_1273] in [0] : vector<16xi32>, vector<16xi32> -> vector<16xi32>
      %min3A_1275 = arith.minsi %min3A_1261, %gather3A_1274 : vector<16xi32>
      %xor3A_1276 = arith.constant 8 : i32
      %xor3A_1277 = vector.broadcast %xor3A_1276 : i32 to vector<16xi32>
      %xor3A_1278 = arith.xori %iota3A, %xor3A_1277 : vector<16xi32>
      %lt3A_1279 = arith.constant 0 : i32
      %lt3A_1280 = vector.broadcast %lt3A_1279 : i32 to vector<16xi32>
      %lt3A_1281 = arith.cmpi slt, %xor3A_1278, %lt3A_1280 : vector<16xi32>
      %add3A_1282 = arith.constant 16 : i32
      %add3A_1283 = vector.broadcast %add3A_1282 : i32 to vector<16xi32>
      %add3A_1284 = arith.addi %xor3A_1278, %add3A_1283 : vector<16xi32>
      %select_n3A_1285 = arith.select %lt3A_1281, %add3A_1284, %xor3A_1278 : vector<16xi1>, vector<16xi32>
      %broadcast_in_dim3A_1286 = vector.shape_cast %select_n3A_1285 : vector<16xi32> to vector<16x1xi32>
      %gather3A_1287 = vector.shape_cast %broadcast_in_dim3A_1286 : vector<16x1xi32> to vector<16xi32>
      %gather3A_1288 = tpu.dynamic_gather %min3A_1275[%gather3A_1287] in [0] : vector<16xi32>, vector<16xi32> -> vector<16xi32>
      %min3A_1289 = arith.minsi %min3A_1275, %gather3A_1288 : vector<16xi32>
      %eq3A_1290 = arith.constant 3 : i32
      %eq3A_1291 = vector.broadcast %eq3A_1290 : i32 to vector<16xi32>
      %eq3A_1292 = arith.cmpi eq, %iota3A, %eq3A_1291 : vector<16xi32>
      %select_n3A_1293 = arith.select %eq3A_1292, %min3A_1169, %select_n3A_969 : vector<16xi1>, vector<16xi32>
      %eq3A_1294 = arith.constant 3 : i32
      %eq3A_1295 = vector.broadcast %eq3A_1294 : i32 to vector<16xi32>
      %eq3A_1296 = arith.cmpi eq, %iota3A, %eq3A_1295 : vector<16xi32>
      %select_n3A_1297 = arith.select %eq3A_1296, %min3A_1289, %select_n3A_973 : vector<16xi1>, vector<16xi32>
      %mul3A_1298 = arith.constant 16 : i32
      %mul3A_1299 = arith.muli %scan3A_8, %mul3A_1298 : i32
      %add3A_1300 = arith.constant 4 : i32
      %add3A_1301 = arith.addi %mul3A_1299, %add3A_1300 : i32
      %get3A_1302 = arith.index_cast %add3A_1301 : i32 to index
      %get3A_1303 = arith.constant 0 : index
      %get3A_1304 = tpu.vector_load %arg6[%get3A_1302, %get3A_1303] {strides = array<i32>} : memref<320x16xf32, #tpu.memory_space<vmem>>, vector<1x16xf32>,
      %get3A_1305 = vector.shape_cast %get3A_1304 : vector<1x16xf32> to vector<16xf32>
      %add3A_1306 = arith.constant 1.000000e+00 : f32
      %add3A_1307 = vector.broadcast %add3A_1306 : f32 to vector<16xf32>
      %add3A_1308 = arith.addf %add3A_1307, %get3A_1305 : vector<16xf32>
      %div3A_1309 = arith.constant 1.000000e+00 : f32
      %div3A_1310 = vector.broadcast %div3A_1309 : f32 to vector<16xf32>
      %div3A_1311 = arith.divf %div3A_1310, %add3A_1308 : vector<16xf32>
      %xor3A_1312 = arith.constant 1 : i32
      %xor3A_1313 = vector.broadcast %xor3A_1312 : i32 to vector<16xi32>
      %xor3A_1314 = arith.xori %iota3A, %xor3A_1313 : vector<16xi32>
      %lt3A_1315 = arith.constant 0 : i32
      %lt3A_1316 = vector.broadcast %lt3A_1315 : i32 to vector<16xi32>
      %lt3A_1317 = arith.cmpi slt, %xor3A_1314, %lt3A_1316 : vector<16xi32>
      %add3A_1318 = arith.constant 16 : i32
      %add3A_1319 = vector.broadcast %add3A_1318 : i32 to vector<16xi32>
      %add3A_1320 = arith.addi %xor3A_1314, %add3A_1319 : vector<16xi32>
      %select_n3A_1321 = arith.select %lt3A_1317, %add3A_1320, %xor3A_1314 : vector<16xi1>, vector<16xi32>
      %broadcast_in_dim3A_1322 = vector.shape_cast %select_n3A_1321 : vector<16xi32> to vector<16x1xi32>
      %gather3A_1323 = vector.shape_cast %broadcast_in_dim3A_1322 : vector<16x1xi32> to vector<16xi32>
      %gather3A_1324 = tpu.dynamic_gather %div3A_1311[%gather3A_1323] in [0] : vector<16xf32>, vector<16xi32> -> vector<16xf32>
      %add3A_1325 = arith.addf %div3A_1311, %gather3A_1324 : vector<16xf32>
      %xor3A_1326 = arith.constant 2 : i32
      %xor3A_1327 = vector.broadcast %xor3A_1326 : i32 to vector<16xi32>
      %xor3A_1328 = arith.xori %iota3A, %xor3A_1327 : vector<16xi32>
      %lt3A_1329 = arith.constant 0 : i32
      %lt3A_1330 = vector.broadcast %lt3A_1329 : i32 to vector<16xi32>
      %lt3A_1331 = arith.cmpi slt, %xor3A_1328, %lt3A_1330 : vector<16xi32>
      %add3A_1332 = arith.constant 16 : i32
      %add3A_1333 = vector.broadcast %add3A_1332 : i32 to vector<16xi32>
      %add3A_1334 = arith.addi %xor3A_1328, %add3A_1333 : vector<16xi32>
      %select_n3A_1335 = arith.select %lt3A_1331, %add3A_1334, %xor3A_1328 : vector<16xi1>, vector<16xi32>
      %broadcast_in_dim3A_1336 = vector.shape_cast %select_n3A_1335 : vector<16xi32> to vector<16x1xi32>
      %gather3A_1337 = vector.shape_cast %broadcast_in_dim3A_1336 : vector<16x1xi32> to vector<16xi32>
      %gather3A_1338 = tpu.dynamic_gather %add3A_1325[%gather3A_1337] in [0] : vector<16xf32>, vector<16xi32> -> vector<16xf32>
      %add3A_1339 = arith.addf %add3A_1325, %gather3A_1338 : vector<16xf32>
      %xor3A_1340 = arith.constant 4 : i32
      %xor3A_1341 = vector.broadcast %xor3A_1340 : i32 to vector<16xi32>
      %xor3A_1342 = arith.xori %iota3A, %xor3A_1341 : vector<16xi32>
      %lt3A_1343 = arith.constant 0 : i32
      %lt3A_1344 = vector.broadcast %lt3A_1343 : i32 to vector<16xi32>
      %lt3A_1345 = arith.cmpi slt, %xor3A_1342, %lt3A_1344 : vector<16xi32>
      %add3A_1346 = arith.constant 16 : i32
      %add3A_1347 = vector.broadcast %add3A_1346 : i32 to vector<16xi32>
      %add3A_1348 = arith.addi %xor3A_1342, %add3A_1347 : vector<16xi32>
      %select_n3A_1349 = arith.select %lt3A_1345, %add3A_1348, %xor3A_1342 : vector<16xi1>, vector<16xi32>
      %broadcast_in_dim3A_1350 = vector.shape_cast %select_n3A_1349 : vector<16xi32> to vector<16x1xi32>
      %gather3A_1351 = vector.shape_cast %broadcast_in_dim3A_1350 : vector<16x1xi32> to vector<16xi32>
      %gather3A_1352 = tpu.dynamic_gather %add3A_1339[%gather3A_1351] in [0] : vector<16xf32>, vector<16xi32> -> vector<16xf32>
      %add3A_1353 = arith.addf %add3A_1339, %gather3A_1352 : vector<16xf32>
      %xor3A_1354 = arith.constant 8 : i32
      %xor3A_1355 = vector.broadcast %xor3A_1354 : i32 to vector<16xi32>
      %xor3A_1356 = arith.xori %iota3A, %xor3A_1355 : vector<16xi32>
      %lt3A_1357 = arith.constant 0 : i32
      %lt3A_1358 = vector.broadcast %lt3A_1357 : i32 to vector<16xi32>
      %lt3A_1359 = arith.cmpi slt, %xor3A_1356, %lt3A_1358 : vector<16xi32>
      %add3A_1360 = arith.constant 16 : i32
      %add3A_1361 = vector.broadcast %add3A_1360 : i32 to vector<16xi32>
      %add3A_1362 = arith.addi %xor3A_1356, %add3A_1361 : vector<16xi32>
      %select_n3A_1363 = arith.select %lt3A_1359, %add3A_1362, %xor3A_1356 : vector<16xi1>, vector<16xi32>
      %broadcast_in_dim3A_1364 = vector.shape_cast %select_n3A_1363 : vector<16xi32> to vector<16x1xi32>
      %gather3A_1365 = vector.shape_cast %broadcast_in_dim3A_1364 : vector<16x1xi32> to vector<16xi32>
      %gather3A_1366 = tpu.dynamic_gather %add3A_1353[%gather3A_1365] in [0] : vector<16xf32>, vector<16xi32> -> vector<16xf32>
      %add3A_1367 = arith.addf %add3A_1353, %gather3A_1366 : vector<16xf32>
      %div3A_1368 = arith.divf %div3A_1311, %add3A_1367 : vector<16xf32>
      %mul3A_1369 = arith.constant 16 : i32
      %mul3A_1370 = arith.muli %scan3A_8, %mul3A_1369 : i32
      %add3A_1371 = arith.constant 4 : i32
      %add3A_1372 = arith.addi %mul3A_1370, %add3A_1371 : i32
      %swap3A_1373 = arith.index_cast %add3A_1372 : i32 to index
      %swap3A_1374 = arith.constant 0 : index
      %swap3A_1375 = tpu.vector_load %arg7[%swap3A_1373, %swap3A_1374] {strides = array<i32>} : memref<320x16xf32, #tpu.memory_space<vmem>>, vector<1x16xf32>,
      %swap3A_1376 = vector.shape_cast %swap3A_1375 : vector<1x16xf32> to vector<16xf32>
      %swap3A_1377 = vector.shape_cast %div3A_1368 : vector<16xf32> to vector<1x16xf32>
      tpu.vector_store %arg7[%swap3A_1373, %swap3A_1374], %swap3A_1377 {strides = array<i32>} : memref<320x16xf32, #tpu.memory_space<vmem>>, vector<1x16xf32>,
      %xor3A_1378 = arith.constant 1 : i32
      %xor3A_1379 = vector.broadcast %xor3A_1378 : i32 to vector<16xi32>
      %xor3A_1380 = arith.xori %iota3A, %xor3A_1379 : vector<16xi32>
      %lt3A_1381 = arith.constant 0 : i32
      %lt3A_1382 = vector.broadcast %lt3A_1381 : i32 to vector<16xi32>
      %lt3A_1383 = arith.cmpi slt, %xor3A_1380, %lt3A_1382 : vector<16xi32>
      %add3A_1384 = arith.constant 16 : i32
      %add3A_1385 = vector.broadcast %add3A_1384 : i32 to vector<16xi32>
      %add3A_1386 = arith.addi %xor3A_1380, %add3A_1385 : vector<16xi32>
      %select_n3A_1387 = arith.select %lt3A_1383, %add3A_1386, %xor3A_1380 : vector<16xi1>, vector<16xi32>
      %broadcast_in_dim3A_1388 = vector.shape_cast %select_n3A_1387 : vector<16xi32> to vector<16x1xi32>
      %gather3A_1389 = vector.shape_cast %broadcast_in_dim3A_1388 : vector<16x1xi32> to vector<16xi32>
      %gather3A_1390 = tpu.dynamic_gather %get3A_1305[%gather3A_1389] in [0] : vector<16xf32>, vector<16xi32> -> vector<16xf32>
      %min3A_1391 = arith.minimumf %get3A_1305, %gather3A_1390 : vector<16xf32>
      %xor3A_1392 = arith.constant 2 : i32
      %xor3A_1393 = vector.broadcast %xor3A_1392 : i32 to vector<16xi32>
      %xor3A_1394 = arith.xori %iota3A, %xor3A_1393 : vector<16xi32>
      %lt3A_1395 = arith.constant 0 : i32
      %lt3A_1396 = vector.broadcast %lt3A_1395 : i32 to vector<16xi32>
      %lt3A_1397 = arith.cmpi slt, %xor3A_1394, %lt3A_1396 : vector<16xi32>
      %add3A_1398 = arith.constant 16 : i32
      %add3A_1399 = vector.broadcast %add3A_1398 : i32 to vector<16xi32>
      %add3A_1400 = arith.addi %xor3A_1394, %add3A_1399 : vector<16xi32>
      %select_n3A_1401 = arith.select %lt3A_1397, %add3A_1400, %xor3A_1394 : vector<16xi1>, vector<16xi32>
      %broadcast_in_dim3A_1402 = vector.shape_cast %select_n3A_1401 : vector<16xi32> to vector<16x1xi32>
      %gather3A_1403 = vector.shape_cast %broadcast_in_dim3A_1402 : vector<16x1xi32> to vector<16xi32>
      %gather3A_1404 = tpu.dynamic_gather %min3A_1391[%gather3A_1403] in [0] : vector<16xf32>, vector<16xi32> -> vector<16xf32>
      %min3A_1405 = arith.minimumf %min3A_1391, %gather3A_1404 : vector<16xf32>
      %xor3A_1406 = arith.constant 4 : i32
      %xor3A_1407 = vector.broadcast %xor3A_1406 : i32 to vector<16xi32>
      %xor3A_1408 = arith.xori %iota3A, %xor3A_1407 : vector<16xi32>
      %lt3A_1409 = arith.constant 0 : i32
      %lt3A_1410 = vector.broadcast %lt3A_1409 : i32 to vector<16xi32>
      %lt3A_1411 = arith.cmpi slt, %xor3A_1408, %lt3A_1410 : vector<16xi32>
      %add3A_1412 = arith.constant 16 : i32
      %add3A_1413 = vector.broadcast %add3A_1412 : i32 to vector<16xi32>
      %add3A_1414 = arith.addi %xor3A_1408, %add3A_1413 : vector<16xi32>
      %select_n3A_1415 = arith.select %lt3A_1411, %add3A_1414, %xor3A_1408 : vector<16xi1>, vector<16xi32>
      %broadcast_in_dim3A_1416 = vector.shape_cast %select_n3A_1415 : vector<16xi32> to vector<16x1xi32>
      %gather3A_1417 = vector.shape_cast %broadcast_in_dim3A_1416 : vector<16x1xi32> to vector<16xi32>
      %gather3A_1418 = tpu.dynamic_gather %min3A_1405[%gather3A_1417] in [0] : vector<16xf32>, vector<16xi32> -> vector<16xf32>
      %min3A_1419 = arith.minimumf %min3A_1405, %gather3A_1418 : vector<16xf32>
      %xor3A_1420 = arith.constant 8 : i32
      %xor3A_1421 = vector.broadcast %xor3A_1420 : i32 to vector<16xi32>
      %xor3A_1422 = arith.xori %iota3A, %xor3A_1421 : vector<16xi32>
      %lt3A_1423 = arith.constant 0 : i32
      %lt3A_1424 = vector.broadcast %lt3A_1423 : i32 to vector<16xi32>
      %lt3A_1425 = arith.cmpi slt, %xor3A_1422, %lt3A_1424 : vector<16xi32>
      %add3A_1426 = arith.constant 16 : i32
      %add3A_1427 = vector.broadcast %add3A_1426 : i32 to vector<16xi32>
      %add3A_1428 = arith.addi %xor3A_1422, %add3A_1427 : vector<16xi32>
      %select_n3A_1429 = arith.select %lt3A_1425, %add3A_1428, %xor3A_1422 : vector<16xi1>, vector<16xi32>
      %broadcast_in_dim3A_1430 = vector.shape_cast %select_n3A_1429 : vector<16xi32> to vector<16x1xi32>
      %gather3A_1431 = vector.shape_cast %broadcast_in_dim3A_1430 : vector<16x1xi32> to vector<16xi32>
      %gather3A_1432 = tpu.dynamic_gather %min3A_1419[%gather3A_1431] in [0] : vector<16xf32>, vector<16xi32> -> vector<16xf32>
      %min3A_1433 = arith.minimumf %min3A_1419, %gather3A_1432 : vector<16xf32>
      %eq3A_1434 = arith.cmpf oeq, %get3A_1305, %min3A_1433 : vector<16xf32>
      %jit3A_1435 = arith.constant 16 : i32
      %broadcast_in_dim3A_1436 = vector.broadcast %jit3A_1435 : i32 to vector<16xi32>
      %select_n3A_1437 = arith.select %eq3A_1434, %iota3A, %broadcast_in_dim3A_1436 : vector<16xi1>, vector<16xi32>
      %xor3A_1438 = arith.constant 1 : i32
      %xor3A_1439 = vector.broadcast %xor3A_1438 : i32 to vector<16xi32>
      %xor3A_1440 = arith.xori %iota3A, %xor3A_1439 : vector<16xi32>
      %lt3A_1441 = arith.constant 0 : i32
      %lt3A_1442 = vector.broadcast %lt3A_1441 : i32 to vector<16xi32>
      %lt3A_1443 = arith.cmpi slt, %xor3A_1440, %lt3A_1442 : vector<16xi32>
      %add3A_1444 = arith.constant 16 : i32
      %add3A_1445 = vector.broadcast %add3A_1444 : i32 to vector<16xi32>
      %add3A_1446 = arith.addi %xor3A_1440, %add3A_1445 : vector<16xi32>
      %select_n3A_1447 = arith.select %lt3A_1443, %add3A_1446, %xor3A_1440 : vector<16xi1>, vector<16xi32>
      %broadcast_in_dim3A_1448 = vector.shape_cast %select_n3A_1447 : vector<16xi32> to vector<16x1xi32>
      %gather3A_1449 = vector.shape_cast %broadcast_in_dim3A_1448 : vector<16x1xi32> to vector<16xi32>
      %gather3A_1450 = tpu.dynamic_gather %select_n3A_1437[%gather3A_1449] in [0] : vector<16xi32>, vector<16xi32> -> vector<16xi32>
      %min3A_1451 = arith.minsi %select_n3A_1437, %gather3A_1450 : vector<16xi32>
      %xor3A_1452 = arith.constant 2 : i32
      %xor3A_1453 = vector.broadcast %xor3A_1452 : i32 to vector<16xi32>
      %xor3A_1454 = arith.xori %iota3A, %xor3A_1453 : vector<16xi32>
      %lt3A_1455 = arith.constant 0 : i32
      %lt3A_1456 = vector.broadcast %lt3A_1455 : i32 to vector<16xi32>
      %lt3A_1457 = arith.cmpi slt, %xor3A_1454, %lt3A_1456 : vector<16xi32>
      %add3A_1458 = arith.constant 16 : i32
      %add3A_1459 = vector.broadcast %add3A_1458 : i32 to vector<16xi32>
      %add3A_1460 = arith.addi %xor3A_1454, %add3A_1459 : vector<16xi32>
      %select_n3A_1461 = arith.select %lt3A_1457, %add3A_1460, %xor3A_1454 : vector<16xi1>, vector<16xi32>
      %broadcast_in_dim3A_1462 = vector.shape_cast %select_n3A_1461 : vector<16xi32> to vector<16x1xi32>
      %gather3A_1463 = vector.shape_cast %broadcast_in_dim3A_1462 : vector<16x1xi32> to vector<16xi32>
      %gather3A_1464 = tpu.dynamic_gather %min3A_1451[%gather3A_1463] in [0] : vector<16xi32>, vector<16xi32> -> vector<16xi32>
      %min3A_1465 = arith.minsi %min3A_1451, %gather3A_1464 : vector<16xi32>
      %xor3A_1466 = arith.constant 4 : i32
      %xor3A_1467 = vector.broadcast %xor3A_1466 : i32 to vector<16xi32>
      %xor3A_1468 = arith.xori %iota3A, %xor3A_1467 : vector<16xi32>
      %lt3A_1469 = arith.constant 0 : i32
      %lt3A_1470 = vector.broadcast %lt3A_1469 : i32 to vector<16xi32>
      %lt3A_1471 = arith.cmpi slt, %xor3A_1468, %lt3A_1470 : vector<16xi32>
      %add3A_1472 = arith.constant 16 : i32
      %add3A_1473 = vector.broadcast %add3A_1472 : i32 to vector<16xi32>
      %add3A_1474 = arith.addi %xor3A_1468, %add3A_1473 : vector<16xi32>
      %select_n3A_1475 = arith.select %lt3A_1471, %add3A_1474, %xor3A_1468 : vector<16xi1>, vector<16xi32>
      %broadcast_in_dim3A_1476 = vector.shape_cast %select_n3A_1475 : vector<16xi32> to vector<16x1xi32>
      %gather3A_1477 = vector.shape_cast %broadcast_in_dim3A_1476 : vector<16x1xi32> to vector<16xi32>
      %gather3A_1478 = tpu.dynamic_gather %min3A_1465[%gather3A_1477] in [0] : vector<16xi32>, vector<16xi32> -> vector<16xi32>
      %min3A_1479 = arith.minsi %min3A_1465, %gather3A_1478 : vector<16xi32>
      %xor3A_1480 = arith.constant 8 : i32
      %xor3A_1481 = vector.broadcast %xor3A_1480 : i32 to vector<16xi32>
      %xor3A_1482 = arith.xori %iota3A, %xor3A_1481 : vector<16xi32>
      %lt3A_1483 = arith.constant 0 : i32
      %lt3A_1484 = vector.broadcast %lt3A_1483 : i32 to vector<16xi32>
      %lt3A_1485 = arith.cmpi slt, %xor3A_1482, %lt3A_1484 : vector<16xi32>
      %add3A_1486 = arith.constant 16 : i32
      %add3A_1487 = vector.broadcast %add3A_1486 : i32 to vector<16xi32>
      %add3A_1488 = arith.addi %xor3A_1482, %add3A_1487 : vector<16xi32>
      %select_n3A_1489 = arith.select %lt3A_1485, %add3A_1488, %xor3A_1482 : vector<16xi1>, vector<16xi32>
      %broadcast_in_dim3A_1490 = vector.shape_cast %select_n3A_1489 : vector<16xi32> to vector<16x1xi32>
      %gather3A_1491 = vector.shape_cast %broadcast_in_dim3A_1490 : vector<16x1xi32> to vector<16xi32>
      %gather3A_1492 = tpu.dynamic_gather %min3A_1479[%gather3A_1491] in [0] : vector<16xi32>, vector<16xi32> -> vector<16xi32>
      %min3A_1493 = arith.minsi %min3A_1479, %gather3A_1492 : vector<16xi32>
      %eq3A_1494 = arith.cmpi eq, %iota3A, %min3A_1493 : vector<16xi32>
      %jit3A_1495 = arith.constant 0x7F800000 : f32
      %broadcast_in_dim3A_1496 = vector.broadcast %jit3A_1495 : f32 to vector<16xf32>
      %select_n3A_1497 = arith.select %eq3A_1494, %broadcast_in_dim3A_1496, %get3A_1305 : vector<16xi1>, vector<16xf32>
      %xor3A_1498 = arith.constant 1 : i32
      %xor3A_1499 = vector.broadcast %xor3A_1498 : i32 to vector<16xi32>
      %xor3A_1500 = arith.xori %iota3A, %xor3A_1499 : vector<16xi32>
      %lt3A_1501 = arith.constant 0 : i32
      %lt3A_1502 = vector.broadcast %lt3A_1501 : i32 to vector<16xi32>
      %lt3A_1503 = arith.cmpi slt, %xor3A_1500, %lt3A_1502 : vector<16xi32>
      %add3A_1504 = arith.constant 16 : i32
      %add3A_1505 = vector.broadcast %add3A_1504 : i32 to vector<16xi32>
      %add3A_1506 = arith.addi %xor3A_1500, %add3A_1505 : vector<16xi32>
      %select_n3A_1507 = arith.select %lt3A_1503, %add3A_1506, %xor3A_1500 : vector<16xi1>, vector<16xi32>
      %broadcast_in_dim3A_1508 = vector.shape_cast %select_n3A_1507 : vector<16xi32> to vector<16x1xi32>
      %gather3A_1509 = vector.shape_cast %broadcast_in_dim3A_1508 : vector<16x1xi32> to vector<16xi32>
      %gather3A_1510 = tpu.dynamic_gather %select_n3A_1497[%gather3A_1509] in [0] : vector<16xf32>, vector<16xi32> -> vector<16xf32>
      %min3A_1511 = arith.minimumf %select_n3A_1497, %gather3A_1510 : vector<16xf32>
      %xor3A_1512 = arith.constant 2 : i32
      %xor3A_1513 = vector.broadcast %xor3A_1512 : i32 to vector<16xi32>
      %xor3A_1514 = arith.xori %iota3A, %xor3A_1513 : vector<16xi32>
      %lt3A_1515 = arith.constant 0 : i32
      %lt3A_1516 = vector.broadcast %lt3A_1515 : i32 to vector<16xi32>
      %lt3A_1517 = arith.cmpi slt, %xor3A_1514, %lt3A_1516 : vector<16xi32>
      %add3A_1518 = arith.constant 16 : i32
      %add3A_1519 = vector.broadcast %add3A_1518 : i32 to vector<16xi32>
      %add3A_1520 = arith.addi %xor3A_1514, %add3A_1519 : vector<16xi32>
      %select_n3A_1521 = arith.select %lt3A_1517, %add3A_1520, %xor3A_1514 : vector<16xi1>, vector<16xi32>
      %broadcast_in_dim3A_1522 = vector.shape_cast %select_n3A_1521 : vector<16xi32> to vector<16x1xi32>
      %gather3A_1523 = vector.shape_cast %broadcast_in_dim3A_1522 : vector<16x1xi32> to vector<16xi32>
      %gather3A_1524 = tpu.dynamic_gather %min3A_1511[%gather3A_1523] in [0] : vector<16xf32>, vector<16xi32> -> vector<16xf32>
      %min3A_1525 = arith.minimumf %min3A_1511, %gather3A_1524 : vector<16xf32>
      %xor3A_1526 = arith.constant 4 : i32
      %xor3A_1527 = vector.broadcast %xor3A_1526 : i32 to vector<16xi32>
      %xor3A_1528 = arith.xori %iota3A, %xor3A_1527 : vector<16xi32>
      %lt3A_1529 = arith.constant 0 : i32
      %lt3A_1530 = vector.broadcast %lt3A_1529 : i32 to vector<16xi32>
      %lt3A_1531 = arith.cmpi slt, %xor3A_1528, %lt3A_1530 : vector<16xi32>
      %add3A_1532 = arith.constant 16 : i32
      %add3A_1533 = vector.broadcast %add3A_1532 : i32 to vector<16xi32>
      %add3A_1534 = arith.addi %xor3A_1528, %add3A_1533 : vector<16xi32>
      %select_n3A_1535 = arith.select %lt3A_1531, %add3A_1534, %xor3A_1528 : vector<16xi1>, vector<16xi32>
      %broadcast_in_dim3A_1536 = vector.shape_cast %select_n3A_1535 : vector<16xi32> to vector<16x1xi32>
      %gather3A_1537 = vector.shape_cast %broadcast_in_dim3A_1536 : vector<16x1xi32> to vector<16xi32>
      %gather3A_1538 = tpu.dynamic_gather %min3A_1525[%gather3A_1537] in [0] : vector<16xf32>, vector<16xi32> -> vector<16xf32>
      %min3A_1539 = arith.minimumf %min3A_1525, %gather3A_1538 : vector<16xf32>
      %xor3A_1540 = arith.constant 8 : i32
      %xor3A_1541 = vector.broadcast %xor3A_1540 : i32 to vector<16xi32>
      %xor3A_1542 = arith.xori %iota3A, %xor3A_1541 : vector<16xi32>
      %lt3A_1543 = arith.constant 0 : i32
      %lt3A_1544 = vector.broadcast %lt3A_1543 : i32 to vector<16xi32>
      %lt3A_1545 = arith.cmpi slt, %xor3A_1542, %lt3A_1544 : vector<16xi32>
      %add3A_1546 = arith.constant 16 : i32
      %add3A_1547 = vector.broadcast %add3A_1546 : i32 to vector<16xi32>
      %add3A_1548 = arith.addi %xor3A_1542, %add3A_1547 : vector<16xi32>
      %select_n3A_1549 = arith.select %lt3A_1545, %add3A_1548, %xor3A_1542 : vector<16xi1>, vector<16xi32>
      %broadcast_in_dim3A_1550 = vector.shape_cast %select_n3A_1549 : vector<16xi32> to vector<16x1xi32>
      %gather3A_1551 = vector.shape_cast %broadcast_in_dim3A_1550 : vector<16x1xi32> to vector<16xi32>
      %gather3A_1552 = tpu.dynamic_gather %min3A_1539[%gather3A_1551] in [0] : vector<16xf32>, vector<16xi32> -> vector<16xf32>
      %min3A_1553 = arith.minimumf %min3A_1539, %gather3A_1552 : vector<16xf32>
      %eq3A_1554 = arith.cmpf oeq, %select_n3A_1497, %min3A_1553 : vector<16xf32>
      %jit3A_1555 = arith.constant 16 : i32
      %broadcast_in_dim3A_1556 = vector.broadcast %jit3A_1555 : i32 to vector<16xi32>
      %select_n3A_1557 = arith.select %eq3A_1554, %iota3A, %broadcast_in_dim3A_1556 : vector<16xi1>, vector<16xi32>
      %xor3A_1558 = arith.constant 1 : i32
      %xor3A_1559 = vector.broadcast %xor3A_1558 : i32 to vector<16xi32>
      %xor3A_1560 = arith.xori %iota3A, %xor3A_1559 : vector<16xi32>
      %lt3A_1561 = arith.constant 0 : i32
      %lt3A_1562 = vector.broadcast %lt3A_1561 : i32 to vector<16xi32>
      %lt3A_1563 = arith.cmpi slt, %xor3A_1560, %lt3A_1562 : vector<16xi32>
      %add3A_1564 = arith.constant 16 : i32
      %add3A_1565 = vector.broadcast %add3A_1564 : i32 to vector<16xi32>
      %add3A_1566 = arith.addi %xor3A_1560, %add3A_1565 : vector<16xi32>
      %select_n3A_1567 = arith.select %lt3A_1563, %add3A_1566, %xor3A_1560 : vector<16xi1>, vector<16xi32>
      %broadcast_in_dim3A_1568 = vector.shape_cast %select_n3A_1567 : vector<16xi32> to vector<16x1xi32>
      %gather3A_1569 = vector.shape_cast %broadcast_in_dim3A_1568 : vector<16x1xi32> to vector<16xi32>
      %gather3A_1570 = tpu.dynamic_gather %select_n3A_1557[%gather3A_1569] in [0] : vector<16xi32>, vector<16xi32> -> vector<16xi32>
      %min3A_1571 = arith.minsi %select_n3A_1557, %gather3A_1570 : vector<16xi32>
      %xor3A_1572 = arith.constant 2 : i32
      %xor3A_1573 = vector.broadcast %xor3A_1572 : i32 to vector<16xi32>
      %xor3A_1574 = arith.xori %iota3A, %xor3A_1573 : vector<16xi32>
      %lt3A_1575 = arith.constant 0 : i32
      %lt3A_1576 = vector.broadcast %lt3A_1575 : i32 to vector<16xi32>
      %lt3A_1577 = arith.cmpi slt, %xor3A_1574, %lt3A_1576 : vector<16xi32>
      %add3A_1578 = arith.constant 16 : i32
      %add3A_1579 = vector.broadcast %add3A_1578 : i32 to vector<16xi32>
      %add3A_1580 = arith.addi %xor3A_1574, %add3A_1579 : vector<16xi32>
      %select_n3A_1581 = arith.select %lt3A_1577, %add3A_1580, %xor3A_1574 : vector<16xi1>, vector<16xi32>
      %broadcast_in_dim3A_1582 = vector.shape_cast %select_n3A_1581 : vector<16xi32> to vector<16x1xi32>
      %gather3A_1583 = vector.shape_cast %broadcast_in_dim3A_1582 : vector<16x1xi32> to vector<16xi32>
      %gather3A_1584 = tpu.dynamic_gather %min3A_1571[%gather3A_1583] in [0] : vector<16xi32>, vector<16xi32> -> vector<16xi32>
      %min3A_1585 = arith.minsi %min3A_1571, %gather3A_1584 : vector<16xi32>
      %xor3A_1586 = arith.constant 4 : i32
      %xor3A_1587 = vector.broadcast %xor3A_1586 : i32 to vector<16xi32>
      %xor3A_1588 = arith.xori %iota3A, %xor3A_1587 : vector<16xi32>
      %lt3A_1589 = arith.constant 0 : i32
      %lt3A_1590 = vector.broadcast %lt3A_1589 : i32 to vector<16xi32>
      %lt3A_1591 = arith.cmpi slt, %xor3A_1588, %lt3A_1590 : vector<16xi32>
      %add3A_1592 = arith.constant 16 : i32
      %add3A_1593 = vector.broadcast %add3A_1592 : i32 to vector<16xi32>
      %add3A_1594 = arith.addi %xor3A_1588, %add3A_1593 : vector<16xi32>
      %select_n3A_1595 = arith.select %lt3A_1591, %add3A_1594, %xor3A_1588 : vector<16xi1>, vector<16xi32>
      %broadcast_in_dim3A_1596 = vector.shape_cast %select_n3A_1595 : vector<16xi32> to vector<16x1xi32>
      %gather3A_1597 = vector.shape_cast %broadcast_in_dim3A_1596 : vector<16x1xi32> to vector<16xi32>
      %gather3A_1598 = tpu.dynamic_gather %min3A_1585[%gather3A_1597] in [0] : vector<16xi32>, vector<16xi32> -> vector<16xi32>
      %min3A_1599 = arith.minsi %min3A_1585, %gather3A_1598 : vector<16xi32>
      %xor3A_1600 = arith.constant 8 : i32
      %xor3A_1601 = vector.broadcast %xor3A_1600 : i32 to vector<16xi32>
      %xor3A_1602 = arith.xori %iota3A, %xor3A_1601 : vector<16xi32>
      %lt3A_1603 = arith.constant 0 : i32
      %lt3A_1604 = vector.broadcast %lt3A_1603 : i32 to vector<16xi32>
      %lt3A_1605 = arith.cmpi slt, %xor3A_1602, %lt3A_1604 : vector<16xi32>
      %add3A_1606 = arith.constant 16 : i32
      %add3A_1607 = vector.broadcast %add3A_1606 : i32 to vector<16xi32>
      %add3A_1608 = arith.addi %xor3A_1602, %add3A_1607 : vector<16xi32>
      %select_n3A_1609 = arith.select %lt3A_1605, %add3A_1608, %xor3A_1602 : vector<16xi1>, vector<16xi32>
      %broadcast_in_dim3A_1610 = vector.shape_cast %select_n3A_1609 : vector<16xi32> to vector<16x1xi32>
      %gather3A_1611 = vector.shape_cast %broadcast_in_dim3A_1610 : vector<16x1xi32> to vector<16xi32>
      %gather3A_1612 = tpu.dynamic_gather %min3A_1599[%gather3A_1611] in [0] : vector<16xi32>, vector<16xi32> -> vector<16xi32>
      %min3A_1613 = arith.minsi %min3A_1599, %gather3A_1612 : vector<16xi32>
      %eq3A_1614 = arith.constant 4 : i32
      %eq3A_1615 = vector.broadcast %eq3A_1614 : i32 to vector<16xi32>
      %eq3A_1616 = arith.cmpi eq, %iota3A, %eq3A_1615 : vector<16xi32>
      %select_n3A_1617 = arith.select %eq3A_1616, %min3A_1493, %select_n3A_1293 : vector<16xi1>, vector<16xi32>
      %eq3A_1618 = arith.constant 4 : i32
      %eq3A_1619 = vector.broadcast %eq3A_1618 : i32 to vector<16xi32>
      %eq3A_1620 = arith.cmpi eq, %iota3A, %eq3A_1619 : vector<16xi32>
      %select_n3A_1621 = arith.select %eq3A_1620, %min3A_1613, %select_n3A_1297 : vector<16xi1>, vector<16xi32>
      %mul3A_1622 = arith.constant 16 : i32
      %mul3A_1623 = arith.muli %scan3A_8, %mul3A_1622 : i32
      %add3A_1624 = arith.constant 5 : i32
      %add3A_1625 = arith.addi %mul3A_1623, %add3A_1624 : i32
      %get3A_1626 = arith.index_cast %add3A_1625 : i32 to index
      %get3A_1627 = arith.constant 0 : index
      %get3A_1628 = tpu.vector_load %arg6[%get3A_1626, %get3A_1627] {strides = array<i32>} : memref<320x16xf32, #tpu.memory_space<vmem>>, vector<1x16xf32>,
      %get3A_1629 = vector.shape_cast %get3A_1628 : vector<1x16xf32> to vector<16xf32>
      %add3A_1630 = arith.constant 1.000000e+00 : f32
      %add3A_1631 = vector.broadcast %add3A_1630 : f32 to vector<16xf32>
      %add3A_1632 = arith.addf %add3A_1631, %get3A_1629 : vector<16xf32>
      %div3A_1633 = arith.constant 1.000000e+00 : f32
      %div3A_1634 = vector.broadcast %div3A_1633 : f32 to vector<16xf32>
      %div3A_1635 = arith.divf %div3A_1634, %add3A_1632 : vector<16xf32>
      %xor3A_1636 = arith.constant 1 : i32
      %xor3A_1637 = vector.broadcast %xor3A_1636 : i32 to vector<16xi32>
      %xor3A_1638 = arith.xori %iota3A, %xor3A_1637 : vector<16xi32>
      %lt3A_1639 = arith.constant 0 : i32
      %lt3A_1640 = vector.broadcast %lt3A_1639 : i32 to vector<16xi32>
      %lt3A_1641 = arith.cmpi slt, %xor3A_1638, %lt3A_1640 : vector<16xi32>
      %add3A_1642 = arith.constant 16 : i32
      %add3A_1643 = vector.broadcast %add3A_1642 : i32 to vector<16xi32>
      %add3A_1644 = arith.addi %xor3A_1638, %add3A_1643 : vector<16xi32>
      %select_n3A_1645 = arith.select %lt3A_1641, %add3A_1644, %xor3A_1638 : vector<16xi1>, vector<16xi32>
      %broadcast_in_dim3A_1646 = vector.shape_cast %select_n3A_1645 : vector<16xi32> to vector<16x1xi32>
      %gather3A_1647 = vector.shape_cast %broadcast_in_dim3A_1646 : vector<16x1xi32> to vector<16xi32>
      %gather3A_1648 = tpu.dynamic_gather %div3A_1635[%gather3A_1647] in [0] : vector<16xf32>, vector<16xi32> -> vector<16xf32>
      %add3A_1649 = arith.addf %div3A_1635, %gather3A_1648 : vector<16xf32>
      %xor3A_1650 = arith.constant 2 : i32
      %xor3A_1651 = vector.broadcast %xor3A_1650 : i32 to vector<16xi32>
      %xor3A_1652 = arith.xori %iota3A, %xor3A_1651 : vector<16xi32>
      %lt3A_1653 = arith.constant 0 : i32
      %lt3A_1654 = vector.broadcast %lt3A_1653 : i32 to vector<16xi32>
      %lt3A_1655 = arith.cmpi slt, %xor3A_1652, %lt3A_1654 : vector<16xi32>
      %add3A_1656 = arith.constant 16 : i32
      %add3A_1657 = vector.broadcast %add3A_1656 : i32 to vector<16xi32>
      %add3A_1658 = arith.addi %xor3A_1652, %add3A_1657 : vector<16xi32>
      %select_n3A_1659 = arith.select %lt3A_1655, %add3A_1658, %xor3A_1652 : vector<16xi1>, vector<16xi32>
      %broadcast_in_dim3A_1660 = vector.shape_cast %select_n3A_1659 : vector<16xi32> to vector<16x1xi32>
      %gather3A_1661 = vector.shape_cast %broadcast_in_dim3A_1660 : vector<16x1xi32> to vector<16xi32>
      %gather3A_1662 = tpu.dynamic_gather %add3A_1649[%gather3A_1661] in [0] : vector<16xf32>, vector<16xi32> -> vector<16xf32>
      %add3A_1663 = arith.addf %add3A_1649, %gather3A_1662 : vector<16xf32>
      %xor3A_1664 = arith.constant 4 : i32
      %xor3A_1665 = vector.broadcast %xor3A_1664 : i32 to vector<16xi32>
      %xor3A_1666 = arith.xori %iota3A, %xor3A_1665 : vector<16xi32>
      %lt3A_1667 = arith.constant 0 : i32
      %lt3A_1668 = vector.broadcast %lt3A_1667 : i32 to vector<16xi32>
      %lt3A_1669 = arith.cmpi slt, %xor3A_1666, %lt3A_1668 : vector<16xi32>
      %add3A_1670 = arith.constant 16 : i32
      %add3A_1671 = vector.broadcast %add3A_1670 : i32 to vector<16xi32>
      %add3A_1672 = arith.addi %xor3A_1666, %add3A_1671 : vector<16xi32>
      %select_n3A_1673 = arith.select %lt3A_1669, %add3A_1672, %xor3A_1666 : vector<16xi1>, vector<16xi32>
      %broadcast_in_dim3A_1674 = vector.shape_cast %select_n3A_1673 : vector<16xi32> to vector<16x1xi32>
      %gather3A_1675 = vector.shape_cast %broadcast_in_dim3A_1674 : vector<16x1xi32> to vector<16xi32>
      %gather3A_1676 = tpu.dynamic_gather %add3A_1663[%gather3A_1675] in [0] : vector<16xf32>, vector<16xi32> -> vector<16xf32>
      %add3A_1677 = arith.addf %add3A_1663, %gather3A_1676 : vector<16xf32>
      %xor3A_1678 = arith.constant 8 : i32
      %xor3A_1679 = vector.broadcast %xor3A_1678 : i32 to vector<16xi32>
      %xor3A_1680 = arith.xori %iota3A, %xor3A_1679 : vector<16xi32>
      %lt3A_1681 = arith.constant 0 : i32
      %lt3A_1682 = vector.broadcast %lt3A_1681 : i32 to vector<16xi32>
      %lt3A_1683 = arith.cmpi slt, %xor3A_1680, %lt3A_1682 : vector<16xi32>
      %add3A_1684 = arith.constant 16 : i32
      %add3A_1685 = vector.broadcast %add3A_1684 : i32 to vector<16xi32>
      %add3A_1686 = arith.addi %xor3A_1680, %add3A_1685 : vector<16xi32>
      %select_n3A_1687 = arith.select %lt3A_1683, %add3A_1686, %xor3A_1680 : vector<16xi1>, vector<16xi32>
      %broadcast_in_dim3A_1688 = vector.shape_cast %select_n3A_1687 : vector<16xi32> to vector<16x1xi32>
      %gather3A_1689 = vector.shape_cast %broadcast_in_dim3A_1688 : vector<16x1xi32> to vector<16xi32>
      %gather3A_1690 = tpu.dynamic_gather %add3A_1677[%gather3A_1689] in [0] : vector<16xf32>, vector<16xi32> -> vector<16xf32>
      %add3A_1691 = arith.addf %add3A_1677, %gather3A_1690 : vector<16xf32>
      %div3A_1692 = arith.divf %div3A_1635, %add3A_1691 : vector<16xf32>
      %mul3A_1693 = arith.constant 16 : i32
      %mul3A_1694 = arith.muli %scan3A_8, %mul3A_1693 : i32
      %add3A_1695 = arith.constant 5 : i32
      %add3A_1696 = arith.addi %mul3A_1694, %add3A_1695 : i32
      %swap3A_1697 = arith.index_cast %add3A_1696 : i32 to index
      %swap3A_1698 = arith.constant 0 : index
      %swap3A_1699 = tpu.vector_load %arg7[%swap3A_1697, %swap3A_1698] {strides = array<i32>} : memref<320x16xf32, #tpu.memory_space<vmem>>, vector<1x16xf32>,
      %swap3A_1700 = vector.shape_cast %swap3A_1699 : vector<1x16xf32> to vector<16xf32>
      %swap3A_1701 = vector.shape_cast %div3A_1692 : vector<16xf32> to vector<1x16xf32>
      tpu.vector_store %arg7[%swap3A_1697, %swap3A_1698], %swap3A_1701 {strides = array<i32>} : memref<320x16xf32, #tpu.memory_space<vmem>>, vector<1x16xf32>,
      %xor3A_1702 = arith.constant 1 : i32
      %xor3A_1703 = vector.broadcast %xor3A_1702 : i32 to vector<16xi32>
      %xor3A_1704 = arith.xori %iota3A, %xor3A_1703 : vector<16xi32>
      %lt3A_1705 = arith.constant 0 : i32
      %lt3A_1706 = vector.broadcast %lt3A_1705 : i32 to vector<16xi32>
      %lt3A_1707 = arith.cmpi slt, %xor3A_1704, %lt3A_1706 : vector<16xi32>
      %add3A_1708 = arith.constant 16 : i32
      %add3A_1709 = vector.broadcast %add3A_1708 : i32 to vector<16xi32>
      %add3A_1710 = arith.addi %xor3A_1704, %add3A_1709 : vector<16xi32>
      %select_n3A_1711 = arith.select %lt3A_1707, %add3A_1710, %xor3A_1704 : vector<16xi1>, vector<16xi32>
      %broadcast_in_dim3A_1712 = vector.shape_cast %select_n3A_1711 : vector<16xi32> to vector<16x1xi32>
      %gather3A_1713 = vector.shape_cast %broadcast_in_dim3A_1712 : vector<16x1xi32> to vector<16xi32>
      %gather3A_1714 = tpu.dynamic_gather %get3A_1629[%gather3A_1713] in [0] : vector<16xf32>, vector<16xi32> -> vector<16xf32>
      %min3A_1715 = arith.minimumf %get3A_1629, %gather3A_1714 : vector<16xf32>
      %xor3A_1716 = arith.constant 2 : i32
      %xor3A_1717 = vector.broadcast %xor3A_1716 : i32 to vector<16xi32>
      %xor3A_1718 = arith.xori %iota3A, %xor3A_1717 : vector<16xi32>
      %lt3A_1719 = arith.constant 0 : i32
      %lt3A_1720 = vector.broadcast %lt3A_1719 : i32 to vector<16xi32>
      %lt3A_1721 = arith.cmpi slt, %xor3A_1718, %lt3A_1720 : vector<16xi32>
      %add3A_1722 = arith.constant 16 : i32
      %add3A_1723 = vector.broadcast %add3A_1722 : i32 to vector<16xi32>
      %add3A_1724 = arith.addi %xor3A_1718, %add3A_1723 : vector<16xi32>
      %select_n3A_1725 = arith.select %lt3A_1721, %add3A_1724, %xor3A_1718 : vector<16xi1>, vector<16xi32>
      %broadcast_in_dim3A_1726 = vector.shape_cast %select_n3A_1725 : vector<16xi32> to vector<16x1xi32>
      %gather3A_1727 = vector.shape_cast %broadcast_in_dim3A_1726 : vector<16x1xi32> to vector<16xi32>
      %gather3A_1728 = tpu.dynamic_gather %min3A_1715[%gather3A_1727] in [0] : vector<16xf32>, vector<16xi32> -> vector<16xf32>
      %min3A_1729 = arith.minimumf %min3A_1715, %gather3A_1728 : vector<16xf32>
      %xor3A_1730 = arith.constant 4 : i32
      %xor3A_1731 = vector.broadcast %xor3A_1730 : i32 to vector<16xi32>
      %xor3A_1732 = arith.xori %iota3A, %xor3A_1731 : vector<16xi32>
      %lt3A_1733 = arith.constant 0 : i32
      %lt3A_1734 = vector.broadcast %lt3A_1733 : i32 to vector<16xi32>
      %lt3A_1735 = arith.cmpi slt, %xor3A_1732, %lt3A_1734 : vector<16xi32>
      %add3A_1736 = arith.constant 16 : i32
      %add3A_1737 = vector.broadcast %add3A_1736 : i32 to vector<16xi32>
      %add3A_1738 = arith.addi %xor3A_1732, %add3A_1737 : vector<16xi32>
      %select_n3A_1739 = arith.select %lt3A_1735, %add3A_1738, %xor3A_1732 : vector<16xi1>, vector<16xi32>
      %broadcast_in_dim3A_1740 = vector.shape_cast %select_n3A_1739 : vector<16xi32> to vector<16x1xi32>
      %gather3A_1741 = vector.shape_cast %broadcast_in_dim3A_1740 : vector<16x1xi32> to vector<16xi32>
      %gather3A_1742 = tpu.dynamic_gather %min3A_1729[%gather3A_1741] in [0] : vector<16xf32>, vector<16xi32> -> vector<16xf32>
      %min3A_1743 = arith.minimumf %min3A_1729, %gather3A_1742 : vector<16xf32>
      %xor3A_1744 = arith.constant 8 : i32
      %xor3A_1745 = vector.broadcast %xor3A_1744 : i32 to vector<16xi32>
      %xor3A_1746 = arith.xori %iota3A, %xor3A_1745 : vector<16xi32>
      %lt3A_1747 = arith.constant 0 : i32
      %lt3A_1748 = vector.broadcast %lt3A_1747 : i32 to vector<16xi32>
      %lt3A_1749 = arith.cmpi slt, %xor3A_1746, %lt3A_1748 : vector<16xi32>
      %add3A_1750 = arith.constant 16 : i32
      %add3A_1751 = vector.broadcast %add3A_1750 : i32 to vector<16xi32>
      %add3A_1752 = arith.addi %xor3A_1746, %add3A_1751 : vector<16xi32>
      %select_n3A_1753 = arith.select %lt3A_1749, %add3A_1752, %xor3A_1746 : vector<16xi1>, vector<16xi32>
      %broadcast_in_dim3A_1754 = vector.shape_cast %select_n3A_1753 : vector<16xi32> to vector<16x1xi32>
      %gather3A_1755 = vector.shape_cast %broadcast_in_dim3A_1754 : vector<16x1xi32> to vector<16xi32>
      %gather3A_1756 = tpu.dynamic_gather %min3A_1743[%gather3A_1755] in [0] : vector<16xf32>, vector<16xi32> -> vector<16xf32>
      %min3A_1757 = arith.minimumf %min3A_1743, %gather3A_1756 : vector<16xf32>
      %eq3A_1758 = arith.cmpf oeq, %get3A_1629, %min3A_1757 : vector<16xf32>
      %jit3A_1759 = arith.constant 16 : i32
      %broadcast_in_dim3A_1760 = vector.broadcast %jit3A_1759 : i32 to vector<16xi32>
      %select_n3A_1761 = arith.select %eq3A_1758, %iota3A, %broadcast_in_dim3A_1760 : vector<16xi1>, vector<16xi32>
      %xor3A_1762 = arith.constant 1 : i32
      %xor3A_1763 = vector.broadcast %xor3A_1762 : i32 to vector<16xi32>
      %xor3A_1764 = arith.xori %iota3A, %xor3A_1763 : vector<16xi32>
      %lt3A_1765 = arith.constant 0 : i32
      %lt3A_1766 = vector.broadcast %lt3A_1765 : i32 to vector<16xi32>
      %lt3A_1767 = arith.cmpi slt, %xor3A_1764, %lt3A_1766 : vector<16xi32>
      %add3A_1768 = arith.constant 16 : i32
      %add3A_1769 = vector.broadcast %add3A_1768 : i32 to vector<16xi32>
      %add3A_1770 = arith.addi %xor3A_1764, %add3A_1769 : vector<16xi32>
      %select_n3A_1771 = arith.select %lt3A_1767, %add3A_1770, %xor3A_1764 : vector<16xi1>, vector<16xi32>
      %broadcast_in_dim3A_1772 = vector.shape_cast %select_n3A_1771 : vector<16xi32> to vector<16x1xi32>
      %gather3A_1773 = vector.shape_cast %broadcast_in_dim3A_1772 : vector<16x1xi32> to vector<16xi32>
      %gather3A_1774 = tpu.dynamic_gather %select_n3A_1761[%gather3A_1773] in [0] : vector<16xi32>, vector<16xi32> -> vector<16xi32>
      %min3A_1775 = arith.minsi %select_n3A_1761, %gather3A_1774 : vector<16xi32>
      %xor3A_1776 = arith.constant 2 : i32
      %xor3A_1777 = vector.broadcast %xor3A_1776 : i32 to vector<16xi32>
      %xor3A_1778 = arith.xori %iota3A, %xor3A_1777 : vector<16xi32>
      %lt3A_1779 = arith.constant 0 : i32
      %lt3A_1780 = vector.broadcast %lt3A_1779 : i32 to vector<16xi32>
      %lt3A_1781 = arith.cmpi slt, %xor3A_1778, %lt3A_1780 : vector<16xi32>
      %add3A_1782 = arith.constant 16 : i32
      %add3A_1783 = vector.broadcast %add3A_1782 : i32 to vector<16xi32>
      %add3A_1784 = arith.addi %xor3A_1778, %add3A_1783 : vector<16xi32>
      %select_n3A_1785 = arith.select %lt3A_1781, %add3A_1784, %xor3A_1778 : vector<16xi1>, vector<16xi32>
      %broadcast_in_dim3A_1786 = vector.shape_cast %select_n3A_1785 : vector<16xi32> to vector<16x1xi32>
      %gather3A_1787 = vector.shape_cast %broadcast_in_dim3A_1786 : vector<16x1xi32> to vector<16xi32>
      %gather3A_1788 = tpu.dynamic_gather %min3A_1775[%gather3A_1787] in [0] : vector<16xi32>, vector<16xi32> -> vector<16xi32>
      %min3A_1789 = arith.minsi %min3A_1775, %gather3A_1788 : vector<16xi32>
      %xor3A_1790 = arith.constant 4 : i32
      %xor3A_1791 = vector.broadcast %xor3A_1790 : i32 to vector<16xi32>
      %xor3A_1792 = arith.xori %iota3A, %xor3A_1791 : vector<16xi32>
      %lt3A_1793 = arith.constant 0 : i32
      %lt3A_1794 = vector.broadcast %lt3A_1793 : i32 to vector<16xi32>
      %lt3A_1795 = arith.cmpi slt, %xor3A_1792, %lt3A_1794 : vector<16xi32>
      %add3A_1796 = arith.constant 16 : i32
      %add3A_1797 = vector.broadcast %add3A_1796 : i32 to vector<16xi32>
      %add3A_1798 = arith.addi %xor3A_1792, %add3A_1797 : vector<16xi32>
      %select_n3A_1799 = arith.select %lt3A_1795, %add3A_1798, %xor3A_1792 : vector<16xi1>, vector<16xi32>
      %broadcast_in_dim3A_1800 = vector.shape_cast %select_n3A_1799 : vector<16xi32> to vector<16x1xi32>
      %gather3A_1801 = vector.shape_cast %broadcast_in_dim3A_1800 : vector<16x1xi32> to vector<16xi32>
      %gather3A_1802 = tpu.dynamic_gather %min3A_1789[%gather3A_1801] in [0] : vector<16xi32>, vector<16xi32> -> vector<16xi32>
      %min3A_1803 = arith.minsi %min3A_1789, %gather3A_1802 : vector<16xi32>
      %xor3A_1804 = arith.constant 8 : i32
      %xor3A_1805 = vector.broadcast %xor3A_1804 : i32 to vector<16xi32>
      %xor3A_1806 = arith.xori %iota3A, %xor3A_1805 : vector<16xi32>
      %lt3A_1807 = arith.constant 0 : i32
      %lt3A_1808 = vector.broadcast %lt3A_1807 : i32 to vector<16xi32>
      %lt3A_1809 = arith.cmpi slt, %xor3A_1806, %lt3A_1808 : vector<16xi32>
      %add3A_1810 = arith.constant 16 : i32
      %add3A_1811 = vector.broadcast %add3A_1810 : i32 to vector<16xi32>
      %add3A_1812 = arith.addi %xor3A_1806, %add3A_1811 : vector<16xi32>
      %select_n3A_1813 = arith.select %lt3A_1809, %add3A_1812, %xor3A_1806 : vector<16xi1>, vector<16xi32>
      %broadcast_in_dim3A_1814 = vector.shape_cast %select_n3A_1813 : vector<16xi32> to vector<16x1xi32>
      %gather3A_1815 = vector.shape_cast %broadcast_in_dim3A_1814 : vector<16x1xi32> to vector<16xi32>
      %gather3A_1816 = tpu.dynamic_gather %min3A_1803[%gather3A_1815] in [0] : vector<16xi32>, vector<16xi32> -> vector<16xi32>
      %min3A_1817 = arith.minsi %min3A_1803, %gather3A_1816 : vector<16xi32>
      %eq3A_1818 = arith.cmpi eq, %iota3A, %min3A_1817 : vector<16xi32>
      %jit3A_1819 = arith.constant 0x7F800000 : f32
      %broadcast_in_dim3A_1820 = vector.broadcast %jit3A_1819 : f32 to vector<16xf32>
      %select_n3A_1821 = arith.select %eq3A_1818, %broadcast_in_dim3A_1820, %get3A_1629 : vector<16xi1>, vector<16xf32>
      %xor3A_1822 = arith.constant 1 : i32
      %xor3A_1823 = vector.broadcast %xor3A_1822 : i32 to vector<16xi32>
      %xor3A_1824 = arith.xori %iota3A, %xor3A_1823 : vector<16xi32>
      %lt3A_1825 = arith.constant 0 : i32
      %lt3A_1826 = vector.broadcast %lt3A_1825 : i32 to vector<16xi32>
      %lt3A_1827 = arith.cmpi slt, %xor3A_1824, %lt3A_1826 : vector<16xi32>
      %add3A_1828 = arith.constant 16 : i32
      %add3A_1829 = vector.broadcast %add3A_1828 : i32 to vector<16xi32>
      %add3A_1830 = arith.addi %xor3A_1824, %add3A_1829 : vector<16xi32>
      %select_n3A_1831 = arith.select %lt3A_1827, %add3A_1830, %xor3A_1824 : vector<16xi1>, vector<16xi32>
      %broadcast_in_dim3A_1832 = vector.shape_cast %select_n3A_1831 : vector<16xi32> to vector<16x1xi32>
      %gather3A_1833 = vector.shape_cast %broadcast_in_dim3A_1832 : vector<16x1xi32> to vector<16xi32>
      %gather3A_1834 = tpu.dynamic_gather %select_n3A_1821[%gather3A_1833] in [0] : vector<16xf32>, vector<16xi32> -> vector<16xf32>
      %min3A_1835 = arith.minimumf %select_n3A_1821, %gather3A_1834 : vector<16xf32>
      %xor3A_1836 = arith.constant 2 : i32
      %xor3A_1837 = vector.broadcast %xor3A_1836 : i32 to vector<16xi32>
      %xor3A_1838 = arith.xori %iota3A, %xor3A_1837 : vector<16xi32>
      %lt3A_1839 = arith.constant 0 : i32
      %lt3A_1840 = vector.broadcast %lt3A_1839 : i32 to vector<16xi32>
      %lt3A_1841 = arith.cmpi slt, %xor3A_1838, %lt3A_1840 : vector<16xi32>
      %add3A_1842 = arith.constant 16 : i32
      %add3A_1843 = vector.broadcast %add3A_1842 : i32 to vector<16xi32>
      %add3A_1844 = arith.addi %xor3A_1838, %add3A_1843 : vector<16xi32>
      %select_n3A_1845 = arith.select %lt3A_1841, %add3A_1844, %xor3A_1838 : vector<16xi1>, vector<16xi32>
      %broadcast_in_dim3A_1846 = vector.shape_cast %select_n3A_1845 : vector<16xi32> to vector<16x1xi32>
      %gather3A_1847 = vector.shape_cast %broadcast_in_dim3A_1846 : vector<16x1xi32> to vector<16xi32>
      %gather3A_1848 = tpu.dynamic_gather %min3A_1835[%gather3A_1847] in [0] : vector<16xf32>, vector<16xi32> -> vector<16xf32>
      %min3A_1849 = arith.minimumf %min3A_1835, %gather3A_1848 : vector<16xf32>
      %xor3A_1850 = arith.constant 4 : i32
      %xor3A_1851 = vector.broadcast %xor3A_1850 : i32 to vector<16xi32>
      %xor3A_1852 = arith.xori %iota3A, %xor3A_1851 : vector<16xi32>
      %lt3A_1853 = arith.constant 0 : i32
      %lt3A_1854 = vector.broadcast %lt3A_1853 : i32 to vector<16xi32>
      %lt3A_1855 = arith.cmpi slt, %xor3A_1852, %lt3A_1854 : vector<16xi32>
      %add3A_1856 = arith.constant 16 : i32
      %add3A_1857 = vector.broadcast %add3A_1856 : i32 to vector<16xi32>
      %add3A_1858 = arith.addi %xor3A_1852, %add3A_1857 : vector<16xi32>
      %select_n3A_1859 = arith.select %lt3A_1855, %add3A_1858, %xor3A_1852 : vector<16xi1>, vector<16xi32>
      %broadcast_in_dim3A_1860 = vector.shape_cast %select_n3A_1859 : vector<16xi32> to vector<16x1xi32>
      %gather3A_1861 = vector.shape_cast %broadcast_in_dim3A_1860 : vector<16x1xi32> to vector<16xi32>
      %gather3A_1862 = tpu.dynamic_gather %min3A_1849[%gather3A_1861] in [0] : vector<16xf32>, vector<16xi32> -> vector<16xf32>
      %min3A_1863 = arith.minimumf %min3A_1849, %gather3A_1862 : vector<16xf32>
      %xor3A_1864 = arith.constant 8 : i32
      %xor3A_1865 = vector.broadcast %xor3A_1864 : i32 to vector<16xi32>
      %xor3A_1866 = arith.xori %iota3A, %xor3A_1865 : vector<16xi32>
      %lt3A_1867 = arith.constant 0 : i32
      %lt3A_1868 = vector.broadcast %lt3A_1867 : i32 to vector<16xi32>
      %lt3A_1869 = arith.cmpi slt, %xor3A_1866, %lt3A_1868 : vector<16xi32>
      %add3A_1870 = arith.constant 16 : i32
      %add3A_1871 = vector.broadcast %add3A_1870 : i32 to vector<16xi32>
      %add3A_1872 = arith.addi %xor3A_1866, %add3A_1871 : vector<16xi32>
      %select_n3A_1873 = arith.select %lt3A_1869, %add3A_1872, %xor3A_1866 : vector<16xi1>, vector<16xi32>
      %broadcast_in_dim3A_1874 = vector.shape_cast %select_n3A_1873 : vector<16xi32> to vector<16x1xi32>
      %gather3A_1875 = vector.shape_cast %broadcast_in_dim3A_1874 : vector<16x1xi32> to vector<16xi32>
      %gather3A_1876 = tpu.dynamic_gather %min3A_1863[%gather3A_1875] in [0] : vector<16xf32>, vector<16xi32> -> vector<16xf32>
      %min3A_1877 = arith.minimumf %min3A_1863, %gather3A_1876 : vector<16xf32>
      %eq3A_1878 = arith.cmpf oeq, %select_n3A_1821, %min3A_1877 : vector<16xf32>
      %jit3A_1879 = arith.constant 16 : i32
      %broadcast_in_dim3A_1880 = vector.broadcast %jit3A_1879 : i32 to vector<16xi32>
      %select_n3A_1881 = arith.select %eq3A_1878, %iota3A, %broadcast_in_dim3A_1880 : vector<16xi1>, vector<16xi32>
      %xor3A_1882 = arith.constant 1 : i32
      %xor3A_1883 = vector.broadcast %xor3A_1882 : i32 to vector<16xi32>
      %xor3A_1884 = arith.xori %iota3A, %xor3A_1883 : vector<16xi32>
      %lt3A_1885 = arith.constant 0 : i32
      %lt3A_1886 = vector.broadcast %lt3A_1885 : i32 to vector<16xi32>
      %lt3A_1887 = arith.cmpi slt, %xor3A_1884, %lt3A_1886 : vector<16xi32>
      %add3A_1888 = arith.constant 16 : i32
      %add3A_1889 = vector.broadcast %add3A_1888 : i32 to vector<16xi32>
      %add3A_1890 = arith.addi %xor3A_1884, %add3A_1889 : vector<16xi32>
      %select_n3A_1891 = arith.select %lt3A_1887, %add3A_1890, %xor3A_1884 : vector<16xi1>, vector<16xi32>
      %broadcast_in_dim3A_1892 = vector.shape_cast %select_n3A_1891 : vector<16xi32> to vector<16x1xi32>
      %gather3A_1893 = vector.shape_cast %broadcast_in_dim3A_1892 : vector<16x1xi32> to vector<16xi32>
      %gather3A_1894 = tpu.dynamic_gather %select_n3A_1881[%gather3A_1893] in [0] : vector<16xi32>, vector<16xi32> -> vector<16xi32>
      %min3A_1895 = arith.minsi %select_n3A_1881, %gather3A_1894 : vector<16xi32>
      %xor3A_1896 = arith.constant 2 : i32
      %xor3A_1897 = vector.broadcast %xor3A_1896 : i32 to vector<16xi32>
      %xor3A_1898 = arith.xori %iota3A, %xor3A_1897 : vector<16xi32>
      %lt3A_1899 = arith.constant 0 : i32
      %lt3A_1900 = vector.broadcast %lt3A_1899 : i32 to vector<16xi32>
      %lt3A_1901 = arith.cmpi slt, %xor3A_1898, %lt3A_1900 : vector<16xi32>
      %add3A_1902 = arith.constant 16 : i32
      %add3A_1903 = vector.broadcast %add3A_1902 : i32 to vector<16xi32>
      %add3A_1904 = arith.addi %xor3A_1898, %add3A_1903 : vector<16xi32>
      %select_n3A_1905 = arith.select %lt3A_1901, %add3A_1904, %xor3A_1898 : vector<16xi1>, vector<16xi32>
      %broadcast_in_dim3A_1906 = vector.shape_cast %select_n3A_1905 : vector<16xi32> to vector<16x1xi32>
      %gather3A_1907 = vector.shape_cast %broadcast_in_dim3A_1906 : vector<16x1xi32> to vector<16xi32>
      %gather3A_1908 = tpu.dynamic_gather %min3A_1895[%gather3A_1907] in [0] : vector<16xi32>, vector<16xi32> -> vector<16xi32>
      %min3A_1909 = arith.minsi %min3A_1895, %gather3A_1908 : vector<16xi32>
      %xor3A_1910 = arith.constant 4 : i32
      %xor3A_1911 = vector.broadcast %xor3A_1910 : i32 to vector<16xi32>
      %xor3A_1912 = arith.xori %iota3A, %xor3A_1911 : vector<16xi32>
      %lt3A_1913 = arith.constant 0 : i32
      %lt3A_1914 = vector.broadcast %lt3A_1913 : i32 to vector<16xi32>
      %lt3A_1915 = arith.cmpi slt, %xor3A_1912, %lt3A_1914 : vector<16xi32>
      %add3A_1916 = arith.constant 16 : i32
      %add3A_1917 = vector.broadcast %add3A_1916 : i32 to vector<16xi32>
      %add3A_1918 = arith.addi %xor3A_1912, %add3A_1917 : vector<16xi32>
      %select_n3A_1919 = arith.select %lt3A_1915, %add3A_1918, %xor3A_1912 : vector<16xi1>, vector<16xi32>
      %broadcast_in_dim3A_1920 = vector.shape_cast %select_n3A_1919 : vector<16xi32> to vector<16x1xi32>
      %gather3A_1921 = vector.shape_cast %broadcast_in_dim3A_1920 : vector<16x1xi32> to vector<16xi32>
      %gather3A_1922 = tpu.dynamic_gather %min3A_1909[%gather3A_1921] in [0] : vector<16xi32>, vector<16xi32> -> vector<16xi32>
      %min3A_1923 = arith.minsi %min3A_1909, %gather3A_1922 : vector<16xi32>
      %xor3A_1924 = arith.constant 8 : i32
      %xor3A_1925 = vector.broadcast %xor3A_1924 : i32 to vector<16xi32>
      %xor3A_1926 = arith.xori %iota3A, %xor3A_1925 : vector<16xi32>
      %lt3A_1927 = arith.constant 0 : i32
      %lt3A_1928 = vector.broadcast %lt3A_1927 : i32 to vector<16xi32>
      %lt3A_1929 = arith.cmpi slt, %xor3A_1926, %lt3A_1928 : vector<16xi32>
      %add3A_1930 = arith.constant 16 : i32
      %add3A_1931 = vector.broadcast %add3A_1930 : i32 to vector<16xi32>
      %add3A_1932 = arith.addi %xor3A_1926, %add3A_1931 : vector<16xi32>
      %select_n3A_1933 = arith.select %lt3A_1929, %add3A_1932, %xor3A_1926 : vector<16xi1>, vector<16xi32>
      %broadcast_in_dim3A_1934 = vector.shape_cast %select_n3A_1933 : vector<16xi32> to vector<16x1xi32>
      %gather3A_1935 = vector.shape_cast %broadcast_in_dim3A_1934 : vector<16x1xi32> to vector<16xi32>
      %gather3A_1936 = tpu.dynamic_gather %min3A_1923[%gather3A_1935] in [0] : vector<16xi32>, vector<16xi32> -> vector<16xi32>
      %min3A_1937 = arith.minsi %min3A_1923, %gather3A_1936 : vector<16xi32>
      %eq3A_1938 = arith.constant 5 : i32
      %eq3A_1939 = vector.broadcast %eq3A_1938 : i32 to vector<16xi32>
      %eq3A_1940 = arith.cmpi eq, %iota3A, %eq3A_1939 : vector<16xi32>
      %select_n3A_1941 = arith.select %eq3A_1940, %min3A_1817, %select_n3A_1617 : vector<16xi1>, vector<16xi32>
      %eq3A_1942 = arith.constant 5 : i32
      %eq3A_1943 = vector.broadcast %eq3A_1942 : i32 to vector<16xi32>
      %eq3A_1944 = arith.cmpi eq, %iota3A, %eq3A_1943 : vector<16xi32>
      %select_n3A_1945 = arith.select %eq3A_1944, %min3A_1937, %select_n3A_1621 : vector<16xi1>, vector<16xi32>
      %mul3A_1946 = arith.constant 16 : i32
      %mul3A_1947 = arith.muli %scan3A_8, %mul3A_1946 : i32
      %add3A_1948 = arith.constant 6 : i32
      %add3A_1949 = arith.addi %mul3A_1947, %add3A_1948 : i32
      %get3A_1950 = arith.index_cast %add3A_1949 : i32 to index
      %get3A_1951 = arith.constant 0 : index
      %get3A_1952 = tpu.vector_load %arg6[%get3A_1950, %get3A_1951] {strides = array<i32>} : memref<320x16xf32, #tpu.memory_space<vmem>>, vector<1x16xf32>,
      %get3A_1953 = vector.shape_cast %get3A_1952 : vector<1x16xf32> to vector<16xf32>
      %add3A_1954 = arith.constant 1.000000e+00 : f32
      %add3A_1955 = vector.broadcast %add3A_1954 : f32 to vector<16xf32>
      %add3A_1956 = arith.addf %add3A_1955, %get3A_1953 : vector<16xf32>
      %div3A_1957 = arith.constant 1.000000e+00 : f32
      %div3A_1958 = vector.broadcast %div3A_1957 : f32 to vector<16xf32>
      %div3A_1959 = arith.divf %div3A_1958, %add3A_1956 : vector<16xf32>
      %xor3A_1960 = arith.constant 1 : i32
      %xor3A_1961 = vector.broadcast %xor3A_1960 : i32 to vector<16xi32>
      %xor3A_1962 = arith.xori %iota3A, %xor3A_1961 : vector<16xi32>
      %lt3A_1963 = arith.constant 0 : i32
      %lt3A_1964 = vector.broadcast %lt3A_1963 : i32 to vector<16xi32>
      %lt3A_1965 = arith.cmpi slt, %xor3A_1962, %lt3A_1964 : vector<16xi32>
      %add3A_1966 = arith.constant 16 : i32
      %add3A_1967 = vector.broadcast %add3A_1966 : i32 to vector<16xi32>
      %add3A_1968 = arith.addi %xor3A_1962, %add3A_1967 : vector<16xi32>
      %select_n3A_1969 = arith.select %lt3A_1965, %add3A_1968, %xor3A_1962 : vector<16xi1>, vector<16xi32>
      %broadcast_in_dim3A_1970 = vector.shape_cast %select_n3A_1969 : vector<16xi32> to vector<16x1xi32>
      %gather3A_1971 = vector.shape_cast %broadcast_in_dim3A_1970 : vector<16x1xi32> to vector<16xi32>
      %gather3A_1972 = tpu.dynamic_gather %div3A_1959[%gather3A_1971] in [0] : vector<16xf32>, vector<16xi32> -> vector<16xf32>
      %add3A_1973 = arith.addf %div3A_1959, %gather3A_1972 : vector<16xf32>
      %xor3A_1974 = arith.constant 2 : i32
      %xor3A_1975 = vector.broadcast %xor3A_1974 : i32 to vector<16xi32>
      %xor3A_1976 = arith.xori %iota3A, %xor3A_1975 : vector<16xi32>
      %lt3A_1977 = arith.constant 0 : i32
      %lt3A_1978 = vector.broadcast %lt3A_1977 : i32 to vector<16xi32>
      %lt3A_1979 = arith.cmpi slt, %xor3A_1976, %lt3A_1978 : vector<16xi32>
      %add3A_1980 = arith.constant 16 : i32
      %add3A_1981 = vector.broadcast %add3A_1980 : i32 to vector<16xi32>
      %add3A_1982 = arith.addi %xor3A_1976, %add3A_1981 : vector<16xi32>
      %select_n3A_1983 = arith.select %lt3A_1979, %add3A_1982, %xor3A_1976 : vector<16xi1>, vector<16xi32>
      %broadcast_in_dim3A_1984 = vector.shape_cast %select_n3A_1983 : vector<16xi32> to vector<16x1xi32>
      %gather3A_1985 = vector.shape_cast %broadcast_in_dim3A_1984 : vector<16x1xi32> to vector<16xi32>
      %gather3A_1986 = tpu.dynamic_gather %add3A_1973[%gather3A_1985] in [0] : vector<16xf32>, vector<16xi32> -> vector<16xf32>
      %add3A_1987 = arith.addf %add3A_1973, %gather3A_1986 : vector<16xf32>
      %xor3A_1988 = arith.constant 4 : i32
      %xor3A_1989 = vector.broadcast %xor3A_1988 : i32 to vector<16xi32>
      %xor3A_1990 = arith.xori %iota3A, %xor3A_1989 : vector<16xi32>
      %lt3A_1991 = arith.constant 0 : i32
      %lt3A_1992 = vector.broadcast %lt3A_1991 : i32 to vector<16xi32>
      %lt3A_1993 = arith.cmpi slt, %xor3A_1990, %lt3A_1992 : vector<16xi32>
      %add3A_1994 = arith.constant 16 : i32
      %add3A_1995 = vector.broadcast %add3A_1994 : i32 to vector<16xi32>
      %add3A_1996 = arith.addi %xor3A_1990, %add3A_1995 : vector<16xi32>
      %select_n3A_1997 = arith.select %lt3A_1993, %add3A_1996, %xor3A_1990 : vector<16xi1>, vector<16xi32>
      %broadcast_in_dim3A_1998 = vector.shape_cast %select_n3A_1997 : vector<16xi32> to vector<16x1xi32>
      %gather3A_1999 = vector.shape_cast %broadcast_in_dim3A_1998 : vector<16x1xi32> to vector<16xi32>
      %gather3A_2000 = tpu.dynamic_gather %add3A_1987[%gather3A_1999] in [0] : vector<16xf32>, vector<16xi32> -> vector<16xf32>
      %add3A_2001 = arith.addf %add3A_1987, %gather3A_2000 : vector<16xf32>
      %xor3A_2002 = arith.constant 8 : i32
      %xor3A_2003 = vector.broadcast %xor3A_2002 : i32 to vector<16xi32>
      %xor3A_2004 = arith.xori %iota3A, %xor3A_2003 : vector<16xi32>
      %lt3A_2005 = arith.constant 0 : i32
      %lt3A_2006 = vector.broadcast %lt3A_2005 : i32 to vector<16xi32>
      %lt3A_2007 = arith.cmpi slt, %xor3A_2004, %lt3A_2006 : vector<16xi32>
      %add3A_2008 = arith.constant 16 : i32
      %add3A_2009 = vector.broadcast %add3A_2008 : i32 to vector<16xi32>
      %add3A_2010 = arith.addi %xor3A_2004, %add3A_2009 : vector<16xi32>
      %select_n3A_2011 = arith.select %lt3A_2007, %add3A_2010, %xor3A_2004 : vector<16xi1>, vector<16xi32>
      %broadcast_in_dim3A_2012 = vector.shape_cast %select_n3A_2011 : vector<16xi32> to vector<16x1xi32>
      %gather3A_2013 = vector.shape_cast %broadcast_in_dim3A_2012 : vector<16x1xi32> to vector<16xi32>
      %gather3A_2014 = tpu.dynamic_gather %add3A_2001[%gather3A_2013] in [0] : vector<16xf32>, vector<16xi32> -> vector<16xf32>
      %add3A_2015 = arith.addf %add3A_2001, %gather3A_2014 : vector<16xf32>
      %div3A_2016 = arith.divf %div3A_1959, %add3A_2015 : vector<16xf32>
      %mul3A_2017 = arith.constant 16 : i32
      %mul3A_2018 = arith.muli %scan3A_8, %mul3A_2017 : i32
      %add3A_2019 = arith.constant 6 : i32
      %add3A_2020 = arith.addi %mul3A_2018, %add3A_2019 : i32
      %swap3A_2021 = arith.index_cast %add3A_2020 : i32 to index
      %swap3A_2022 = arith.constant 0 : index
      %swap3A_2023 = tpu.vector_load %arg7[%swap3A_2021, %swap3A_2022] {strides = array<i32>} : memref<320x16xf32, #tpu.memory_space<vmem>>, vector<1x16xf32>,
      %swap3A_2024 = vector.shape_cast %swap3A_2023 : vector<1x16xf32> to vector<16xf32>
      %swap3A_2025 = vector.shape_cast %div3A_2016 : vector<16xf32> to vector<1x16xf32>
      tpu.vector_store %arg7[%swap3A_2021, %swap3A_2022], %swap3A_2025 {strides = array<i32>} : memref<320x16xf32, #tpu.memory_space<vmem>>, vector<1x16xf32>,
      %xor3A_2026 = arith.constant 1 : i32
      %xor3A_2027 = vector.broadcast %xor3A_2026 : i32 to vector<16xi32>
      %xor3A_2028 = arith.xori %iota3A, %xor3A_2027 : vector<16xi32>
      %lt3A_2029 = arith.constant 0 : i32
      %lt3A_2030 = vector.broadcast %lt3A_2029 : i32 to vector<16xi32>
      %lt3A_2031 = arith.cmpi slt, %xor3A_2028, %lt3A_2030 : vector<16xi32>
      %add3A_2032 = arith.constant 16 : i32
      %add3A_2033 = vector.broadcast %add3A_2032 : i32 to vector<16xi32>
      %add3A_2034 = arith.addi %xor3A_2028, %add3A_2033 : vector<16xi32>
      %select_n3A_2035 = arith.select %lt3A_2031, %add3A_2034, %xor3A_2028 : vector<16xi1>, vector<16xi32>
      %broadcast_in_dim3A_2036 = vector.shape_cast %select_n3A_2035 : vector<16xi32> to vector<16x1xi32>
      %gather3A_2037 = vector.shape_cast %broadcast_in_dim3A_2036 : vector<16x1xi32> to vector<16xi32>
      %gather3A_2038 = tpu.dynamic_gather %get3A_1953[%gather3A_2037] in [0] : vector<16xf32>, vector<16xi32> -> vector<16xf32>
      %min3A_2039 = arith.minimumf %get3A_1953, %gather3A_2038 : vector<16xf32>
      %xor3A_2040 = arith.constant 2 : i32
      %xor3A_2041 = vector.broadcast %xor3A_2040 : i32 to vector<16xi32>
      %xor3A_2042 = arith.xori %iota3A, %xor3A_2041 : vector<16xi32>
      %lt3A_2043 = arith.constant 0 : i32
      %lt3A_2044 = vector.broadcast %lt3A_2043 : i32 to vector<16xi32>
      %lt3A_2045 = arith.cmpi slt, %xor3A_2042, %lt3A_2044 : vector<16xi32>
      %add3A_2046 = arith.constant 16 : i32
      %add3A_2047 = vector.broadcast %add3A_2046 : i32 to vector<16xi32>
      %add3A_2048 = arith.addi %xor3A_2042, %add3A_2047 : vector<16xi32>
      %select_n3A_2049 = arith.select %lt3A_2045, %add3A_2048, %xor3A_2042 : vector<16xi1>, vector<16xi32>
      %broadcast_in_dim3A_2050 = vector.shape_cast %select_n3A_2049 : vector<16xi32> to vector<16x1xi32>
      %gather3A_2051 = vector.shape_cast %broadcast_in_dim3A_2050 : vector<16x1xi32> to vector<16xi32>
      %gather3A_2052 = tpu.dynamic_gather %min3A_2039[%gather3A_2051] in [0] : vector<16xf32>, vector<16xi32> -> vector<16xf32>
      %min3A_2053 = arith.minimumf %min3A_2039, %gather3A_2052 : vector<16xf32>
      %xor3A_2054 = arith.constant 4 : i32
      %xor3A_2055 = vector.broadcast %xor3A_2054 : i32 to vector<16xi32>
      %xor3A_2056 = arith.xori %iota3A, %xor3A_2055 : vector<16xi32>
      %lt3A_2057 = arith.constant 0 : i32
      %lt3A_2058 = vector.broadcast %lt3A_2057 : i32 to vector<16xi32>
      %lt3A_2059 = arith.cmpi slt, %xor3A_2056, %lt3A_2058 : vector<16xi32>
      %add3A_2060 = arith.constant 16 : i32
      %add3A_2061 = vector.broadcast %add3A_2060 : i32 to vector<16xi32>
      %add3A_2062 = arith.addi %xor3A_2056, %add3A_2061 : vector<16xi32>
      %select_n3A_2063 = arith.select %lt3A_2059, %add3A_2062, %xor3A_2056 : vector<16xi1>, vector<16xi32>
      %broadcast_in_dim3A_2064 = vector.shape_cast %select_n3A_2063 : vector<16xi32> to vector<16x1xi32>
      %gather3A_2065 = vector.shape_cast %broadcast_in_dim3A_2064 : vector<16x1xi32> to vector<16xi32>
      %gather3A_2066 = tpu.dynamic_gather %min3A_2053[%gather3A_2065] in [0] : vector<16xf32>, vector<16xi32> -> vector<16xf32>
      %min3A_2067 = arith.minimumf %min3A_2053, %gather3A_2066 : vector<16xf32>
      %xor3A_2068 = arith.constant 8 : i32
      %xor3A_2069 = vector.broadcast %xor3A_2068 : i32 to vector<16xi32>
      %xor3A_2070 = arith.xori %iota3A, %xor3A_2069 : vector<16xi32>
      %lt3A_2071 = arith.constant 0 : i32
      %lt3A_2072 = vector.broadcast %lt3A_2071 : i32 to vector<16xi32>
      %lt3A_2073 = arith.cmpi slt, %xor3A_2070, %lt3A_2072 : vector<16xi32>
      %add3A_2074 = arith.constant 16 : i32
      %add3A_2075 = vector.broadcast %add3A_2074 : i32 to vector<16xi32>
      %add3A_2076 = arith.addi %xor3A_2070, %add3A_2075 : vector<16xi32>
      %select_n3A_2077 = arith.select %lt3A_2073, %add3A_2076, %xor3A_2070 : vector<16xi1>, vector<16xi32>
      %broadcast_in_dim3A_2078 = vector.shape_cast %select_n3A_2077 : vector<16xi32> to vector<16x1xi32>
      %gather3A_2079 = vector.shape_cast %broadcast_in_dim3A_2078 : vector<16x1xi32> to vector<16xi32>
      %gather3A_2080 = tpu.dynamic_gather %min3A_2067[%gather3A_2079] in [0] : vector<16xf32>, vector<16xi32> -> vector<16xf32>
      %min3A_2081 = arith.minimumf %min3A_2067, %gather3A_2080 : vector<16xf32>
      %eq3A_2082 = arith.cmpf oeq, %get3A_1953, %min3A_2081 : vector<16xf32>
      %jit3A_2083 = arith.constant 16 : i32
      %broadcast_in_dim3A_2084 = vector.broadcast %jit3A_2083 : i32 to vector<16xi32>
      %select_n3A_2085 = arith.select %eq3A_2082, %iota3A, %broadcast_in_dim3A_2084 : vector<16xi1>, vector<16xi32>
      %xor3A_2086 = arith.constant 1 : i32
      %xor3A_2087 = vector.broadcast %xor3A_2086 : i32 to vector<16xi32>
      %xor3A_2088 = arith.xori %iota3A, %xor3A_2087 : vector<16xi32>
      %lt3A_2089 = arith.constant 0 : i32
      %lt3A_2090 = vector.broadcast %lt3A_2089 : i32 to vector<16xi32>
      %lt3A_2091 = arith.cmpi slt, %xor3A_2088, %lt3A_2090 : vector<16xi32>
      %add3A_2092 = arith.constant 16 : i32
      %add3A_2093 = vector.broadcast %add3A_2092 : i32 to vector<16xi32>
      %add3A_2094 = arith.addi %xor3A_2088, %add3A_2093 : vector<16xi32>
      %select_n3A_2095 = arith.select %lt3A_2091, %add3A_2094, %xor3A_2088 : vector<16xi1>, vector<16xi32>
      %broadcast_in_dim3A_2096 = vector.shape_cast %select_n3A_2095 : vector<16xi32> to vector<16x1xi32>
      %gather3A_2097 = vector.shape_cast %broadcast_in_dim3A_2096 : vector<16x1xi32> to vector<16xi32>
      %gather3A_2098 = tpu.dynamic_gather %select_n3A_2085[%gather3A_2097] in [0] : vector<16xi32>, vector<16xi32> -> vector<16xi32>
      %min3A_2099 = arith.minsi %select_n3A_2085, %gather3A_2098 : vector<16xi32>
      %xor3A_2100 = arith.constant 2 : i32
      %xor3A_2101 = vector.broadcast %xor3A_2100 : i32 to vector<16xi32>
      %xor3A_2102 = arith.xori %iota3A, %xor3A_2101 : vector<16xi32>
      %lt3A_2103 = arith.constant 0 : i32
      %lt3A_2104 = vector.broadcast %lt3A_2103 : i32 to vector<16xi32>
      %lt3A_2105 = arith.cmpi slt, %xor3A_2102, %lt3A_2104 : vector<16xi32>
      %add3A_2106 = arith.constant 16 : i32
      %add3A_2107 = vector.broadcast %add3A_2106 : i32 to vector<16xi32>
      %add3A_2108 = arith.addi %xor3A_2102, %add3A_2107 : vector<16xi32>
      %select_n3A_2109 = arith.select %lt3A_2105, %add3A_2108, %xor3A_2102 : vector<16xi1>, vector<16xi32>
      %broadcast_in_dim3A_2110 = vector.shape_cast %select_n3A_2109 : vector<16xi32> to vector<16x1xi32>
      %gather3A_2111 = vector.shape_cast %broadcast_in_dim3A_2110 : vector<16x1xi32> to vector<16xi32>
      %gather3A_2112 = tpu.dynamic_gather %min3A_2099[%gather3A_2111] in [0] : vector<16xi32>, vector<16xi32> -> vector<16xi32>
      %min3A_2113 = arith.minsi %min3A_2099, %gather3A_2112 : vector<16xi32>
      %xor3A_2114 = arith.constant 4 : i32
      %xor3A_2115 = vector.broadcast %xor3A_2114 : i32 to vector<16xi32>
      %xor3A_2116 = arith.xori %iota3A, %xor3A_2115 : vector<16xi32>
      %lt3A_2117 = arith.constant 0 : i32
      %lt3A_2118 = vector.broadcast %lt3A_2117 : i32 to vector<16xi32>
      %lt3A_2119 = arith.cmpi slt, %xor3A_2116, %lt3A_2118 : vector<16xi32>
      %add3A_2120 = arith.constant 16 : i32
      %add3A_2121 = vector.broadcast %add3A_2120 : i32 to vector<16xi32>
      %add3A_2122 = arith.addi %xor3A_2116, %add3A_2121 : vector<16xi32>
      %select_n3A_2123 = arith.select %lt3A_2119, %add3A_2122, %xor3A_2116 : vector<16xi1>, vector<16xi32>
      %broadcast_in_dim3A_2124 = vector.shape_cast %select_n3A_2123 : vector<16xi32> to vector<16x1xi32>
      %gather3A_2125 = vector.shape_cast %broadcast_in_dim3A_2124 : vector<16x1xi32> to vector<16xi32>
      %gather3A_2126 = tpu.dynamic_gather %min3A_2113[%gather3A_2125] in [0] : vector<16xi32>, vector<16xi32> -> vector<16xi32>
      %min3A_2127 = arith.minsi %min3A_2113, %gather3A_2126 : vector<16xi32>
      %xor3A_2128 = arith.constant 8 : i32
      %xor3A_2129 = vector.broadcast %xor3A_2128 : i32 to vector<16xi32>
      %xor3A_2130 = arith.xori %iota3A, %xor3A_2129 : vector<16xi32>
      %lt3A_2131 = arith.constant 0 : i32
      %lt3A_2132 = vector.broadcast %lt3A_2131 : i32 to vector<16xi32>
      %lt3A_2133 = arith.cmpi slt, %xor3A_2130, %lt3A_2132 : vector<16xi32>
      %add3A_2134 = arith.constant 16 : i32
      %add3A_2135 = vector.broadcast %add3A_2134 : i32 to vector<16xi32>
      %add3A_2136 = arith.addi %xor3A_2130, %add3A_2135 : vector<16xi32>
      %select_n3A_2137 = arith.select %lt3A_2133, %add3A_2136, %xor3A_2130 : vector<16xi1>, vector<16xi32>
      %broadcast_in_dim3A_2138 = vector.shape_cast %select_n3A_2137 : vector<16xi32> to vector<16x1xi32>
      %gather3A_2139 = vector.shape_cast %broadcast_in_dim3A_2138 : vector<16x1xi32> to vector<16xi32>
      %gather3A_2140 = tpu.dynamic_gather %min3A_2127[%gather3A_2139] in [0] : vector<16xi32>, vector<16xi32> -> vector<16xi32>
      %min3A_2141 = arith.minsi %min3A_2127, %gather3A_2140 : vector<16xi32>
      %eq3A_2142 = arith.cmpi eq, %iota3A, %min3A_2141 : vector<16xi32>
      %jit3A_2143 = arith.constant 0x7F800000 : f32
      %broadcast_in_dim3A_2144 = vector.broadcast %jit3A_2143 : f32 to vector<16xf32>
      %select_n3A_2145 = arith.select %eq3A_2142, %broadcast_in_dim3A_2144, %get3A_1953 : vector<16xi1>, vector<16xf32>
      %xor3A_2146 = arith.constant 1 : i32
      %xor3A_2147 = vector.broadcast %xor3A_2146 : i32 to vector<16xi32>
      %xor3A_2148 = arith.xori %iota3A, %xor3A_2147 : vector<16xi32>
      %lt3A_2149 = arith.constant 0 : i32
      %lt3A_2150 = vector.broadcast %lt3A_2149 : i32 to vector<16xi32>
      %lt3A_2151 = arith.cmpi slt, %xor3A_2148, %lt3A_2150 : vector<16xi32>
      %add3A_2152 = arith.constant 16 : i32
      %add3A_2153 = vector.broadcast %add3A_2152 : i32 to vector<16xi32>
      %add3A_2154 = arith.addi %xor3A_2148, %add3A_2153 : vector<16xi32>
      %select_n3A_2155 = arith.select %lt3A_2151, %add3A_2154, %xor3A_2148 : vector<16xi1>, vector<16xi32>
      %broadcast_in_dim3A_2156 = vector.shape_cast %select_n3A_2155 : vector<16xi32> to vector<16x1xi32>
      %gather3A_2157 = vector.shape_cast %broadcast_in_dim3A_2156 : vector<16x1xi32> to vector<16xi32>
      %gather3A_2158 = tpu.dynamic_gather %select_n3A_2145[%gather3A_2157] in [0] : vector<16xf32>, vector<16xi32> -> vector<16xf32>
      %min3A_2159 = arith.minimumf %select_n3A_2145, %gather3A_2158 : vector<16xf32>
      %xor3A_2160 = arith.constant 2 : i32
      %xor3A_2161 = vector.broadcast %xor3A_2160 : i32 to vector<16xi32>
      %xor3A_2162 = arith.xori %iota3A, %xor3A_2161 : vector<16xi32>
      %lt3A_2163 = arith.constant 0 : i32
      %lt3A_2164 = vector.broadcast %lt3A_2163 : i32 to vector<16xi32>
      %lt3A_2165 = arith.cmpi slt, %xor3A_2162, %lt3A_2164 : vector<16xi32>
      %add3A_2166 = arith.constant 16 : i32
      %add3A_2167 = vector.broadcast %add3A_2166 : i32 to vector<16xi32>
      %add3A_2168 = arith.addi %xor3A_2162, %add3A_2167 : vector<16xi32>
      %select_n3A_2169 = arith.select %lt3A_2165, %add3A_2168, %xor3A_2162 : vector<16xi1>, vector<16xi32>
      %broadcast_in_dim3A_2170 = vector.shape_cast %select_n3A_2169 : vector<16xi32> to vector<16x1xi32>
      %gather3A_2171 = vector.shape_cast %broadcast_in_dim3A_2170 : vector<16x1xi32> to vector<16xi32>
      %gather3A_2172 = tpu.dynamic_gather %min3A_2159[%gather3A_2171] in [0] : vector<16xf32>, vector<16xi32> -> vector<16xf32>
      %min3A_2173 = arith.minimumf %min3A_2159, %gather3A_2172 : vector<16xf32>
      %xor3A_2174 = arith.constant 4 : i32
      %xor3A_2175 = vector.broadcast %xor3A_2174 : i32 to vector<16xi32>
      %xor3A_2176 = arith.xori %iota3A, %xor3A_2175 : vector<16xi32>
      %lt3A_2177 = arith.constant 0 : i32
      %lt3A_2178 = vector.broadcast %lt3A_2177 : i32 to vector<16xi32>
      %lt3A_2179 = arith.cmpi slt, %xor3A_2176, %lt3A_2178 : vector<16xi32>
      %add3A_2180 = arith.constant 16 : i32
      %add3A_2181 = vector.broadcast %add3A_2180 : i32 to vector<16xi32>
      %add3A_2182 = arith.addi %xor3A_2176, %add3A_2181 : vector<16xi32>
      %select_n3A_2183 = arith.select %lt3A_2179, %add3A_2182, %xor3A_2176 : vector<16xi1>, vector<16xi32>
      %broadcast_in_dim3A_2184 = vector.shape_cast %select_n3A_2183 : vector<16xi32> to vector<16x1xi32>
      %gather3A_2185 = vector.shape_cast %broadcast_in_dim3A_2184 : vector<16x1xi32> to vector<16xi32>
      %gather3A_2186 = tpu.dynamic_gather %min3A_2173[%gather3A_2185] in [0] : vector<16xf32>, vector<16xi32> -> vector<16xf32>
      %min3A_2187 = arith.minimumf %min3A_2173, %gather3A_2186 : vector<16xf32>
      %xor3A_2188 = arith.constant 8 : i32
      %xor3A_2189 = vector.broadcast %xor3A_2188 : i32 to vector<16xi32>
      %xor3A_2190 = arith.xori %iota3A, %xor3A_2189 : vector<16xi32>
      %lt3A_2191 = arith.constant 0 : i32
      %lt3A_2192 = vector.broadcast %lt3A_2191 : i32 to vector<16xi32>
      %lt3A_2193 = arith.cmpi slt, %xor3A_2190, %lt3A_2192 : vector<16xi32>
      %add3A_2194 = arith.constant 16 : i32
      %add3A_2195 = vector.broadcast %add3A_2194 : i32 to vector<16xi32>
      %add3A_2196 = arith.addi %xor3A_2190, %add3A_2195 : vector<16xi32>
      %select_n3A_2197 = arith.select %lt3A_2193, %add3A_2196, %xor3A_2190 : vector<16xi1>, vector<16xi32>
      %broadcast_in_dim3A_2198 = vector.shape_cast %select_n3A_2197 : vector<16xi32> to vector<16x1xi32>
      %gather3A_2199 = vector.shape_cast %broadcast_in_dim3A_2198 : vector<16x1xi32> to vector<16xi32>
      %gather3A_2200 = tpu.dynamic_gather %min3A_2187[%gather3A_2199] in [0] : vector<16xf32>, vector<16xi32> -> vector<16xf32>
      %min3A_2201 = arith.minimumf %min3A_2187, %gather3A_2200 : vector<16xf32>
      %eq3A_2202 = arith.cmpf oeq, %select_n3A_2145, %min3A_2201 : vector<16xf32>
      %jit3A_2203 = arith.constant 16 : i32
      %broadcast_in_dim3A_2204 = vector.broadcast %jit3A_2203 : i32 to vector<16xi32>
      %select_n3A_2205 = arith.select %eq3A_2202, %iota3A, %broadcast_in_dim3A_2204 : vector<16xi1>, vector<16xi32>
      %xor3A_2206 = arith.constant 1 : i32
      %xor3A_2207 = vector.broadcast %xor3A_2206 : i32 to vector<16xi32>
      %xor3A_2208 = arith.xori %iota3A, %xor3A_2207 : vector<16xi32>
      %lt3A_2209 = arith.constant 0 : i32
      %lt3A_2210 = vector.broadcast %lt3A_2209 : i32 to vector<16xi32>
      %lt3A_2211 = arith.cmpi slt, %xor3A_2208, %lt3A_2210 : vector<16xi32>
      %add3A_2212 = arith.constant 16 : i32
      %add3A_2213 = vector.broadcast %add3A_2212 : i32 to vector<16xi32>
      %add3A_2214 = arith.addi %xor3A_2208, %add3A_2213 : vector<16xi32>
      %select_n3A_2215 = arith.select %lt3A_2211, %add3A_2214, %xor3A_2208 : vector<16xi1>, vector<16xi32>
      %broadcast_in_dim3A_2216 = vector.shape_cast %select_n3A_2215 : vector<16xi32> to vector<16x1xi32>
      %gather3A_2217 = vector.shape_cast %broadcast_in_dim3A_2216 : vector<16x1xi32> to vector<16xi32>
      %gather3A_2218 = tpu.dynamic_gather %select_n3A_2205[%gather3A_2217] in [0] : vector<16xi32>, vector<16xi32> -> vector<16xi32>
      %min3A_2219 = arith.minsi %select_n3A_2205, %gather3A_2218 : vector<16xi32>
      %xor3A_2220 = arith.constant 2 : i32
      %xor3A_2221 = vector.broadcast %xor3A_2220 : i32 to vector<16xi32>
      %xor3A_2222 = arith.xori %iota3A, %xor3A_2221 : vector<16xi32>
      %lt3A_2223 = arith.constant 0 : i32
      %lt3A_2224 = vector.broadcast %lt3A_2223 : i32 to vector<16xi32>
      %lt3A_2225 = arith.cmpi slt, %xor3A_2222, %lt3A_2224 : vector<16xi32>
      %add3A_2226 = arith.constant 16 : i32
      %add3A_2227 = vector.broadcast %add3A_2226 : i32 to vector<16xi32>
      %add3A_2228 = arith.addi %xor3A_2222, %add3A_2227 : vector<16xi32>
      %select_n3A_2229 = arith.select %lt3A_2225, %add3A_2228, %xor3A_2222 : vector<16xi1>, vector<16xi32>
      %broadcast_in_dim3A_2230 = vector.shape_cast %select_n3A_2229 : vector<16xi32> to vector<16x1xi32>
      %gather3A_2231 = vector.shape_cast %broadcast_in_dim3A_2230 : vector<16x1xi32> to vector<16xi32>
      %gather3A_2232 = tpu.dynamic_gather %min3A_2219[%gather3A_2231] in [0] : vector<16xi32>, vector<16xi32> -> vector<16xi32>
      %min3A_2233 = arith.minsi %min3A_2219, %gather3A_2232 : vector<16xi32>
      %xor3A_2234 = arith.constant 4 : i32
      %xor3A_2235 = vector.broadcast %xor3A_2234 : i32 to vector<16xi32>
      %xor3A_2236 = arith.xori %iota3A, %xor3A_2235 : vector<16xi32>
      %lt3A_2237 = arith.constant 0 : i32
      %lt3A_2238 = vector.broadcast %lt3A_2237 : i32 to vector<16xi32>
      %lt3A_2239 = arith.cmpi slt, %xor3A_2236, %lt3A_2238 : vector<16xi32>
      %add3A_2240 = arith.constant 16 : i32
      %add3A_2241 = vector.broadcast %add3A_2240 : i32 to vector<16xi32>
      %add3A_2242 = arith.addi %xor3A_2236, %add3A_2241 : vector<16xi32>
      %select_n3A_2243 = arith.select %lt3A_2239, %add3A_2242, %xor3A_2236 : vector<16xi1>, vector<16xi32>
      %broadcast_in_dim3A_2244 = vector.shape_cast %select_n3A_2243 : vector<16xi32> to vector<16x1xi32>
      %gather3A_2245 = vector.shape_cast %broadcast_in_dim3A_2244 : vector<16x1xi32> to vector<16xi32>
      %gather3A_2246 = tpu.dynamic_gather %min3A_2233[%gather3A_2245] in [0] : vector<16xi32>, vector<16xi32> -> vector<16xi32>
      %min3A_2247 = arith.minsi %min3A_2233, %gather3A_2246 : vector<16xi32>
      %xor3A_2248 = arith.constant 8 : i32
      %xor3A_2249 = vector.broadcast %xor3A_2248 : i32 to vector<16xi32>
      %xor3A_2250 = arith.xori %iota3A, %xor3A_2249 : vector<16xi32>
      %lt3A_2251 = arith.constant 0 : i32
      %lt3A_2252 = vector.broadcast %lt3A_2251 : i32 to vector<16xi32>
      %lt3A_2253 = arith.cmpi slt, %xor3A_2250, %lt3A_2252 : vector<16xi32>
      %add3A_2254 = arith.constant 16 : i32
      %add3A_2255 = vector.broadcast %add3A_2254 : i32 to vector<16xi32>
      %add3A_2256 = arith.addi %xor3A_2250, %add3A_2255 : vector<16xi32>
      %select_n3A_2257 = arith.select %lt3A_2253, %add3A_2256, %xor3A_2250 : vector<16xi1>, vector<16xi32>
      %broadcast_in_dim3A_2258 = vector.shape_cast %select_n3A_2257 : vector<16xi32> to vector<16x1xi32>
      %gather3A_2259 = vector.shape_cast %broadcast_in_dim3A_2258 : vector<16x1xi32> to vector<16xi32>
      %gather3A_2260 = tpu.dynamic_gather %min3A_2247[%gather3A_2259] in [0] : vector<16xi32>, vector<16xi32> -> vector<16xi32>
      %min3A_2261 = arith.minsi %min3A_2247, %gather3A_2260 : vector<16xi32>
      %eq3A_2262 = arith.constant 6 : i32
      %eq3A_2263 = vector.broadcast %eq3A_2262 : i32 to vector<16xi32>
      %eq3A_2264 = arith.cmpi eq, %iota3A, %eq3A_2263 : vector<16xi32>
      %select_n3A_2265 = arith.select %eq3A_2264, %min3A_2141, %select_n3A_1941 : vector<16xi1>, vector<16xi32>
      %eq3A_2266 = arith.constant 6 : i32
      %eq3A_2267 = vector.broadcast %eq3A_2266 : i32 to vector<16xi32>
      %eq3A_2268 = arith.cmpi eq, %iota3A, %eq3A_2267 : vector<16xi32>
      %select_n3A_2269 = arith.select %eq3A_2268, %min3A_2261, %select_n3A_1945 : vector<16xi1>, vector<16xi32>
      %mul3A_2270 = arith.constant 16 : i32
      %mul3A_2271 = arith.muli %scan3A_8, %mul3A_2270 : i32
      %add3A_2272 = arith.constant 7 : i32
      %add3A_2273 = arith.addi %mul3A_2271, %add3A_2272 : i32
      %get3A_2274 = arith.index_cast %add3A_2273 : i32 to index
      %get3A_2275 = arith.constant 0 : index
      %get3A_2276 = tpu.vector_load %arg6[%get3A_2274, %get3A_2275] {strides = array<i32>} : memref<320x16xf32, #tpu.memory_space<vmem>>, vector<1x16xf32>,
      %get3A_2277 = vector.shape_cast %get3A_2276 : vector<1x16xf32> to vector<16xf32>
      %add3A_2278 = arith.constant 1.000000e+00 : f32
      %add3A_2279 = vector.broadcast %add3A_2278 : f32 to vector<16xf32>
      %add3A_2280 = arith.addf %add3A_2279, %get3A_2277 : vector<16xf32>
      %div3A_2281 = arith.constant 1.000000e+00 : f32
      %div3A_2282 = vector.broadcast %div3A_2281 : f32 to vector<16xf32>
      %div3A_2283 = arith.divf %div3A_2282, %add3A_2280 : vector<16xf32>
      %xor3A_2284 = arith.constant 1 : i32
      %xor3A_2285 = vector.broadcast %xor3A_2284 : i32 to vector<16xi32>
      %xor3A_2286 = arith.xori %iota3A, %xor3A_2285 : vector<16xi32>
      %lt3A_2287 = arith.constant 0 : i32
      %lt3A_2288 = vector.broadcast %lt3A_2287 : i32 to vector<16xi32>
      %lt3A_2289 = arith.cmpi slt, %xor3A_2286, %lt3A_2288 : vector<16xi32>
      %add3A_2290 = arith.constant 16 : i32
      %add3A_2291 = vector.broadcast %add3A_2290 : i32 to vector<16xi32>
      %add3A_2292 = arith.addi %xor3A_2286, %add3A_2291 : vector<16xi32>
      %select_n3A_2293 = arith.select %lt3A_2289, %add3A_2292, %xor3A_2286 : vector<16xi1>, vector<16xi32>
      %broadcast_in_dim3A_2294 = vector.shape_cast %select_n3A_2293 : vector<16xi32> to vector<16x1xi32>
      %gather3A_2295 = vector.shape_cast %broadcast_in_dim3A_2294 : vector<16x1xi32> to vector<16xi32>
      %gather3A_2296 = tpu.dynamic_gather %div3A_2283[%gather3A_2295] in [0] : vector<16xf32>, vector<16xi32> -> vector<16xf32>
      %add3A_2297 = arith.addf %div3A_2283, %gather3A_2296 : vector<16xf32>
      %xor3A_2298 = arith.constant 2 : i32
      %xor3A_2299 = vector.broadcast %xor3A_2298 : i32 to vector<16xi32>
      %xor3A_2300 = arith.xori %iota3A, %xor3A_2299 : vector<16xi32>
      %lt3A_2301 = arith.constant 0 : i32
      %lt3A_2302 = vector.broadcast %lt3A_2301 : i32 to vector<16xi32>
      %lt3A_2303 = arith.cmpi slt, %xor3A_2300, %lt3A_2302 : vector<16xi32>
      %add3A_2304 = arith.constant 16 : i32
      %add3A_2305 = vector.broadcast %add3A_2304 : i32 to vector<16xi32>
      %add3A_2306 = arith.addi %xor3A_2300, %add3A_2305 : vector<16xi32>
      %select_n3A_2307 = arith.select %lt3A_2303, %add3A_2306, %xor3A_2300 : vector<16xi1>, vector<16xi32>
      %broadcast_in_dim3A_2308 = vector.shape_cast %select_n3A_2307 : vector<16xi32> to vector<16x1xi32>
      %gather3A_2309 = vector.shape_cast %broadcast_in_dim3A_2308 : vector<16x1xi32> to vector<16xi32>
      %gather3A_2310 = tpu.dynamic_gather %add3A_2297[%gather3A_2309] in [0] : vector<16xf32>, vector<16xi32> -> vector<16xf32>
      %add3A_2311 = arith.addf %add3A_2297, %gather3A_2310 : vector<16xf32>
      %xor3A_2312 = arith.constant 4 : i32
      %xor3A_2313 = vector.broadcast %xor3A_2312 : i32 to vector<16xi32>
      %xor3A_2314 = arith.xori %iota3A, %xor3A_2313 : vector<16xi32>
      %lt3A_2315 = arith.constant 0 : i32
      %lt3A_2316 = vector.broadcast %lt3A_2315 : i32 to vector<16xi32>
      %lt3A_2317 = arith.cmpi slt, %xor3A_2314, %lt3A_2316 : vector<16xi32>
      %add3A_2318 = arith.constant 16 : i32
      %add3A_2319 = vector.broadcast %add3A_2318 : i32 to vector<16xi32>
      %add3A_2320 = arith.addi %xor3A_2314, %add3A_2319 : vector<16xi32>
      %select_n3A_2321 = arith.select %lt3A_2317, %add3A_2320, %xor3A_2314 : vector<16xi1>, vector<16xi32>
      %broadcast_in_dim3A_2322 = vector.shape_cast %select_n3A_2321 : vector<16xi32> to vector<16x1xi32>
      %gather3A_2323 = vector.shape_cast %broadcast_in_dim3A_2322 : vector<16x1xi32> to vector<16xi32>
      %gather3A_2324 = tpu.dynamic_gather %add3A_2311[%gather3A_2323] in [0] : vector<16xf32>, vector<16xi32> -> vector<16xf32>
      %add3A_2325 = arith.addf %add3A_2311, %gather3A_2324 : vector<16xf32>
      %xor3A_2326 = arith.constant 8 : i32
      %xor3A_2327 = vector.broadcast %xor3A_2326 : i32 to vector<16xi32>
      %xor3A_2328 = arith.xori %iota3A, %xor3A_2327 : vector<16xi32>
      %lt3A_2329 = arith.constant 0 : i32
      %lt3A_2330 = vector.broadcast %lt3A_2329 : i32 to vector<16xi32>
      %lt3A_2331 = arith.cmpi slt, %xor3A_2328, %lt3A_2330 : vector<16xi32>
      %add3A_2332 = arith.constant 16 : i32
      %add3A_2333 = vector.broadcast %add3A_2332 : i32 to vector<16xi32>
      %add3A_2334 = arith.addi %xor3A_2328, %add3A_2333 : vector<16xi32>
      %select_n3A_2335 = arith.select %lt3A_2331, %add3A_2334, %xor3A_2328 : vector<16xi1>, vector<16xi32>
      %broadcast_in_dim3A_2336 = vector.shape_cast %select_n3A_2335 : vector<16xi32> to vector<16x1xi32>
      %gather3A_2337 = vector.shape_cast %broadcast_in_dim3A_2336 : vector<16x1xi32> to vector<16xi32>
      %gather3A_2338 = tpu.dynamic_gather %add3A_2325[%gather3A_2337] in [0] : vector<16xf32>, vector<16xi32> -> vector<16xf32>
      %add3A_2339 = arith.addf %add3A_2325, %gather3A_2338 : vector<16xf32>
      %div3A_2340 = arith.divf %div3A_2283, %add3A_2339 : vector<16xf32>
      %mul3A_2341 = arith.constant 16 : i32
      %mul3A_2342 = arith.muli %scan3A_8, %mul3A_2341 : i32
      %add3A_2343 = arith.constant 7 : i32
      %add3A_2344 = arith.addi %mul3A_2342, %add3A_2343 : i32
      %swap3A_2345 = arith.index_cast %add3A_2344 : i32 to index
      %swap3A_2346 = arith.constant 0 : index
      %swap3A_2347 = tpu.vector_load %arg7[%swap3A_2345, %swap3A_2346] {strides = array<i32>} : memref<320x16xf32, #tpu.memory_space<vmem>>, vector<1x16xf32>,
      %swap3A_2348 = vector.shape_cast %swap3A_2347 : vector<1x16xf32> to vector<16xf32>
      %swap3A_2349 = vector.shape_cast %div3A_2340 : vector<16xf32> to vector<1x16xf32>
      tpu.vector_store %arg7[%swap3A_2345, %swap3A_2346], %swap3A_2349 {strides = array<i32>} : memref<320x16xf32, #tpu.memory_space<vmem>>, vector<1x16xf32>,
      %xor3A_2350 = arith.constant 1 : i32
      %xor3A_2351 = vector.broadcast %xor3A_2350 : i32 to vector<16xi32>
      %xor3A_2352 = arith.xori %iota3A, %xor3A_2351 : vector<16xi32>
      %lt3A_2353 = arith.constant 0 : i32
      %lt3A_2354 = vector.broadcast %lt3A_2353 : i32 to vector<16xi32>
      %lt3A_2355 = arith.cmpi slt, %xor3A_2352, %lt3A_2354 : vector<16xi32>
      %add3A_2356 = arith.constant 16 : i32
      %add3A_2357 = vector.broadcast %add3A_2356 : i32 to vector<16xi32>
      %add3A_2358 = arith.addi %xor3A_2352, %add3A_2357 : vector<16xi32>
      %select_n3A_2359 = arith.select %lt3A_2355, %add3A_2358, %xor3A_2352 : vector<16xi1>, vector<16xi32>
      %broadcast_in_dim3A_2360 = vector.shape_cast %select_n3A_2359 : vector<16xi32> to vector<16x1xi32>
      %gather3A_2361 = vector.shape_cast %broadcast_in_dim3A_2360 : vector<16x1xi32> to vector<16xi32>
      %gather3A_2362 = tpu.dynamic_gather %get3A_2277[%gather3A_2361] in [0] : vector<16xf32>, vector<16xi32> -> vector<16xf32>
      %min3A_2363 = arith.minimumf %get3A_2277, %gather3A_2362 : vector<16xf32>
      %xor3A_2364 = arith.constant 2 : i32
      %xor3A_2365 = vector.broadcast %xor3A_2364 : i32 to vector<16xi32>
      %xor3A_2366 = arith.xori %iota3A, %xor3A_2365 : vector<16xi32>
      %lt3A_2367 = arith.constant 0 : i32
      %lt3A_2368 = vector.broadcast %lt3A_2367 : i32 to vector<16xi32>
      %lt3A_2369 = arith.cmpi slt, %xor3A_2366, %lt3A_2368 : vector<16xi32>
      %add3A_2370 = arith.constant 16 : i32
      %add3A_2371 = vector.broadcast %add3A_2370 : i32 to vector<16xi32>
      %add3A_2372 = arith.addi %xor3A_2366, %add3A_2371 : vector<16xi32>
      %select_n3A_2373 = arith.select %lt3A_2369, %add3A_2372, %xor3A_2366 : vector<16xi1>, vector<16xi32>
      %broadcast_in_dim3A_2374 = vector.shape_cast %select_n3A_2373 : vector<16xi32> to vector<16x1xi32>
      %gather3A_2375 = vector.shape_cast %broadcast_in_dim3A_2374 : vector<16x1xi32> to vector<16xi32>
      %gather3A_2376 = tpu.dynamic_gather %min3A_2363[%gather3A_2375] in [0] : vector<16xf32>, vector<16xi32> -> vector<16xf32>
      %min3A_2377 = arith.minimumf %min3A_2363, %gather3A_2376 : vector<16xf32>
      %xor3A_2378 = arith.constant 4 : i32
      %xor3A_2379 = vector.broadcast %xor3A_2378 : i32 to vector<16xi32>
      %xor3A_2380 = arith.xori %iota3A, %xor3A_2379 : vector<16xi32>
      %lt3A_2381 = arith.constant 0 : i32
      %lt3A_2382 = vector.broadcast %lt3A_2381 : i32 to vector<16xi32>
      %lt3A_2383 = arith.cmpi slt, %xor3A_2380, %lt3A_2382 : vector<16xi32>
      %add3A_2384 = arith.constant 16 : i32
      %add3A_2385 = vector.broadcast %add3A_2384 : i32 to vector<16xi32>
      %add3A_2386 = arith.addi %xor3A_2380, %add3A_2385 : vector<16xi32>
      %select_n3A_2387 = arith.select %lt3A_2383, %add3A_2386, %xor3A_2380 : vector<16xi1>, vector<16xi32>
      %broadcast_in_dim3A_2388 = vector.shape_cast %select_n3A_2387 : vector<16xi32> to vector<16x1xi32>
      %gather3A_2389 = vector.shape_cast %broadcast_in_dim3A_2388 : vector<16x1xi32> to vector<16xi32>
      %gather3A_2390 = tpu.dynamic_gather %min3A_2377[%gather3A_2389] in [0] : vector<16xf32>, vector<16xi32> -> vector<16xf32>
      %min3A_2391 = arith.minimumf %min3A_2377, %gather3A_2390 : vector<16xf32>
      %xor3A_2392 = arith.constant 8 : i32
      %xor3A_2393 = vector.broadcast %xor3A_2392 : i32 to vector<16xi32>
      %xor3A_2394 = arith.xori %iota3A, %xor3A_2393 : vector<16xi32>
      %lt3A_2395 = arith.constant 0 : i32
      %lt3A_2396 = vector.broadcast %lt3A_2395 : i32 to vector<16xi32>
      %lt3A_2397 = arith.cmpi slt, %xor3A_2394, %lt3A_2396 : vector<16xi32>
      %add3A_2398 = arith.constant 16 : i32
      %add3A_2399 = vector.broadcast %add3A_2398 : i32 to vector<16xi32>
      %add3A_2400 = arith.addi %xor3A_2394, %add3A_2399 : vector<16xi32>
      %select_n3A_2401 = arith.select %lt3A_2397, %add3A_2400, %xor3A_2394 : vector<16xi1>, vector<16xi32>
      %broadcast_in_dim3A_2402 = vector.shape_cast %select_n3A_2401 : vector<16xi32> to vector<16x1xi32>
      %gather3A_2403 = vector.shape_cast %broadcast_in_dim3A_2402 : vector<16x1xi32> to vector<16xi32>
      %gather3A_2404 = tpu.dynamic_gather %min3A_2391[%gather3A_2403] in [0] : vector<16xf32>, vector<16xi32> -> vector<16xf32>
      %min3A_2405 = arith.minimumf %min3A_2391, %gather3A_2404 : vector<16xf32>
      %eq3A_2406 = arith.cmpf oeq, %get3A_2277, %min3A_2405 : vector<16xf32>
      %jit3A_2407 = arith.constant 16 : i32
      %broadcast_in_dim3A_2408 = vector.broadcast %jit3A_2407 : i32 to vector<16xi32>
      %select_n3A_2409 = arith.select %eq3A_2406, %iota3A, %broadcast_in_dim3A_2408 : vector<16xi1>, vector<16xi32>
      %xor3A_2410 = arith.constant 1 : i32
      %xor3A_2411 = vector.broadcast %xor3A_2410 : i32 to vector<16xi32>
      %xor3A_2412 = arith.xori %iota3A, %xor3A_2411 : vector<16xi32>
      %lt3A_2413 = arith.constant 0 : i32
      %lt3A_2414 = vector.broadcast %lt3A_2413 : i32 to vector<16xi32>
      %lt3A_2415 = arith.cmpi slt, %xor3A_2412, %lt3A_2414 : vector<16xi32>
      %add3A_2416 = arith.constant 16 : i32
      %add3A_2417 = vector.broadcast %add3A_2416 : i32 to vector<16xi32>
      %add3A_2418 = arith.addi %xor3A_2412, %add3A_2417 : vector<16xi32>
      %select_n3A_2419 = arith.select %lt3A_2415, %add3A_2418, %xor3A_2412 : vector<16xi1>, vector<16xi32>
      %broadcast_in_dim3A_2420 = vector.shape_cast %select_n3A_2419 : vector<16xi32> to vector<16x1xi32>
      %gather3A_2421 = vector.shape_cast %broadcast_in_dim3A_2420 : vector<16x1xi32> to vector<16xi32>
      %gather3A_2422 = tpu.dynamic_gather %select_n3A_2409[%gather3A_2421] in [0] : vector<16xi32>, vector<16xi32> -> vector<16xi32>
      %min3A_2423 = arith.minsi %select_n3A_2409, %gather3A_2422 : vector<16xi32>
      %xor3A_2424 = arith.constant 2 : i32
      %xor3A_2425 = vector.broadcast %xor3A_2424 : i32 to vector<16xi32>
      %xor3A_2426 = arith.xori %iota3A, %xor3A_2425 : vector<16xi32>
      %lt3A_2427 = arith.constant 0 : i32
      %lt3A_2428 = vector.broadcast %lt3A_2427 : i32 to vector<16xi32>
      %lt3A_2429 = arith.cmpi slt, %xor3A_2426, %lt3A_2428 : vector<16xi32>
      %add3A_2430 = arith.constant 16 : i32
      %add3A_2431 = vector.broadcast %add3A_2430 : i32 to vector<16xi32>
      %add3A_2432 = arith.addi %xor3A_2426, %add3A_2431 : vector<16xi32>
      %select_n3A_2433 = arith.select %lt3A_2429, %add3A_2432, %xor3A_2426 : vector<16xi1>, vector<16xi32>
      %broadcast_in_dim3A_2434 = vector.shape_cast %select_n3A_2433 : vector<16xi32> to vector<16x1xi32>
      %gather3A_2435 = vector.shape_cast %broadcast_in_dim3A_2434 : vector<16x1xi32> to vector<16xi32>
      %gather3A_2436 = tpu.dynamic_gather %min3A_2423[%gather3A_2435] in [0] : vector<16xi32>, vector<16xi32> -> vector<16xi32>
      %min3A_2437 = arith.minsi %min3A_2423, %gather3A_2436 : vector<16xi32>
      %xor3A_2438 = arith.constant 4 : i32
      %xor3A_2439 = vector.broadcast %xor3A_2438 : i32 to vector<16xi32>
      %xor3A_2440 = arith.xori %iota3A, %xor3A_2439 : vector<16xi32>
      %lt3A_2441 = arith.constant 0 : i32
      %lt3A_2442 = vector.broadcast %lt3A_2441 : i32 to vector<16xi32>
      %lt3A_2443 = arith.cmpi slt, %xor3A_2440, %lt3A_2442 : vector<16xi32>
      %add3A_2444 = arith.constant 16 : i32
      %add3A_2445 = vector.broadcast %add3A_2444 : i32 to vector<16xi32>
      %add3A_2446 = arith.addi %xor3A_2440, %add3A_2445 : vector<16xi32>
      %select_n3A_2447 = arith.select %lt3A_2443, %add3A_2446, %xor3A_2440 : vector<16xi1>, vector<16xi32>
      %broadcast_in_dim3A_2448 = vector.shape_cast %select_n3A_2447 : vector<16xi32> to vector<16x1xi32>
      %gather3A_2449 = vector.shape_cast %broadcast_in_dim3A_2448 : vector<16x1xi32> to vector<16xi32>
      %gather3A_2450 = tpu.dynamic_gather %min3A_2437[%gather3A_2449] in [0] : vector<16xi32>, vector<16xi32> -> vector<16xi32>
      %min3A_2451 = arith.minsi %min3A_2437, %gather3A_2450 : vector<16xi32>
      %xor3A_2452 = arith.constant 8 : i32
      %xor3A_2453 = vector.broadcast %xor3A_2452 : i32 to vector<16xi32>
      %xor3A_2454 = arith.xori %iota3A, %xor3A_2453 : vector<16xi32>
      %lt3A_2455 = arith.constant 0 : i32
      %lt3A_2456 = vector.broadcast %lt3A_2455 : i32 to vector<16xi32>
      %lt3A_2457 = arith.cmpi slt, %xor3A_2454, %lt3A_2456 : vector<16xi32>
      %add3A_2458 = arith.constant 16 : i32
      %add3A_2459 = vector.broadcast %add3A_2458 : i32 to vector<16xi32>
      %add3A_2460 = arith.addi %xor3A_2454, %add3A_2459 : vector<16xi32>
      %select_n3A_2461 = arith.select %lt3A_2457, %add3A_2460, %xor3A_2454 : vector<16xi1>, vector<16xi32>
      %broadcast_in_dim3A_2462 = vector.shape_cast %select_n3A_2461 : vector<16xi32> to vector<16x1xi32>
      %gather3A_2463 = vector.shape_cast %broadcast_in_dim3A_2462 : vector<16x1xi32> to vector<16xi32>
      %gather3A_2464 = tpu.dynamic_gather %min3A_2451[%gather3A_2463] in [0] : vector<16xi32>, vector<16xi32> -> vector<16xi32>
      %min3A_2465 = arith.minsi %min3A_2451, %gather3A_2464 : vector<16xi32>
      %eq3A_2466 = arith.cmpi eq, %iota3A, %min3A_2465 : vector<16xi32>
      %jit3A_2467 = arith.constant 0x7F800000 : f32
      %broadcast_in_dim3A_2468 = vector.broadcast %jit3A_2467 : f32 to vector<16xf32>
      %select_n3A_2469 = arith.select %eq3A_2466, %broadcast_in_dim3A_2468, %get3A_2277 : vector<16xi1>, vector<16xf32>
      %xor3A_2470 = arith.constant 1 : i32
      %xor3A_2471 = vector.broadcast %xor3A_2470 : i32 to vector<16xi32>
      %xor3A_2472 = arith.xori %iota3A, %xor3A_2471 : vector<16xi32>
      %lt3A_2473 = arith.constant 0 : i32
      %lt3A_2474 = vector.broadcast %lt3A_2473 : i32 to vector<16xi32>
      %lt3A_2475 = arith.cmpi slt, %xor3A_2472, %lt3A_2474 : vector<16xi32>
      %add3A_2476 = arith.constant 16 : i32
      %add3A_2477 = vector.broadcast %add3A_2476 : i32 to vector<16xi32>
      %add3A_2478 = arith.addi %xor3A_2472, %add3A_2477 : vector<16xi32>
      %select_n3A_2479 = arith.select %lt3A_2475, %add3A_2478, %xor3A_2472 : vector<16xi1>, vector<16xi32>
      %broadcast_in_dim3A_2480 = vector.shape_cast %select_n3A_2479 : vector<16xi32> to vector<16x1xi32>
      %gather3A_2481 = vector.shape_cast %broadcast_in_dim3A_2480 : vector<16x1xi32> to vector<16xi32>
      %gather3A_2482 = tpu.dynamic_gather %select_n3A_2469[%gather3A_2481] in [0] : vector<16xf32>, vector<16xi32> -> vector<16xf32>
      %min3A_2483 = arith.minimumf %select_n3A_2469, %gather3A_2482 : vector<16xf32>
      %xor3A_2484 = arith.constant 2 : i32
      %xor3A_2485 = vector.broadcast %xor3A_2484 : i32 to vector<16xi32>
      %xor3A_2486 = arith.xori %iota3A, %xor3A_2485 : vector<16xi32>
      %lt3A_2487 = arith.constant 0 : i32
      %lt3A_2488 = vector.broadcast %lt3A_2487 : i32 to vector<16xi32>
      %lt3A_2489 = arith.cmpi slt, %xor3A_2486, %lt3A_2488 : vector<16xi32>
      %add3A_2490 = arith.constant 16 : i32
      %add3A_2491 = vector.broadcast %add3A_2490 : i32 to vector<16xi32>
      %add3A_2492 = arith.addi %xor3A_2486, %add3A_2491 : vector<16xi32>
      %select_n3A_2493 = arith.select %lt3A_2489, %add3A_2492, %xor3A_2486 : vector<16xi1>, vector<16xi32>
      %broadcast_in_dim3A_2494 = vector.shape_cast %select_n3A_2493 : vector<16xi32> to vector<16x1xi32>
      %gather3A_2495 = vector.shape_cast %broadcast_in_dim3A_2494 : vector<16x1xi32> to vector<16xi32>
      %gather3A_2496 = tpu.dynamic_gather %min3A_2483[%gather3A_2495] in [0] : vector<16xf32>, vector<16xi32> -> vector<16xf32>
      %min3A_2497 = arith.minimumf %min3A_2483, %gather3A_2496 : vector<16xf32>
      %xor3A_2498 = arith.constant 4 : i32
      %xor3A_2499 = vector.broadcast %xor3A_2498 : i32 to vector<16xi32>
      %xor3A_2500 = arith.xori %iota3A, %xor3A_2499 : vector<16xi32>
      %lt3A_2501 = arith.constant 0 : i32
      %lt3A_2502 = vector.broadcast %lt3A_2501 : i32 to vector<16xi32>
      %lt3A_2503 = arith.cmpi slt, %xor3A_2500, %lt3A_2502 : vector<16xi32>
      %add3A_2504 = arith.constant 16 : i32
      %add3A_2505 = vector.broadcast %add3A_2504 : i32 to vector<16xi32>
      %add3A_2506 = arith.addi %xor3A_2500, %add3A_2505 : vector<16xi32>
      %select_n3A_2507 = arith.select %lt3A_2503, %add3A_2506, %xor3A_2500 : vector<16xi1>, vector<16xi32>
      %broadcast_in_dim3A_2508 = vector.shape_cast %select_n3A_2507 : vector<16xi32> to vector<16x1xi32>
      %gather3A_2509 = vector.shape_cast %broadcast_in_dim3A_2508 : vector<16x1xi32> to vector<16xi32>
      %gather3A_2510 = tpu.dynamic_gather %min3A_2497[%gather3A_2509] in [0] : vector<16xf32>, vector<16xi32> -> vector<16xf32>
      %min3A_2511 = arith.minimumf %min3A_2497, %gather3A_2510 : vector<16xf32>
      %xor3A_2512 = arith.constant 8 : i32
      %xor3A_2513 = vector.broadcast %xor3A_2512 : i32 to vector<16xi32>
      %xor3A_2514 = arith.xori %iota3A, %xor3A_2513 : vector<16xi32>
      %lt3A_2515 = arith.constant 0 : i32
      %lt3A_2516 = vector.broadcast %lt3A_2515 : i32 to vector<16xi32>
      %lt3A_2517 = arith.cmpi slt, %xor3A_2514, %lt3A_2516 : vector<16xi32>
      %add3A_2518 = arith.constant 16 : i32
      %add3A_2519 = vector.broadcast %add3A_2518 : i32 to vector<16xi32>
      %add3A_2520 = arith.addi %xor3A_2514, %add3A_2519 : vector<16xi32>
      %select_n3A_2521 = arith.select %lt3A_2517, %add3A_2520, %xor3A_2514 : vector<16xi1>, vector<16xi32>
      %broadcast_in_dim3A_2522 = vector.shape_cast %select_n3A_2521 : vector<16xi32> to vector<16x1xi32>
      %gather3A_2523 = vector.shape_cast %broadcast_in_dim3A_2522 : vector<16x1xi32> to vector<16xi32>
      %gather3A_2524 = tpu.dynamic_gather %min3A_2511[%gather3A_2523] in [0] : vector<16xf32>, vector<16xi32> -> vector<16xf32>
      %min3A_2525 = arith.minimumf %min3A_2511, %gather3A_2524 : vector<16xf32>
      %eq3A_2526 = arith.cmpf oeq, %select_n3A_2469, %min3A_2525 : vector<16xf32>
      %jit3A_2527 = arith.constant 16 : i32
      %broadcast_in_dim3A_2528 = vector.broadcast %jit3A_2527 : i32 to vector<16xi32>
      %select_n3A_2529 = arith.select %eq3A_2526, %iota3A, %broadcast_in_dim3A_2528 : vector<16xi1>, vector<16xi32>
      %xor3A_2530 = arith.constant 1 : i32
      %xor3A_2531 = vector.broadcast %xor3A_2530 : i32 to vector<16xi32>
      %xor3A_2532 = arith.xori %iota3A, %xor3A_2531 : vector<16xi32>
      %lt3A_2533 = arith.constant 0 : i32
      %lt3A_2534 = vector.broadcast %lt3A_2533 : i32 to vector<16xi32>
      %lt3A_2535 = arith.cmpi slt, %xor3A_2532, %lt3A_2534 : vector<16xi32>
      %add3A_2536 = arith.constant 16 : i32
      %add3A_2537 = vector.broadcast %add3A_2536 : i32 to vector<16xi32>
      %add3A_2538 = arith.addi %xor3A_2532, %add3A_2537 : vector<16xi32>
      %select_n3A_2539 = arith.select %lt3A_2535, %add3A_2538, %xor3A_2532 : vector<16xi1>, vector<16xi32>
      %broadcast_in_dim3A_2540 = vector.shape_cast %select_n3A_2539 : vector<16xi32> to vector<16x1xi32>
      %gather3A_2541 = vector.shape_cast %broadcast_in_dim3A_2540 : vector<16x1xi32> to vector<16xi32>
      %gather3A_2542 = tpu.dynamic_gather %select_n3A_2529[%gather3A_2541] in [0] : vector<16xi32>, vector<16xi32> -> vector<16xi32>
      %min3A_2543 = arith.minsi %select_n3A_2529, %gather3A_2542 : vector<16xi32>
      %xor3A_2544 = arith.constant 2 : i32
      %xor3A_2545 = vector.broadcast %xor3A_2544 : i32 to vector<16xi32>
      %xor3A_2546 = arith.xori %iota3A, %xor3A_2545 : vector<16xi32>
      %lt3A_2547 = arith.constant 0 : i32
      %lt3A_2548 = vector.broadcast %lt3A_2547 : i32 to vector<16xi32>
      %lt3A_2549 = arith.cmpi slt, %xor3A_2546, %lt3A_2548 : vector<16xi32>
      %add3A_2550 = arith.constant 16 : i32
      %add3A_2551 = vector.broadcast %add3A_2550 : i32 to vector<16xi32>
      %add3A_2552 = arith.addi %xor3A_2546, %add3A_2551 : vector<16xi32>
      %select_n3A_2553 = arith.select %lt3A_2549, %add3A_2552, %xor3A_2546 : vector<16xi1>, vector<16xi32>
      %broadcast_in_dim3A_2554 = vector.shape_cast %select_n3A_2553 : vector<16xi32> to vector<16x1xi32>
      %gather3A_2555 = vector.shape_cast %broadcast_in_dim3A_2554 : vector<16x1xi32> to vector<16xi32>
      %gather3A_2556 = tpu.dynamic_gather %min3A_2543[%gather3A_2555] in [0] : vector<16xi32>, vector<16xi32> -> vector<16xi32>
      %min3A_2557 = arith.minsi %min3A_2543, %gather3A_2556 : vector<16xi32>
      %xor3A_2558 = arith.constant 4 : i32
      %xor3A_2559 = vector.broadcast %xor3A_2558 : i32 to vector<16xi32>
      %xor3A_2560 = arith.xori %iota3A, %xor3A_2559 : vector<16xi32>
      %lt3A_2561 = arith.constant 0 : i32
      %lt3A_2562 = vector.broadcast %lt3A_2561 : i32 to vector<16xi32>
      %lt3A_2563 = arith.cmpi slt, %xor3A_2560, %lt3A_2562 : vector<16xi32>
      %add3A_2564 = arith.constant 16 : i32
      %add3A_2565 = vector.broadcast %add3A_2564 : i32 to vector<16xi32>
      %add3A_2566 = arith.addi %xor3A_2560, %add3A_2565 : vector<16xi32>
      %select_n3A_2567 = arith.select %lt3A_2563, %add3A_2566, %xor3A_2560 : vector<16xi1>, vector<16xi32>
      %broadcast_in_dim3A_2568 = vector.shape_cast %select_n3A_2567 : vector<16xi32> to vector<16x1xi32>
      %gather3A_2569 = vector.shape_cast %broadcast_in_dim3A_2568 : vector<16x1xi32> to vector<16xi32>
      %gather3A_2570 = tpu.dynamic_gather %min3A_2557[%gather3A_2569] in [0] : vector<16xi32>, vector<16xi32> -> vector<16xi32>
      %min3A_2571 = arith.minsi %min3A_2557, %gather3A_2570 : vector<16xi32>
      %xor3A_2572 = arith.constant 8 : i32
      %xor3A_2573 = vector.broadcast %xor3A_2572 : i32 to vector<16xi32>
      %xor3A_2574 = arith.xori %iota3A, %xor3A_2573 : vector<16xi32>
      %lt3A_2575 = arith.constant 0 : i32
      %lt3A_2576 = vector.broadcast %lt3A_2575 : i32 to vector<16xi32>
      %lt3A_2577 = arith.cmpi slt, %xor3A_2574, %lt3A_2576 : vector<16xi32>
      %add3A_2578 = arith.constant 16 : i32
      %add3A_2579 = vector.broadcast %add3A_2578 : i32 to vector<16xi32>
      %add3A_2580 = arith.addi %xor3A_2574, %add3A_2579 : vector<16xi32>
      %select_n3A_2581 = arith.select %lt3A_2577, %add3A_2580, %xor3A_2574 : vector<16xi1>, vector<16xi32>
      %broadcast_in_dim3A_2582 = vector.shape_cast %select_n3A_2581 : vector<16xi32> to vector<16x1xi32>
      %gather3A_2583 = vector.shape_cast %broadcast_in_dim3A_2582 : vector<16x1xi32> to vector<16xi32>
      %gather3A_2584 = tpu.dynamic_gather %min3A_2571[%gather3A_2583] in [0] : vector<16xi32>, vector<16xi32> -> vector<16xi32>
      %min3A_2585 = arith.minsi %min3A_2571, %gather3A_2584 : vector<16xi32>
      %eq3A_2586 = arith.constant 7 : i32
      %eq3A_2587 = vector.broadcast %eq3A_2586 : i32 to vector<16xi32>
      %eq3A_2588 = arith.cmpi eq, %iota3A, %eq3A_2587 : vector<16xi32>
      %select_n3A_2589 = arith.select %eq3A_2588, %min3A_2465, %select_n3A_2265 : vector<16xi1>, vector<16xi32>
      %eq3A_2590 = arith.constant 7 : i32
      %eq3A_2591 = vector.broadcast %eq3A_2590 : i32 to vector<16xi32>
      %eq3A_2592 = arith.cmpi eq, %iota3A, %eq3A_2591 : vector<16xi32>
      %select_n3A_2593 = arith.select %eq3A_2592, %min3A_2585, %select_n3A_2269 : vector<16xi1>, vector<16xi32>
      %mul3A_2594 = arith.constant 16 : i32
      %mul3A_2595 = arith.muli %scan3A_8, %mul3A_2594 : i32
      %add3A_2596 = arith.constant 8 : i32
      %add3A_2597 = arith.addi %mul3A_2595, %add3A_2596 : i32
      %get3A_2598 = arith.index_cast %add3A_2597 : i32 to index
      %get3A_2599 = arith.constant 0 : index
      %get3A_2600 = tpu.vector_load %arg6[%get3A_2598, %get3A_2599] {strides = array<i32>} : memref<320x16xf32, #tpu.memory_space<vmem>>, vector<1x16xf32>,
      %get3A_2601 = vector.shape_cast %get3A_2600 : vector<1x16xf32> to vector<16xf32>
      %add3A_2602 = arith.constant 1.000000e+00 : f32
      %add3A_2603 = vector.broadcast %add3A_2602 : f32 to vector<16xf32>
      %add3A_2604 = arith.addf %add3A_2603, %get3A_2601 : vector<16xf32>
      %div3A_2605 = arith.constant 1.000000e+00 : f32
      %div3A_2606 = vector.broadcast %div3A_2605 : f32 to vector<16xf32>
      %div3A_2607 = arith.divf %div3A_2606, %add3A_2604 : vector<16xf32>
      %xor3A_2608 = arith.constant 1 : i32
      %xor3A_2609 = vector.broadcast %xor3A_2608 : i32 to vector<16xi32>
      %xor3A_2610 = arith.xori %iota3A, %xor3A_2609 : vector<16xi32>
      %lt3A_2611 = arith.constant 0 : i32
      %lt3A_2612 = vector.broadcast %lt3A_2611 : i32 to vector<16xi32>
      %lt3A_2613 = arith.cmpi slt, %xor3A_2610, %lt3A_2612 : vector<16xi32>
      %add3A_2614 = arith.constant 16 : i32
      %add3A_2615 = vector.broadcast %add3A_2614 : i32 to vector<16xi32>
      %add3A_2616 = arith.addi %xor3A_2610, %add3A_2615 : vector<16xi32>
      %select_n3A_2617 = arith.select %lt3A_2613, %add3A_2616, %xor3A_2610 : vector<16xi1>, vector<16xi32>
      %broadcast_in_dim3A_2618 = vector.shape_cast %select_n3A_2617 : vector<16xi32> to vector<16x1xi32>
      %gather3A_2619 = vector.shape_cast %broadcast_in_dim3A_2618 : vector<16x1xi32> to vector<16xi32>
      %gather3A_2620 = tpu.dynamic_gather %div3A_2607[%gather3A_2619] in [0] : vector<16xf32>, vector<16xi32> -> vector<16xf32>
      %add3A_2621 = arith.addf %div3A_2607, %gather3A_2620 : vector<16xf32>
      %xor3A_2622 = arith.constant 2 : i32
      %xor3A_2623 = vector.broadcast %xor3A_2622 : i32 to vector<16xi32>
      %xor3A_2624 = arith.xori %iota3A, %xor3A_2623 : vector<16xi32>
      %lt3A_2625 = arith.constant 0 : i32
      %lt3A_2626 = vector.broadcast %lt3A_2625 : i32 to vector<16xi32>
      %lt3A_2627 = arith.cmpi slt, %xor3A_2624, %lt3A_2626 : vector<16xi32>
      %add3A_2628 = arith.constant 16 : i32
      %add3A_2629 = vector.broadcast %add3A_2628 : i32 to vector<16xi32>
      %add3A_2630 = arith.addi %xor3A_2624, %add3A_2629 : vector<16xi32>
      %select_n3A_2631 = arith.select %lt3A_2627, %add3A_2630, %xor3A_2624 : vector<16xi1>, vector<16xi32>
      %broadcast_in_dim3A_2632 = vector.shape_cast %select_n3A_2631 : vector<16xi32> to vector<16x1xi32>
      %gather3A_2633 = vector.shape_cast %broadcast_in_dim3A_2632 : vector<16x1xi32> to vector<16xi32>
      %gather3A_2634 = tpu.dynamic_gather %add3A_2621[%gather3A_2633] in [0] : vector<16xf32>, vector<16xi32> -> vector<16xf32>
      %add3A_2635 = arith.addf %add3A_2621, %gather3A_2634 : vector<16xf32>
      %xor3A_2636 = arith.constant 4 : i32
      %xor3A_2637 = vector.broadcast %xor3A_2636 : i32 to vector<16xi32>
      %xor3A_2638 = arith.xori %iota3A, %xor3A_2637 : vector<16xi32>
      %lt3A_2639 = arith.constant 0 : i32
      %lt3A_2640 = vector.broadcast %lt3A_2639 : i32 to vector<16xi32>
      %lt3A_2641 = arith.cmpi slt, %xor3A_2638, %lt3A_2640 : vector<16xi32>
      %add3A_2642 = arith.constant 16 : i32
      %add3A_2643 = vector.broadcast %add3A_2642 : i32 to vector<16xi32>
      %add3A_2644 = arith.addi %xor3A_2638, %add3A_2643 : vector<16xi32>
      %select_n3A_2645 = arith.select %lt3A_2641, %add3A_2644, %xor3A_2638 : vector<16xi1>, vector<16xi32>
      %broadcast_in_dim3A_2646 = vector.shape_cast %select_n3A_2645 : vector<16xi32> to vector<16x1xi32>
      %gather3A_2647 = vector.shape_cast %broadcast_in_dim3A_2646 : vector<16x1xi32> to vector<16xi32>
      %gather3A_2648 = tpu.dynamic_gather %add3A_2635[%gather3A_2647] in [0] : vector<16xf32>, vector<16xi32> -> vector<16xf32>
      %add3A_2649 = arith.addf %add3A_2635, %gather3A_2648 : vector<16xf32>
      %xor3A_2650 = arith.constant 8 : i32
      %xor3A_2651 = vector.broadcast %xor3A_2650 : i32 to vector<16xi32>
      %xor3A_2652 = arith.xori %iota3A, %xor3A_2651 : vector<16xi32>
      %lt3A_2653 = arith.constant 0 : i32
      %lt3A_2654 = vector.broadcast %lt3A_2653 : i32 to vector<16xi32>
      %lt3A_2655 = arith.cmpi slt, %xor3A_2652, %lt3A_2654 : vector<16xi32>
      %add3A_2656 = arith.constant 16 : i32
      %add3A_2657 = vector.broadcast %add3A_2656 : i32 to vector<16xi32>
      %add3A_2658 = arith.addi %xor3A_2652, %add3A_2657 : vector<16xi32>
      %select_n3A_2659 = arith.select %lt3A_2655, %add3A_2658, %xor3A_2652 : vector<16xi1>, vector<16xi32>
      %broadcast_in_dim3A_2660 = vector.shape_cast %select_n3A_2659 : vector<16xi32> to vector<16x1xi32>
      %gather3A_2661 = vector.shape_cast %broadcast_in_dim3A_2660 : vector<16x1xi32> to vector<16xi32>
      %gather3A_2662 = tpu.dynamic_gather %add3A_2649[%gather3A_2661] in [0] : vector<16xf32>, vector<16xi32> -> vector<16xf32>
      %add3A_2663 = arith.addf %add3A_2649, %gather3A_2662 : vector<16xf32>
      %div3A_2664 = arith.divf %div3A_2607, %add3A_2663 : vector<16xf32>
      %mul3A_2665 = arith.constant 16 : i32
      %mul3A_2666 = arith.muli %scan3A_8, %mul3A_2665 : i32
      %add3A_2667 = arith.constant 8 : i32
      %add3A_2668 = arith.addi %mul3A_2666, %add3A_2667 : i32
      %swap3A_2669 = arith.index_cast %add3A_2668 : i32 to index
      %swap3A_2670 = arith.constant 0 : index
      %swap3A_2671 = tpu.vector_load %arg7[%swap3A_2669, %swap3A_2670] {strides = array<i32>} : memref<320x16xf32, #tpu.memory_space<vmem>>, vector<1x16xf32>,
      %swap3A_2672 = vector.shape_cast %swap3A_2671 : vector<1x16xf32> to vector<16xf32>
      %swap3A_2673 = vector.shape_cast %div3A_2664 : vector<16xf32> to vector<1x16xf32>
      tpu.vector_store %arg7[%swap3A_2669, %swap3A_2670], %swap3A_2673 {strides = array<i32>} : memref<320x16xf32, #tpu.memory_space<vmem>>, vector<1x16xf32>,
      %xor3A_2674 = arith.constant 1 : i32
      %xor3A_2675 = vector.broadcast %xor3A_2674 : i32 to vector<16xi32>
      %xor3A_2676 = arith.xori %iota3A, %xor3A_2675 : vector<16xi32>
      %lt3A_2677 = arith.constant 0 : i32
      %lt3A_2678 = vector.broadcast %lt3A_2677 : i32 to vector<16xi32>
      %lt3A_2679 = arith.cmpi slt, %xor3A_2676, %lt3A_2678 : vector<16xi32>
      %add3A_2680 = arith.constant 16 : i32
      %add3A_2681 = vector.broadcast %add3A_2680 : i32 to vector<16xi32>
      %add3A_2682 = arith.addi %xor3A_2676, %add3A_2681 : vector<16xi32>
      %select_n3A_2683 = arith.select %lt3A_2679, %add3A_2682, %xor3A_2676 : vector<16xi1>, vector<16xi32>
      %broadcast_in_dim3A_2684 = vector.shape_cast %select_n3A_2683 : vector<16xi32> to vector<16x1xi32>
      %gather3A_2685 = vector.shape_cast %broadcast_in_dim3A_2684 : vector<16x1xi32> to vector<16xi32>
      %gather3A_2686 = tpu.dynamic_gather %get3A_2601[%gather3A_2685] in [0] : vector<16xf32>, vector<16xi32> -> vector<16xf32>
      %min3A_2687 = arith.minimumf %get3A_2601, %gather3A_2686 : vector<16xf32>
      %xor3A_2688 = arith.constant 2 : i32
      %xor3A_2689 = vector.broadcast %xor3A_2688 : i32 to vector<16xi32>
      %xor3A_2690 = arith.xori %iota3A, %xor3A_2689 : vector<16xi32>
      %lt3A_2691 = arith.constant 0 : i32
      %lt3A_2692 = vector.broadcast %lt3A_2691 : i32 to vector<16xi32>
      %lt3A_2693 = arith.cmpi slt, %xor3A_2690, %lt3A_2692 : vector<16xi32>
      %add3A_2694 = arith.constant 16 : i32
      %add3A_2695 = vector.broadcast %add3A_2694 : i32 to vector<16xi32>
      %add3A_2696 = arith.addi %xor3A_2690, %add3A_2695 : vector<16xi32>
      %select_n3A_2697 = arith.select %lt3A_2693, %add3A_2696, %xor3A_2690 : vector<16xi1>, vector<16xi32>
      %broadcast_in_dim3A_2698 = vector.shape_cast %select_n3A_2697 : vector<16xi32> to vector<16x1xi32>
      %gather3A_2699 = vector.shape_cast %broadcast_in_dim3A_2698 : vector<16x1xi32> to vector<16xi32>
      %gather3A_2700 = tpu.dynamic_gather %min3A_2687[%gather3A_2699] in [0] : vector<16xf32>, vector<16xi32> -> vector<16xf32>
      %min3A_2701 = arith.minimumf %min3A_2687, %gather3A_2700 : vector<16xf32>
      %xor3A_2702 = arith.constant 4 : i32
      %xor3A_2703 = vector.broadcast %xor3A_2702 : i32 to vector<16xi32>
      %xor3A_2704 = arith.xori %iota3A, %xor3A_2703 : vector<16xi32>
      %lt3A_2705 = arith.constant 0 : i32
      %lt3A_2706 = vector.broadcast %lt3A_2705 : i32 to vector<16xi32>
      %lt3A_2707 = arith.cmpi slt, %xor3A_2704, %lt3A_2706 : vector<16xi32>
      %add3A_2708 = arith.constant 16 : i32
      %add3A_2709 = vector.broadcast %add3A_2708 : i32 to vector<16xi32>
      %add3A_2710 = arith.addi %xor3A_2704, %add3A_2709 : vector<16xi32>
      %select_n3A_2711 = arith.select %lt3A_2707, %add3A_2710, %xor3A_2704 : vector<16xi1>, vector<16xi32>
      %broadcast_in_dim3A_2712 = vector.shape_cast %select_n3A_2711 : vector<16xi32> to vector<16x1xi32>
      %gather3A_2713 = vector.shape_cast %broadcast_in_dim3A_2712 : vector<16x1xi32> to vector<16xi32>
      %gather3A_2714 = tpu.dynamic_gather %min3A_2701[%gather3A_2713] in [0] : vector<16xf32>, vector<16xi32> -> vector<16xf32>
      %min3A_2715 = arith.minimumf %min3A_2701, %gather3A_2714 : vector<16xf32>
      %xor3A_2716 = arith.constant 8 : i32
      %xor3A_2717 = vector.broadcast %xor3A_2716 : i32 to vector<16xi32>
      %xor3A_2718 = arith.xori %iota3A, %xor3A_2717 : vector<16xi32>
      %lt3A_2719 = arith.constant 0 : i32
      %lt3A_2720 = vector.broadcast %lt3A_2719 : i32 to vector<16xi32>
      %lt3A_2721 = arith.cmpi slt, %xor3A_2718, %lt3A_2720 : vector<16xi32>
      %add3A_2722 = arith.constant 16 : i32
      %add3A_2723 = vector.broadcast %add3A_2722 : i32 to vector<16xi32>
      %add3A_2724 = arith.addi %xor3A_2718, %add3A_2723 : vector<16xi32>
      %select_n3A_2725 = arith.select %lt3A_2721, %add3A_2724, %xor3A_2718 : vector<16xi1>, vector<16xi32>
      %broadcast_in_dim3A_2726 = vector.shape_cast %select_n3A_2725 : vector<16xi32> to vector<16x1xi32>
      %gather3A_2727 = vector.shape_cast %broadcast_in_dim3A_2726 : vector<16x1xi32> to vector<16xi32>
      %gather3A_2728 = tpu.dynamic_gather %min3A_2715[%gather3A_2727] in [0] : vector<16xf32>, vector<16xi32> -> vector<16xf32>
      %min3A_2729 = arith.minimumf %min3A_2715, %gather3A_2728 : vector<16xf32>
      %eq3A_2730 = arith.cmpf oeq, %get3A_2601, %min3A_2729 : vector<16xf32>
      %jit3A_2731 = arith.constant 16 : i32
      %broadcast_in_dim3A_2732 = vector.broadcast %jit3A_2731 : i32 to vector<16xi32>
      %select_n3A_2733 = arith.select %eq3A_2730, %iota3A, %broadcast_in_dim3A_2732 : vector<16xi1>, vector<16xi32>
      %xor3A_2734 = arith.constant 1 : i32
      %xor3A_2735 = vector.broadcast %xor3A_2734 : i32 to vector<16xi32>
      %xor3A_2736 = arith.xori %iota3A, %xor3A_2735 : vector<16xi32>
      %lt3A_2737 = arith.constant 0 : i32
      %lt3A_2738 = vector.broadcast %lt3A_2737 : i32 to vector<16xi32>
      %lt3A_2739 = arith.cmpi slt, %xor3A_2736, %lt3A_2738 : vector<16xi32>
      %add3A_2740 = arith.constant 16 : i32
      %add3A_2741 = vector.broadcast %add3A_2740 : i32 to vector<16xi32>
      %add3A_2742 = arith.addi %xor3A_2736, %add3A_2741 : vector<16xi32>
      %select_n3A_2743 = arith.select %lt3A_2739, %add3A_2742, %xor3A_2736 : vector<16xi1>, vector<16xi32>
      %broadcast_in_dim3A_2744 = vector.shape_cast %select_n3A_2743 : vector<16xi32> to vector<16x1xi32>
      %gather3A_2745 = vector.shape_cast %broadcast_in_dim3A_2744 : vector<16x1xi32> to vector<16xi32>
      %gather3A_2746 = tpu.dynamic_gather %select_n3A_2733[%gather3A_2745] in [0] : vector<16xi32>, vector<16xi32> -> vector<16xi32>
      %min3A_2747 = arith.minsi %select_n3A_2733, %gather3A_2746 : vector<16xi32>
      %xor3A_2748 = arith.constant 2 : i32
      %xor3A_2749 = vector.broadcast %xor3A_2748 : i32 to vector<16xi32>
      %xor3A_2750 = arith.xori %iota3A, %xor3A_2749 : vector<16xi32>
      %lt3A_2751 = arith.constant 0 : i32
      %lt3A_2752 = vector.broadcast %lt3A_2751 : i32 to vector<16xi32>
      %lt3A_2753 = arith.cmpi slt, %xor3A_2750, %lt3A_2752 : vector<16xi32>
      %add3A_2754 = arith.constant 16 : i32
      %add3A_2755 = vector.broadcast %add3A_2754 : i32 to vector<16xi32>
      %add3A_2756 = arith.addi %xor3A_2750, %add3A_2755 : vector<16xi32>
      %select_n3A_2757 = arith.select %lt3A_2753, %add3A_2756, %xor3A_2750 : vector<16xi1>, vector<16xi32>
      %broadcast_in_dim3A_2758 = vector.shape_cast %select_n3A_2757 : vector<16xi32> to vector<16x1xi32>
      %gather3A_2759 = vector.shape_cast %broadcast_in_dim3A_2758 : vector<16x1xi32> to vector<16xi32>
      %gather3A_2760 = tpu.dynamic_gather %min3A_2747[%gather3A_2759] in [0] : vector<16xi32>, vector<16xi32> -> vector<16xi32>
      %min3A_2761 = arith.minsi %min3A_2747, %gather3A_2760 : vector<16xi32>
      %xor3A_2762 = arith.constant 4 : i32
      %xor3A_2763 = vector.broadcast %xor3A_2762 : i32 to vector<16xi32>
      %xor3A_2764 = arith.xori %iota3A, %xor3A_2763 : vector<16xi32>
      %lt3A_2765 = arith.constant 0 : i32
      %lt3A_2766 = vector.broadcast %lt3A_2765 : i32 to vector<16xi32>
      %lt3A_2767 = arith.cmpi slt, %xor3A_2764, %lt3A_2766 : vector<16xi32>
      %add3A_2768 = arith.constant 16 : i32
      %add3A_2769 = vector.broadcast %add3A_2768 : i32 to vector<16xi32>
      %add3A_2770 = arith.addi %xor3A_2764, %add3A_2769 : vector<16xi32>
      %select_n3A_2771 = arith.select %lt3A_2767, %add3A_2770, %xor3A_2764 : vector<16xi1>, vector<16xi32>
      %broadcast_in_dim3A_2772 = vector.shape_cast %select_n3A_2771 : vector<16xi32> to vector<16x1xi32>
      %gather3A_2773 = vector.shape_cast %broadcast_in_dim3A_2772 : vector<16x1xi32> to vector<16xi32>
      %gather3A_2774 = tpu.dynamic_gather %min3A_2761[%gather3A_2773] in [0] : vector<16xi32>, vector<16xi32> -> vector<16xi32>
      %min3A_2775 = arith.minsi %min3A_2761, %gather3A_2774 : vector<16xi32>
      %xor3A_2776 = arith.constant 8 : i32
      %xor3A_2777 = vector.broadcast %xor3A_2776 : i32 to vector<16xi32>
      %xor3A_2778 = arith.xori %iota3A, %xor3A_2777 : vector<16xi32>
      %lt3A_2779 = arith.constant 0 : i32
      %lt3A_2780 = vector.broadcast %lt3A_2779 : i32 to vector<16xi32>
      %lt3A_2781 = arith.cmpi slt, %xor3A_2778, %lt3A_2780 : vector<16xi32>
      %add3A_2782 = arith.constant 16 : i32
      %add3A_2783 = vector.broadcast %add3A_2782 : i32 to vector<16xi32>
      %add3A_2784 = arith.addi %xor3A_2778, %add3A_2783 : vector<16xi32>
      %select_n3A_2785 = arith.select %lt3A_2781, %add3A_2784, %xor3A_2778 : vector<16xi1>, vector<16xi32>
      %broadcast_in_dim3A_2786 = vector.shape_cast %select_n3A_2785 : vector<16xi32> to vector<16x1xi32>
      %gather3A_2787 = vector.shape_cast %broadcast_in_dim3A_2786 : vector<16x1xi32> to vector<16xi32>
      %gather3A_2788 = tpu.dynamic_gather %min3A_2775[%gather3A_2787] in [0] : vector<16xi32>, vector<16xi32> -> vector<16xi32>
      %min3A_2789 = arith.minsi %min3A_2775, %gather3A_2788 : vector<16xi32>
      %eq3A_2790 = arith.cmpi eq, %iota3A, %min3A_2789 : vector<16xi32>
      %jit3A_2791 = arith.constant 0x7F800000 : f32
      %broadcast_in_dim3A_2792 = vector.broadcast %jit3A_2791 : f32 to vector<16xf32>
      %select_n3A_2793 = arith.select %eq3A_2790, %broadcast_in_dim3A_2792, %get3A_2601 : vector<16xi1>, vector<16xf32>
      %xor3A_2794 = arith.constant 1 : i32
      %xor3A_2795 = vector.broadcast %xor3A_2794 : i32 to vector<16xi32>
      %xor3A_2796 = arith.xori %iota3A, %xor3A_2795 : vector<16xi32>
      %lt3A_2797 = arith.constant 0 : i32
      %lt3A_2798 = vector.broadcast %lt3A_2797 : i32 to vector<16xi32>
      %lt3A_2799 = arith.cmpi slt, %xor3A_2796, %lt3A_2798 : vector<16xi32>
      %add3A_2800 = arith.constant 16 : i32
      %add3A_2801 = vector.broadcast %add3A_2800 : i32 to vector<16xi32>
      %add3A_2802 = arith.addi %xor3A_2796, %add3A_2801 : vector<16xi32>
      %select_n3A_2803 = arith.select %lt3A_2799, %add3A_2802, %xor3A_2796 : vector<16xi1>, vector<16xi32>
      %broadcast_in_dim3A_2804 = vector.shape_cast %select_n3A_2803 : vector<16xi32> to vector<16x1xi32>
      %gather3A_2805 = vector.shape_cast %broadcast_in_dim3A_2804 : vector<16x1xi32> to vector<16xi32>
      %gather3A_2806 = tpu.dynamic_gather %select_n3A_2793[%gather3A_2805] in [0] : vector<16xf32>, vector<16xi32> -> vector<16xf32>
      %min3A_2807 = arith.minimumf %select_n3A_2793, %gather3A_2806 : vector<16xf32>
      %xor3A_2808 = arith.constant 2 : i32
      %xor3A_2809 = vector.broadcast %xor3A_2808 : i32 to vector<16xi32>
      %xor3A_2810 = arith.xori %iota3A, %xor3A_2809 : vector<16xi32>
      %lt3A_2811 = arith.constant 0 : i32
      %lt3A_2812 = vector.broadcast %lt3A_2811 : i32 to vector<16xi32>
      %lt3A_2813 = arith.cmpi slt, %xor3A_2810, %lt3A_2812 : vector<16xi32>
      %add3A_2814 = arith.constant 16 : i32
      %add3A_2815 = vector.broadcast %add3A_2814 : i32 to vector<16xi32>
      %add3A_2816 = arith.addi %xor3A_2810, %add3A_2815 : vector<16xi32>
      %select_n3A_2817 = arith.select %lt3A_2813, %add3A_2816, %xor3A_2810 : vector<16xi1>, vector<16xi32>
      %broadcast_in_dim3A_2818 = vector.shape_cast %select_n3A_2817 : vector<16xi32> to vector<16x1xi32>
      %gather3A_2819 = vector.shape_cast %broadcast_in_dim3A_2818 : vector<16x1xi32> to vector<16xi32>
      %gather3A_2820 = tpu.dynamic_gather %min3A_2807[%gather3A_2819] in [0] : vector<16xf32>, vector<16xi32> -> vector<16xf32>
      %min3A_2821 = arith.minimumf %min3A_2807, %gather3A_2820 : vector<16xf32>
      %xor3A_2822 = arith.constant 4 : i32
      %xor3A_2823 = vector.broadcast %xor3A_2822 : i32 to vector<16xi32>
      %xor3A_2824 = arith.xori %iota3A, %xor3A_2823 : vector<16xi32>
      %lt3A_2825 = arith.constant 0 : i32
      %lt3A_2826 = vector.broadcast %lt3A_2825 : i32 to vector<16xi32>
      %lt3A_2827 = arith.cmpi slt, %xor3A_2824, %lt3A_2826 : vector<16xi32>
      %add3A_2828 = arith.constant 16 : i32
      %add3A_2829 = vector.broadcast %add3A_2828 : i32 to vector<16xi32>
      %add3A_2830 = arith.addi %xor3A_2824, %add3A_2829 : vector<16xi32>
      %select_n3A_2831 = arith.select %lt3A_2827, %add3A_2830, %xor3A_2824 : vector<16xi1>, vector<16xi32>
      %broadcast_in_dim3A_2832 = vector.shape_cast %select_n3A_2831 : vector<16xi32> to vector<16x1xi32>
      %gather3A_2833 = vector.shape_cast %broadcast_in_dim3A_2832 : vector<16x1xi32> to vector<16xi32>
      %gather3A_2834 = tpu.dynamic_gather %min3A_2821[%gather3A_2833] in [0] : vector<16xf32>, vector<16xi32> -> vector<16xf32>
      %min3A_2835 = arith.minimumf %min3A_2821, %gather3A_2834 : vector<16xf32>
      %xor3A_2836 = arith.constant 8 : i32
      %xor3A_2837 = vector.broadcast %xor3A_2836 : i32 to vector<16xi32>
      %xor3A_2838 = arith.xori %iota3A, %xor3A_2837 : vector<16xi32>
      %lt3A_2839 = arith.constant 0 : i32
      %lt3A_2840 = vector.broadcast %lt3A_2839 : i32 to vector<16xi32>
      %lt3A_2841 = arith.cmpi slt, %xor3A_2838, %lt3A_2840 : vector<16xi32>
      %add3A_2842 = arith.constant 16 : i32
      %add3A_2843 = vector.broadcast %add3A_2842 : i32 to vector<16xi32>
      %add3A_2844 = arith.addi %xor3A_2838, %add3A_2843 : vector<16xi32>
      %select_n3A_2845 = arith.select %lt3A_2841, %add3A_2844, %xor3A_2838 : vector<16xi1>, vector<16xi32>
      %broadcast_in_dim3A_2846 = vector.shape_cast %select_n3A_2845 : vector<16xi32> to vector<16x1xi32>
      %gather3A_2847 = vector.shape_cast %broadcast_in_dim3A_2846 : vector<16x1xi32> to vector<16xi32>
      %gather3A_2848 = tpu.dynamic_gather %min3A_2835[%gather3A_2847] in [0] : vector<16xf32>, vector<16xi32> -> vector<16xf32>
      %min3A_2849 = arith.minimumf %min3A_2835, %gather3A_2848 : vector<16xf32>
      %eq3A_2850 = arith.cmpf oeq, %select_n3A_2793, %min3A_2849 : vector<16xf32>
      %jit3A_2851 = arith.constant 16 : i32
      %broadcast_in_dim3A_2852 = vector.broadcast %jit3A_2851 : i32 to vector<16xi32>
      %select_n3A_2853 = arith.select %eq3A_2850, %iota3A, %broadcast_in_dim3A_2852 : vector<16xi1>, vector<16xi32>
      %xor3A_2854 = arith.constant 1 : i32
      %xor3A_2855 = vector.broadcast %xor3A_2854 : i32 to vector<16xi32>
      %xor3A_2856 = arith.xori %iota3A, %xor3A_2855 : vector<16xi32>
      %lt3A_2857 = arith.constant 0 : i32
      %lt3A_2858 = vector.broadcast %lt3A_2857 : i32 to vector<16xi32>
      %lt3A_2859 = arith.cmpi slt, %xor3A_2856, %lt3A_2858 : vector<16xi32>
      %add3A_2860 = arith.constant 16 : i32
      %add3A_2861 = vector.broadcast %add3A_2860 : i32 to vector<16xi32>
      %add3A_2862 = arith.addi %xor3A_2856, %add3A_2861 : vector<16xi32>
      %select_n3A_2863 = arith.select %lt3A_2859, %add3A_2862, %xor3A_2856 : vector<16xi1>, vector<16xi32>
      %broadcast_in_dim3A_2864 = vector.shape_cast %select_n3A_2863 : vector<16xi32> to vector<16x1xi32>
      %gather3A_2865 = vector.shape_cast %broadcast_in_dim3A_2864 : vector<16x1xi32> to vector<16xi32>
      %gather3A_2866 = tpu.dynamic_gather %select_n3A_2853[%gather3A_2865] in [0] : vector<16xi32>, vector<16xi32> -> vector<16xi32>
      %min3A_2867 = arith.minsi %select_n3A_2853, %gather3A_2866 : vector<16xi32>
      %xor3A_2868 = arith.constant 2 : i32
      %xor3A_2869 = vector.broadcast %xor3A_2868 : i32 to vector<16xi32>
      %xor3A_2870 = arith.xori %iota3A, %xor3A_2869 : vector<16xi32>
      %lt3A_2871 = arith.constant 0 : i32
      %lt3A_2872 = vector.broadcast %lt3A_2871 : i32 to vector<16xi32>
      %lt3A_2873 = arith.cmpi slt, %xor3A_2870, %lt3A_2872 : vector<16xi32>
      %add3A_2874 = arith.constant 16 : i32
      %add3A_2875 = vector.broadcast %add3A_2874 : i32 to vector<16xi32>
      %add3A_2876 = arith.addi %xor3A_2870, %add3A_2875 : vector<16xi32>
      %select_n3A_2877 = arith.select %lt3A_2873, %add3A_2876, %xor3A_2870 : vector<16xi1>, vector<16xi32>
      %broadcast_in_dim3A_2878 = vector.shape_cast %select_n3A_2877 : vector<16xi32> to vector<16x1xi32>
      %gather3A_2879 = vector.shape_cast %broadcast_in_dim3A_2878 : vector<16x1xi32> to vector<16xi32>
      %gather3A_2880 = tpu.dynamic_gather %min3A_2867[%gather3A_2879] in [0] : vector<16xi32>, vector<16xi32> -> vector<16xi32>
      %min3A_2881 = arith.minsi %min3A_2867, %gather3A_2880 : vector<16xi32>
      %xor3A_2882 = arith.constant 4 : i32
      %xor3A_2883 = vector.broadcast %xor3A_2882 : i32 to vector<16xi32>
      %xor3A_2884 = arith.xori %iota3A, %xor3A_2883 : vector<16xi32>
      %lt3A_2885 = arith.constant 0 : i32
      %lt3A_2886 = vector.broadcast %lt3A_2885 : i32 to vector<16xi32>
      %lt3A_2887 = arith.cmpi slt, %xor3A_2884, %lt3A_2886 : vector<16xi32>
      %add3A_2888 = arith.constant 16 : i32
      %add3A_2889 = vector.broadcast %add3A_2888 : i32 to vector<16xi32>
      %add3A_2890 = arith.addi %xor3A_2884, %add3A_2889 : vector<16xi32>
      %select_n3A_2891 = arith.select %lt3A_2887, %add3A_2890, %xor3A_2884 : vector<16xi1>, vector<16xi32>
      %broadcast_in_dim3A_2892 = vector.shape_cast %select_n3A_2891 : vector<16xi32> to vector<16x1xi32>
      %gather3A_2893 = vector.shape_cast %broadcast_in_dim3A_2892 : vector<16x1xi32> to vector<16xi32>
      %gather3A_2894 = tpu.dynamic_gather %min3A_2881[%gather3A_2893] in [0] : vector<16xi32>, vector<16xi32> -> vector<16xi32>
      %min3A_2895 = arith.minsi %min3A_2881, %gather3A_2894 : vector<16xi32>
      %xor3A_2896 = arith.constant 8 : i32
      %xor3A_2897 = vector.broadcast %xor3A_2896 : i32 to vector<16xi32>
      %xor3A_2898 = arith.xori %iota3A, %xor3A_2897 : vector<16xi32>
      %lt3A_2899 = arith.constant 0 : i32
      %lt3A_2900 = vector.broadcast %lt3A_2899 : i32 to vector<16xi32>
      %lt3A_2901 = arith.cmpi slt, %xor3A_2898, %lt3A_2900 : vector<16xi32>
      %add3A_2902 = arith.constant 16 : i32
      %add3A_2903 = vector.broadcast %add3A_2902 : i32 to vector<16xi32>
      %add3A_2904 = arith.addi %xor3A_2898, %add3A_2903 : vector<16xi32>
      %select_n3A_2905 = arith.select %lt3A_2901, %add3A_2904, %xor3A_2898 : vector<16xi1>, vector<16xi32>
      %broadcast_in_dim3A_2906 = vector.shape_cast %select_n3A_2905 : vector<16xi32> to vector<16x1xi32>
      %gather3A_2907 = vector.shape_cast %broadcast_in_dim3A_2906 : vector<16x1xi32> to vector<16xi32>
      %gather3A_2908 = tpu.dynamic_gather %min3A_2895[%gather3A_2907] in [0] : vector<16xi32>, vector<16xi32> -> vector<16xi32>
      %min3A_2909 = arith.minsi %min3A_2895, %gather3A_2908 : vector<16xi32>
      %eq3A_2910 = arith.constant 8 : i32
      %eq3A_2911 = vector.broadcast %eq3A_2910 : i32 to vector<16xi32>
      %eq3A_2912 = arith.cmpi eq, %iota3A, %eq3A_2911 : vector<16xi32>
      %select_n3A_2913 = arith.select %eq3A_2912, %min3A_2789, %select_n3A_2589 : vector<16xi1>, vector<16xi32>
      %eq3A_2914 = arith.constant 8 : i32
      %eq3A_2915 = vector.broadcast %eq3A_2914 : i32 to vector<16xi32>
      %eq3A_2916 = arith.cmpi eq, %iota3A, %eq3A_2915 : vector<16xi32>
      %select_n3A_2917 = arith.select %eq3A_2916, %min3A_2909, %select_n3A_2593 : vector<16xi1>, vector<16xi32>
      %mul3A_2918 = arith.constant 16 : i32
      %mul3A_2919 = arith.muli %scan3A_8, %mul3A_2918 : i32
      %add3A_2920 = arith.constant 9 : i32
      %add3A_2921 = arith.addi %mul3A_2919, %add3A_2920 : i32
      %get3A_2922 = arith.index_cast %add3A_2921 : i32 to index
      %get3A_2923 = arith.constant 0 : index
      %get3A_2924 = tpu.vector_load %arg6[%get3A_2922, %get3A_2923] {strides = array<i32>} : memref<320x16xf32, #tpu.memory_space<vmem>>, vector<1x16xf32>,
      %get3A_2925 = vector.shape_cast %get3A_2924 : vector<1x16xf32> to vector<16xf32>
      %add3A_2926 = arith.constant 1.000000e+00 : f32
      %add3A_2927 = vector.broadcast %add3A_2926 : f32 to vector<16xf32>
      %add3A_2928 = arith.addf %add3A_2927, %get3A_2925 : vector<16xf32>
      %div3A_2929 = arith.constant 1.000000e+00 : f32
      %div3A_2930 = vector.broadcast %div3A_2929 : f32 to vector<16xf32>
      %div3A_2931 = arith.divf %div3A_2930, %add3A_2928 : vector<16xf32>
      %xor3A_2932 = arith.constant 1 : i32
      %xor3A_2933 = vector.broadcast %xor3A_2932 : i32 to vector<16xi32>
      %xor3A_2934 = arith.xori %iota3A, %xor3A_2933 : vector<16xi32>
      %lt3A_2935 = arith.constant 0 : i32
      %lt3A_2936 = vector.broadcast %lt3A_2935 : i32 to vector<16xi32>
      %lt3A_2937 = arith.cmpi slt, %xor3A_2934, %lt3A_2936 : vector<16xi32>
      %add3A_2938 = arith.constant 16 : i32
      %add3A_2939 = vector.broadcast %add3A_2938 : i32 to vector<16xi32>
      %add3A_2940 = arith.addi %xor3A_2934, %add3A_2939 : vector<16xi32>
      %select_n3A_2941 = arith.select %lt3A_2937, %add3A_2940, %xor3A_2934 : vector<16xi1>, vector<16xi32>
      %broadcast_in_dim3A_2942 = vector.shape_cast %select_n3A_2941 : vector<16xi32> to vector<16x1xi32>
      %gather3A_2943 = vector.shape_cast %broadcast_in_dim3A_2942 : vector<16x1xi32> to vector<16xi32>
      %gather3A_2944 = tpu.dynamic_gather %div3A_2931[%gather3A_2943] in [0] : vector<16xf32>, vector<16xi32> -> vector<16xf32>
      %add3A_2945 = arith.addf %div3A_2931, %gather3A_2944 : vector<16xf32>
      %xor3A_2946 = arith.constant 2 : i32
      %xor3A_2947 = vector.broadcast %xor3A_2946 : i32 to vector<16xi32>
      %xor3A_2948 = arith.xori %iota3A, %xor3A_2947 : vector<16xi32>
      %lt3A_2949 = arith.constant 0 : i32
      %lt3A_2950 = vector.broadcast %lt3A_2949 : i32 to vector<16xi32>
      %lt3A_2951 = arith.cmpi slt, %xor3A_2948, %lt3A_2950 : vector<16xi32>
      %add3A_2952 = arith.constant 16 : i32
      %add3A_2953 = vector.broadcast %add3A_2952 : i32 to vector<16xi32>
      %add3A_2954 = arith.addi %xor3A_2948, %add3A_2953 : vector<16xi32>
      %select_n3A_2955 = arith.select %lt3A_2951, %add3A_2954, %xor3A_2948 : vector<16xi1>, vector<16xi32>
      %broadcast_in_dim3A_2956 = vector.shape_cast %select_n3A_2955 : vector<16xi32> to vector<16x1xi32>
      %gather3A_2957 = vector.shape_cast %broadcast_in_dim3A_2956 : vector<16x1xi32> to vector<16xi32>
      %gather3A_2958 = tpu.dynamic_gather %add3A_2945[%gather3A_2957] in [0] : vector<16xf32>, vector<16xi32> -> vector<16xf32>
      %add3A_2959 = arith.addf %add3A_2945, %gather3A_2958 : vector<16xf32>
      %xor3A_2960 = arith.constant 4 : i32
      %xor3A_2961 = vector.broadcast %xor3A_2960 : i32 to vector<16xi32>
      %xor3A_2962 = arith.xori %iota3A, %xor3A_2961 : vector<16xi32>
      %lt3A_2963 = arith.constant 0 : i32
      %lt3A_2964 = vector.broadcast %lt3A_2963 : i32 to vector<16xi32>
      %lt3A_2965 = arith.cmpi slt, %xor3A_2962, %lt3A_2964 : vector<16xi32>
      %add3A_2966 = arith.constant 16 : i32
      %add3A_2967 = vector.broadcast %add3A_2966 : i32 to vector<16xi32>
      %add3A_2968 = arith.addi %xor3A_2962, %add3A_2967 : vector<16xi32>
      %select_n3A_2969 = arith.select %lt3A_2965, %add3A_2968, %xor3A_2962 : vector<16xi1>, vector<16xi32>
      %broadcast_in_dim3A_2970 = vector.shape_cast %select_n3A_2969 : vector<16xi32> to vector<16x1xi32>
      %gather3A_2971 = vector.shape_cast %broadcast_in_dim3A_2970 : vector<16x1xi32> to vector<16xi32>
      %gather3A_2972 = tpu.dynamic_gather %add3A_2959[%gather3A_2971] in [0] : vector<16xf32>, vector<16xi32> -> vector<16xf32>
      %add3A_2973 = arith.addf %add3A_2959, %gather3A_2972 : vector<16xf32>
      %xor3A_2974 = arith.constant 8 : i32
      %xor3A_2975 = vector.broadcast %xor3A_2974 : i32 to vector<16xi32>
      %xor3A_2976 = arith.xori %iota3A, %xor3A_2975 : vector<16xi32>
      %lt3A_2977 = arith.constant 0 : i32
      %lt3A_2978 = vector.broadcast %lt3A_2977 : i32 to vector<16xi32>
      %lt3A_2979 = arith.cmpi slt, %xor3A_2976, %lt3A_2978 : vector<16xi32>
      %add3A_2980 = arith.constant 16 : i32
      %add3A_2981 = vector.broadcast %add3A_2980 : i32 to vector<16xi32>
      %add3A_2982 = arith.addi %xor3A_2976, %add3A_2981 : vector<16xi32>
      %select_n3A_2983 = arith.select %lt3A_2979, %add3A_2982, %xor3A_2976 : vector<16xi1>, vector<16xi32>
      %broadcast_in_dim3A_2984 = vector.shape_cast %select_n3A_2983 : vector<16xi32> to vector<16x1xi32>
      %gather3A_2985 = vector.shape_cast %broadcast_in_dim3A_2984 : vector<16x1xi32> to vector<16xi32>
      %gather3A_2986 = tpu.dynamic_gather %add3A_2973[%gather3A_2985] in [0] : vector<16xf32>, vector<16xi32> -> vector<16xf32>
      %add3A_2987 = arith.addf %add3A_2973, %gather3A_2986 : vector<16xf32>
      %div3A_2988 = arith.divf %div3A_2931, %add3A_2987 : vector<16xf32>
      %mul3A_2989 = arith.constant 16 : i32
      %mul3A_2990 = arith.muli %scan3A_8, %mul3A_2989 : i32
      %add3A_2991 = arith.constant 9 : i32
      %add3A_2992 = arith.addi %mul3A_2990, %add3A_2991 : i32
      %swap3A_2993 = arith.index_cast %add3A_2992 : i32 to index
      %swap3A_2994 = arith.constant 0 : index
      %swap3A_2995 = tpu.vector_load %arg7[%swap3A_2993, %swap3A_2994] {strides = array<i32>} : memref<320x16xf32, #tpu.memory_space<vmem>>, vector<1x16xf32>,
      %swap3A_2996 = vector.shape_cast %swap3A_2995 : vector<1x16xf32> to vector<16xf32>
      %swap3A_2997 = vector.shape_cast %div3A_2988 : vector<16xf32> to vector<1x16xf32>
      tpu.vector_store %arg7[%swap3A_2993, %swap3A_2994], %swap3A_2997 {strides = array<i32>} : memref<320x16xf32, #tpu.memory_space<vmem>>, vector<1x16xf32>,
      %xor3A_2998 = arith.constant 1 : i32
      %xor3A_2999 = vector.broadcast %xor3A_2998 : i32 to vector<16xi32>
      %xor3A_3000 = arith.xori %iota3A, %xor3A_2999 : vector<16xi32>
      %lt3A_3001 = arith.constant 0 : i32
      %lt3A_3002 = vector.broadcast %lt3A_3001 : i32 to vector<16xi32>
      %lt3A_3003 = arith.cmpi slt, %xor3A_3000, %lt3A_3002 : vector<16xi32>
      %add3A_3004 = arith.constant 16 : i32
      %add3A_3005 = vector.broadcast %add3A_3004 : i32 to vector<16xi32>
      %add3A_3006 = arith.addi %xor3A_3000, %add3A_3005 : vector<16xi32>
      %select_n3A_3007 = arith.select %lt3A_3003, %add3A_3006, %xor3A_3000 : vector<16xi1>, vector<16xi32>
      %broadcast_in_dim3A_3008 = vector.shape_cast %select_n3A_3007 : vector<16xi32> to vector<16x1xi32>
      %gather3A_3009 = vector.shape_cast %broadcast_in_dim3A_3008 : vector<16x1xi32> to vector<16xi32>
      %gather3A_3010 = tpu.dynamic_gather %get3A_2925[%gather3A_3009] in [0] : vector<16xf32>, vector<16xi32> -> vector<16xf32>
      %min3A_3011 = arith.minimumf %get3A_2925, %gather3A_3010 : vector<16xf32>
      %xor3A_3012 = arith.constant 2 : i32
      %xor3A_3013 = vector.broadcast %xor3A_3012 : i32 to vector<16xi32>
      %xor3A_3014 = arith.xori %iota3A, %xor3A_3013 : vector<16xi32>
      %lt3A_3015 = arith.constant 0 : i32
      %lt3A_3016 = vector.broadcast %lt3A_3015 : i32 to vector<16xi32>
      %lt3A_3017 = arith.cmpi slt, %xor3A_3014, %lt3A_3016 : vector<16xi32>
      %add3A_3018 = arith.constant 16 : i32
      %add3A_3019 = vector.broadcast %add3A_3018 : i32 to vector<16xi32>
      %add3A_3020 = arith.addi %xor3A_3014, %add3A_3019 : vector<16xi32>
      %select_n3A_3021 = arith.select %lt3A_3017, %add3A_3020, %xor3A_3014 : vector<16xi1>, vector<16xi32>
      %broadcast_in_dim3A_3022 = vector.shape_cast %select_n3A_3021 : vector<16xi32> to vector<16x1xi32>
      %gather3A_3023 = vector.shape_cast %broadcast_in_dim3A_3022 : vector<16x1xi32> to vector<16xi32>
      %gather3A_3024 = tpu.dynamic_gather %min3A_3011[%gather3A_3023] in [0] : vector<16xf32>, vector<16xi32> -> vector<16xf32>
      %min3A_3025 = arith.minimumf %min3A_3011, %gather3A_3024 : vector<16xf32>
      %xor3A_3026 = arith.constant 4 : i32
      %xor3A_3027 = vector.broadcast %xor3A_3026 : i32 to vector<16xi32>
      %xor3A_3028 = arith.xori %iota3A, %xor3A_3027 : vector<16xi32>
      %lt3A_3029 = arith.constant 0 : i32
      %lt3A_3030 = vector.broadcast %lt3A_3029 : i32 to vector<16xi32>
      %lt3A_3031 = arith.cmpi slt, %xor3A_3028, %lt3A_3030 : vector<16xi32>
      %add3A_3032 = arith.constant 16 : i32
      %add3A_3033 = vector.broadcast %add3A_3032 : i32 to vector<16xi32>
      %add3A_3034 = arith.addi %xor3A_3028, %add3A_3033 : vector<16xi32>
      %select_n3A_3035 = arith.select %lt3A_3031, %add3A_3034, %xor3A_3028 : vector<16xi1>, vector<16xi32>
      %broadcast_in_dim3A_3036 = vector.shape_cast %select_n3A_3035 : vector<16xi32> to vector<16x1xi32>
      %gather3A_3037 = vector.shape_cast %broadcast_in_dim3A_3036 : vector<16x1xi32> to vector<16xi32>
      %gather3A_3038 = tpu.dynamic_gather %min3A_3025[%gather3A_3037] in [0] : vector<16xf32>, vector<16xi32> -> vector<16xf32>
      %min3A_3039 = arith.minimumf %min3A_3025, %gather3A_3038 : vector<16xf32>
      %xor3A_3040 = arith.constant 8 : i32
      %xor3A_3041 = vector.broadcast %xor3A_3040 : i32 to vector<16xi32>
      %xor3A_3042 = arith.xori %iota3A, %xor3A_3041 : vector<16xi32>
      %lt3A_3043 = arith.constant 0 : i32
      %lt3A_3044 = vector.broadcast %lt3A_3043 : i32 to vector<16xi32>
      %lt3A_3045 = arith.cmpi slt, %xor3A_3042, %lt3A_3044 : vector<16xi32>
      %add3A_3046 = arith.constant 16 : i32
      %add3A_3047 = vector.broadcast %add3A_3046 : i32 to vector<16xi32>
      %add3A_3048 = arith.addi %xor3A_3042, %add3A_3047 : vector<16xi32>
      %select_n3A_3049 = arith.select %lt3A_3045, %add3A_3048, %xor3A_3042 : vector<16xi1>, vector<16xi32>
      %broadcast_in_dim3A_3050 = vector.shape_cast %select_n3A_3049 : vector<16xi32> to vector<16x1xi32>
      %gather3A_3051 = vector.shape_cast %broadcast_in_dim3A_3050 : vector<16x1xi32> to vector<16xi32>
      %gather3A_3052 = tpu.dynamic_gather %min3A_3039[%gather3A_3051] in [0] : vector<16xf32>, vector<16xi32> -> vector<16xf32>
      %min3A_3053 = arith.minimumf %min3A_3039, %gather3A_3052 : vector<16xf32>
      %eq3A_3054 = arith.cmpf oeq, %get3A_2925, %min3A_3053 : vector<16xf32>
      %jit3A_3055 = arith.constant 16 : i32
      %broadcast_in_dim3A_3056 = vector.broadcast %jit3A_3055 : i32 to vector<16xi32>
      %select_n3A_3057 = arith.select %eq3A_3054, %iota3A, %broadcast_in_dim3A_3056 : vector<16xi1>, vector<16xi32>
      %xor3A_3058 = arith.constant 1 : i32
      %xor3A_3059 = vector.broadcast %xor3A_3058 : i32 to vector<16xi32>
      %xor3A_3060 = arith.xori %iota3A, %xor3A_3059 : vector<16xi32>
      %lt3A_3061 = arith.constant 0 : i32
      %lt3A_3062 = vector.broadcast %lt3A_3061 : i32 to vector<16xi32>
      %lt3A_3063 = arith.cmpi slt, %xor3A_3060, %lt3A_3062 : vector<16xi32>
      %add3A_3064 = arith.constant 16 : i32
      %add3A_3065 = vector.broadcast %add3A_3064 : i32 to vector<16xi32>
      %add3A_3066 = arith.addi %xor3A_3060, %add3A_3065 : vector<16xi32>
      %select_n3A_3067 = arith.select %lt3A_3063, %add3A_3066, %xor3A_3060 : vector<16xi1>, vector<16xi32>
      %broadcast_in_dim3A_3068 = vector.shape_cast %select_n3A_3067 : vector<16xi32> to vector<16x1xi32>
      %gather3A_3069 = vector.shape_cast %broadcast_in_dim3A_3068 : vector<16x1xi32> to vector<16xi32>
      %gather3A_3070 = tpu.dynamic_gather %select_n3A_3057[%gather3A_3069] in [0] : vector<16xi32>, vector<16xi32> -> vector<16xi32>
      %min3A_3071 = arith.minsi %select_n3A_3057, %gather3A_3070 : vector<16xi32>
      %xor3A_3072 = arith.constant 2 : i32
      %xor3A_3073 = vector.broadcast %xor3A_3072 : i32 to vector<16xi32>
      %xor3A_3074 = arith.xori %iota3A, %xor3A_3073 : vector<16xi32>
      %lt3A_3075 = arith.constant 0 : i32
      %lt3A_3076 = vector.broadcast %lt3A_3075 : i32 to vector<16xi32>
      %lt3A_3077 = arith.cmpi slt, %xor3A_3074, %lt3A_3076 : vector<16xi32>
      %add3A_3078 = arith.constant 16 : i32
      %add3A_3079 = vector.broadcast %add3A_3078 : i32 to vector<16xi32>
      %add3A_3080 = arith.addi %xor3A_3074, %add3A_3079 : vector<16xi32>
      %select_n3A_3081 = arith.select %lt3A_3077, %add3A_3080, %xor3A_3074 : vector<16xi1>, vector<16xi32>
      %broadcast_in_dim3A_3082 = vector.shape_cast %select_n3A_3081 : vector<16xi32> to vector<16x1xi32>
      %gather3A_3083 = vector.shape_cast %broadcast_in_dim3A_3082 : vector<16x1xi32> to vector<16xi32>
      %gather3A_3084 = tpu.dynamic_gather %min3A_3071[%gather3A_3083] in [0] : vector<16xi32>, vector<16xi32> -> vector<16xi32>
      %min3A_3085 = arith.minsi %min3A_3071, %gather3A_3084 : vector<16xi32>
      %xor3A_3086 = arith.constant 4 : i32
      %xor3A_3087 = vector.broadcast %xor3A_3086 : i32 to vector<16xi32>
      %xor3A_3088 = arith.xori %iota3A, %xor3A_3087 : vector<16xi32>
      %lt3A_3089 = arith.constant 0 : i32
      %lt3A_3090 = vector.broadcast %lt3A_3089 : i32 to vector<16xi32>
      %lt3A_3091 = arith.cmpi slt, %xor3A_3088, %lt3A_3090 : vector<16xi32>
      %add3A_3092 = arith.constant 16 : i32
      %add3A_3093 = vector.broadcast %add3A_3092 : i32 to vector<16xi32>
      %add3A_3094 = arith.addi %xor3A_3088, %add3A_3093 : vector<16xi32>
      %select_n3A_3095 = arith.select %lt3A_3091, %add3A_3094, %xor3A_3088 : vector<16xi1>, vector<16xi32>
      %broadcast_in_dim3A_3096 = vector.shape_cast %select_n3A_3095 : vector<16xi32> to vector<16x1xi32>
      %gather3A_3097 = vector.shape_cast %broadcast_in_dim3A_3096 : vector<16x1xi32> to vector<16xi32>
      %gather3A_3098 = tpu.dynamic_gather %min3A_3085[%gather3A_3097] in [0] : vector<16xi32>, vector<16xi32> -> vector<16xi32>
      %min3A_3099 = arith.minsi %min3A_3085, %gather3A_3098 : vector<16xi32>
      %xor3A_3100 = arith.constant 8 : i32
      %xor3A_3101 = vector.broadcast %xor3A_3100 : i32 to vector<16xi32>
      %xor3A_3102 = arith.xori %iota3A, %xor3A_3101 : vector<16xi32>
      %lt3A_3103 = arith.constant 0 : i32
      %lt3A_3104 = vector.broadcast %lt3A_3103 : i32 to vector<16xi32>
      %lt3A_3105 = arith.cmpi slt, %xor3A_3102, %lt3A_3104 : vector<16xi32>
      %add3A_3106 = arith.constant 16 : i32
      %add3A_3107 = vector.broadcast %add3A_3106 : i32 to vector<16xi32>
      %add3A_3108 = arith.addi %xor3A_3102, %add3A_3107 : vector<16xi32>
      %select_n3A_3109 = arith.select %lt3A_3105, %add3A_3108, %xor3A_3102 : vector<16xi1>, vector<16xi32>
      %broadcast_in_dim3A_3110 = vector.shape_cast %select_n3A_3109 : vector<16xi32> to vector<16x1xi32>
      %gather3A_3111 = vector.shape_cast %broadcast_in_dim3A_3110 : vector<16x1xi32> to vector<16xi32>
      %gather3A_3112 = tpu.dynamic_gather %min3A_3099[%gather3A_3111] in [0] : vector<16xi32>, vector<16xi32> -> vector<16xi32>
      %min3A_3113 = arith.minsi %min3A_3099, %gather3A_3112 : vector<16xi32>
      %eq3A_3114 = arith.cmpi eq, %iota3A, %min3A_3113 : vector<16xi32>
      %jit3A_3115 = arith.constant 0x7F800000 : f32
      %broadcast_in_dim3A_3116 = vector.broadcast %jit3A_3115 : f32 to vector<16xf32>
      %select_n3A_3117 = arith.select %eq3A_3114, %broadcast_in_dim3A_3116, %get3A_2925 : vector<16xi1>, vector<16xf32>
      %xor3A_3118 = arith.constant 1 : i32
      %xor3A_3119 = vector.broadcast %xor3A_3118 : i32 to vector<16xi32>
      %xor3A_3120 = arith.xori %iota3A, %xor3A_3119 : vector<16xi32>
      %lt3A_3121 = arith.constant 0 : i32
      %lt3A_3122 = vector.broadcast %lt3A_3121 : i32 to vector<16xi32>
      %lt3A_3123 = arith.cmpi slt, %xor3A_3120, %lt3A_3122 : vector<16xi32>
      %add3A_3124 = arith.constant 16 : i32
      %add3A_3125 = vector.broadcast %add3A_3124 : i32 to vector<16xi32>
      %add3A_3126 = arith.addi %xor3A_3120, %add3A_3125 : vector<16xi32>
      %select_n3A_3127 = arith.select %lt3A_3123, %add3A_3126, %xor3A_3120 : vector<16xi1>, vector<16xi32>
      %broadcast_in_dim3A_3128 = vector.shape_cast %select_n3A_3127 : vector<16xi32> to vector<16x1xi32>
      %gather3A_3129 = vector.shape_cast %broadcast_in_dim3A_3128 : vector<16x1xi32> to vector<16xi32>
      %gather3A_3130 = tpu.dynamic_gather %select_n3A_3117[%gather3A_3129] in [0] : vector<16xf32>, vector<16xi32> -> vector<16xf32>
      %min3A_3131 = arith.minimumf %select_n3A_3117, %gather3A_3130 : vector<16xf32>
      %xor3A_3132 = arith.constant 2 : i32
      %xor3A_3133 = vector.broadcast %xor3A_3132 : i32 to vector<16xi32>
      %xor3A_3134 = arith.xori %iota3A, %xor3A_3133 : vector<16xi32>
      %lt3A_3135 = arith.constant 0 : i32
      %lt3A_3136 = vector.broadcast %lt3A_3135 : i32 to vector<16xi32>
      %lt3A_3137 = arith.cmpi slt, %xor3A_3134, %lt3A_3136 : vector<16xi32>
      %add3A_3138 = arith.constant 16 : i32
      %add3A_3139 = vector.broadcast %add3A_3138 : i32 to vector<16xi32>
      %add3A_3140 = arith.addi %xor3A_3134, %add3A_3139 : vector<16xi32>
      %select_n3A_3141 = arith.select %lt3A_3137, %add3A_3140, %xor3A_3134 : vector<16xi1>, vector<16xi32>
      %broadcast_in_dim3A_3142 = vector.shape_cast %select_n3A_3141 : vector<16xi32> to vector<16x1xi32>
      %gather3A_3143 = vector.shape_cast %broadcast_in_dim3A_3142 : vector<16x1xi32> to vector<16xi32>
      %gather3A_3144 = tpu.dynamic_gather %min3A_3131[%gather3A_3143] in [0] : vector<16xf32>, vector<16xi32> -> vector<16xf32>
      %min3A_3145 = arith.minimumf %min3A_3131, %gather3A_3144 : vector<16xf32>
      %xor3A_3146 = arith.constant 4 : i32
      %xor3A_3147 = vector.broadcast %xor3A_3146 : i32 to vector<16xi32>
      %xor3A_3148 = arith.xori %iota3A, %xor3A_3147 : vector<16xi32>
      %lt3A_3149 = arith.constant 0 : i32
      %lt3A_3150 = vector.broadcast %lt3A_3149 : i32 to vector<16xi32>
      %lt3A_3151 = arith.cmpi slt, %xor3A_3148, %lt3A_3150 : vector<16xi32>
      %add3A_3152 = arith.constant 16 : i32
      %add3A_3153 = vector.broadcast %add3A_3152 : i32 to vector<16xi32>
      %add3A_3154 = arith.addi %xor3A_3148, %add3A_3153 : vector<16xi32>
      %select_n3A_3155 = arith.select %lt3A_3151, %add3A_3154, %xor3A_3148 : vector<16xi1>, vector<16xi32>
      %broadcast_in_dim3A_3156 = vector.shape_cast %select_n3A_3155 : vector<16xi32> to vector<16x1xi32>
      %gather3A_3157 = vector.shape_cast %broadcast_in_dim3A_3156 : vector<16x1xi32> to vector<16xi32>
      %gather3A_3158 = tpu.dynamic_gather %min3A_3145[%gather3A_3157] in [0] : vector<16xf32>, vector<16xi32> -> vector<16xf32>
      %min3A_3159 = arith.minimumf %min3A_3145, %gather3A_3158 : vector<16xf32>
      %xor3A_3160 = arith.constant 8 : i32
      %xor3A_3161 = vector.broadcast %xor3A_3160 : i32 to vector<16xi32>
      %xor3A_3162 = arith.xori %iota3A, %xor3A_3161 : vector<16xi32>
      %lt3A_3163 = arith.constant 0 : i32
      %lt3A_3164 = vector.broadcast %lt3A_3163 : i32 to vector<16xi32>
      %lt3A_3165 = arith.cmpi slt, %xor3A_3162, %lt3A_3164 : vector<16xi32>
      %add3A_3166 = arith.constant 16 : i32
      %add3A_3167 = vector.broadcast %add3A_3166 : i32 to vector<16xi32>
      %add3A_3168 = arith.addi %xor3A_3162, %add3A_3167 : vector<16xi32>
      %select_n3A_3169 = arith.select %lt3A_3165, %add3A_3168, %xor3A_3162 : vector<16xi1>, vector<16xi32>
      %broadcast_in_dim3A_3170 = vector.shape_cast %select_n3A_3169 : vector<16xi32> to vector<16x1xi32>
      %gather3A_3171 = vector.shape_cast %broadcast_in_dim3A_3170 : vector<16x1xi32> to vector<16xi32>
      %gather3A_3172 = tpu.dynamic_gather %min3A_3159[%gather3A_3171] in [0] : vector<16xf32>, vector<16xi32> -> vector<16xf32>
      %min3A_3173 = arith.minimumf %min3A_3159, %gather3A_3172 : vector<16xf32>
      %eq3A_3174 = arith.cmpf oeq, %select_n3A_3117, %min3A_3173 : vector<16xf32>
      %jit3A_3175 = arith.constant 16 : i32
      %broadcast_in_dim3A_3176 = vector.broadcast %jit3A_3175 : i32 to vector<16xi32>
      %select_n3A_3177 = arith.select %eq3A_3174, %iota3A, %broadcast_in_dim3A_3176 : vector<16xi1>, vector<16xi32>
      %xor3A_3178 = arith.constant 1 : i32
      %xor3A_3179 = vector.broadcast %xor3A_3178 : i32 to vector<16xi32>
      %xor3A_3180 = arith.xori %iota3A, %xor3A_3179 : vector<16xi32>
      %lt3A_3181 = arith.constant 0 : i32
      %lt3A_3182 = vector.broadcast %lt3A_3181 : i32 to vector<16xi32>
      %lt3A_3183 = arith.cmpi slt, %xor3A_3180, %lt3A_3182 : vector<16xi32>
      %add3A_3184 = arith.constant 16 : i32
      %add3A_3185 = vector.broadcast %add3A_3184 : i32 to vector<16xi32>
      %add3A_3186 = arith.addi %xor3A_3180, %add3A_3185 : vector<16xi32>
      %select_n3A_3187 = arith.select %lt3A_3183, %add3A_3186, %xor3A_3180 : vector<16xi1>, vector<16xi32>
      %broadcast_in_dim3A_3188 = vector.shape_cast %select_n3A_3187 : vector<16xi32> to vector<16x1xi32>
      %gather3A_3189 = vector.shape_cast %broadcast_in_dim3A_3188 : vector<16x1xi32> to vector<16xi32>
      %gather3A_3190 = tpu.dynamic_gather %select_n3A_3177[%gather3A_3189] in [0] : vector<16xi32>, vector<16xi32> -> vector<16xi32>
      %min3A_3191 = arith.minsi %select_n3A_3177, %gather3A_3190 : vector<16xi32>
      %xor3A_3192 = arith.constant 2 : i32
      %xor3A_3193 = vector.broadcast %xor3A_3192 : i32 to vector<16xi32>
      %xor3A_3194 = arith.xori %iota3A, %xor3A_3193 : vector<16xi32>
      %lt3A_3195 = arith.constant 0 : i32
      %lt3A_3196 = vector.broadcast %lt3A_3195 : i32 to vector<16xi32>
      %lt3A_3197 = arith.cmpi slt, %xor3A_3194, %lt3A_3196 : vector<16xi32>
      %add3A_3198 = arith.constant 16 : i32
      %add3A_3199 = vector.broadcast %add3A_3198 : i32 to vector<16xi32>
      %add3A_3200 = arith.addi %xor3A_3194, %add3A_3199 : vector<16xi32>
      %select_n3A_3201 = arith.select %lt3A_3197, %add3A_3200, %xor3A_3194 : vector<16xi1>, vector<16xi32>
      %broadcast_in_dim3A_3202 = vector.shape_cast %select_n3A_3201 : vector<16xi32> to vector<16x1xi32>
      %gather3A_3203 = vector.shape_cast %broadcast_in_dim3A_3202 : vector<16x1xi32> to vector<16xi32>
      %gather3A_3204 = tpu.dynamic_gather %min3A_3191[%gather3A_3203] in [0] : vector<16xi32>, vector<16xi32> -> vector<16xi32>
      %min3A_3205 = arith.minsi %min3A_3191, %gather3A_3204 : vector<16xi32>
      %xor3A_3206 = arith.constant 4 : i32
      %xor3A_3207 = vector.broadcast %xor3A_3206 : i32 to vector<16xi32>
      %xor3A_3208 = arith.xori %iota3A, %xor3A_3207 : vector<16xi32>
      %lt3A_3209 = arith.constant 0 : i32
      %lt3A_3210 = vector.broadcast %lt3A_3209 : i32 to vector<16xi32>
      %lt3A_3211 = arith.cmpi slt, %xor3A_3208, %lt3A_3210 : vector<16xi32>
      %add3A_3212 = arith.constant 16 : i32
      %add3A_3213 = vector.broadcast %add3A_3212 : i32 to vector<16xi32>
      %add3A_3214 = arith.addi %xor3A_3208, %add3A_3213 : vector<16xi32>
      %select_n3A_3215 = arith.select %lt3A_3211, %add3A_3214, %xor3A_3208 : vector<16xi1>, vector<16xi32>
      %broadcast_in_dim3A_3216 = vector.shape_cast %select_n3A_3215 : vector<16xi32> to vector<16x1xi32>
      %gather3A_3217 = vector.shape_cast %broadcast_in_dim3A_3216 : vector<16x1xi32> to vector<16xi32>
      %gather3A_3218 = tpu.dynamic_gather %min3A_3205[%gather3A_3217] in [0] : vector<16xi32>, vector<16xi32> -> vector<16xi32>
      %min3A_3219 = arith.minsi %min3A_3205, %gather3A_3218 : vector<16xi32>
      %xor3A_3220 = arith.constant 8 : i32
      %xor3A_3221 = vector.broadcast %xor3A_3220 : i32 to vector<16xi32>
      %xor3A_3222 = arith.xori %iota3A, %xor3A_3221 : vector<16xi32>
      %lt3A_3223 = arith.constant 0 : i32
      %lt3A_3224 = vector.broadcast %lt3A_3223 : i32 to vector<16xi32>
      %lt3A_3225 = arith.cmpi slt, %xor3A_3222, %lt3A_3224 : vector<16xi32>
      %add3A_3226 = arith.constant 16 : i32
      %add3A_3227 = vector.broadcast %add3A_3226 : i32 to vector<16xi32>
      %add3A_3228 = arith.addi %xor3A_3222, %add3A_3227 : vector<16xi32>
      %select_n3A_3229 = arith.select %lt3A_3225, %add3A_3228, %xor3A_3222 : vector<16xi1>, vector<16xi32>
      %broadcast_in_dim3A_3230 = vector.shape_cast %select_n3A_3229 : vector<16xi32> to vector<16x1xi32>
      %gather3A_3231 = vector.shape_cast %broadcast_in_dim3A_3230 : vector<16x1xi32> to vector<16xi32>
      %gather3A_3232 = tpu.dynamic_gather %min3A_3219[%gather3A_3231] in [0] : vector<16xi32>, vector<16xi32> -> vector<16xi32>
      %min3A_3233 = arith.minsi %min3A_3219, %gather3A_3232 : vector<16xi32>
      %eq3A_3234 = arith.constant 9 : i32
      %eq3A_3235 = vector.broadcast %eq3A_3234 : i32 to vector<16xi32>
      %eq3A_3236 = arith.cmpi eq, %iota3A, %eq3A_3235 : vector<16xi32>
      %select_n3A_3237 = arith.select %eq3A_3236, %min3A_3113, %select_n3A_2913 : vector<16xi1>, vector<16xi32>
      %eq3A_3238 = arith.constant 9 : i32
      %eq3A_3239 = vector.broadcast %eq3A_3238 : i32 to vector<16xi32>
      %eq3A_3240 = arith.cmpi eq, %iota3A, %eq3A_3239 : vector<16xi32>
      %select_n3A_3241 = arith.select %eq3A_3240, %min3A_3233, %select_n3A_2917 : vector<16xi1>, vector<16xi32>
      %mul3A_3242 = arith.constant 16 : i32
      %mul3A_3243 = arith.muli %scan3A_8, %mul3A_3242 : i32
      %add3A_3244 = arith.constant 10 : i32
      %add3A_3245 = arith.addi %mul3A_3243, %add3A_3244 : i32
      %get3A_3246 = arith.index_cast %add3A_3245 : i32 to index
      %get3A_3247 = arith.constant 0 : index
      %get3A_3248 = tpu.vector_load %arg6[%get3A_3246, %get3A_3247] {strides = array<i32>} : memref<320x16xf32, #tpu.memory_space<vmem>>, vector<1x16xf32>,
      %get3A_3249 = vector.shape_cast %get3A_3248 : vector<1x16xf32> to vector<16xf32>
      %add3A_3250 = arith.constant 1.000000e+00 : f32
      %add3A_3251 = vector.broadcast %add3A_3250 : f32 to vector<16xf32>
      %add3A_3252 = arith.addf %add3A_3251, %get3A_3249 : vector<16xf32>
      %div3A_3253 = arith.constant 1.000000e+00 : f32
      %div3A_3254 = vector.broadcast %div3A_3253 : f32 to vector<16xf32>
      %div3A_3255 = arith.divf %div3A_3254, %add3A_3252 : vector<16xf32>
      %xor3A_3256 = arith.constant 1 : i32
      %xor3A_3257 = vector.broadcast %xor3A_3256 : i32 to vector<16xi32>
      %xor3A_3258 = arith.xori %iota3A, %xor3A_3257 : vector<16xi32>
      %lt3A_3259 = arith.constant 0 : i32
      %lt3A_3260 = vector.broadcast %lt3A_3259 : i32 to vector<16xi32>
      %lt3A_3261 = arith.cmpi slt, %xor3A_3258, %lt3A_3260 : vector<16xi32>
      %add3A_3262 = arith.constant 16 : i32
      %add3A_3263 = vector.broadcast %add3A_3262 : i32 to vector<16xi32>
      %add3A_3264 = arith.addi %xor3A_3258, %add3A_3263 : vector<16xi32>
      %select_n3A_3265 = arith.select %lt3A_3261, %add3A_3264, %xor3A_3258 : vector<16xi1>, vector<16xi32>
      %broadcast_in_dim3A_3266 = vector.shape_cast %select_n3A_3265 : vector<16xi32> to vector<16x1xi32>
      %gather3A_3267 = vector.shape_cast %broadcast_in_dim3A_3266 : vector<16x1xi32> to vector<16xi32>
      %gather3A_3268 = tpu.dynamic_gather %div3A_3255[%gather3A_3267] in [0] : vector<16xf32>, vector<16xi32> -> vector<16xf32>
      %add3A_3269 = arith.addf %div3A_3255, %gather3A_3268 : vector<16xf32>
      %xor3A_3270 = arith.constant 2 : i32
      %xor3A_3271 = vector.broadcast %xor3A_3270 : i32 to vector<16xi32>
      %xor3A_3272 = arith.xori %iota3A, %xor3A_3271 : vector<16xi32>
      %lt3A_3273 = arith.constant 0 : i32
      %lt3A_3274 = vector.broadcast %lt3A_3273 : i32 to vector<16xi32>
      %lt3A_3275 = arith.cmpi slt, %xor3A_3272, %lt3A_3274 : vector<16xi32>
      %add3A_3276 = arith.constant 16 : i32
      %add3A_3277 = vector.broadcast %add3A_3276 : i32 to vector<16xi32>
      %add3A_3278 = arith.addi %xor3A_3272, %add3A_3277 : vector<16xi32>
      %select_n3A_3279 = arith.select %lt3A_3275, %add3A_3278, %xor3A_3272 : vector<16xi1>, vector<16xi32>
      %broadcast_in_dim3A_3280 = vector.shape_cast %select_n3A_3279 : vector<16xi32> to vector<16x1xi32>
      %gather3A_3281 = vector.shape_cast %broadcast_in_dim3A_3280 : vector<16x1xi32> to vector<16xi32>
      %gather3A_3282 = tpu.dynamic_gather %add3A_3269[%gather3A_3281] in [0] : vector<16xf32>, vector<16xi32> -> vector<16xf32>
      %add3A_3283 = arith.addf %add3A_3269, %gather3A_3282 : vector<16xf32>
      %xor3A_3284 = arith.constant 4 : i32
      %xor3A_3285 = vector.broadcast %xor3A_3284 : i32 to vector<16xi32>
      %xor3A_3286 = arith.xori %iota3A, %xor3A_3285 : vector<16xi32>
      %lt3A_3287 = arith.constant 0 : i32
      %lt3A_3288 = vector.broadcast %lt3A_3287 : i32 to vector<16xi32>
      %lt3A_3289 = arith.cmpi slt, %xor3A_3286, %lt3A_3288 : vector<16xi32>
      %add3A_3290 = arith.constant 16 : i32
      %add3A_3291 = vector.broadcast %add3A_3290 : i32 to vector<16xi32>
      %add3A_3292 = arith.addi %xor3A_3286, %add3A_3291 : vector<16xi32>
      %select_n3A_3293 = arith.select %lt3A_3289, %add3A_3292, %xor3A_3286 : vector<16xi1>, vector<16xi32>
      %broadcast_in_dim3A_3294 = vector.shape_cast %select_n3A_3293 : vector<16xi32> to vector<16x1xi32>
      %gather3A_3295 = vector.shape_cast %broadcast_in_dim3A_3294 : vector<16x1xi32> to vector<16xi32>
      %gather3A_3296 = tpu.dynamic_gather %add3A_3283[%gather3A_3295] in [0] : vector<16xf32>, vector<16xi32> -> vector<16xf32>
      %add3A_3297 = arith.addf %add3A_3283, %gather3A_3296 : vector<16xf32>
      %xor3A_3298 = arith.constant 8 : i32
      %xor3A_3299 = vector.broadcast %xor3A_3298 : i32 to vector<16xi32>
      %xor3A_3300 = arith.xori %iota3A, %xor3A_3299 : vector<16xi32>
      %lt3A_3301 = arith.constant 0 : i32
      %lt3A_3302 = vector.broadcast %lt3A_3301 : i32 to vector<16xi32>
      %lt3A_3303 = arith.cmpi slt, %xor3A_3300, %lt3A_3302 : vector<16xi32>
      %add3A_3304 = arith.constant 16 : i32
      %add3A_3305 = vector.broadcast %add3A_3304 : i32 to vector<16xi32>
      %add3A_3306 = arith.addi %xor3A_3300, %add3A_3305 : vector<16xi32>
      %select_n3A_3307 = arith.select %lt3A_3303, %add3A_3306, %xor3A_3300 : vector<16xi1>, vector<16xi32>
      %broadcast_in_dim3A_3308 = vector.shape_cast %select_n3A_3307 : vector<16xi32> to vector<16x1xi32>
      %gather3A_3309 = vector.shape_cast %broadcast_in_dim3A_3308 : vector<16x1xi32> to vector<16xi32>
      %gather3A_3310 = tpu.dynamic_gather %add3A_3297[%gather3A_3309] in [0] : vector<16xf32>, vector<16xi32> -> vector<16xf32>
      %add3A_3311 = arith.addf %add3A_3297, %gather3A_3310 : vector<16xf32>
      %div3A_3312 = arith.divf %div3A_3255, %add3A_3311 : vector<16xf32>
      %mul3A_3313 = arith.constant 16 : i32
      %mul3A_3314 = arith.muli %scan3A_8, %mul3A_3313 : i32
      %add3A_3315 = arith.constant 10 : i32
      %add3A_3316 = arith.addi %mul3A_3314, %add3A_3315 : i32
      %swap3A_3317 = arith.index_cast %add3A_3316 : i32 to index
      %swap3A_3318 = arith.constant 0 : index
      %swap3A_3319 = tpu.vector_load %arg7[%swap3A_3317, %swap3A_3318] {strides = array<i32>} : memref<320x16xf32, #tpu.memory_space<vmem>>, vector<1x16xf32>,
      %swap3A_3320 = vector.shape_cast %swap3A_3319 : vector<1x16xf32> to vector<16xf32>
      %swap3A_3321 = vector.shape_cast %div3A_3312 : vector<16xf32> to vector<1x16xf32>
      tpu.vector_store %arg7[%swap3A_3317, %swap3A_3318], %swap3A_3321 {strides = array<i32>} : memref<320x16xf32, #tpu.memory_space<vmem>>, vector<1x16xf32>,
      %xor3A_3322 = arith.constant 1 : i32
      %xor3A_3323 = vector.broadcast %xor3A_3322 : i32 to vector<16xi32>
      %xor3A_3324 = arith.xori %iota3A, %xor3A_3323 : vector<16xi32>
      %lt3A_3325 = arith.constant 0 : i32
      %lt3A_3326 = vector.broadcast %lt3A_3325 : i32 to vector<16xi32>
      %lt3A_3327 = arith.cmpi slt, %xor3A_3324, %lt3A_3326 : vector<16xi32>
      %add3A_3328 = arith.constant 16 : i32
      %add3A_3329 = vector.broadcast %add3A_3328 : i32 to vector<16xi32>
      %add3A_3330 = arith.addi %xor3A_3324, %add3A_3329 : vector<16xi32>
      %select_n3A_3331 = arith.select %lt3A_3327, %add3A_3330, %xor3A_3324 : vector<16xi1>, vector<16xi32>
      %broadcast_in_dim3A_3332 = vector.shape_cast %select_n3A_3331 : vector<16xi32> to vector<16x1xi32>
      %gather3A_3333 = vector.shape_cast %broadcast_in_dim3A_3332 : vector<16x1xi32> to vector<16xi32>
      %gather3A_3334 = tpu.dynamic_gather %get3A_3249[%gather3A_3333] in [0] : vector<16xf32>, vector<16xi32> -> vector<16xf32>
      %min3A_3335 = arith.minimumf %get3A_3249, %gather3A_3334 : vector<16xf32>
      %xor3A_3336 = arith.constant 2 : i32
      %xor3A_3337 = vector.broadcast %xor3A_3336 : i32 to vector<16xi32>
      %xor3A_3338 = arith.xori %iota3A, %xor3A_3337 : vector<16xi32>
      %lt3A_3339 = arith.constant 0 : i32
      %lt3A_3340 = vector.broadcast %lt3A_3339 : i32 to vector<16xi32>
      %lt3A_3341 = arith.cmpi slt, %xor3A_3338, %lt3A_3340 : vector<16xi32>
      %add3A_3342 = arith.constant 16 : i32
      %add3A_3343 = vector.broadcast %add3A_3342 : i32 to vector<16xi32>
      %add3A_3344 = arith.addi %xor3A_3338, %add3A_3343 : vector<16xi32>
      %select_n3A_3345 = arith.select %lt3A_3341, %add3A_3344, %xor3A_3338 : vector<16xi1>, vector<16xi32>
      %broadcast_in_dim3A_3346 = vector.shape_cast %select_n3A_3345 : vector<16xi32> to vector<16x1xi32>
      %gather3A_3347 = vector.shape_cast %broadcast_in_dim3A_3346 : vector<16x1xi32> to vector<16xi32>
      %gather3A_3348 = tpu.dynamic_gather %min3A_3335[%gather3A_3347] in [0] : vector<16xf32>, vector<16xi32> -> vector<16xf32>
      %min3A_3349 = arith.minimumf %min3A_3335, %gather3A_3348 : vector<16xf32>
      %xor3A_3350 = arith.constant 4 : i32
      %xor3A_3351 = vector.broadcast %xor3A_3350 : i32 to vector<16xi32>
      %xor3A_3352 = arith.xori %iota3A, %xor3A_3351 : vector<16xi32>
      %lt3A_3353 = arith.constant 0 : i32
      %lt3A_3354 = vector.broadcast %lt3A_3353 : i32 to vector<16xi32>
      %lt3A_3355 = arith.cmpi slt, %xor3A_3352, %lt3A_3354 : vector<16xi32>
      %add3A_3356 = arith.constant 16 : i32
      %add3A_3357 = vector.broadcast %add3A_3356 : i32 to vector<16xi32>
      %add3A_3358 = arith.addi %xor3A_3352, %add3A_3357 : vector<16xi32>
      %select_n3A_3359 = arith.select %lt3A_3355, %add3A_3358, %xor3A_3352 : vector<16xi1>, vector<16xi32>
      %broadcast_in_dim3A_3360 = vector.shape_cast %select_n3A_3359 : vector<16xi32> to vector<16x1xi32>
      %gather3A_3361 = vector.shape_cast %broadcast_in_dim3A_3360 : vector<16x1xi32> to vector<16xi32>
      %gather3A_3362 = tpu.dynamic_gather %min3A_3349[%gather3A_3361] in [0] : vector<16xf32>, vector<16xi32> -> vector<16xf32>
      %min3A_3363 = arith.minimumf %min3A_3349, %gather3A_3362 : vector<16xf32>
      %xor3A_3364 = arith.constant 8 : i32
      %xor3A_3365 = vector.broadcast %xor3A_3364 : i32 to vector<16xi32>
      %xor3A_3366 = arith.xori %iota3A, %xor3A_3365 : vector<16xi32>
      %lt3A_3367 = arith.constant 0 : i32
      %lt3A_3368 = vector.broadcast %lt3A_3367 : i32 to vector<16xi32>
      %lt3A_3369 = arith.cmpi slt, %xor3A_3366, %lt3A_3368 : vector<16xi32>
      %add3A_3370 = arith.constant 16 : i32
      %add3A_3371 = vector.broadcast %add3A_3370 : i32 to vector<16xi32>
      %add3A_3372 = arith.addi %xor3A_3366, %add3A_3371 : vector<16xi32>
      %select_n3A_3373 = arith.select %lt3A_3369, %add3A_3372, %xor3A_3366 : vector<16xi1>, vector<16xi32>
      %broadcast_in_dim3A_3374 = vector.shape_cast %select_n3A_3373 : vector<16xi32> to vector<16x1xi32>
      %gather3A_3375 = vector.shape_cast %broadcast_in_dim3A_3374 : vector<16x1xi32> to vector<16xi32>
      %gather3A_3376 = tpu.dynamic_gather %min3A_3363[%gather3A_3375] in [0] : vector<16xf32>, vector<16xi32> -> vector<16xf32>
      %min3A_3377 = arith.minimumf %min3A_3363, %gather3A_3376 : vector<16xf32>
      %eq3A_3378 = arith.cmpf oeq, %get3A_3249, %min3A_3377 : vector<16xf32>
      %jit3A_3379 = arith.constant 16 : i32
      %broadcast_in_dim3A_3380 = vector.broadcast %jit3A_3379 : i32 to vector<16xi32>
      %select_n3A_3381 = arith.select %eq3A_3378, %iota3A, %broadcast_in_dim3A_3380 : vector<16xi1>, vector<16xi32>
      %xor3A_3382 = arith.constant 1 : i32
      %xor3A_3383 = vector.broadcast %xor3A_3382 : i32 to vector<16xi32>
      %xor3A_3384 = arith.xori %iota3A, %xor3A_3383 : vector<16xi32>
      %lt3A_3385 = arith.constant 0 : i32
      %lt3A_3386 = vector.broadcast %lt3A_3385 : i32 to vector<16xi32>
      %lt3A_3387 = arith.cmpi slt, %xor3A_3384, %lt3A_3386 : vector<16xi32>
      %add3A_3388 = arith.constant 16 : i32
      %add3A_3389 = vector.broadcast %add3A_3388 : i32 to vector<16xi32>
      %add3A_3390 = arith.addi %xor3A_3384, %add3A_3389 : vector<16xi32>
      %select_n3A_3391 = arith.select %lt3A_3387, %add3A_3390, %xor3A_3384 : vector<16xi1>, vector<16xi32>
      %broadcast_in_dim3A_3392 = vector.shape_cast %select_n3A_3391 : vector<16xi32> to vector<16x1xi32>
      %gather3A_3393 = vector.shape_cast %broadcast_in_dim3A_3392 : vector<16x1xi32> to vector<16xi32>
      %gather3A_3394 = tpu.dynamic_gather %select_n3A_3381[%gather3A_3393] in [0] : vector<16xi32>, vector<16xi32> -> vector<16xi32>
      %min3A_3395 = arith.minsi %select_n3A_3381, %gather3A_3394 : vector<16xi32>
      %xor3A_3396 = arith.constant 2 : i32
      %xor3A_3397 = vector.broadcast %xor3A_3396 : i32 to vector<16xi32>
      %xor3A_3398 = arith.xori %iota3A, %xor3A_3397 : vector<16xi32>
      %lt3A_3399 = arith.constant 0 : i32
      %lt3A_3400 = vector.broadcast %lt3A_3399 : i32 to vector<16xi32>
      %lt3A_3401 = arith.cmpi slt, %xor3A_3398, %lt3A_3400 : vector<16xi32>
      %add3A_3402 = arith.constant 16 : i32
      %add3A_3403 = vector.broadcast %add3A_3402 : i32 to vector<16xi32>
      %add3A_3404 = arith.addi %xor3A_3398, %add3A_3403 : vector<16xi32>
      %select_n3A_3405 = arith.select %lt3A_3401, %add3A_3404, %xor3A_3398 : vector<16xi1>, vector<16xi32>
      %broadcast_in_dim3A_3406 = vector.shape_cast %select_n3A_3405 : vector<16xi32> to vector<16x1xi32>
      %gather3A_3407 = vector.shape_cast %broadcast_in_dim3A_3406 : vector<16x1xi32> to vector<16xi32>
      %gather3A_3408 = tpu.dynamic_gather %min3A_3395[%gather3A_3407] in [0] : vector<16xi32>, vector<16xi32> -> vector<16xi32>
      %min3A_3409 = arith.minsi %min3A_3395, %gather3A_3408 : vector<16xi32>
      %xor3A_3410 = arith.constant 4 : i32
      %xor3A_3411 = vector.broadcast %xor3A_3410 : i32 to vector<16xi32>
      %xor3A_3412 = arith.xori %iota3A, %xor3A_3411 : vector<16xi32>
      %lt3A_3413 = arith.constant 0 : i32
      %lt3A_3414 = vector.broadcast %lt3A_3413 : i32 to vector<16xi32>
      %lt3A_3415 = arith.cmpi slt, %xor3A_3412, %lt3A_3414 : vector<16xi32>
      %add3A_3416 = arith.constant 16 : i32
      %add3A_3417 = vector.broadcast %add3A_3416 : i32 to vector<16xi32>
      %add3A_3418 = arith.addi %xor3A_3412, %add3A_3417 : vector<16xi32>
      %select_n3A_3419 = arith.select %lt3A_3415, %add3A_3418, %xor3A_3412 : vector<16xi1>, vector<16xi32>
      %broadcast_in_dim3A_3420 = vector.shape_cast %select_n3A_3419 : vector<16xi32> to vector<16x1xi32>
      %gather3A_3421 = vector.shape_cast %broadcast_in_dim3A_3420 : vector<16x1xi32> to vector<16xi32>
      %gather3A_3422 = tpu.dynamic_gather %min3A_3409[%gather3A_3421] in [0] : vector<16xi32>, vector<16xi32> -> vector<16xi32>
      %min3A_3423 = arith.minsi %min3A_3409, %gather3A_3422 : vector<16xi32>
      %xor3A_3424 = arith.constant 8 : i32
      %xor3A_3425 = vector.broadcast %xor3A_3424 : i32 to vector<16xi32>
      %xor3A_3426 = arith.xori %iota3A, %xor3A_3425 : vector<16xi32>
      %lt3A_3427 = arith.constant 0 : i32
      %lt3A_3428 = vector.broadcast %lt3A_3427 : i32 to vector<16xi32>
      %lt3A_3429 = arith.cmpi slt, %xor3A_3426, %lt3A_3428 : vector<16xi32>
      %add3A_3430 = arith.constant 16 : i32
      %add3A_3431 = vector.broadcast %add3A_3430 : i32 to vector<16xi32>
      %add3A_3432 = arith.addi %xor3A_3426, %add3A_3431 : vector<16xi32>
      %select_n3A_3433 = arith.select %lt3A_3429, %add3A_3432, %xor3A_3426 : vector<16xi1>, vector<16xi32>
      %broadcast_in_dim3A_3434 = vector.shape_cast %select_n3A_3433 : vector<16xi32> to vector<16x1xi32>
      %gather3A_3435 = vector.shape_cast %broadcast_in_dim3A_3434 : vector<16x1xi32> to vector<16xi32>
      %gather3A_3436 = tpu.dynamic_gather %min3A_3423[%gather3A_3435] in [0] : vector<16xi32>, vector<16xi32> -> vector<16xi32>
      %min3A_3437 = arith.minsi %min3A_3423, %gather3A_3436 : vector<16xi32>
      %eq3A_3438 = arith.cmpi eq, %iota3A, %min3A_3437 : vector<16xi32>
      %jit3A_3439 = arith.constant 0x7F800000 : f32
      %broadcast_in_dim3A_3440 = vector.broadcast %jit3A_3439 : f32 to vector<16xf32>
      %select_n3A_3441 = arith.select %eq3A_3438, %broadcast_in_dim3A_3440, %get3A_3249 : vector<16xi1>, vector<16xf32>
      %xor3A_3442 = arith.constant 1 : i32
      %xor3A_3443 = vector.broadcast %xor3A_3442 : i32 to vector<16xi32>
      %xor3A_3444 = arith.xori %iota3A, %xor3A_3443 : vector<16xi32>
      %lt3A_3445 = arith.constant 0 : i32
      %lt3A_3446 = vector.broadcast %lt3A_3445 : i32 to vector<16xi32>
      %lt3A_3447 = arith.cmpi slt, %xor3A_3444, %lt3A_3446 : vector<16xi32>
      %add3A_3448 = arith.constant 16 : i32
      %add3A_3449 = vector.broadcast %add3A_3448 : i32 to vector<16xi32>
      %add3A_3450 = arith.addi %xor3A_3444, %add3A_3449 : vector<16xi32>
      %select_n3A_3451 = arith.select %lt3A_3447, %add3A_3450, %xor3A_3444 : vector<16xi1>, vector<16xi32>
      %broadcast_in_dim3A_3452 = vector.shape_cast %select_n3A_3451 : vector<16xi32> to vector<16x1xi32>
      %gather3A_3453 = vector.shape_cast %broadcast_in_dim3A_3452 : vector<16x1xi32> to vector<16xi32>
      %gather3A_3454 = tpu.dynamic_gather %select_n3A_3441[%gather3A_3453] in [0] : vector<16xf32>, vector<16xi32> -> vector<16xf32>
      %min3A_3455 = arith.minimumf %select_n3A_3441, %gather3A_3454 : vector<16xf32>
      %xor3A_3456 = arith.constant 2 : i32
      %xor3A_3457 = vector.broadcast %xor3A_3456 : i32 to vector<16xi32>
      %xor3A_3458 = arith.xori %iota3A, %xor3A_3457 : vector<16xi32>
      %lt3A_3459 = arith.constant 0 : i32
      %lt3A_3460 = vector.broadcast %lt3A_3459 : i32 to vector<16xi32>
      %lt3A_3461 = arith.cmpi slt, %xor3A_3458, %lt3A_3460 : vector<16xi32>
      %add3A_3462 = arith.constant 16 : i32
      %add3A_3463 = vector.broadcast %add3A_3462 : i32 to vector<16xi32>
      %add3A_3464 = arith.addi %xor3A_3458, %add3A_3463 : vector<16xi32>
      %select_n3A_3465 = arith.select %lt3A_3461, %add3A_3464, %xor3A_3458 : vector<16xi1>, vector<16xi32>
      %broadcast_in_dim3A_3466 = vector.shape_cast %select_n3A_3465 : vector<16xi32> to vector<16x1xi32>
      %gather3A_3467 = vector.shape_cast %broadcast_in_dim3A_3466 : vector<16x1xi32> to vector<16xi32>
      %gather3A_3468 = tpu.dynamic_gather %min3A_3455[%gather3A_3467] in [0] : vector<16xf32>, vector<16xi32> -> vector<16xf32>
      %min3A_3469 = arith.minimumf %min3A_3455, %gather3A_3468 : vector<16xf32>
      %xor3A_3470 = arith.constant 4 : i32
      %xor3A_3471 = vector.broadcast %xor3A_3470 : i32 to vector<16xi32>
      %xor3A_3472 = arith.xori %iota3A, %xor3A_3471 : vector<16xi32>
      %lt3A_3473 = arith.constant 0 : i32
      %lt3A_3474 = vector.broadcast %lt3A_3473 : i32 to vector<16xi32>
      %lt3A_3475 = arith.cmpi slt, %xor3A_3472, %lt3A_3474 : vector<16xi32>
      %add3A_3476 = arith.constant 16 : i32
      %add3A_3477 = vector.broadcast %add3A_3476 : i32 to vector<16xi32>
      %add3A_3478 = arith.addi %xor3A_3472, %add3A_3477 : vector<16xi32>
      %select_n3A_3479 = arith.select %lt3A_3475, %add3A_3478, %xor3A_3472 : vector<16xi1>, vector<16xi32>
      %broadcast_in_dim3A_3480 = vector.shape_cast %select_n3A_3479 : vector<16xi32> to vector<16x1xi32>
      %gather3A_3481 = vector.shape_cast %broadcast_in_dim3A_3480 : vector<16x1xi32> to vector<16xi32>
      %gather3A_3482 = tpu.dynamic_gather %min3A_3469[%gather3A_3481] in [0] : vector<16xf32>, vector<16xi32> -> vector<16xf32>
      %min3A_3483 = arith.minimumf %min3A_3469, %gather3A_3482 : vector<16xf32>
      %xor3A_3484 = arith.constant 8 : i32
      %xor3A_3485 = vector.broadcast %xor3A_3484 : i32 to vector<16xi32>
      %xor3A_3486 = arith.xori %iota3A, %xor3A_3485 : vector<16xi32>
      %lt3A_3487 = arith.constant 0 : i32
      %lt3A_3488 = vector.broadcast %lt3A_3487 : i32 to vector<16xi32>
      %lt3A_3489 = arith.cmpi slt, %xor3A_3486, %lt3A_3488 : vector<16xi32>
      %add3A_3490 = arith.constant 16 : i32
      %add3A_3491 = vector.broadcast %add3A_3490 : i32 to vector<16xi32>
      %add3A_3492 = arith.addi %xor3A_3486, %add3A_3491 : vector<16xi32>
      %select_n3A_3493 = arith.select %lt3A_3489, %add3A_3492, %xor3A_3486 : vector<16xi1>, vector<16xi32>
      %broadcast_in_dim3A_3494 = vector.shape_cast %select_n3A_3493 : vector<16xi32> to vector<16x1xi32>
      %gather3A_3495 = vector.shape_cast %broadcast_in_dim3A_3494 : vector<16x1xi32> to vector<16xi32>
      %gather3A_3496 = tpu.dynamic_gather %min3A_3483[%gather3A_3495] in [0] : vector<16xf32>, vector<16xi32> -> vector<16xf32>
      %min3A_3497 = arith.minimumf %min3A_3483, %gather3A_3496 : vector<16xf32>
      %eq3A_3498 = arith.cmpf oeq, %select_n3A_3441, %min3A_3497 : vector<16xf32>
      %jit3A_3499 = arith.constant 16 : i32
      %broadcast_in_dim3A_3500 = vector.broadcast %jit3A_3499 : i32 to vector<16xi32>
      %select_n3A_3501 = arith.select %eq3A_3498, %iota3A, %broadcast_in_dim3A_3500 : vector<16xi1>, vector<16xi32>
      %xor3A_3502 = arith.constant 1 : i32
      %xor3A_3503 = vector.broadcast %xor3A_3502 : i32 to vector<16xi32>
      %xor3A_3504 = arith.xori %iota3A, %xor3A_3503 : vector<16xi32>
      %lt3A_3505 = arith.constant 0 : i32
      %lt3A_3506 = vector.broadcast %lt3A_3505 : i32 to vector<16xi32>
      %lt3A_3507 = arith.cmpi slt, %xor3A_3504, %lt3A_3506 : vector<16xi32>
      %add3A_3508 = arith.constant 16 : i32
      %add3A_3509 = vector.broadcast %add3A_3508 : i32 to vector<16xi32>
      %add3A_3510 = arith.addi %xor3A_3504, %add3A_3509 : vector<16xi32>
      %select_n3A_3511 = arith.select %lt3A_3507, %add3A_3510, %xor3A_3504 : vector<16xi1>, vector<16xi32>
      %broadcast_in_dim3A_3512 = vector.shape_cast %select_n3A_3511 : vector<16xi32> to vector<16x1xi32>
      %gather3A_3513 = vector.shape_cast %broadcast_in_dim3A_3512 : vector<16x1xi32> to vector<16xi32>
      %gather3A_3514 = tpu.dynamic_gather %select_n3A_3501[%gather3A_3513] in [0] : vector<16xi32>, vector<16xi32> -> vector<16xi32>
      %min3A_3515 = arith.minsi %select_n3A_3501, %gather3A_3514 : vector<16xi32>
      %xor3A_3516 = arith.constant 2 : i32
      %xor3A_3517 = vector.broadcast %xor3A_3516 : i32 to vector<16xi32>
      %xor3A_3518 = arith.xori %iota3A, %xor3A_3517 : vector<16xi32>
      %lt3A_3519 = arith.constant 0 : i32
      %lt3A_3520 = vector.broadcast %lt3A_3519 : i32 to vector<16xi32>
      %lt3A_3521 = arith.cmpi slt, %xor3A_3518, %lt3A_3520 : vector<16xi32>
      %add3A_3522 = arith.constant 16 : i32
      %add3A_3523 = vector.broadcast %add3A_3522 : i32 to vector<16xi32>
      %add3A_3524 = arith.addi %xor3A_3518, %add3A_3523 : vector<16xi32>
      %select_n3A_3525 = arith.select %lt3A_3521, %add3A_3524, %xor3A_3518 : vector<16xi1>, vector<16xi32>
      %broadcast_in_dim3A_3526 = vector.shape_cast %select_n3A_3525 : vector<16xi32> to vector<16x1xi32>
      %gather3A_3527 = vector.shape_cast %broadcast_in_dim3A_3526 : vector<16x1xi32> to vector<16xi32>
      %gather3A_3528 = tpu.dynamic_gather %min3A_3515[%gather3A_3527] in [0] : vector<16xi32>, vector<16xi32> -> vector<16xi32>
      %min3A_3529 = arith.minsi %min3A_3515, %gather3A_3528 : vector<16xi32>
      %xor3A_3530 = arith.constant 4 : i32
      %xor3A_3531 = vector.broadcast %xor3A_3530 : i32 to vector<16xi32>
      %xor3A_3532 = arith.xori %iota3A, %xor3A_3531 : vector<16xi32>
      %lt3A_3533 = arith.constant 0 : i32
      %lt3A_3534 = vector.broadcast %lt3A_3533 : i32 to vector<16xi32>
      %lt3A_3535 = arith.cmpi slt, %xor3A_3532, %lt3A_3534 : vector<16xi32>
      %add3A_3536 = arith.constant 16 : i32
      %add3A_3537 = vector.broadcast %add3A_3536 : i32 to vector<16xi32>
      %add3A_3538 = arith.addi %xor3A_3532, %add3A_3537 : vector<16xi32>
      %select_n3A_3539 = arith.select %lt3A_3535, %add3A_3538, %xor3A_3532 : vector<16xi1>, vector<16xi32>
      %broadcast_in_dim3A_3540 = vector.shape_cast %select_n3A_3539 : vector<16xi32> to vector<16x1xi32>
      %gather3A_3541 = vector.shape_cast %broadcast_in_dim3A_3540 : vector<16x1xi32> to vector<16xi32>
      %gather3A_3542 = tpu.dynamic_gather %min3A_3529[%gather3A_3541] in [0] : vector<16xi32>, vector<16xi32> -> vector<16xi32>
      %min3A_3543 = arith.minsi %min3A_3529, %gather3A_3542 : vector<16xi32>
      %xor3A_3544 = arith.constant 8 : i32
      %xor3A_3545 = vector.broadcast %xor3A_3544 : i32 to vector<16xi32>
      %xor3A_3546 = arith.xori %iota3A, %xor3A_3545 : vector<16xi32>
      %lt3A_3547 = arith.constant 0 : i32
      %lt3A_3548 = vector.broadcast %lt3A_3547 : i32 to vector<16xi32>
      %lt3A_3549 = arith.cmpi slt, %xor3A_3546, %lt3A_3548 : vector<16xi32>
      %add3A_3550 = arith.constant 16 : i32
      %add3A_3551 = vector.broadcast %add3A_3550 : i32 to vector<16xi32>
      %add3A_3552 = arith.addi %xor3A_3546, %add3A_3551 : vector<16xi32>
      %select_n3A_3553 = arith.select %lt3A_3549, %add3A_3552, %xor3A_3546 : vector<16xi1>, vector<16xi32>
      %broadcast_in_dim3A_3554 = vector.shape_cast %select_n3A_3553 : vector<16xi32> to vector<16x1xi32>
      %gather3A_3555 = vector.shape_cast %broadcast_in_dim3A_3554 : vector<16x1xi32> to vector<16xi32>
      %gather3A_3556 = tpu.dynamic_gather %min3A_3543[%gather3A_3555] in [0] : vector<16xi32>, vector<16xi32> -> vector<16xi32>
      %min3A_3557 = arith.minsi %min3A_3543, %gather3A_3556 : vector<16xi32>
      %eq3A_3558 = arith.constant 10 : i32
      %eq3A_3559 = vector.broadcast %eq3A_3558 : i32 to vector<16xi32>
      %eq3A_3560 = arith.cmpi eq, %iota3A, %eq3A_3559 : vector<16xi32>
      %select_n3A_3561 = arith.select %eq3A_3560, %min3A_3437, %select_n3A_3237 : vector<16xi1>, vector<16xi32>
      %eq3A_3562 = arith.constant 10 : i32
      %eq3A_3563 = vector.broadcast %eq3A_3562 : i32 to vector<16xi32>
      %eq3A_3564 = arith.cmpi eq, %iota3A, %eq3A_3563 : vector<16xi32>
      %select_n3A_3565 = arith.select %eq3A_3564, %min3A_3557, %select_n3A_3241 : vector<16xi1>, vector<16xi32>
      %mul3A_3566 = arith.constant 16 : i32
      %mul3A_3567 = arith.muli %scan3A_8, %mul3A_3566 : i32
      %add3A_3568 = arith.constant 11 : i32
      %add3A_3569 = arith.addi %mul3A_3567, %add3A_3568 : i32
      %get3A_3570 = arith.index_cast %add3A_3569 : i32 to index
      %get3A_3571 = arith.constant 0 : index
      %get3A_3572 = tpu.vector_load %arg6[%get3A_3570, %get3A_3571] {strides = array<i32>} : memref<320x16xf32, #tpu.memory_space<vmem>>, vector<1x16xf32>,
      %get3A_3573 = vector.shape_cast %get3A_3572 : vector<1x16xf32> to vector<16xf32>
      %add3A_3574 = arith.constant 1.000000e+00 : f32
      %add3A_3575 = vector.broadcast %add3A_3574 : f32 to vector<16xf32>
      %add3A_3576 = arith.addf %add3A_3575, %get3A_3573 : vector<16xf32>
      %div3A_3577 = arith.constant 1.000000e+00 : f32
      %div3A_3578 = vector.broadcast %div3A_3577 : f32 to vector<16xf32>
      %div3A_3579 = arith.divf %div3A_3578, %add3A_3576 : vector<16xf32>
      %xor3A_3580 = arith.constant 1 : i32
      %xor3A_3581 = vector.broadcast %xor3A_3580 : i32 to vector<16xi32>
      %xor3A_3582 = arith.xori %iota3A, %xor3A_3581 : vector<16xi32>
      %lt3A_3583 = arith.constant 0 : i32
      %lt3A_3584 = vector.broadcast %lt3A_3583 : i32 to vector<16xi32>
      %lt3A_3585 = arith.cmpi slt, %xor3A_3582, %lt3A_3584 : vector<16xi32>
      %add3A_3586 = arith.constant 16 : i32
      %add3A_3587 = vector.broadcast %add3A_3586 : i32 to vector<16xi32>
      %add3A_3588 = arith.addi %xor3A_3582, %add3A_3587 : vector<16xi32>
      %select_n3A_3589 = arith.select %lt3A_3585, %add3A_3588, %xor3A_3582 : vector<16xi1>, vector<16xi32>
      %broadcast_in_dim3A_3590 = vector.shape_cast %select_n3A_3589 : vector<16xi32> to vector<16x1xi32>
      %gather3A_3591 = vector.shape_cast %broadcast_in_dim3A_3590 : vector<16x1xi32> to vector<16xi32>
      %gather3A_3592 = tpu.dynamic_gather %div3A_3579[%gather3A_3591] in [0] : vector<16xf32>, vector<16xi32> -> vector<16xf32>
      %add3A_3593 = arith.addf %div3A_3579, %gather3A_3592 : vector<16xf32>
      %xor3A_3594 = arith.constant 2 : i32
      %xor3A_3595 = vector.broadcast %xor3A_3594 : i32 to vector<16xi32>
      %xor3A_3596 = arith.xori %iota3A, %xor3A_3595 : vector<16xi32>
      %lt3A_3597 = arith.constant 0 : i32
      %lt3A_3598 = vector.broadcast %lt3A_3597 : i32 to vector<16xi32>
      %lt3A_3599 = arith.cmpi slt, %xor3A_3596, %lt3A_3598 : vector<16xi32>
      %add3A_3600 = arith.constant 16 : i32
      %add3A_3601 = vector.broadcast %add3A_3600 : i32 to vector<16xi32>
      %add3A_3602 = arith.addi %xor3A_3596, %add3A_3601 : vector<16xi32>
      %select_n3A_3603 = arith.select %lt3A_3599, %add3A_3602, %xor3A_3596 : vector<16xi1>, vector<16xi32>
      %broadcast_in_dim3A_3604 = vector.shape_cast %select_n3A_3603 : vector<16xi32> to vector<16x1xi32>
      %gather3A_3605 = vector.shape_cast %broadcast_in_dim3A_3604 : vector<16x1xi32> to vector<16xi32>
      %gather3A_3606 = tpu.dynamic_gather %add3A_3593[%gather3A_3605] in [0] : vector<16xf32>, vector<16xi32> -> vector<16xf32>
      %add3A_3607 = arith.addf %add3A_3593, %gather3A_3606 : vector<16xf32>
      %xor3A_3608 = arith.constant 4 : i32
      %xor3A_3609 = vector.broadcast %xor3A_3608 : i32 to vector<16xi32>
      %xor3A_3610 = arith.xori %iota3A, %xor3A_3609 : vector<16xi32>
      %lt3A_3611 = arith.constant 0 : i32
      %lt3A_3612 = vector.broadcast %lt3A_3611 : i32 to vector<16xi32>
      %lt3A_3613 = arith.cmpi slt, %xor3A_3610, %lt3A_3612 : vector<16xi32>
      %add3A_3614 = arith.constant 16 : i32
      %add3A_3615 = vector.broadcast %add3A_3614 : i32 to vector<16xi32>
      %add3A_3616 = arith.addi %xor3A_3610, %add3A_3615 : vector<16xi32>
      %select_n3A_3617 = arith.select %lt3A_3613, %add3A_3616, %xor3A_3610 : vector<16xi1>, vector<16xi32>
      %broadcast_in_dim3A_3618 = vector.shape_cast %select_n3A_3617 : vector<16xi32> to vector<16x1xi32>
      %gather3A_3619 = vector.shape_cast %broadcast_in_dim3A_3618 : vector<16x1xi32> to vector<16xi32>
      %gather3A_3620 = tpu.dynamic_gather %add3A_3607[%gather3A_3619] in [0] : vector<16xf32>, vector<16xi32> -> vector<16xf32>
      %add3A_3621 = arith.addf %add3A_3607, %gather3A_3620 : vector<16xf32>
      %xor3A_3622 = arith.constant 8 : i32
      %xor3A_3623 = vector.broadcast %xor3A_3622 : i32 to vector<16xi32>
      %xor3A_3624 = arith.xori %iota3A, %xor3A_3623 : vector<16xi32>
      %lt3A_3625 = arith.constant 0 : i32
      %lt3A_3626 = vector.broadcast %lt3A_3625 : i32 to vector<16xi32>
      %lt3A_3627 = arith.cmpi slt, %xor3A_3624, %lt3A_3626 : vector<16xi32>
      %add3A_3628 = arith.constant 16 : i32
      %add3A_3629 = vector.broadcast %add3A_3628 : i32 to vector<16xi32>
      %add3A_3630 = arith.addi %xor3A_3624, %add3A_3629 : vector<16xi32>
      %select_n3A_3631 = arith.select %lt3A_3627, %add3A_3630, %xor3A_3624 : vector<16xi1>, vector<16xi32>
      %broadcast_in_dim3A_3632 = vector.shape_cast %select_n3A_3631 : vector<16xi32> to vector<16x1xi32>
      %gather3A_3633 = vector.shape_cast %broadcast_in_dim3A_3632 : vector<16x1xi32> to vector<16xi32>
      %gather3A_3634 = tpu.dynamic_gather %add3A_3621[%gather3A_3633] in [0] : vector<16xf32>, vector<16xi32> -> vector<16xf32>
      %add3A_3635 = arith.addf %add3A_3621, %gather3A_3634 : vector<16xf32>
      %div3A_3636 = arith.divf %div3A_3579, %add3A_3635 : vector<16xf32>
      %mul3A_3637 = arith.constant 16 : i32
      %mul3A_3638 = arith.muli %scan3A_8, %mul3A_3637 : i32
      %add3A_3639 = arith.constant 11 : i32
      %add3A_3640 = arith.addi %mul3A_3638, %add3A_3639 : i32
      %swap3A_3641 = arith.index_cast %add3A_3640 : i32 to index
      %swap3A_3642 = arith.constant 0 : index
      %swap3A_3643 = tpu.vector_load %arg7[%swap3A_3641, %swap3A_3642] {strides = array<i32>} : memref<320x16xf32, #tpu.memory_space<vmem>>, vector<1x16xf32>,
      %swap3A_3644 = vector.shape_cast %swap3A_3643 : vector<1x16xf32> to vector<16xf32>
      %swap3A_3645 = vector.shape_cast %div3A_3636 : vector<16xf32> to vector<1x16xf32>
      tpu.vector_store %arg7[%swap3A_3641, %swap3A_3642], %swap3A_3645 {strides = array<i32>} : memref<320x16xf32, #tpu.memory_space<vmem>>, vector<1x16xf32>,
      %xor3A_3646 = arith.constant 1 : i32
      %xor3A_3647 = vector.broadcast %xor3A_3646 : i32 to vector<16xi32>
      %xor3A_3648 = arith.xori %iota3A, %xor3A_3647 : vector<16xi32>
      %lt3A_3649 = arith.constant 0 : i32
      %lt3A_3650 = vector.broadcast %lt3A_3649 : i32 to vector<16xi32>
      %lt3A_3651 = arith.cmpi slt, %xor3A_3648, %lt3A_3650 : vector<16xi32>
      %add3A_3652 = arith.constant 16 : i32
      %add3A_3653 = vector.broadcast %add3A_3652 : i32 to vector<16xi32>
      %add3A_3654 = arith.addi %xor3A_3648, %add3A_3653 : vector<16xi32>
      %select_n3A_3655 = arith.select %lt3A_3651, %add3A_3654, %xor3A_3648 : vector<16xi1>, vector<16xi32>
      %broadcast_in_dim3A_3656 = vector.shape_cast %select_n3A_3655 : vector<16xi32> to vector<16x1xi32>
      %gather3A_3657 = vector.shape_cast %broadcast_in_dim3A_3656 : vector<16x1xi32> to vector<16xi32>
      %gather3A_3658 = tpu.dynamic_gather %get3A_3573[%gather3A_3657] in [0] : vector<16xf32>, vector<16xi32> -> vector<16xf32>
      %min3A_3659 = arith.minimumf %get3A_3573, %gather3A_3658 : vector<16xf32>
      %xor3A_3660 = arith.constant 2 : i32
      %xor3A_3661 = vector.broadcast %xor3A_3660 : i32 to vector<16xi32>
      %xor3A_3662 = arith.xori %iota3A, %xor3A_3661 : vector<16xi32>
      %lt3A_3663 = arith.constant 0 : i32
      %lt3A_3664 = vector.broadcast %lt3A_3663 : i32 to vector<16xi32>
      %lt3A_3665 = arith.cmpi slt, %xor3A_3662, %lt3A_3664 : vector<16xi32>
      %add3A_3666 = arith.constant 16 : i32
      %add3A_3667 = vector.broadcast %add3A_3666 : i32 to vector<16xi32>
      %add3A_3668 = arith.addi %xor3A_3662, %add3A_3667 : vector<16xi32>
      %select_n3A_3669 = arith.select %lt3A_3665, %add3A_3668, %xor3A_3662 : vector<16xi1>, vector<16xi32>
      %broadcast_in_dim3A_3670 = vector.shape_cast %select_n3A_3669 : vector<16xi32> to vector<16x1xi32>
      %gather3A_3671 = vector.shape_cast %broadcast_in_dim3A_3670 : vector<16x1xi32> to vector<16xi32>
      %gather3A_3672 = tpu.dynamic_gather %min3A_3659[%gather3A_3671] in [0] : vector<16xf32>, vector<16xi32> -> vector<16xf32>
      %min3A_3673 = arith.minimumf %min3A_3659, %gather3A_3672 : vector<16xf32>
      %xor3A_3674 = arith.constant 4 : i32
      %xor3A_3675 = vector.broadcast %xor3A_3674 : i32 to vector<16xi32>
      %xor3A_3676 = arith.xori %iota3A, %xor3A_3675 : vector<16xi32>
      %lt3A_3677 = arith.constant 0 : i32
      %lt3A_3678 = vector.broadcast %lt3A_3677 : i32 to vector<16xi32>
      %lt3A_3679 = arith.cmpi slt, %xor3A_3676, %lt3A_3678 : vector<16xi32>
      %add3A_3680 = arith.constant 16 : i32
      %add3A_3681 = vector.broadcast %add3A_3680 : i32 to vector<16xi32>
      %add3A_3682 = arith.addi %xor3A_3676, %add3A_3681 : vector<16xi32>
      %select_n3A_3683 = arith.select %lt3A_3679, %add3A_3682, %xor3A_3676 : vector<16xi1>, vector<16xi32>
      %broadcast_in_dim3A_3684 = vector.shape_cast %select_n3A_3683 : vector<16xi32> to vector<16x1xi32>
      %gather3A_3685 = vector.shape_cast %broadcast_in_dim3A_3684 : vector<16x1xi32> to vector<16xi32>
      %gather3A_3686 = tpu.dynamic_gather %min3A_3673[%gather3A_3685] in [0] : vector<16xf32>, vector<16xi32> -> vector<16xf32>
      %min3A_3687 = arith.minimumf %min3A_3673, %gather3A_3686 : vector<16xf32>
      %xor3A_3688 = arith.constant 8 : i32
      %xor3A_3689 = vector.broadcast %xor3A_3688 : i32 to vector<16xi32>
      %xor3A_3690 = arith.xori %iota3A, %xor3A_3689 : vector<16xi32>
      %lt3A_3691 = arith.constant 0 : i32
      %lt3A_3692 = vector.broadcast %lt3A_3691 : i32 to vector<16xi32>
      %lt3A_3693 = arith.cmpi slt, %xor3A_3690, %lt3A_3692 : vector<16xi32>
      %add3A_3694 = arith.constant 16 : i32
      %add3A_3695 = vector.broadcast %add3A_3694 : i32 to vector<16xi32>
      %add3A_3696 = arith.addi %xor3A_3690, %add3A_3695 : vector<16xi32>
      %select_n3A_3697 = arith.select %lt3A_3693, %add3A_3696, %xor3A_3690 : vector<16xi1>, vector<16xi32>
      %broadcast_in_dim3A_3698 = vector.shape_cast %select_n3A_3697 : vector<16xi32> to vector<16x1xi32>
      %gather3A_3699 = vector.shape_cast %broadcast_in_dim3A_3698 : vector<16x1xi32> to vector<16xi32>
      %gather3A_3700 = tpu.dynamic_gather %min3A_3687[%gather3A_3699] in [0] : vector<16xf32>, vector<16xi32> -> vector<16xf32>
      %min3A_3701 = arith.minimumf %min3A_3687, %gather3A_3700 : vector<16xf32>
      %eq3A_3702 = arith.cmpf oeq, %get3A_3573, %min3A_3701 : vector<16xf32>
      %jit3A_3703 = arith.constant 16 : i32
      %broadcast_in_dim3A_3704 = vector.broadcast %jit3A_3703 : i32 to vector<16xi32>
      %select_n3A_3705 = arith.select %eq3A_3702, %iota3A, %broadcast_in_dim3A_3704 : vector<16xi1>, vector<16xi32>
      %xor3A_3706 = arith.constant 1 : i32
      %xor3A_3707 = vector.broadcast %xor3A_3706 : i32 to vector<16xi32>
      %xor3A_3708 = arith.xori %iota3A, %xor3A_3707 : vector<16xi32>
      %lt3A_3709 = arith.constant 0 : i32
      %lt3A_3710 = vector.broadcast %lt3A_3709 : i32 to vector<16xi32>
      %lt3A_3711 = arith.cmpi slt, %xor3A_3708, %lt3A_3710 : vector<16xi32>
      %add3A_3712 = arith.constant 16 : i32
      %add3A_3713 = vector.broadcast %add3A_3712 : i32 to vector<16xi32>
      %add3A_3714 = arith.addi %xor3A_3708, %add3A_3713 : vector<16xi32>
      %select_n3A_3715 = arith.select %lt3A_3711, %add3A_3714, %xor3A_3708 : vector<16xi1>, vector<16xi32>
      %broadcast_in_dim3A_3716 = vector.shape_cast %select_n3A_3715 : vector<16xi32> to vector<16x1xi32>
      %gather3A_3717 = vector.shape_cast %broadcast_in_dim3A_3716 : vector<16x1xi32> to vector<16xi32>
      %gather3A_3718 = tpu.dynamic_gather %select_n3A_3705[%gather3A_3717] in [0] : vector<16xi32>, vector<16xi32> -> vector<16xi32>
      %min3A_3719 = arith.minsi %select_n3A_3705, %gather3A_3718 : vector<16xi32>
      %xor3A_3720 = arith.constant 2 : i32
      %xor3A_3721 = vector.broadcast %xor3A_3720 : i32 to vector<16xi32>
      %xor3A_3722 = arith.xori %iota3A, %xor3A_3721 : vector<16xi32>
      %lt3A_3723 = arith.constant 0 : i32
      %lt3A_3724 = vector.broadcast %lt3A_3723 : i32 to vector<16xi32>
      %lt3A_3725 = arith.cmpi slt, %xor3A_3722, %lt3A_3724 : vector<16xi32>
      %add3A_3726 = arith.constant 16 : i32
      %add3A_3727 = vector.broadcast %add3A_3726 : i32 to vector<16xi32>
      %add3A_3728 = arith.addi %xor3A_3722, %add3A_3727 : vector<16xi32>
      %select_n3A_3729 = arith.select %lt3A_3725, %add3A_3728, %xor3A_3722 : vector<16xi1>, vector<16xi32>
      %broadcast_in_dim3A_3730 = vector.shape_cast %select_n3A_3729 : vector<16xi32> to vector<16x1xi32>
      %gather3A_3731 = vector.shape_cast %broadcast_in_dim3A_3730 : vector<16x1xi32> to vector<16xi32>
      %gather3A_3732 = tpu.dynamic_gather %min3A_3719[%gather3A_3731] in [0] : vector<16xi32>, vector<16xi32> -> vector<16xi32>
      %min3A_3733 = arith.minsi %min3A_3719, %gather3A_3732 : vector<16xi32>
      %xor3A_3734 = arith.constant 4 : i32
      %xor3A_3735 = vector.broadcast %xor3A_3734 : i32 to vector<16xi32>
      %xor3A_3736 = arith.xori %iota3A, %xor3A_3735 : vector<16xi32>
      %lt3A_3737 = arith.constant 0 : i32
      %lt3A_3738 = vector.broadcast %lt3A_3737 : i32 to vector<16xi32>
      %lt3A_3739 = arith.cmpi slt, %xor3A_3736, %lt3A_3738 : vector<16xi32>
      %add3A_3740 = arith.constant 16 : i32
      %add3A_3741 = vector.broadcast %add3A_3740 : i32 to vector<16xi32>
      %add3A_3742 = arith.addi %xor3A_3736, %add3A_3741 : vector<16xi32>
      %select_n3A_3743 = arith.select %lt3A_3739, %add3A_3742, %xor3A_3736 : vector<16xi1>, vector<16xi32>
      %broadcast_in_dim3A_3744 = vector.shape_cast %select_n3A_3743 : vector<16xi32> to vector<16x1xi32>
      %gather3A_3745 = vector.shape_cast %broadcast_in_dim3A_3744 : vector<16x1xi32> to vector<16xi32>
      %gather3A_3746 = tpu.dynamic_gather %min3A_3733[%gather3A_3745] in [0] : vector<16xi32>, vector<16xi32> -> vector<16xi32>
      %min3A_3747 = arith.minsi %min3A_3733, %gather3A_3746 : vector<16xi32>
      %xor3A_3748 = arith.constant 8 : i32
      %xor3A_3749 = vector.broadcast %xor3A_3748 : i32 to vector<16xi32>
      %xor3A_3750 = arith.xori %iota3A, %xor3A_3749 : vector<16xi32>
      %lt3A_3751 = arith.constant 0 : i32
      %lt3A_3752 = vector.broadcast %lt3A_3751 : i32 to vector<16xi32>
      %lt3A_3753 = arith.cmpi slt, %xor3A_3750, %lt3A_3752 : vector<16xi32>
      %add3A_3754 = arith.constant 16 : i32
      %add3A_3755 = vector.broadcast %add3A_3754 : i32 to vector<16xi32>
      %add3A_3756 = arith.addi %xor3A_3750, %add3A_3755 : vector<16xi32>
      %select_n3A_3757 = arith.select %lt3A_3753, %add3A_3756, %xor3A_3750 : vector<16xi1>, vector<16xi32>
      %broadcast_in_dim3A_3758 = vector.shape_cast %select_n3A_3757 : vector<16xi32> to vector<16x1xi32>
      %gather3A_3759 = vector.shape_cast %broadcast_in_dim3A_3758 : vector<16x1xi32> to vector<16xi32>
      %gather3A_3760 = tpu.dynamic_gather %min3A_3747[%gather3A_3759] in [0] : vector<16xi32>, vector<16xi32> -> vector<16xi32>
      %min3A_3761 = arith.minsi %min3A_3747, %gather3A_3760 : vector<16xi32>
      %eq3A_3762 = arith.cmpi eq, %iota3A, %min3A_3761 : vector<16xi32>
      %jit3A_3763 = arith.constant 0x7F800000 : f32
      %broadcast_in_dim3A_3764 = vector.broadcast %jit3A_3763 : f32 to vector<16xf32>
      %select_n3A_3765 = arith.select %eq3A_3762, %broadcast_in_dim3A_3764, %get3A_3573 : vector<16xi1>, vector<16xf32>
      %xor3A_3766 = arith.constant 1 : i32
      %xor3A_3767 = vector.broadcast %xor3A_3766 : i32 to vector<16xi32>
      %xor3A_3768 = arith.xori %iota3A, %xor3A_3767 : vector<16xi32>
      %lt3A_3769 = arith.constant 0 : i32
      %lt3A_3770 = vector.broadcast %lt3A_3769 : i32 to vector<16xi32>
      %lt3A_3771 = arith.cmpi slt, %xor3A_3768, %lt3A_3770 : vector<16xi32>
      %add3A_3772 = arith.constant 16 : i32
      %add3A_3773 = vector.broadcast %add3A_3772 : i32 to vector<16xi32>
      %add3A_3774 = arith.addi %xor3A_3768, %add3A_3773 : vector<16xi32>
      %select_n3A_3775 = arith.select %lt3A_3771, %add3A_3774, %xor3A_3768 : vector<16xi1>, vector<16xi32>
      %broadcast_in_dim3A_3776 = vector.shape_cast %select_n3A_3775 : vector<16xi32> to vector<16x1xi32>
      %gather3A_3777 = vector.shape_cast %broadcast_in_dim3A_3776 : vector<16x1xi32> to vector<16xi32>
      %gather3A_3778 = tpu.dynamic_gather %select_n3A_3765[%gather3A_3777] in [0] : vector<16xf32>, vector<16xi32> -> vector<16xf32>
      %min3A_3779 = arith.minimumf %select_n3A_3765, %gather3A_3778 : vector<16xf32>
      %xor3A_3780 = arith.constant 2 : i32
      %xor3A_3781 = vector.broadcast %xor3A_3780 : i32 to vector<16xi32>
      %xor3A_3782 = arith.xori %iota3A, %xor3A_3781 : vector<16xi32>
      %lt3A_3783 = arith.constant 0 : i32
      %lt3A_3784 = vector.broadcast %lt3A_3783 : i32 to vector<16xi32>
      %lt3A_3785 = arith.cmpi slt, %xor3A_3782, %lt3A_3784 : vector<16xi32>
      %add3A_3786 = arith.constant 16 : i32
      %add3A_3787 = vector.broadcast %add3A_3786 : i32 to vector<16xi32>
      %add3A_3788 = arith.addi %xor3A_3782, %add3A_3787 : vector<16xi32>
      %select_n3A_3789 = arith.select %lt3A_3785, %add3A_3788, %xor3A_3782 : vector<16xi1>, vector<16xi32>
      %broadcast_in_dim3A_3790 = vector.shape_cast %select_n3A_3789 : vector<16xi32> to vector<16x1xi32>
      %gather3A_3791 = vector.shape_cast %broadcast_in_dim3A_3790 : vector<16x1xi32> to vector<16xi32>
      %gather3A_3792 = tpu.dynamic_gather %min3A_3779[%gather3A_3791] in [0] : vector<16xf32>, vector<16xi32> -> vector<16xf32>
      %min3A_3793 = arith.minimumf %min3A_3779, %gather3A_3792 : vector<16xf32>
      %xor3A_3794 = arith.constant 4 : i32
      %xor3A_3795 = vector.broadcast %xor3A_3794 : i32 to vector<16xi32>
      %xor3A_3796 = arith.xori %iota3A, %xor3A_3795 : vector<16xi32>
      %lt3A_3797 = arith.constant 0 : i32
      %lt3A_3798 = vector.broadcast %lt3A_3797 : i32 to vector<16xi32>
      %lt3A_3799 = arith.cmpi slt, %xor3A_3796, %lt3A_3798 : vector<16xi32>
      %add3A_3800 = arith.constant 16 : i32
      %add3A_3801 = vector.broadcast %add3A_3800 : i32 to vector<16xi32>
      %add3A_3802 = arith.addi %xor3A_3796, %add3A_3801 : vector<16xi32>
      %select_n3A_3803 = arith.select %lt3A_3799, %add3A_3802, %xor3A_3796 : vector<16xi1>, vector<16xi32>
      %broadcast_in_dim3A_3804 = vector.shape_cast %select_n3A_3803 : vector<16xi32> to vector<16x1xi32>
      %gather3A_3805 = vector.shape_cast %broadcast_in_dim3A_3804 : vector<16x1xi32> to vector<16xi32>
      %gather3A_3806 = tpu.dynamic_gather %min3A_3793[%gather3A_3805] in [0] : vector<16xf32>, vector<16xi32> -> vector<16xf32>
      %min3A_3807 = arith.minimumf %min3A_3793, %gather3A_3806 : vector<16xf32>
      %xor3A_3808 = arith.constant 8 : i32
      %xor3A_3809 = vector.broadcast %xor3A_3808 : i32 to vector<16xi32>
      %xor3A_3810 = arith.xori %iota3A, %xor3A_3809 : vector<16xi32>
      %lt3A_3811 = arith.constant 0 : i32
      %lt3A_3812 = vector.broadcast %lt3A_3811 : i32 to vector<16xi32>
      %lt3A_3813 = arith.cmpi slt, %xor3A_3810, %lt3A_3812 : vector<16xi32>
      %add3A_3814 = arith.constant 16 : i32
      %add3A_3815 = vector.broadcast %add3A_3814 : i32 to vector<16xi32>
      %add3A_3816 = arith.addi %xor3A_3810, %add3A_3815 : vector<16xi32>
      %select_n3A_3817 = arith.select %lt3A_3813, %add3A_3816, %xor3A_3810 : vector<16xi1>, vector<16xi32>
      %broadcast_in_dim3A_3818 = vector.shape_cast %select_n3A_3817 : vector<16xi32> to vector<16x1xi32>
      %gather3A_3819 = vector.shape_cast %broadcast_in_dim3A_3818 : vector<16x1xi32> to vector<16xi32>
      %gather3A_3820 = tpu.dynamic_gather %min3A_3807[%gather3A_3819] in [0] : vector<16xf32>, vector<16xi32> -> vector<16xf32>
      %min3A_3821 = arith.minimumf %min3A_3807, %gather3A_3820 : vector<16xf32>
      %eq3A_3822 = arith.cmpf oeq, %select_n3A_3765, %min3A_3821 : vector<16xf32>
      %jit3A_3823 = arith.constant 16 : i32
      %broadcast_in_dim3A_3824 = vector.broadcast %jit3A_3823 : i32 to vector<16xi32>
      %select_n3A_3825 = arith.select %eq3A_3822, %iota3A, %broadcast_in_dim3A_3824 : vector<16xi1>, vector<16xi32>
      %xor3A_3826 = arith.constant 1 : i32
      %xor3A_3827 = vector.broadcast %xor3A_3826 : i32 to vector<16xi32>
      %xor3A_3828 = arith.xori %iota3A, %xor3A_3827 : vector<16xi32>
      %lt3A_3829 = arith.constant 0 : i32
      %lt3A_3830 = vector.broadcast %lt3A_3829 : i32 to vector<16xi32>
      %lt3A_3831 = arith.cmpi slt, %xor3A_3828, %lt3A_3830 : vector<16xi32>
      %add3A_3832 = arith.constant 16 : i32
      %add3A_3833 = vector.broadcast %add3A_3832 : i32 to vector<16xi32>
      %add3A_3834 = arith.addi %xor3A_3828, %add3A_3833 : vector<16xi32>
      %select_n3A_3835 = arith.select %lt3A_3831, %add3A_3834, %xor3A_3828 : vector<16xi1>, vector<16xi32>
      %broadcast_in_dim3A_3836 = vector.shape_cast %select_n3A_3835 : vector<16xi32> to vector<16x1xi32>
      %gather3A_3837 = vector.shape_cast %broadcast_in_dim3A_3836 : vector<16x1xi32> to vector<16xi32>
      %gather3A_3838 = tpu.dynamic_gather %select_n3A_3825[%gather3A_3837] in [0] : vector<16xi32>, vector<16xi32> -> vector<16xi32>
      %min3A_3839 = arith.minsi %select_n3A_3825, %gather3A_3838 : vector<16xi32>
      %xor3A_3840 = arith.constant 2 : i32
      %xor3A_3841 = vector.broadcast %xor3A_3840 : i32 to vector<16xi32>
      %xor3A_3842 = arith.xori %iota3A, %xor3A_3841 : vector<16xi32>
      %lt3A_3843 = arith.constant 0 : i32
      %lt3A_3844 = vector.broadcast %lt3A_3843 : i32 to vector<16xi32>
      %lt3A_3845 = arith.cmpi slt, %xor3A_3842, %lt3A_3844 : vector<16xi32>
      %add3A_3846 = arith.constant 16 : i32
      %add3A_3847 = vector.broadcast %add3A_3846 : i32 to vector<16xi32>
      %add3A_3848 = arith.addi %xor3A_3842, %add3A_3847 : vector<16xi32>
      %select_n3A_3849 = arith.select %lt3A_3845, %add3A_3848, %xor3A_3842 : vector<16xi1>, vector<16xi32>
      %broadcast_in_dim3A_3850 = vector.shape_cast %select_n3A_3849 : vector<16xi32> to vector<16x1xi32>
      %gather3A_3851 = vector.shape_cast %broadcast_in_dim3A_3850 : vector<16x1xi32> to vector<16xi32>
      %gather3A_3852 = tpu.dynamic_gather %min3A_3839[%gather3A_3851] in [0] : vector<16xi32>, vector<16xi32> -> vector<16xi32>
      %min3A_3853 = arith.minsi %min3A_3839, %gather3A_3852 : vector<16xi32>
      %xor3A_3854 = arith.constant 4 : i32
      %xor3A_3855 = vector.broadcast %xor3A_3854 : i32 to vector<16xi32>
      %xor3A_3856 = arith.xori %iota3A, %xor3A_3855 : vector<16xi32>
      %lt3A_3857 = arith.constant 0 : i32
      %lt3A_3858 = vector.broadcast %lt3A_3857 : i32 to vector<16xi32>
      %lt3A_3859 = arith.cmpi slt, %xor3A_3856, %lt3A_3858 : vector<16xi32>
      %add3A_3860 = arith.constant 16 : i32
      %add3A_3861 = vector.broadcast %add3A_3860 : i32 to vector<16xi32>
      %add3A_3862 = arith.addi %xor3A_3856, %add3A_3861 : vector<16xi32>
      %select_n3A_3863 = arith.select %lt3A_3859, %add3A_3862, %xor3A_3856 : vector<16xi1>, vector<16xi32>
      %broadcast_in_dim3A_3864 = vector.shape_cast %select_n3A_3863 : vector<16xi32> to vector<16x1xi32>
      %gather3A_3865 = vector.shape_cast %broadcast_in_dim3A_3864 : vector<16x1xi32> to vector<16xi32>
      %gather3A_3866 = tpu.dynamic_gather %min3A_3853[%gather3A_3865] in [0] : vector<16xi32>, vector<16xi32> -> vector<16xi32>
      %min3A_3867 = arith.minsi %min3A_3853, %gather3A_3866 : vector<16xi32>
      %xor3A_3868 = arith.constant 8 : i32
      %xor3A_3869 = vector.broadcast %xor3A_3868 : i32 to vector<16xi32>
      %xor3A_3870 = arith.xori %iota3A, %xor3A_3869 : vector<16xi32>
      %lt3A_3871 = arith.constant 0 : i32
      %lt3A_3872 = vector.broadcast %lt3A_3871 : i32 to vector<16xi32>
      %lt3A_3873 = arith.cmpi slt, %xor3A_3870, %lt3A_3872 : vector<16xi32>
      %add3A_3874 = arith.constant 16 : i32
      %add3A_3875 = vector.broadcast %add3A_3874 : i32 to vector<16xi32>
      %add3A_3876 = arith.addi %xor3A_3870, %add3A_3875 : vector<16xi32>
      %select_n3A_3877 = arith.select %lt3A_3873, %add3A_3876, %xor3A_3870 : vector<16xi1>, vector<16xi32>
      %broadcast_in_dim3A_3878 = vector.shape_cast %select_n3A_3877 : vector<16xi32> to vector<16x1xi32>
      %gather3A_3879 = vector.shape_cast %broadcast_in_dim3A_3878 : vector<16x1xi32> to vector<16xi32>
      %gather3A_3880 = tpu.dynamic_gather %min3A_3867[%gather3A_3879] in [0] : vector<16xi32>, vector<16xi32> -> vector<16xi32>
      %min3A_3881 = arith.minsi %min3A_3867, %gather3A_3880 : vector<16xi32>
      %eq3A_3882 = arith.constant 11 : i32
      %eq3A_3883 = vector.broadcast %eq3A_3882 : i32 to vector<16xi32>
      %eq3A_3884 = arith.cmpi eq, %iota3A, %eq3A_3883 : vector<16xi32>
      %select_n3A_3885 = arith.select %eq3A_3884, %min3A_3761, %select_n3A_3561 : vector<16xi1>, vector<16xi32>
      %eq3A_3886 = arith.constant 11 : i32
      %eq3A_3887 = vector.broadcast %eq3A_3886 : i32 to vector<16xi32>
      %eq3A_3888 = arith.cmpi eq, %iota3A, %eq3A_3887 : vector<16xi32>
      %select_n3A_3889 = arith.select %eq3A_3888, %min3A_3881, %select_n3A_3565 : vector<16xi1>, vector<16xi32>
      %mul3A_3890 = arith.constant 16 : i32
      %mul3A_3891 = arith.muli %scan3A_8, %mul3A_3890 : i32
      %add3A_3892 = arith.constant 12 : i32
      %add3A_3893 = arith.addi %mul3A_3891, %add3A_3892 : i32
      %get3A_3894 = arith.index_cast %add3A_3893 : i32 to index
      %get3A_3895 = arith.constant 0 : index
      %get3A_3896 = tpu.vector_load %arg6[%get3A_3894, %get3A_3895] {strides = array<i32>} : memref<320x16xf32, #tpu.memory_space<vmem>>, vector<1x16xf32>,
      %get3A_3897 = vector.shape_cast %get3A_3896 : vector<1x16xf32> to vector<16xf32>
      %add3A_3898 = arith.constant 1.000000e+00 : f32
      %add3A_3899 = vector.broadcast %add3A_3898 : f32 to vector<16xf32>
      %add3A_3900 = arith.addf %add3A_3899, %get3A_3897 : vector<16xf32>
      %div3A_3901 = arith.constant 1.000000e+00 : f32
      %div3A_3902 = vector.broadcast %div3A_3901 : f32 to vector<16xf32>
      %div3A_3903 = arith.divf %div3A_3902, %add3A_3900 : vector<16xf32>
      %xor3A_3904 = arith.constant 1 : i32
      %xor3A_3905 = vector.broadcast %xor3A_3904 : i32 to vector<16xi32>
      %xor3A_3906 = arith.xori %iota3A, %xor3A_3905 : vector<16xi32>
      %lt3A_3907 = arith.constant 0 : i32
      %lt3A_3908 = vector.broadcast %lt3A_3907 : i32 to vector<16xi32>
      %lt3A_3909 = arith.cmpi slt, %xor3A_3906, %lt3A_3908 : vector<16xi32>
      %add3A_3910 = arith.constant 16 : i32
      %add3A_3911 = vector.broadcast %add3A_3910 : i32 to vector<16xi32>
      %add3A_3912 = arith.addi %xor3A_3906, %add3A_3911 : vector<16xi32>
      %select_n3A_3913 = arith.select %lt3A_3909, %add3A_3912, %xor3A_3906 : vector<16xi1>, vector<16xi32>
      %broadcast_in_dim3A_3914 = vector.shape_cast %select_n3A_3913 : vector<16xi32> to vector<16x1xi32>
      %gather3A_3915 = vector.shape_cast %broadcast_in_dim3A_3914 : vector<16x1xi32> to vector<16xi32>
      %gather3A_3916 = tpu.dynamic_gather %div3A_3903[%gather3A_3915] in [0] : vector<16xf32>, vector<16xi32> -> vector<16xf32>
      %add3A_3917 = arith.addf %div3A_3903, %gather3A_3916 : vector<16xf32>
      %xor3A_3918 = arith.constant 2 : i32
      %xor3A_3919 = vector.broadcast %xor3A_3918 : i32 to vector<16xi32>
      %xor3A_3920 = arith.xori %iota3A, %xor3A_3919 : vector<16xi32>
      %lt3A_3921 = arith.constant 0 : i32
      %lt3A_3922 = vector.broadcast %lt3A_3921 : i32 to vector<16xi32>
      %lt3A_3923 = arith.cmpi slt, %xor3A_3920, %lt3A_3922 : vector<16xi32>
      %add3A_3924 = arith.constant 16 : i32
      %add3A_3925 = vector.broadcast %add3A_3924 : i32 to vector<16xi32>
      %add3A_3926 = arith.addi %xor3A_3920, %add3A_3925 : vector<16xi32>
      %select_n3A_3927 = arith.select %lt3A_3923, %add3A_3926, %xor3A_3920 : vector<16xi1>, vector<16xi32>
      %broadcast_in_dim3A_3928 = vector.shape_cast %select_n3A_3927 : vector<16xi32> to vector<16x1xi32>
      %gather3A_3929 = vector.shape_cast %broadcast_in_dim3A_3928 : vector<16x1xi32> to vector<16xi32>
      %gather3A_3930 = tpu.dynamic_gather %add3A_3917[%gather3A_3929] in [0] : vector<16xf32>, vector<16xi32> -> vector<16xf32>
      %add3A_3931 = arith.addf %add3A_3917, %gather3A_3930 : vector<16xf32>
      %xor3A_3932 = arith.constant 4 : i32
      %xor3A_3933 = vector.broadcast %xor3A_3932 : i32 to vector<16xi32>
      %xor3A_3934 = arith.xori %iota3A, %xor3A_3933 : vector<16xi32>
      %lt3A_3935 = arith.constant 0 : i32
      %lt3A_3936 = vector.broadcast %lt3A_3935 : i32 to vector<16xi32>
      %lt3A_3937 = arith.cmpi slt, %xor3A_3934, %lt3A_3936 : vector<16xi32>
      %add3A_3938 = arith.constant 16 : i32
      %add3A_3939 = vector.broadcast %add3A_3938 : i32 to vector<16xi32>
      %add3A_3940 = arith.addi %xor3A_3934, %add3A_3939 : vector<16xi32>
      %select_n3A_3941 = arith.select %lt3A_3937, %add3A_3940, %xor3A_3934 : vector<16xi1>, vector<16xi32>
      %broadcast_in_dim3A_3942 = vector.shape_cast %select_n3A_3941 : vector<16xi32> to vector<16x1xi32>
      %gather3A_3943 = vector.shape_cast %broadcast_in_dim3A_3942 : vector<16x1xi32> to vector<16xi32>
      %gather3A_3944 = tpu.dynamic_gather %add3A_3931[%gather3A_3943] in [0] : vector<16xf32>, vector<16xi32> -> vector<16xf32>
      %add3A_3945 = arith.addf %add3A_3931, %gather3A_3944 : vector<16xf32>
      %xor3A_3946 = arith.constant 8 : i32
      %xor3A_3947 = vector.broadcast %xor3A_3946 : i32 to vector<16xi32>
      %xor3A_3948 = arith.xori %iota3A, %xor3A_3947 : vector<16xi32>
      %lt3A_3949 = arith.constant 0 : i32
      %lt3A_3950 = vector.broadcast %lt3A_3949 : i32 to vector<16xi32>
      %lt3A_3951 = arith.cmpi slt, %xor3A_3948, %lt3A_3950 : vector<16xi32>
      %add3A_3952 = arith.constant 16 : i32
      %add3A_3953 = vector.broadcast %add3A_3952 : i32 to vector<16xi32>
      %add3A_3954 = arith.addi %xor3A_3948, %add3A_3953 : vector<16xi32>
      %select_n3A_3955 = arith.select %lt3A_3951, %add3A_3954, %xor3A_3948 : vector<16xi1>, vector<16xi32>
      %broadcast_in_dim3A_3956 = vector.shape_cast %select_n3A_3955 : vector<16xi32> to vector<16x1xi32>
      %gather3A_3957 = vector.shape_cast %broadcast_in_dim3A_3956 : vector<16x1xi32> to vector<16xi32>
      %gather3A_3958 = tpu.dynamic_gather %add3A_3945[%gather3A_3957] in [0] : vector<16xf32>, vector<16xi32> -> vector<16xf32>
      %add3A_3959 = arith.addf %add3A_3945, %gather3A_3958 : vector<16xf32>
      %div3A_3960 = arith.divf %div3A_3903, %add3A_3959 : vector<16xf32>
      %mul3A_3961 = arith.constant 16 : i32
      %mul3A_3962 = arith.muli %scan3A_8, %mul3A_3961 : i32
      %add3A_3963 = arith.constant 12 : i32
      %add3A_3964 = arith.addi %mul3A_3962, %add3A_3963 : i32
      %swap3A_3965 = arith.index_cast %add3A_3964 : i32 to index
      %swap3A_3966 = arith.constant 0 : index
      %swap3A_3967 = tpu.vector_load %arg7[%swap3A_3965, %swap3A_3966] {strides = array<i32>} : memref<320x16xf32, #tpu.memory_space<vmem>>, vector<1x16xf32>,
      %swap3A_3968 = vector.shape_cast %swap3A_3967 : vector<1x16xf32> to vector<16xf32>
      %swap3A_3969 = vector.shape_cast %div3A_3960 : vector<16xf32> to vector<1x16xf32>
      tpu.vector_store %arg7[%swap3A_3965, %swap3A_3966], %swap3A_3969 {strides = array<i32>} : memref<320x16xf32, #tpu.memory_space<vmem>>, vector<1x16xf32>,
      %xor3A_3970 = arith.constant 1 : i32
      %xor3A_3971 = vector.broadcast %xor3A_3970 : i32 to vector<16xi32>
      %xor3A_3972 = arith.xori %iota3A, %xor3A_3971 : vector<16xi32>
      %lt3A_3973 = arith.constant 0 : i32
      %lt3A_3974 = vector.broadcast %lt3A_3973 : i32 to vector<16xi32>
      %lt3A_3975 = arith.cmpi slt, %xor3A_3972, %lt3A_3974 : vector<16xi32>
      %add3A_3976 = arith.constant 16 : i32
      %add3A_3977 = vector.broadcast %add3A_3976 : i32 to vector<16xi32>
      %add3A_3978 = arith.addi %xor3A_3972, %add3A_3977 : vector<16xi32>
      %select_n3A_3979 = arith.select %lt3A_3975, %add3A_3978, %xor3A_3972 : vector<16xi1>, vector<16xi32>
      %broadcast_in_dim3A_3980 = vector.shape_cast %select_n3A_3979 : vector<16xi32> to vector<16x1xi32>
      %gather3A_3981 = vector.shape_cast %broadcast_in_dim3A_3980 : vector<16x1xi32> to vector<16xi32>
      %gather3A_3982 = tpu.dynamic_gather %get3A_3897[%gather3A_3981] in [0] : vector<16xf32>, vector<16xi32> -> vector<16xf32>
      %min3A_3983 = arith.minimumf %get3A_3897, %gather3A_3982 : vector<16xf32>
      %xor3A_3984 = arith.constant 2 : i32
      %xor3A_3985 = vector.broadcast %xor3A_3984 : i32 to vector<16xi32>
      %xor3A_3986 = arith.xori %iota3A, %xor3A_3985 : vector<16xi32>
      %lt3A_3987 = arith.constant 0 : i32
      %lt3A_3988 = vector.broadcast %lt3A_3987 : i32 to vector<16xi32>
      %lt3A_3989 = arith.cmpi slt, %xor3A_3986, %lt3A_3988 : vector<16xi32>
      %add3A_3990 = arith.constant 16 : i32
      %add3A_3991 = vector.broadcast %add3A_3990 : i32 to vector<16xi32>
      %add3A_3992 = arith.addi %xor3A_3986, %add3A_3991 : vector<16xi32>
      %select_n3A_3993 = arith.select %lt3A_3989, %add3A_3992, %xor3A_3986 : vector<16xi1>, vector<16xi32>
      %broadcast_in_dim3A_3994 = vector.shape_cast %select_n3A_3993 : vector<16xi32> to vector<16x1xi32>
      %gather3A_3995 = vector.shape_cast %broadcast_in_dim3A_3994 : vector<16x1xi32> to vector<16xi32>
      %gather3A_3996 = tpu.dynamic_gather %min3A_3983[%gather3A_3995] in [0] : vector<16xf32>, vector<16xi32> -> vector<16xf32>
      %min3A_3997 = arith.minimumf %min3A_3983, %gather3A_3996 : vector<16xf32>
      %xor3A_3998 = arith.constant 4 : i32
      %xor3A_3999 = vector.broadcast %xor3A_3998 : i32 to vector<16xi32>
      %xor3A_4000 = arith.xori %iota3A, %xor3A_3999 : vector<16xi32>
      %lt3A_4001 = arith.constant 0 : i32
      %lt3A_4002 = vector.broadcast %lt3A_4001 : i32 to vector<16xi32>
      %lt3A_4003 = arith.cmpi slt, %xor3A_4000, %lt3A_4002 : vector<16xi32>
      %add3A_4004 = arith.constant 16 : i32
      %add3A_4005 = vector.broadcast %add3A_4004 : i32 to vector<16xi32>
      %add3A_4006 = arith.addi %xor3A_4000, %add3A_4005 : vector<16xi32>
      %select_n3A_4007 = arith.select %lt3A_4003, %add3A_4006, %xor3A_4000 : vector<16xi1>, vector<16xi32>
      %broadcast_in_dim3A_4008 = vector.shape_cast %select_n3A_4007 : vector<16xi32> to vector<16x1xi32>
      %gather3A_4009 = vector.shape_cast %broadcast_in_dim3A_4008 : vector<16x1xi32> to vector<16xi32>
      %gather3A_4010 = tpu.dynamic_gather %min3A_3997[%gather3A_4009] in [0] : vector<16xf32>, vector<16xi32> -> vector<16xf32>
      %min3A_4011 = arith.minimumf %min3A_3997, %gather3A_4010 : vector<16xf32>
      %xor3A_4012 = arith.constant 8 : i32
      %xor3A_4013 = vector.broadcast %xor3A_4012 : i32 to vector<16xi32>
      %xor3A_4014 = arith.xori %iota3A, %xor3A_4013 : vector<16xi32>
      %lt3A_4015 = arith.constant 0 : i32
      %lt3A_4016 = vector.broadcast %lt3A_4015 : i32 to vector<16xi32>
      %lt3A_4017 = arith.cmpi slt, %xor3A_4014, %lt3A_4016 : vector<16xi32>
      %add3A_4018 = arith.constant 16 : i32
      %add3A_4019 = vector.broadcast %add3A_4018 : i32 to vector<16xi32>
      %add3A_4020 = arith.addi %xor3A_4014, %add3A_4019 : vector<16xi32>
      %select_n3A_4021 = arith.select %lt3A_4017, %add3A_4020, %xor3A_4014 : vector<16xi1>, vector<16xi32>
      %broadcast_in_dim3A_4022 = vector.shape_cast %select_n3A_4021 : vector<16xi32> to vector<16x1xi32>
      %gather3A_4023 = vector.shape_cast %broadcast_in_dim3A_4022 : vector<16x1xi32> to vector<16xi32>
      %gather3A_4024 = tpu.dynamic_gather %min3A_4011[%gather3A_4023] in [0] : vector<16xf32>, vector<16xi32> -> vector<16xf32>
      %min3A_4025 = arith.minimumf %min3A_4011, %gather3A_4024 : vector<16xf32>
      %eq3A_4026 = arith.cmpf oeq, %get3A_3897, %min3A_4025 : vector<16xf32>
      %jit3A_4027 = arith.constant 16 : i32
      %broadcast_in_dim3A_4028 = vector.broadcast %jit3A_4027 : i32 to vector<16xi32>
      %select_n3A_4029 = arith.select %eq3A_4026, %iota3A, %broadcast_in_dim3A_4028 : vector<16xi1>, vector<16xi32>
      %xor3A_4030 = arith.constant 1 : i32
      %xor3A_4031 = vector.broadcast %xor3A_4030 : i32 to vector<16xi32>
      %xor3A_4032 = arith.xori %iota3A, %xor3A_4031 : vector<16xi32>
      %lt3A_4033 = arith.constant 0 : i32
      %lt3A_4034 = vector.broadcast %lt3A_4033 : i32 to vector<16xi32>
      %lt3A_4035 = arith.cmpi slt, %xor3A_4032, %lt3A_4034 : vector<16xi32>
      %add3A_4036 = arith.constant 16 : i32
      %add3A_4037 = vector.broadcast %add3A_4036 : i32 to vector<16xi32>
      %add3A_4038 = arith.addi %xor3A_4032, %add3A_4037 : vector<16xi32>
      %select_n3A_4039 = arith.select %lt3A_4035, %add3A_4038, %xor3A_4032 : vector<16xi1>, vector<16xi32>
      %broadcast_in_dim3A_4040 = vector.shape_cast %select_n3A_4039 : vector<16xi32> to vector<16x1xi32>
      %gather3A_4041 = vector.shape_cast %broadcast_in_dim3A_4040 : vector<16x1xi32> to vector<16xi32>
      %gather3A_4042 = tpu.dynamic_gather %select_n3A_4029[%gather3A_4041] in [0] : vector<16xi32>, vector<16xi32> -> vector<16xi32>
      %min3A_4043 = arith.minsi %select_n3A_4029, %gather3A_4042 : vector<16xi32>
      %xor3A_4044 = arith.constant 2 : i32
      %xor3A_4045 = vector.broadcast %xor3A_4044 : i32 to vector<16xi32>
      %xor3A_4046 = arith.xori %iota3A, %xor3A_4045 : vector<16xi32>
      %lt3A_4047 = arith.constant 0 : i32
      %lt3A_4048 = vector.broadcast %lt3A_4047 : i32 to vector<16xi32>
      %lt3A_4049 = arith.cmpi slt, %xor3A_4046, %lt3A_4048 : vector<16xi32>
      %add3A_4050 = arith.constant 16 : i32
      %add3A_4051 = vector.broadcast %add3A_4050 : i32 to vector<16xi32>
      %add3A_4052 = arith.addi %xor3A_4046, %add3A_4051 : vector<16xi32>
      %select_n3A_4053 = arith.select %lt3A_4049, %add3A_4052, %xor3A_4046 : vector<16xi1>, vector<16xi32>
      %broadcast_in_dim3A_4054 = vector.shape_cast %select_n3A_4053 : vector<16xi32> to vector<16x1xi32>
      %gather3A_4055 = vector.shape_cast %broadcast_in_dim3A_4054 : vector<16x1xi32> to vector<16xi32>
      %gather3A_4056 = tpu.dynamic_gather %min3A_4043[%gather3A_4055] in [0] : vector<16xi32>, vector<16xi32> -> vector<16xi32>
      %min3A_4057 = arith.minsi %min3A_4043, %gather3A_4056 : vector<16xi32>
      %xor3A_4058 = arith.constant 4 : i32
      %xor3A_4059 = vector.broadcast %xor3A_4058 : i32 to vector<16xi32>
      %xor3A_4060 = arith.xori %iota3A, %xor3A_4059 : vector<16xi32>
      %lt3A_4061 = arith.constant 0 : i32
      %lt3A_4062 = vector.broadcast %lt3A_4061 : i32 to vector<16xi32>
      %lt3A_4063 = arith.cmpi slt, %xor3A_4060, %lt3A_4062 : vector<16xi32>
      %add3A_4064 = arith.constant 16 : i32
      %add3A_4065 = vector.broadcast %add3A_4064 : i32 to vector<16xi32>
      %add3A_4066 = arith.addi %xor3A_4060, %add3A_4065 : vector<16xi32>
      %select_n3A_4067 = arith.select %lt3A_4063, %add3A_4066, %xor3A_4060 : vector<16xi1>, vector<16xi32>
      %broadcast_in_dim3A_4068 = vector.shape_cast %select_n3A_4067 : vector<16xi32> to vector<16x1xi32>
      %gather3A_4069 = vector.shape_cast %broadcast_in_dim3A_4068 : vector<16x1xi32> to vector<16xi32>
      %gather3A_4070 = tpu.dynamic_gather %min3A_4057[%gather3A_4069] in [0] : vector<16xi32>, vector<16xi32> -> vector<16xi32>
      %min3A_4071 = arith.minsi %min3A_4057, %gather3A_4070 : vector<16xi32>
      %xor3A_4072 = arith.constant 8 : i32
      %xor3A_4073 = vector.broadcast %xor3A_4072 : i32 to vector<16xi32>
      %xor3A_4074 = arith.xori %iota3A, %xor3A_4073 : vector<16xi32>
      %lt3A_4075 = arith.constant 0 : i32
      %lt3A_4076 = vector.broadcast %lt3A_4075 : i32 to vector<16xi32>
      %lt3A_4077 = arith.cmpi slt, %xor3A_4074, %lt3A_4076 : vector<16xi32>
      %add3A_4078 = arith.constant 16 : i32
      %add3A_4079 = vector.broadcast %add3A_4078 : i32 to vector<16xi32>
      %add3A_4080 = arith.addi %xor3A_4074, %add3A_4079 : vector<16xi32>
      %select_n3A_4081 = arith.select %lt3A_4077, %add3A_4080, %xor3A_4074 : vector<16xi1>, vector<16xi32>
      %broadcast_in_dim3A_4082 = vector.shape_cast %select_n3A_4081 : vector<16xi32> to vector<16x1xi32>
      %gather3A_4083 = vector.shape_cast %broadcast_in_dim3A_4082 : vector<16x1xi32> to vector<16xi32>
      %gather3A_4084 = tpu.dynamic_gather %min3A_4071[%gather3A_4083] in [0] : vector<16xi32>, vector<16xi32> -> vector<16xi32>
      %min3A_4085 = arith.minsi %min3A_4071, %gather3A_4084 : vector<16xi32>
      %eq3A_4086 = arith.cmpi eq, %iota3A, %min3A_4085 : vector<16xi32>
      %jit3A_4087 = arith.constant 0x7F800000 : f32
      %broadcast_in_dim3A_4088 = vector.broadcast %jit3A_4087 : f32 to vector<16xf32>
      %select_n3A_4089 = arith.select %eq3A_4086, %broadcast_in_dim3A_4088, %get3A_3897 : vector<16xi1>, vector<16xf32>
      %xor3A_4090 = arith.constant 1 : i32
      %xor3A_4091 = vector.broadcast %xor3A_4090 : i32 to vector<16xi32>
      %xor3A_4092 = arith.xori %iota3A, %xor3A_4091 : vector<16xi32>
      %lt3A_4093 = arith.constant 0 : i32
      %lt3A_4094 = vector.broadcast %lt3A_4093 : i32 to vector<16xi32>
      %lt3A_4095 = arith.cmpi slt, %xor3A_4092, %lt3A_4094 : vector<16xi32>
      %add3A_4096 = arith.constant 16 : i32
      %add3A_4097 = vector.broadcast %add3A_4096 : i32 to vector<16xi32>
      %add3A_4098 = arith.addi %xor3A_4092, %add3A_4097 : vector<16xi32>
      %select_n3A_4099 = arith.select %lt3A_4095, %add3A_4098, %xor3A_4092 : vector<16xi1>, vector<16xi32>
      %broadcast_in_dim3A_4100 = vector.shape_cast %select_n3A_4099 : vector<16xi32> to vector<16x1xi32>
      %gather3A_4101 = vector.shape_cast %broadcast_in_dim3A_4100 : vector<16x1xi32> to vector<16xi32>
      %gather3A_4102 = tpu.dynamic_gather %select_n3A_4089[%gather3A_4101] in [0] : vector<16xf32>, vector<16xi32> -> vector<16xf32>
      %min3A_4103 = arith.minimumf %select_n3A_4089, %gather3A_4102 : vector<16xf32>
      %xor3A_4104 = arith.constant 2 : i32
      %xor3A_4105 = vector.broadcast %xor3A_4104 : i32 to vector<16xi32>
      %xor3A_4106 = arith.xori %iota3A, %xor3A_4105 : vector<16xi32>
      %lt3A_4107 = arith.constant 0 : i32
      %lt3A_4108 = vector.broadcast %lt3A_4107 : i32 to vector<16xi32>
      %lt3A_4109 = arith.cmpi slt, %xor3A_4106, %lt3A_4108 : vector<16xi32>
      %add3A_4110 = arith.constant 16 : i32
      %add3A_4111 = vector.broadcast %add3A_4110 : i32 to vector<16xi32>
      %add3A_4112 = arith.addi %xor3A_4106, %add3A_4111 : vector<16xi32>
      %select_n3A_4113 = arith.select %lt3A_4109, %add3A_4112, %xor3A_4106 : vector<16xi1>, vector<16xi32>
      %broadcast_in_dim3A_4114 = vector.shape_cast %select_n3A_4113 : vector<16xi32> to vector<16x1xi32>
      %gather3A_4115 = vector.shape_cast %broadcast_in_dim3A_4114 : vector<16x1xi32> to vector<16xi32>
      %gather3A_4116 = tpu.dynamic_gather %min3A_4103[%gather3A_4115] in [0] : vector<16xf32>, vector<16xi32> -> vector<16xf32>
      %min3A_4117 = arith.minimumf %min3A_4103, %gather3A_4116 : vector<16xf32>
      %xor3A_4118 = arith.constant 4 : i32
      %xor3A_4119 = vector.broadcast %xor3A_4118 : i32 to vector<16xi32>
      %xor3A_4120 = arith.xori %iota3A, %xor3A_4119 : vector<16xi32>
      %lt3A_4121 = arith.constant 0 : i32
      %lt3A_4122 = vector.broadcast %lt3A_4121 : i32 to vector<16xi32>
      %lt3A_4123 = arith.cmpi slt, %xor3A_4120, %lt3A_4122 : vector<16xi32>
      %add3A_4124 = arith.constant 16 : i32
      %add3A_4125 = vector.broadcast %add3A_4124 : i32 to vector<16xi32>
      %add3A_4126 = arith.addi %xor3A_4120, %add3A_4125 : vector<16xi32>
      %select_n3A_4127 = arith.select %lt3A_4123, %add3A_4126, %xor3A_4120 : vector<16xi1>, vector<16xi32>
      %broadcast_in_dim3A_4128 = vector.shape_cast %select_n3A_4127 : vector<16xi32> to vector<16x1xi32>
      %gather3A_4129 = vector.shape_cast %broadcast_in_dim3A_4128 : vector<16x1xi32> to vector<16xi32>
      %gather3A_4130 = tpu.dynamic_gather %min3A_4117[%gather3A_4129] in [0] : vector<16xf32>, vector<16xi32> -> vector<16xf32>
      %min3A_4131 = arith.minimumf %min3A_4117, %gather3A_4130 : vector<16xf32>
      %xor3A_4132 = arith.constant 8 : i32
      %xor3A_4133 = vector.broadcast %xor3A_4132 : i32 to vector<16xi32>
      %xor3A_4134 = arith.xori %iota3A, %xor3A_4133 : vector<16xi32>
      %lt3A_4135 = arith.constant 0 : i32
      %lt3A_4136 = vector.broadcast %lt3A_4135 : i32 to vector<16xi32>
      %lt3A_4137 = arith.cmpi slt, %xor3A_4134, %lt3A_4136 : vector<16xi32>
      %add3A_4138 = arith.constant 16 : i32
      %add3A_4139 = vector.broadcast %add3A_4138 : i32 to vector<16xi32>
      %add3A_4140 = arith.addi %xor3A_4134, %add3A_4139 : vector<16xi32>
      %select_n3A_4141 = arith.select %lt3A_4137, %add3A_4140, %xor3A_4134 : vector<16xi1>, vector<16xi32>
      %broadcast_in_dim3A_4142 = vector.shape_cast %select_n3A_4141 : vector<16xi32> to vector<16x1xi32>
      %gather3A_4143 = vector.shape_cast %broadcast_in_dim3A_4142 : vector<16x1xi32> to vector<16xi32>
      %gather3A_4144 = tpu.dynamic_gather %min3A_4131[%gather3A_4143] in [0] : vector<16xf32>, vector<16xi32> -> vector<16xf32>
      %min3A_4145 = arith.minimumf %min3A_4131, %gather3A_4144 : vector<16xf32>
      %eq3A_4146 = arith.cmpf oeq, %select_n3A_4089, %min3A_4145 : vector<16xf32>
      %jit3A_4147 = arith.constant 16 : i32
      %broadcast_in_dim3A_4148 = vector.broadcast %jit3A_4147 : i32 to vector<16xi32>
      %select_n3A_4149 = arith.select %eq3A_4146, %iota3A, %broadcast_in_dim3A_4148 : vector<16xi1>, vector<16xi32>
      %xor3A_4150 = arith.constant 1 : i32
      %xor3A_4151 = vector.broadcast %xor3A_4150 : i32 to vector<16xi32>
      %xor3A_4152 = arith.xori %iota3A, %xor3A_4151 : vector<16xi32>
      %lt3A_4153 = arith.constant 0 : i32
      %lt3A_4154 = vector.broadcast %lt3A_4153 : i32 to vector<16xi32>
      %lt3A_4155 = arith.cmpi slt, %xor3A_4152, %lt3A_4154 : vector<16xi32>
      %add3A_4156 = arith.constant 16 : i32
      %add3A_4157 = vector.broadcast %add3A_4156 : i32 to vector<16xi32>
      %add3A_4158 = arith.addi %xor3A_4152, %add3A_4157 : vector<16xi32>
      %select_n3A_4159 = arith.select %lt3A_4155, %add3A_4158, %xor3A_4152 : vector<16xi1>, vector<16xi32>
      %broadcast_in_dim3A_4160 = vector.shape_cast %select_n3A_4159 : vector<16xi32> to vector<16x1xi32>
      %gather3A_4161 = vector.shape_cast %broadcast_in_dim3A_4160 : vector<16x1xi32> to vector<16xi32>
      %gather3A_4162 = tpu.dynamic_gather %select_n3A_4149[%gather3A_4161] in [0] : vector<16xi32>, vector<16xi32> -> vector<16xi32>
      %min3A_4163 = arith.minsi %select_n3A_4149, %gather3A_4162 : vector<16xi32>
      %xor3A_4164 = arith.constant 2 : i32
      %xor3A_4165 = vector.broadcast %xor3A_4164 : i32 to vector<16xi32>
      %xor3A_4166 = arith.xori %iota3A, %xor3A_4165 : vector<16xi32>
      %lt3A_4167 = arith.constant 0 : i32
      %lt3A_4168 = vector.broadcast %lt3A_4167 : i32 to vector<16xi32>
      %lt3A_4169 = arith.cmpi slt, %xor3A_4166, %lt3A_4168 : vector<16xi32>
      %add3A_4170 = arith.constant 16 : i32
      %add3A_4171 = vector.broadcast %add3A_4170 : i32 to vector<16xi32>
      %add3A_4172 = arith.addi %xor3A_4166, %add3A_4171 : vector<16xi32>
      %select_n3A_4173 = arith.select %lt3A_4169, %add3A_4172, %xor3A_4166 : vector<16xi1>, vector<16xi32>
      %broadcast_in_dim3A_4174 = vector.shape_cast %select_n3A_4173 : vector<16xi32> to vector<16x1xi32>
      %gather3A_4175 = vector.shape_cast %broadcast_in_dim3A_4174 : vector<16x1xi32> to vector<16xi32>
      %gather3A_4176 = tpu.dynamic_gather %min3A_4163[%gather3A_4175] in [0] : vector<16xi32>, vector<16xi32> -> vector<16xi32>
      %min3A_4177 = arith.minsi %min3A_4163, %gather3A_4176 : vector<16xi32>
      %xor3A_4178 = arith.constant 4 : i32
      %xor3A_4179 = vector.broadcast %xor3A_4178 : i32 to vector<16xi32>
      %xor3A_4180 = arith.xori %iota3A, %xor3A_4179 : vector<16xi32>
      %lt3A_4181 = arith.constant 0 : i32
      %lt3A_4182 = vector.broadcast %lt3A_4181 : i32 to vector<16xi32>
      %lt3A_4183 = arith.cmpi slt, %xor3A_4180, %lt3A_4182 : vector<16xi32>
      %add3A_4184 = arith.constant 16 : i32
      %add3A_4185 = vector.broadcast %add3A_4184 : i32 to vector<16xi32>
      %add3A_4186 = arith.addi %xor3A_4180, %add3A_4185 : vector<16xi32>
      %select_n3A_4187 = arith.select %lt3A_4183, %add3A_4186, %xor3A_4180 : vector<16xi1>, vector<16xi32>
      %broadcast_in_dim3A_4188 = vector.shape_cast %select_n3A_4187 : vector<16xi32> to vector<16x1xi32>
      %gather3A_4189 = vector.shape_cast %broadcast_in_dim3A_4188 : vector<16x1xi32> to vector<16xi32>
      %gather3A_4190 = tpu.dynamic_gather %min3A_4177[%gather3A_4189] in [0] : vector<16xi32>, vector<16xi32> -> vector<16xi32>
      %min3A_4191 = arith.minsi %min3A_4177, %gather3A_4190 : vector<16xi32>
      %xor3A_4192 = arith.constant 8 : i32
      %xor3A_4193 = vector.broadcast %xor3A_4192 : i32 to vector<16xi32>
      %xor3A_4194 = arith.xori %iota3A, %xor3A_4193 : vector<16xi32>
      %lt3A_4195 = arith.constant 0 : i32
      %lt3A_4196 = vector.broadcast %lt3A_4195 : i32 to vector<16xi32>
      %lt3A_4197 = arith.cmpi slt, %xor3A_4194, %lt3A_4196 : vector<16xi32>
      %add3A_4198 = arith.constant 16 : i32
      %add3A_4199 = vector.broadcast %add3A_4198 : i32 to vector<16xi32>
      %add3A_4200 = arith.addi %xor3A_4194, %add3A_4199 : vector<16xi32>
      %select_n3A_4201 = arith.select %lt3A_4197, %add3A_4200, %xor3A_4194 : vector<16xi1>, vector<16xi32>
      %broadcast_in_dim3A_4202 = vector.shape_cast %select_n3A_4201 : vector<16xi32> to vector<16x1xi32>
      %gather3A_4203 = vector.shape_cast %broadcast_in_dim3A_4202 : vector<16x1xi32> to vector<16xi32>
      %gather3A_4204 = tpu.dynamic_gather %min3A_4191[%gather3A_4203] in [0] : vector<16xi32>, vector<16xi32> -> vector<16xi32>
      %min3A_4205 = arith.minsi %min3A_4191, %gather3A_4204 : vector<16xi32>
      %eq3A_4206 = arith.constant 12 : i32
      %eq3A_4207 = vector.broadcast %eq3A_4206 : i32 to vector<16xi32>
      %eq3A_4208 = arith.cmpi eq, %iota3A, %eq3A_4207 : vector<16xi32>
      %select_n3A_4209 = arith.select %eq3A_4208, %min3A_4085, %select_n3A_3885 : vector<16xi1>, vector<16xi32>
      %eq3A_4210 = arith.constant 12 : i32
      %eq3A_4211 = vector.broadcast %eq3A_4210 : i32 to vector<16xi32>
      %eq3A_4212 = arith.cmpi eq, %iota3A, %eq3A_4211 : vector<16xi32>
      %select_n3A_4213 = arith.select %eq3A_4212, %min3A_4205, %select_n3A_3889 : vector<16xi1>, vector<16xi32>
      %mul3A_4214 = arith.constant 16 : i32
      %mul3A_4215 = arith.muli %scan3A_8, %mul3A_4214 : i32
      %add3A_4216 = arith.constant 13 : i32
      %add3A_4217 = arith.addi %mul3A_4215, %add3A_4216 : i32
      %get3A_4218 = arith.index_cast %add3A_4217 : i32 to index
      %get3A_4219 = arith.constant 0 : index
      %get3A_4220 = tpu.vector_load %arg6[%get3A_4218, %get3A_4219] {strides = array<i32>} : memref<320x16xf32, #tpu.memory_space<vmem>>, vector<1x16xf32>,
      %get3A_4221 = vector.shape_cast %get3A_4220 : vector<1x16xf32> to vector<16xf32>
      %add3A_4222 = arith.constant 1.000000e+00 : f32
      %add3A_4223 = vector.broadcast %add3A_4222 : f32 to vector<16xf32>
      %add3A_4224 = arith.addf %add3A_4223, %get3A_4221 : vector<16xf32>
      %div3A_4225 = arith.constant 1.000000e+00 : f32
      %div3A_4226 = vector.broadcast %div3A_4225 : f32 to vector<16xf32>
      %div3A_4227 = arith.divf %div3A_4226, %add3A_4224 : vector<16xf32>
      %xor3A_4228 = arith.constant 1 : i32
      %xor3A_4229 = vector.broadcast %xor3A_4228 : i32 to vector<16xi32>
      %xor3A_4230 = arith.xori %iota3A, %xor3A_4229 : vector<16xi32>
      %lt3A_4231 = arith.constant 0 : i32
      %lt3A_4232 = vector.broadcast %lt3A_4231 : i32 to vector<16xi32>
      %lt3A_4233 = arith.cmpi slt, %xor3A_4230, %lt3A_4232 : vector<16xi32>
      %add3A_4234 = arith.constant 16 : i32
      %add3A_4235 = vector.broadcast %add3A_4234 : i32 to vector<16xi32>
      %add3A_4236 = arith.addi %xor3A_4230, %add3A_4235 : vector<16xi32>
      %select_n3A_4237 = arith.select %lt3A_4233, %add3A_4236, %xor3A_4230 : vector<16xi1>, vector<16xi32>
      %broadcast_in_dim3A_4238 = vector.shape_cast %select_n3A_4237 : vector<16xi32> to vector<16x1xi32>
      %gather3A_4239 = vector.shape_cast %broadcast_in_dim3A_4238 : vector<16x1xi32> to vector<16xi32>
      %gather3A_4240 = tpu.dynamic_gather %div3A_4227[%gather3A_4239] in [0] : vector<16xf32>, vector<16xi32> -> vector<16xf32>
      %add3A_4241 = arith.addf %div3A_4227, %gather3A_4240 : vector<16xf32>
      %xor3A_4242 = arith.constant 2 : i32
      %xor3A_4243 = vector.broadcast %xor3A_4242 : i32 to vector<16xi32>
      %xor3A_4244 = arith.xori %iota3A, %xor3A_4243 : vector<16xi32>
      %lt3A_4245 = arith.constant 0 : i32
      %lt3A_4246 = vector.broadcast %lt3A_4245 : i32 to vector<16xi32>
      %lt3A_4247 = arith.cmpi slt, %xor3A_4244, %lt3A_4246 : vector<16xi32>
      %add3A_4248 = arith.constant 16 : i32
      %add3A_4249 = vector.broadcast %add3A_4248 : i32 to vector<16xi32>
      %add3A_4250 = arith.addi %xor3A_4244, %add3A_4249 : vector<16xi32>
      %select_n3A_4251 = arith.select %lt3A_4247, %add3A_4250, %xor3A_4244 : vector<16xi1>, vector<16xi32>
      %broadcast_in_dim3A_4252 = vector.shape_cast %select_n3A_4251 : vector<16xi32> to vector<16x1xi32>
      %gather3A_4253 = vector.shape_cast %broadcast_in_dim3A_4252 : vector<16x1xi32> to vector<16xi32>
      %gather3A_4254 = tpu.dynamic_gather %add3A_4241[%gather3A_4253] in [0] : vector<16xf32>, vector<16xi32> -> vector<16xf32>
      %add3A_4255 = arith.addf %add3A_4241, %gather3A_4254 : vector<16xf32>
      %xor3A_4256 = arith.constant 4 : i32
      %xor3A_4257 = vector.broadcast %xor3A_4256 : i32 to vector<16xi32>
      %xor3A_4258 = arith.xori %iota3A, %xor3A_4257 : vector<16xi32>
      %lt3A_4259 = arith.constant 0 : i32
      %lt3A_4260 = vector.broadcast %lt3A_4259 : i32 to vector<16xi32>
      %lt3A_4261 = arith.cmpi slt, %xor3A_4258, %lt3A_4260 : vector<16xi32>
      %add3A_4262 = arith.constant 16 : i32
      %add3A_4263 = vector.broadcast %add3A_4262 : i32 to vector<16xi32>
      %add3A_4264 = arith.addi %xor3A_4258, %add3A_4263 : vector<16xi32>
      %select_n3A_4265 = arith.select %lt3A_4261, %add3A_4264, %xor3A_4258 : vector<16xi1>, vector<16xi32>
      %broadcast_in_dim3A_4266 = vector.shape_cast %select_n3A_4265 : vector<16xi32> to vector<16x1xi32>
      %gather3A_4267 = vector.shape_cast %broadcast_in_dim3A_4266 : vector<16x1xi32> to vector<16xi32>
      %gather3A_4268 = tpu.dynamic_gather %add3A_4255[%gather3A_4267] in [0] : vector<16xf32>, vector<16xi32> -> vector<16xf32>
      %add3A_4269 = arith.addf %add3A_4255, %gather3A_4268 : vector<16xf32>
      %xor3A_4270 = arith.constant 8 : i32
      %xor3A_4271 = vector.broadcast %xor3A_4270 : i32 to vector<16xi32>
      %xor3A_4272 = arith.xori %iota3A, %xor3A_4271 : vector<16xi32>
      %lt3A_4273 = arith.constant 0 : i32
      %lt3A_4274 = vector.broadcast %lt3A_4273 : i32 to vector<16xi32>
      %lt3A_4275 = arith.cmpi slt, %xor3A_4272, %lt3A_4274 : vector<16xi32>
      %add3A_4276 = arith.constant 16 : i32
      %add3A_4277 = vector.broadcast %add3A_4276 : i32 to vector<16xi32>
      %add3A_4278 = arith.addi %xor3A_4272, %add3A_4277 : vector<16xi32>
      %select_n3A_4279 = arith.select %lt3A_4275, %add3A_4278, %xor3A_4272 : vector<16xi1>, vector<16xi32>
      %broadcast_in_dim3A_4280 = vector.shape_cast %select_n3A_4279 : vector<16xi32> to vector<16x1xi32>
      %gather3A_4281 = vector.shape_cast %broadcast_in_dim3A_4280 : vector<16x1xi32> to vector<16xi32>
      %gather3A_4282 = tpu.dynamic_gather %add3A_4269[%gather3A_4281] in [0] : vector<16xf32>, vector<16xi32> -> vector<16xf32>
      %add3A_4283 = arith.addf %add3A_4269, %gather3A_4282 : vector<16xf32>
      %div3A_4284 = arith.divf %div3A_4227, %add3A_4283 : vector<16xf32>
      %mul3A_4285 = arith.constant 16 : i32
      %mul3A_4286 = arith.muli %scan3A_8, %mul3A_4285 : i32
      %add3A_4287 = arith.constant 13 : i32
      %add3A_4288 = arith.addi %mul3A_4286, %add3A_4287 : i32
      %swap3A_4289 = arith.index_cast %add3A_4288 : i32 to index
      %swap3A_4290 = arith.constant 0 : index
      %swap3A_4291 = tpu.vector_load %arg7[%swap3A_4289, %swap3A_4290] {strides = array<i32>} : memref<320x16xf32, #tpu.memory_space<vmem>>, vector<1x16xf32>,
      %swap3A_4292 = vector.shape_cast %swap3A_4291 : vector<1x16xf32> to vector<16xf32>
      %swap3A_4293 = vector.shape_cast %div3A_4284 : vector<16xf32> to vector<1x16xf32>
      tpu.vector_store %arg7[%swap3A_4289, %swap3A_4290], %swap3A_4293 {strides = array<i32>} : memref<320x16xf32, #tpu.memory_space<vmem>>, vector<1x16xf32>,
      %xor3A_4294 = arith.constant 1 : i32
      %xor3A_4295 = vector.broadcast %xor3A_4294 : i32 to vector<16xi32>
      %xor3A_4296 = arith.xori %iota3A, %xor3A_4295 : vector<16xi32>
      %lt3A_4297 = arith.constant 0 : i32
      %lt3A_4298 = vector.broadcast %lt3A_4297 : i32 to vector<16xi32>
      %lt3A_4299 = arith.cmpi slt, %xor3A_4296, %lt3A_4298 : vector<16xi32>
      %add3A_4300 = arith.constant 16 : i32
      %add3A_4301 = vector.broadcast %add3A_4300 : i32 to vector<16xi32>
      %add3A_4302 = arith.addi %xor3A_4296, %add3A_4301 : vector<16xi32>
      %select_n3A_4303 = arith.select %lt3A_4299, %add3A_4302, %xor3A_4296 : vector<16xi1>, vector<16xi32>
      %broadcast_in_dim3A_4304 = vector.shape_cast %select_n3A_4303 : vector<16xi32> to vector<16x1xi32>
      %gather3A_4305 = vector.shape_cast %broadcast_in_dim3A_4304 : vector<16x1xi32> to vector<16xi32>
      %gather3A_4306 = tpu.dynamic_gather %get3A_4221[%gather3A_4305] in [0] : vector<16xf32>, vector<16xi32> -> vector<16xf32>
      %min3A_4307 = arith.minimumf %get3A_4221, %gather3A_4306 : vector<16xf32>
      %xor3A_4308 = arith.constant 2 : i32
      %xor3A_4309 = vector.broadcast %xor3A_4308 : i32 to vector<16xi32>
      %xor3A_4310 = arith.xori %iota3A, %xor3A_4309 : vector<16xi32>
      %lt3A_4311 = arith.constant 0 : i32
      %lt3A_4312 = vector.broadcast %lt3A_4311 : i32 to vector<16xi32>
      %lt3A_4313 = arith.cmpi slt, %xor3A_4310, %lt3A_4312 : vector<16xi32>
      %add3A_4314 = arith.constant 16 : i32
      %add3A_4315 = vector.broadcast %add3A_4314 : i32 to vector<16xi32>
      %add3A_4316 = arith.addi %xor3A_4310, %add3A_4315 : vector<16xi32>
      %select_n3A_4317 = arith.select %lt3A_4313, %add3A_4316, %xor3A_4310 : vector<16xi1>, vector<16xi32>
      %broadcast_in_dim3A_4318 = vector.shape_cast %select_n3A_4317 : vector<16xi32> to vector<16x1xi32>
      %gather3A_4319 = vector.shape_cast %broadcast_in_dim3A_4318 : vector<16x1xi32> to vector<16xi32>
      %gather3A_4320 = tpu.dynamic_gather %min3A_4307[%gather3A_4319] in [0] : vector<16xf32>, vector<16xi32> -> vector<16xf32>
      %min3A_4321 = arith.minimumf %min3A_4307, %gather3A_4320 : vector<16xf32>
      %xor3A_4322 = arith.constant 4 : i32
      %xor3A_4323 = vector.broadcast %xor3A_4322 : i32 to vector<16xi32>
      %xor3A_4324 = arith.xori %iota3A, %xor3A_4323 : vector<16xi32>
      %lt3A_4325 = arith.constant 0 : i32
      %lt3A_4326 = vector.broadcast %lt3A_4325 : i32 to vector<16xi32>
      %lt3A_4327 = arith.cmpi slt, %xor3A_4324, %lt3A_4326 : vector<16xi32>
      %add3A_4328 = arith.constant 16 : i32
      %add3A_4329 = vector.broadcast %add3A_4328 : i32 to vector<16xi32>
      %add3A_4330 = arith.addi %xor3A_4324, %add3A_4329 : vector<16xi32>
      %select_n3A_4331 = arith.select %lt3A_4327, %add3A_4330, %xor3A_4324 : vector<16xi1>, vector<16xi32>
      %broadcast_in_dim3A_4332 = vector.shape_cast %select_n3A_4331 : vector<16xi32> to vector<16x1xi32>
      %gather3A_4333 = vector.shape_cast %broadcast_in_dim3A_4332 : vector<16x1xi32> to vector<16xi32>
      %gather3A_4334 = tpu.dynamic_gather %min3A_4321[%gather3A_4333] in [0] : vector<16xf32>, vector<16xi32> -> vector<16xf32>
      %min3A_4335 = arith.minimumf %min3A_4321, %gather3A_4334 : vector<16xf32>
      %xor3A_4336 = arith.constant 8 : i32
      %xor3A_4337 = vector.broadcast %xor3A_4336 : i32 to vector<16xi32>
      %xor3A_4338 = arith.xori %iota3A, %xor3A_4337 : vector<16xi32>
      %lt3A_4339 = arith.constant 0 : i32
      %lt3A_4340 = vector.broadcast %lt3A_4339 : i32 to vector<16xi32>
      %lt3A_4341 = arith.cmpi slt, %xor3A_4338, %lt3A_4340 : vector<16xi32>
      %add3A_4342 = arith.constant 16 : i32
      %add3A_4343 = vector.broadcast %add3A_4342 : i32 to vector<16xi32>
      %add3A_4344 = arith.addi %xor3A_4338, %add3A_4343 : vector<16xi32>
      %select_n3A_4345 = arith.select %lt3A_4341, %add3A_4344, %xor3A_4338 : vector<16xi1>, vector<16xi32>
      %broadcast_in_dim3A_4346 = vector.shape_cast %select_n3A_4345 : vector<16xi32> to vector<16x1xi32>
      %gather3A_4347 = vector.shape_cast %broadcast_in_dim3A_4346 : vector<16x1xi32> to vector<16xi32>
      %gather3A_4348 = tpu.dynamic_gather %min3A_4335[%gather3A_4347] in [0] : vector<16xf32>, vector<16xi32> -> vector<16xf32>
      %min3A_4349 = arith.minimumf %min3A_4335, %gather3A_4348 : vector<16xf32>
      %eq3A_4350 = arith.cmpf oeq, %get3A_4221, %min3A_4349 : vector<16xf32>
      %jit3A_4351 = arith.constant 16 : i32
      %broadcast_in_dim3A_4352 = vector.broadcast %jit3A_4351 : i32 to vector<16xi32>
      %select_n3A_4353 = arith.select %eq3A_4350, %iota3A, %broadcast_in_dim3A_4352 : vector<16xi1>, vector<16xi32>
      %xor3A_4354 = arith.constant 1 : i32
      %xor3A_4355 = vector.broadcast %xor3A_4354 : i32 to vector<16xi32>
      %xor3A_4356 = arith.xori %iota3A, %xor3A_4355 : vector<16xi32>
      %lt3A_4357 = arith.constant 0 : i32
      %lt3A_4358 = vector.broadcast %lt3A_4357 : i32 to vector<16xi32>
      %lt3A_4359 = arith.cmpi slt, %xor3A_4356, %lt3A_4358 : vector<16xi32>
      %add3A_4360 = arith.constant 16 : i32
      %add3A_4361 = vector.broadcast %add3A_4360 : i32 to vector<16xi32>
      %add3A_4362 = arith.addi %xor3A_4356, %add3A_4361 : vector<16xi32>
      %select_n3A_4363 = arith.select %lt3A_4359, %add3A_4362, %xor3A_4356 : vector<16xi1>, vector<16xi32>
      %broadcast_in_dim3A_4364 = vector.shape_cast %select_n3A_4363 : vector<16xi32> to vector<16x1xi32>
      %gather3A_4365 = vector.shape_cast %broadcast_in_dim3A_4364 : vector<16x1xi32> to vector<16xi32>
      %gather3A_4366 = tpu.dynamic_gather %select_n3A_4353[%gather3A_4365] in [0] : vector<16xi32>, vector<16xi32> -> vector<16xi32>
      %min3A_4367 = arith.minsi %select_n3A_4353, %gather3A_4366 : vector<16xi32>
      %xor3A_4368 = arith.constant 2 : i32
      %xor3A_4369 = vector.broadcast %xor3A_4368 : i32 to vector<16xi32>
      %xor3A_4370 = arith.xori %iota3A, %xor3A_4369 : vector<16xi32>
      %lt3A_4371 = arith.constant 0 : i32
      %lt3A_4372 = vector.broadcast %lt3A_4371 : i32 to vector<16xi32>
      %lt3A_4373 = arith.cmpi slt, %xor3A_4370, %lt3A_4372 : vector<16xi32>
      %add3A_4374 = arith.constant 16 : i32
      %add3A_4375 = vector.broadcast %add3A_4374 : i32 to vector<16xi32>
      %add3A_4376 = arith.addi %xor3A_4370, %add3A_4375 : vector<16xi32>
      %select_n3A_4377 = arith.select %lt3A_4373, %add3A_4376, %xor3A_4370 : vector<16xi1>, vector<16xi32>
      %broadcast_in_dim3A_4378 = vector.shape_cast %select_n3A_4377 : vector<16xi32> to vector<16x1xi32>
      %gather3A_4379 = vector.shape_cast %broadcast_in_dim3A_4378 : vector<16x1xi32> to vector<16xi32>
      %gather3A_4380 = tpu.dynamic_gather %min3A_4367[%gather3A_4379] in [0] : vector<16xi32>, vector<16xi32> -> vector<16xi32>
      %min3A_4381 = arith.minsi %min3A_4367, %gather3A_4380 : vector<16xi32>
      %xor3A_4382 = arith.constant 4 : i32
      %xor3A_4383 = vector.broadcast %xor3A_4382 : i32 to vector<16xi32>
      %xor3A_4384 = arith.xori %iota3A, %xor3A_4383 : vector<16xi32>
      %lt3A_4385 = arith.constant 0 : i32
      %lt3A_4386 = vector.broadcast %lt3A_4385 : i32 to vector<16xi32>
      %lt3A_4387 = arith.cmpi slt, %xor3A_4384, %lt3A_4386 : vector<16xi32>
      %add3A_4388 = arith.constant 16 : i32
      %add3A_4389 = vector.broadcast %add3A_4388 : i32 to vector<16xi32>
      %add3A_4390 = arith.addi %xor3A_4384, %add3A_4389 : vector<16xi32>
      %select_n3A_4391 = arith.select %lt3A_4387, %add3A_4390, %xor3A_4384 : vector<16xi1>, vector<16xi32>
      %broadcast_in_dim3A_4392 = vector.shape_cast %select_n3A_4391 : vector<16xi32> to vector<16x1xi32>
      %gather3A_4393 = vector.shape_cast %broadcast_in_dim3A_4392 : vector<16x1xi32> to vector<16xi32>
      %gather3A_4394 = tpu.dynamic_gather %min3A_4381[%gather3A_4393] in [0] : vector<16xi32>, vector<16xi32> -> vector<16xi32>
      %min3A_4395 = arith.minsi %min3A_4381, %gather3A_4394 : vector<16xi32>
      %xor3A_4396 = arith.constant 8 : i32
      %xor3A_4397 = vector.broadcast %xor3A_4396 : i32 to vector<16xi32>
      %xor3A_4398 = arith.xori %iota3A, %xor3A_4397 : vector<16xi32>
      %lt3A_4399 = arith.constant 0 : i32
      %lt3A_4400 = vector.broadcast %lt3A_4399 : i32 to vector<16xi32>
      %lt3A_4401 = arith.cmpi slt, %xor3A_4398, %lt3A_4400 : vector<16xi32>
      %add3A_4402 = arith.constant 16 : i32
      %add3A_4403 = vector.broadcast %add3A_4402 : i32 to vector<16xi32>
      %add3A_4404 = arith.addi %xor3A_4398, %add3A_4403 : vector<16xi32>
      %select_n3A_4405 = arith.select %lt3A_4401, %add3A_4404, %xor3A_4398 : vector<16xi1>, vector<16xi32>
      %broadcast_in_dim3A_4406 = vector.shape_cast %select_n3A_4405 : vector<16xi32> to vector<16x1xi32>
      %gather3A_4407 = vector.shape_cast %broadcast_in_dim3A_4406 : vector<16x1xi32> to vector<16xi32>
      %gather3A_4408 = tpu.dynamic_gather %min3A_4395[%gather3A_4407] in [0] : vector<16xi32>, vector<16xi32> -> vector<16xi32>
      %min3A_4409 = arith.minsi %min3A_4395, %gather3A_4408 : vector<16xi32>
      %eq3A_4410 = arith.cmpi eq, %iota3A, %min3A_4409 : vector<16xi32>
      %jit3A_4411 = arith.constant 0x7F800000 : f32
      %broadcast_in_dim3A_4412 = vector.broadcast %jit3A_4411 : f32 to vector<16xf32>
      %select_n3A_4413 = arith.select %eq3A_4410, %broadcast_in_dim3A_4412, %get3A_4221 : vector<16xi1>, vector<16xf32>
      %xor3A_4414 = arith.constant 1 : i32
      %xor3A_4415 = vector.broadcast %xor3A_4414 : i32 to vector<16xi32>
      %xor3A_4416 = arith.xori %iota3A, %xor3A_4415 : vector<16xi32>
      %lt3A_4417 = arith.constant 0 : i32
      %lt3A_4418 = vector.broadcast %lt3A_4417 : i32 to vector<16xi32>
      %lt3A_4419 = arith.cmpi slt, %xor3A_4416, %lt3A_4418 : vector<16xi32>
      %add3A_4420 = arith.constant 16 : i32
      %add3A_4421 = vector.broadcast %add3A_4420 : i32 to vector<16xi32>
      %add3A_4422 = arith.addi %xor3A_4416, %add3A_4421 : vector<16xi32>
      %select_n3A_4423 = arith.select %lt3A_4419, %add3A_4422, %xor3A_4416 : vector<16xi1>, vector<16xi32>
      %broadcast_in_dim3A_4424 = vector.shape_cast %select_n3A_4423 : vector<16xi32> to vector<16x1xi32>
      %gather3A_4425 = vector.shape_cast %broadcast_in_dim3A_4424 : vector<16x1xi32> to vector<16xi32>
      %gather3A_4426 = tpu.dynamic_gather %select_n3A_4413[%gather3A_4425] in [0] : vector<16xf32>, vector<16xi32> -> vector<16xf32>
      %min3A_4427 = arith.minimumf %select_n3A_4413, %gather3A_4426 : vector<16xf32>
      %xor3A_4428 = arith.constant 2 : i32
      %xor3A_4429 = vector.broadcast %xor3A_4428 : i32 to vector<16xi32>
      %xor3A_4430 = arith.xori %iota3A, %xor3A_4429 : vector<16xi32>
      %lt3A_4431 = arith.constant 0 : i32
      %lt3A_4432 = vector.broadcast %lt3A_4431 : i32 to vector<16xi32>
      %lt3A_4433 = arith.cmpi slt, %xor3A_4430, %lt3A_4432 : vector<16xi32>
      %add3A_4434 = arith.constant 16 : i32
      %add3A_4435 = vector.broadcast %add3A_4434 : i32 to vector<16xi32>
      %add3A_4436 = arith.addi %xor3A_4430, %add3A_4435 : vector<16xi32>
      %select_n3A_4437 = arith.select %lt3A_4433, %add3A_4436, %xor3A_4430 : vector<16xi1>, vector<16xi32>
      %broadcast_in_dim3A_4438 = vector.shape_cast %select_n3A_4437 : vector<16xi32> to vector<16x1xi32>
      %gather3A_4439 = vector.shape_cast %broadcast_in_dim3A_4438 : vector<16x1xi32> to vector<16xi32>
      %gather3A_4440 = tpu.dynamic_gather %min3A_4427[%gather3A_4439] in [0] : vector<16xf32>, vector<16xi32> -> vector<16xf32>
      %min3A_4441 = arith.minimumf %min3A_4427, %gather3A_4440 : vector<16xf32>
      %xor3A_4442 = arith.constant 4 : i32
      %xor3A_4443 = vector.broadcast %xor3A_4442 : i32 to vector<16xi32>
      %xor3A_4444 = arith.xori %iota3A, %xor3A_4443 : vector<16xi32>
      %lt3A_4445 = arith.constant 0 : i32
      %lt3A_4446 = vector.broadcast %lt3A_4445 : i32 to vector<16xi32>
      %lt3A_4447 = arith.cmpi slt, %xor3A_4444, %lt3A_4446 : vector<16xi32>
      %add3A_4448 = arith.constant 16 : i32
      %add3A_4449 = vector.broadcast %add3A_4448 : i32 to vector<16xi32>
      %add3A_4450 = arith.addi %xor3A_4444, %add3A_4449 : vector<16xi32>
      %select_n3A_4451 = arith.select %lt3A_4447, %add3A_4450, %xor3A_4444 : vector<16xi1>, vector<16xi32>
      %broadcast_in_dim3A_4452 = vector.shape_cast %select_n3A_4451 : vector<16xi32> to vector<16x1xi32>
      %gather3A_4453 = vector.shape_cast %broadcast_in_dim3A_4452 : vector<16x1xi32> to vector<16xi32>
      %gather3A_4454 = tpu.dynamic_gather %min3A_4441[%gather3A_4453] in [0] : vector<16xf32>, vector<16xi32> -> vector<16xf32>
      %min3A_4455 = arith.minimumf %min3A_4441, %gather3A_4454 : vector<16xf32>
      %xor3A_4456 = arith.constant 8 : i32
      %xor3A_4457 = vector.broadcast %xor3A_4456 : i32 to vector<16xi32>
      %xor3A_4458 = arith.xori %iota3A, %xor3A_4457 : vector<16xi32>
      %lt3A_4459 = arith.constant 0 : i32
      %lt3A_4460 = vector.broadcast %lt3A_4459 : i32 to vector<16xi32>
      %lt3A_4461 = arith.cmpi slt, %xor3A_4458, %lt3A_4460 : vector<16xi32>
      %add3A_4462 = arith.constant 16 : i32
      %add3A_4463 = vector.broadcast %add3A_4462 : i32 to vector<16xi32>
      %add3A_4464 = arith.addi %xor3A_4458, %add3A_4463 : vector<16xi32>
      %select_n3A_4465 = arith.select %lt3A_4461, %add3A_4464, %xor3A_4458 : vector<16xi1>, vector<16xi32>
      %broadcast_in_dim3A_4466 = vector.shape_cast %select_n3A_4465 : vector<16xi32> to vector<16x1xi32>
      %gather3A_4467 = vector.shape_cast %broadcast_in_dim3A_4466 : vector<16x1xi32> to vector<16xi32>
      %gather3A_4468 = tpu.dynamic_gather %min3A_4455[%gather3A_4467] in [0] : vector<16xf32>, vector<16xi32> -> vector<16xf32>
      %min3A_4469 = arith.minimumf %min3A_4455, %gather3A_4468 : vector<16xf32>
      %eq3A_4470 = arith.cmpf oeq, %select_n3A_4413, %min3A_4469 : vector<16xf32>
      %jit3A_4471 = arith.constant 16 : i32
      %broadcast_in_dim3A_4472 = vector.broadcast %jit3A_4471 : i32 to vector<16xi32>
      %select_n3A_4473 = arith.select %eq3A_4470, %iota3A, %broadcast_in_dim3A_4472 : vector<16xi1>, vector<16xi32>
      %xor3A_4474 = arith.constant 1 : i32
      %xor3A_4475 = vector.broadcast %xor3A_4474 : i32 to vector<16xi32>
      %xor3A_4476 = arith.xori %iota3A, %xor3A_4475 : vector<16xi32>
      %lt3A_4477 = arith.constant 0 : i32
      %lt3A_4478 = vector.broadcast %lt3A_4477 : i32 to vector<16xi32>
      %lt3A_4479 = arith.cmpi slt, %xor3A_4476, %lt3A_4478 : vector<16xi32>
      %add3A_4480 = arith.constant 16 : i32
      %add3A_4481 = vector.broadcast %add3A_4480 : i32 to vector<16xi32>
      %add3A_4482 = arith.addi %xor3A_4476, %add3A_4481 : vector<16xi32>
      %select_n3A_4483 = arith.select %lt3A_4479, %add3A_4482, %xor3A_4476 : vector<16xi1>, vector<16xi32>
      %broadcast_in_dim3A_4484 = vector.shape_cast %select_n3A_4483 : vector<16xi32> to vector<16x1xi32>
      %gather3A_4485 = vector.shape_cast %broadcast_in_dim3A_4484 : vector<16x1xi32> to vector<16xi32>
      %gather3A_4486 = tpu.dynamic_gather %select_n3A_4473[%gather3A_4485] in [0] : vector<16xi32>, vector<16xi32> -> vector<16xi32>
      %min3A_4487 = arith.minsi %select_n3A_4473, %gather3A_4486 : vector<16xi32>
      %xor3A_4488 = arith.constant 2 : i32
      %xor3A_4489 = vector.broadcast %xor3A_4488 : i32 to vector<16xi32>
      %xor3A_4490 = arith.xori %iota3A, %xor3A_4489 : vector<16xi32>
      %lt3A_4491 = arith.constant 0 : i32
      %lt3A_4492 = vector.broadcast %lt3A_4491 : i32 to vector<16xi32>
      %lt3A_4493 = arith.cmpi slt, %xor3A_4490, %lt3A_4492 : vector<16xi32>
      %add3A_4494 = arith.constant 16 : i32
      %add3A_4495 = vector.broadcast %add3A_4494 : i32 to vector<16xi32>
      %add3A_4496 = arith.addi %xor3A_4490, %add3A_4495 : vector<16xi32>
      %select_n3A_4497 = arith.select %lt3A_4493, %add3A_4496, %xor3A_4490 : vector<16xi1>, vector<16xi32>
      %broadcast_in_dim3A_4498 = vector.shape_cast %select_n3A_4497 : vector<16xi32> to vector<16x1xi32>
      %gather3A_4499 = vector.shape_cast %broadcast_in_dim3A_4498 : vector<16x1xi32> to vector<16xi32>
      %gather3A_4500 = tpu.dynamic_gather %min3A_4487[%gather3A_4499] in [0] : vector<16xi32>, vector<16xi32> -> vector<16xi32>
      %min3A_4501 = arith.minsi %min3A_4487, %gather3A_4500 : vector<16xi32>
      %xor3A_4502 = arith.constant 4 : i32
      %xor3A_4503 = vector.broadcast %xor3A_4502 : i32 to vector<16xi32>
      %xor3A_4504 = arith.xori %iota3A, %xor3A_4503 : vector<16xi32>
      %lt3A_4505 = arith.constant 0 : i32
      %lt3A_4506 = vector.broadcast %lt3A_4505 : i32 to vector<16xi32>
      %lt3A_4507 = arith.cmpi slt, %xor3A_4504, %lt3A_4506 : vector<16xi32>
      %add3A_4508 = arith.constant 16 : i32
      %add3A_4509 = vector.broadcast %add3A_4508 : i32 to vector<16xi32>
      %add3A_4510 = arith.addi %xor3A_4504, %add3A_4509 : vector<16xi32>
      %select_n3A_4511 = arith.select %lt3A_4507, %add3A_4510, %xor3A_4504 : vector<16xi1>, vector<16xi32>
      %broadcast_in_dim3A_4512 = vector.shape_cast %select_n3A_4511 : vector<16xi32> to vector<16x1xi32>
      %gather3A_4513 = vector.shape_cast %broadcast_in_dim3A_4512 : vector<16x1xi32> to vector<16xi32>
      %gather3A_4514 = tpu.dynamic_gather %min3A_4501[%gather3A_4513] in [0] : vector<16xi32>, vector<16xi32> -> vector<16xi32>
      %min3A_4515 = arith.minsi %min3A_4501, %gather3A_4514 : vector<16xi32>
      %xor3A_4516 = arith.constant 8 : i32
      %xor3A_4517 = vector.broadcast %xor3A_4516 : i32 to vector<16xi32>
      %xor3A_4518 = arith.xori %iota3A, %xor3A_4517 : vector<16xi32>
      %lt3A_4519 = arith.constant 0 : i32
      %lt3A_4520 = vector.broadcast %lt3A_4519 : i32 to vector<16xi32>
      %lt3A_4521 = arith.cmpi slt, %xor3A_4518, %lt3A_4520 : vector<16xi32>
      %add3A_4522 = arith.constant 16 : i32
      %add3A_4523 = vector.broadcast %add3A_4522 : i32 to vector<16xi32>
      %add3A_4524 = arith.addi %xor3A_4518, %add3A_4523 : vector<16xi32>
      %select_n3A_4525 = arith.select %lt3A_4521, %add3A_4524, %xor3A_4518 : vector<16xi1>, vector<16xi32>
      %broadcast_in_dim3A_4526 = vector.shape_cast %select_n3A_4525 : vector<16xi32> to vector<16x1xi32>
      %gather3A_4527 = vector.shape_cast %broadcast_in_dim3A_4526 : vector<16x1xi32> to vector<16xi32>
      %gather3A_4528 = tpu.dynamic_gather %min3A_4515[%gather3A_4527] in [0] : vector<16xi32>, vector<16xi32> -> vector<16xi32>
      %min3A_4529 = arith.minsi %min3A_4515, %gather3A_4528 : vector<16xi32>
      %eq3A_4530 = arith.constant 13 : i32
      %eq3A_4531 = vector.broadcast %eq3A_4530 : i32 to vector<16xi32>
      %eq3A_4532 = arith.cmpi eq, %iota3A, %eq3A_4531 : vector<16xi32>
      %select_n3A_4533 = arith.select %eq3A_4532, %min3A_4409, %select_n3A_4209 : vector<16xi1>, vector<16xi32>
      %eq3A_4534 = arith.constant 13 : i32
      %eq3A_4535 = vector.broadcast %eq3A_4534 : i32 to vector<16xi32>
      %eq3A_4536 = arith.cmpi eq, %iota3A, %eq3A_4535 : vector<16xi32>
      %select_n3A_4537 = arith.select %eq3A_4536, %min3A_4529, %select_n3A_4213 : vector<16xi1>, vector<16xi32>
      %mul3A_4538 = arith.constant 16 : i32
      %mul3A_4539 = arith.muli %scan3A_8, %mul3A_4538 : i32
      %add3A_4540 = arith.constant 14 : i32
      %add3A_4541 = arith.addi %mul3A_4539, %add3A_4540 : i32
      %get3A_4542 = arith.index_cast %add3A_4541 : i32 to index
      %get3A_4543 = arith.constant 0 : index
      %get3A_4544 = tpu.vector_load %arg6[%get3A_4542, %get3A_4543] {strides = array<i32>} : memref<320x16xf32, #tpu.memory_space<vmem>>, vector<1x16xf32>,
      %get3A_4545 = vector.shape_cast %get3A_4544 : vector<1x16xf32> to vector<16xf32>
      %add3A_4546 = arith.constant 1.000000e+00 : f32
      %add3A_4547 = vector.broadcast %add3A_4546 : f32 to vector<16xf32>
      %add3A_4548 = arith.addf %add3A_4547, %get3A_4545 : vector<16xf32>
      %div3A_4549 = arith.constant 1.000000e+00 : f32
      %div3A_4550 = vector.broadcast %div3A_4549 : f32 to vector<16xf32>
      %div3A_4551 = arith.divf %div3A_4550, %add3A_4548 : vector<16xf32>
      %xor3A_4552 = arith.constant 1 : i32
      %xor3A_4553 = vector.broadcast %xor3A_4552 : i32 to vector<16xi32>
      %xor3A_4554 = arith.xori %iota3A, %xor3A_4553 : vector<16xi32>
      %lt3A_4555 = arith.constant 0 : i32
      %lt3A_4556 = vector.broadcast %lt3A_4555 : i32 to vector<16xi32>
      %lt3A_4557 = arith.cmpi slt, %xor3A_4554, %lt3A_4556 : vector<16xi32>
      %add3A_4558 = arith.constant 16 : i32
      %add3A_4559 = vector.broadcast %add3A_4558 : i32 to vector<16xi32>
      %add3A_4560 = arith.addi %xor3A_4554, %add3A_4559 : vector<16xi32>
      %select_n3A_4561 = arith.select %lt3A_4557, %add3A_4560, %xor3A_4554 : vector<16xi1>, vector<16xi32>
      %broadcast_in_dim3A_4562 = vector.shape_cast %select_n3A_4561 : vector<16xi32> to vector<16x1xi32>
      %gather3A_4563 = vector.shape_cast %broadcast_in_dim3A_4562 : vector<16x1xi32> to vector<16xi32>
      %gather3A_4564 = tpu.dynamic_gather %div3A_4551[%gather3A_4563] in [0] : vector<16xf32>, vector<16xi32> -> vector<16xf32>
      %add3A_4565 = arith.addf %div3A_4551, %gather3A_4564 : vector<16xf32>
      %xor3A_4566 = arith.constant 2 : i32
      %xor3A_4567 = vector.broadcast %xor3A_4566 : i32 to vector<16xi32>
      %xor3A_4568 = arith.xori %iota3A, %xor3A_4567 : vector<16xi32>
      %lt3A_4569 = arith.constant 0 : i32
      %lt3A_4570 = vector.broadcast %lt3A_4569 : i32 to vector<16xi32>
      %lt3A_4571 = arith.cmpi slt, %xor3A_4568, %lt3A_4570 : vector<16xi32>
      %add3A_4572 = arith.constant 16 : i32
      %add3A_4573 = vector.broadcast %add3A_4572 : i32 to vector<16xi32>
      %add3A_4574 = arith.addi %xor3A_4568, %add3A_4573 : vector<16xi32>
      %select_n3A_4575 = arith.select %lt3A_4571, %add3A_4574, %xor3A_4568 : vector<16xi1>, vector<16xi32>
      %broadcast_in_dim3A_4576 = vector.shape_cast %select_n3A_4575 : vector<16xi32> to vector<16x1xi32>
      %gather3A_4577 = vector.shape_cast %broadcast_in_dim3A_4576 : vector<16x1xi32> to vector<16xi32>
      %gather3A_4578 = tpu.dynamic_gather %add3A_4565[%gather3A_4577] in [0] : vector<16xf32>, vector<16xi32> -> vector<16xf32>
      %add3A_4579 = arith.addf %add3A_4565, %gather3A_4578 : vector<16xf32>
      %xor3A_4580 = arith.constant 4 : i32
      %xor3A_4581 = vector.broadcast %xor3A_4580 : i32 to vector<16xi32>
      %xor3A_4582 = arith.xori %iota3A, %xor3A_4581 : vector<16xi32>
      %lt3A_4583 = arith.constant 0 : i32
      %lt3A_4584 = vector.broadcast %lt3A_4583 : i32 to vector<16xi32>
      %lt3A_4585 = arith.cmpi slt, %xor3A_4582, %lt3A_4584 : vector<16xi32>
      %add3A_4586 = arith.constant 16 : i32
      %add3A_4587 = vector.broadcast %add3A_4586 : i32 to vector<16xi32>
      %add3A_4588 = arith.addi %xor3A_4582, %add3A_4587 : vector<16xi32>
      %select_n3A_4589 = arith.select %lt3A_4585, %add3A_4588, %xor3A_4582 : vector<16xi1>, vector<16xi32>
      %broadcast_in_dim3A_4590 = vector.shape_cast %select_n3A_4589 : vector<16xi32> to vector<16x1xi32>
      %gather3A_4591 = vector.shape_cast %broadcast_in_dim3A_4590 : vector<16x1xi32> to vector<16xi32>
      %gather3A_4592 = tpu.dynamic_gather %add3A_4579[%gather3A_4591] in [0] : vector<16xf32>, vector<16xi32> -> vector<16xf32>
      %add3A_4593 = arith.addf %add3A_4579, %gather3A_4592 : vector<16xf32>
      %xor3A_4594 = arith.constant 8 : i32
      %xor3A_4595 = vector.broadcast %xor3A_4594 : i32 to vector<16xi32>
      %xor3A_4596 = arith.xori %iota3A, %xor3A_4595 : vector<16xi32>
      %lt3A_4597 = arith.constant 0 : i32
      %lt3A_4598 = vector.broadcast %lt3A_4597 : i32 to vector<16xi32>
      %lt3A_4599 = arith.cmpi slt, %xor3A_4596, %lt3A_4598 : vector<16xi32>
      %add3A_4600 = arith.constant 16 : i32
      %add3A_4601 = vector.broadcast %add3A_4600 : i32 to vector<16xi32>
      %add3A_4602 = arith.addi %xor3A_4596, %add3A_4601 : vector<16xi32>
      %select_n3A_4603 = arith.select %lt3A_4599, %add3A_4602, %xor3A_4596 : vector<16xi1>, vector<16xi32>
      %broadcast_in_dim3A_4604 = vector.shape_cast %select_n3A_4603 : vector<16xi32> to vector<16x1xi32>
      %gather3A_4605 = vector.shape_cast %broadcast_in_dim3A_4604 : vector<16x1xi32> to vector<16xi32>
      %gather3A_4606 = tpu.dynamic_gather %add3A_4593[%gather3A_4605] in [0] : vector<16xf32>, vector<16xi32> -> vector<16xf32>
      %add3A_4607 = arith.addf %add3A_4593, %gather3A_4606 : vector<16xf32>
      %div3A_4608 = arith.divf %div3A_4551, %add3A_4607 : vector<16xf32>
      %mul3A_4609 = arith.constant 16 : i32
      %mul3A_4610 = arith.muli %scan3A_8, %mul3A_4609 : i32
      %add3A_4611 = arith.constant 14 : i32
      %add3A_4612 = arith.addi %mul3A_4610, %add3A_4611 : i32
      %swap3A_4613 = arith.index_cast %add3A_4612 : i32 to index
      %swap3A_4614 = arith.constant 0 : index
      %swap3A_4615 = tpu.vector_load %arg7[%swap3A_4613, %swap3A_4614] {strides = array<i32>} : memref<320x16xf32, #tpu.memory_space<vmem>>, vector<1x16xf32>,
      %swap3A_4616 = vector.shape_cast %swap3A_4615 : vector<1x16xf32> to vector<16xf32>
      %swap3A_4617 = vector.shape_cast %div3A_4608 : vector<16xf32> to vector<1x16xf32>
      tpu.vector_store %arg7[%swap3A_4613, %swap3A_4614], %swap3A_4617 {strides = array<i32>} : memref<320x16xf32, #tpu.memory_space<vmem>>, vector<1x16xf32>,
      %xor3A_4618 = arith.constant 1 : i32
      %xor3A_4619 = vector.broadcast %xor3A_4618 : i32 to vector<16xi32>
      %xor3A_4620 = arith.xori %iota3A, %xor3A_4619 : vector<16xi32>
      %lt3A_4621 = arith.constant 0 : i32
      %lt3A_4622 = vector.broadcast %lt3A_4621 : i32 to vector<16xi32>
      %lt3A_4623 = arith.cmpi slt, %xor3A_4620, %lt3A_4622 : vector<16xi32>
      %add3A_4624 = arith.constant 16 : i32
      %add3A_4625 = vector.broadcast %add3A_4624 : i32 to vector<16xi32>
      %add3A_4626 = arith.addi %xor3A_4620, %add3A_4625 : vector<16xi32>
      %select_n3A_4627 = arith.select %lt3A_4623, %add3A_4626, %xor3A_4620 : vector<16xi1>, vector<16xi32>
      %broadcast_in_dim3A_4628 = vector.shape_cast %select_n3A_4627 : vector<16xi32> to vector<16x1xi32>
      %gather3A_4629 = vector.shape_cast %broadcast_in_dim3A_4628 : vector<16x1xi32> to vector<16xi32>
      %gather3A_4630 = tpu.dynamic_gather %get3A_4545[%gather3A_4629] in [0] : vector<16xf32>, vector<16xi32> -> vector<16xf32>
      %min3A_4631 = arith.minimumf %get3A_4545, %gather3A_4630 : vector<16xf32>
      %xor3A_4632 = arith.constant 2 : i32
      %xor3A_4633 = vector.broadcast %xor3A_4632 : i32 to vector<16xi32>
      %xor3A_4634 = arith.xori %iota3A, %xor3A_4633 : vector<16xi32>
      %lt3A_4635 = arith.constant 0 : i32
      %lt3A_4636 = vector.broadcast %lt3A_4635 : i32 to vector<16xi32>
      %lt3A_4637 = arith.cmpi slt, %xor3A_4634, %lt3A_4636 : vector<16xi32>
      %add3A_4638 = arith.constant 16 : i32
      %add3A_4639 = vector.broadcast %add3A_4638 : i32 to vector<16xi32>
      %add3A_4640 = arith.addi %xor3A_4634, %add3A_4639 : vector<16xi32>
      %select_n3A_4641 = arith.select %lt3A_4637, %add3A_4640, %xor3A_4634 : vector<16xi1>, vector<16xi32>
      %broadcast_in_dim3A_4642 = vector.shape_cast %select_n3A_4641 : vector<16xi32> to vector<16x1xi32>
      %gather3A_4643 = vector.shape_cast %broadcast_in_dim3A_4642 : vector<16x1xi32> to vector<16xi32>
      %gather3A_4644 = tpu.dynamic_gather %min3A_4631[%gather3A_4643] in [0] : vector<16xf32>, vector<16xi32> -> vector<16xf32>
      %min3A_4645 = arith.minimumf %min3A_4631, %gather3A_4644 : vector<16xf32>
      %xor3A_4646 = arith.constant 4 : i32
      %xor3A_4647 = vector.broadcast %xor3A_4646 : i32 to vector<16xi32>
      %xor3A_4648 = arith.xori %iota3A, %xor3A_4647 : vector<16xi32>
      %lt3A_4649 = arith.constant 0 : i32
      %lt3A_4650 = vector.broadcast %lt3A_4649 : i32 to vector<16xi32>
      %lt3A_4651 = arith.cmpi slt, %xor3A_4648, %lt3A_4650 : vector<16xi32>
      %add3A_4652 = arith.constant 16 : i32
      %add3A_4653 = vector.broadcast %add3A_4652 : i32 to vector<16xi32>
      %add3A_4654 = arith.addi %xor3A_4648, %add3A_4653 : vector<16xi32>
      %select_n3A_4655 = arith.select %lt3A_4651, %add3A_4654, %xor3A_4648 : vector<16xi1>, vector<16xi32>
      %broadcast_in_dim3A_4656 = vector.shape_cast %select_n3A_4655 : vector<16xi32> to vector<16x1xi32>
      %gather3A_4657 = vector.shape_cast %broadcast_in_dim3A_4656 : vector<16x1xi32> to vector<16xi32>
      %gather3A_4658 = tpu.dynamic_gather %min3A_4645[%gather3A_4657] in [0] : vector<16xf32>, vector<16xi32> -> vector<16xf32>
      %min3A_4659 = arith.minimumf %min3A_4645, %gather3A_4658 : vector<16xf32>
      %xor3A_4660 = arith.constant 8 : i32
      %xor3A_4661 = vector.broadcast %xor3A_4660 : i32 to vector<16xi32>
      %xor3A_4662 = arith.xori %iota3A, %xor3A_4661 : vector<16xi32>
      %lt3A_4663 = arith.constant 0 : i32
      %lt3A_4664 = vector.broadcast %lt3A_4663 : i32 to vector<16xi32>
      %lt3A_4665 = arith.cmpi slt, %xor3A_4662, %lt3A_4664 : vector<16xi32>
      %add3A_4666 = arith.constant 16 : i32
      %add3A_4667 = vector.broadcast %add3A_4666 : i32 to vector<16xi32>
      %add3A_4668 = arith.addi %xor3A_4662, %add3A_4667 : vector<16xi32>
      %select_n3A_4669 = arith.select %lt3A_4665, %add3A_4668, %xor3A_4662 : vector<16xi1>, vector<16xi32>
      %broadcast_in_dim3A_4670 = vector.shape_cast %select_n3A_4669 : vector<16xi32> to vector<16x1xi32>
      %gather3A_4671 = vector.shape_cast %broadcast_in_dim3A_4670 : vector<16x1xi32> to vector<16xi32>
      %gather3A_4672 = tpu.dynamic_gather %min3A_4659[%gather3A_4671] in [0] : vector<16xf32>, vector<16xi32> -> vector<16xf32>
      %min3A_4673 = arith.minimumf %min3A_4659, %gather3A_4672 : vector<16xf32>
      %eq3A_4674 = arith.cmpf oeq, %get3A_4545, %min3A_4673 : vector<16xf32>
      %jit3A_4675 = arith.constant 16 : i32
      %broadcast_in_dim3A_4676 = vector.broadcast %jit3A_4675 : i32 to vector<16xi32>
      %select_n3A_4677 = arith.select %eq3A_4674, %iota3A, %broadcast_in_dim3A_4676 : vector<16xi1>, vector<16xi32>
      %xor3A_4678 = arith.constant 1 : i32
      %xor3A_4679 = vector.broadcast %xor3A_4678 : i32 to vector<16xi32>
      %xor3A_4680 = arith.xori %iota3A, %xor3A_4679 : vector<16xi32>
      %lt3A_4681 = arith.constant 0 : i32
      %lt3A_4682 = vector.broadcast %lt3A_4681 : i32 to vector<16xi32>
      %lt3A_4683 = arith.cmpi slt, %xor3A_4680, %lt3A_4682 : vector<16xi32>
      %add3A_4684 = arith.constant 16 : i32
      %add3A_4685 = vector.broadcast %add3A_4684 : i32 to vector<16xi32>
      %add3A_4686 = arith.addi %xor3A_4680, %add3A_4685 : vector<16xi32>
      %select_n3A_4687 = arith.select %lt3A_4683, %add3A_4686, %xor3A_4680 : vector<16xi1>, vector<16xi32>
      %broadcast_in_dim3A_4688 = vector.shape_cast %select_n3A_4687 : vector<16xi32> to vector<16x1xi32>
      %gather3A_4689 = vector.shape_cast %broadcast_in_dim3A_4688 : vector<16x1xi32> to vector<16xi32>
      %gather3A_4690 = tpu.dynamic_gather %select_n3A_4677[%gather3A_4689] in [0] : vector<16xi32>, vector<16xi32> -> vector<16xi32>
      %min3A_4691 = arith.minsi %select_n3A_4677, %gather3A_4690 : vector<16xi32>
      %xor3A_4692 = arith.constant 2 : i32
      %xor3A_4693 = vector.broadcast %xor3A_4692 : i32 to vector<16xi32>
      %xor3A_4694 = arith.xori %iota3A, %xor3A_4693 : vector<16xi32>
      %lt3A_4695 = arith.constant 0 : i32
      %lt3A_4696 = vector.broadcast %lt3A_4695 : i32 to vector<16xi32>
      %lt3A_4697 = arith.cmpi slt, %xor3A_4694, %lt3A_4696 : vector<16xi32>
      %add3A_4698 = arith.constant 16 : i32
      %add3A_4699 = vector.broadcast %add3A_4698 : i32 to vector<16xi32>
      %add3A_4700 = arith.addi %xor3A_4694, %add3A_4699 : vector<16xi32>
      %select_n3A_4701 = arith.select %lt3A_4697, %add3A_4700, %xor3A_4694 : vector<16xi1>, vector<16xi32>
      %broadcast_in_dim3A_4702 = vector.shape_cast %select_n3A_4701 : vector<16xi32> to vector<16x1xi32>
      %gather3A_4703 = vector.shape_cast %broadcast_in_dim3A_4702 : vector<16x1xi32> to vector<16xi32>
      %gather3A_4704 = tpu.dynamic_gather %min3A_4691[%gather3A_4703] in [0] : vector<16xi32>, vector<16xi32> -> vector<16xi32>
      %min3A_4705 = arith.minsi %min3A_4691, %gather3A_4704 : vector<16xi32>
      %xor3A_4706 = arith.constant 4 : i32
      %xor3A_4707 = vector.broadcast %xor3A_4706 : i32 to vector<16xi32>
      %xor3A_4708 = arith.xori %iota3A, %xor3A_4707 : vector<16xi32>
      %lt3A_4709 = arith.constant 0 : i32
      %lt3A_4710 = vector.broadcast %lt3A_4709 : i32 to vector<16xi32>
      %lt3A_4711 = arith.cmpi slt, %xor3A_4708, %lt3A_4710 : vector<16xi32>
      %add3A_4712 = arith.constant 16 : i32
      %add3A_4713 = vector.broadcast %add3A_4712 : i32 to vector<16xi32>
      %add3A_4714 = arith.addi %xor3A_4708, %add3A_4713 : vector<16xi32>
      %select_n3A_4715 = arith.select %lt3A_4711, %add3A_4714, %xor3A_4708 : vector<16xi1>, vector<16xi32>
      %broadcast_in_dim3A_4716 = vector.shape_cast %select_n3A_4715 : vector<16xi32> to vector<16x1xi32>
      %gather3A_4717 = vector.shape_cast %broadcast_in_dim3A_4716 : vector<16x1xi32> to vector<16xi32>
      %gather3A_4718 = tpu.dynamic_gather %min3A_4705[%gather3A_4717] in [0] : vector<16xi32>, vector<16xi32> -> vector<16xi32>
      %min3A_4719 = arith.minsi %min3A_4705, %gather3A_4718 : vector<16xi32>
      %xor3A_4720 = arith.constant 8 : i32
      %xor3A_4721 = vector.broadcast %xor3A_4720 : i32 to vector<16xi32>
      %xor3A_4722 = arith.xori %iota3A, %xor3A_4721 : vector<16xi32>
      %lt3A_4723 = arith.constant 0 : i32
      %lt3A_4724 = vector.broadcast %lt3A_4723 : i32 to vector<16xi32>
      %lt3A_4725 = arith.cmpi slt, %xor3A_4722, %lt3A_4724 : vector<16xi32>
      %add3A_4726 = arith.constant 16 : i32
      %add3A_4727 = vector.broadcast %add3A_4726 : i32 to vector<16xi32>
      %add3A_4728 = arith.addi %xor3A_4722, %add3A_4727 : vector<16xi32>
      %select_n3A_4729 = arith.select %lt3A_4725, %add3A_4728, %xor3A_4722 : vector<16xi1>, vector<16xi32>
      %broadcast_in_dim3A_4730 = vector.shape_cast %select_n3A_4729 : vector<16xi32> to vector<16x1xi32>
      %gather3A_4731 = vector.shape_cast %broadcast_in_dim3A_4730 : vector<16x1xi32> to vector<16xi32>
      %gather3A_4732 = tpu.dynamic_gather %min3A_4719[%gather3A_4731] in [0] : vector<16xi32>, vector<16xi32> -> vector<16xi32>
      %min3A_4733 = arith.minsi %min3A_4719, %gather3A_4732 : vector<16xi32>
      %eq3A_4734 = arith.cmpi eq, %iota3A, %min3A_4733 : vector<16xi32>
      %jit3A_4735 = arith.constant 0x7F800000 : f32
      %broadcast_in_dim3A_4736 = vector.broadcast %jit3A_4735 : f32 to vector<16xf32>
      %select_n3A_4737 = arith.select %eq3A_4734, %broadcast_in_dim3A_4736, %get3A_4545 : vector<16xi1>, vector<16xf32>
      %xor3A_4738 = arith.constant 1 : i32
      %xor3A_4739 = vector.broadcast %xor3A_4738 : i32 to vector<16xi32>
      %xor3A_4740 = arith.xori %iota3A, %xor3A_4739 : vector<16xi32>
      %lt3A_4741 = arith.constant 0 : i32
      %lt3A_4742 = vector.broadcast %lt3A_4741 : i32 to vector<16xi32>
      %lt3A_4743 = arith.cmpi slt, %xor3A_4740, %lt3A_4742 : vector<16xi32>
      %add3A_4744 = arith.constant 16 : i32
      %add3A_4745 = vector.broadcast %add3A_4744 : i32 to vector<16xi32>
      %add3A_4746 = arith.addi %xor3A_4740, %add3A_4745 : vector<16xi32>
      %select_n3A_4747 = arith.select %lt3A_4743, %add3A_4746, %xor3A_4740 : vector<16xi1>, vector<16xi32>
      %broadcast_in_dim3A_4748 = vector.shape_cast %select_n3A_4747 : vector<16xi32> to vector<16x1xi32>
      %gather3A_4749 = vector.shape_cast %broadcast_in_dim3A_4748 : vector<16x1xi32> to vector<16xi32>
      %gather3A_4750 = tpu.dynamic_gather %select_n3A_4737[%gather3A_4749] in [0] : vector<16xf32>, vector<16xi32> -> vector<16xf32>
      %min3A_4751 = arith.minimumf %select_n3A_4737, %gather3A_4750 : vector<16xf32>
      %xor3A_4752 = arith.constant 2 : i32
      %xor3A_4753 = vector.broadcast %xor3A_4752 : i32 to vector<16xi32>
      %xor3A_4754 = arith.xori %iota3A, %xor3A_4753 : vector<16xi32>
      %lt3A_4755 = arith.constant 0 : i32
      %lt3A_4756 = vector.broadcast %lt3A_4755 : i32 to vector<16xi32>
      %lt3A_4757 = arith.cmpi slt, %xor3A_4754, %lt3A_4756 : vector<16xi32>
      %add3A_4758 = arith.constant 16 : i32
      %add3A_4759 = vector.broadcast %add3A_4758 : i32 to vector<16xi32>
      %add3A_4760 = arith.addi %xor3A_4754, %add3A_4759 : vector<16xi32>
      %select_n3A_4761 = arith.select %lt3A_4757, %add3A_4760, %xor3A_4754 : vector<16xi1>, vector<16xi32>
      %broadcast_in_dim3A_4762 = vector.shape_cast %select_n3A_4761 : vector<16xi32> to vector<16x1xi32>
      %gather3A_4763 = vector.shape_cast %broadcast_in_dim3A_4762 : vector<16x1xi32> to vector<16xi32>
      %gather3A_4764 = tpu.dynamic_gather %min3A_4751[%gather3A_4763] in [0] : vector<16xf32>, vector<16xi32> -> vector<16xf32>
      %min3A_4765 = arith.minimumf %min3A_4751, %gather3A_4764 : vector<16xf32>
      %xor3A_4766 = arith.constant 4 : i32
      %xor3A_4767 = vector.broadcast %xor3A_4766 : i32 to vector<16xi32>
      %xor3A_4768 = arith.xori %iota3A, %xor3A_4767 : vector<16xi32>
      %lt3A_4769 = arith.constant 0 : i32
      %lt3A_4770 = vector.broadcast %lt3A_4769 : i32 to vector<16xi32>
      %lt3A_4771 = arith.cmpi slt, %xor3A_4768, %lt3A_4770 : vector<16xi32>
      %add3A_4772 = arith.constant 16 : i32
      %add3A_4773 = vector.broadcast %add3A_4772 : i32 to vector<16xi32>
      %add3A_4774 = arith.addi %xor3A_4768, %add3A_4773 : vector<16xi32>
      %select_n3A_4775 = arith.select %lt3A_4771, %add3A_4774, %xor3A_4768 : vector<16xi1>, vector<16xi32>
      %broadcast_in_dim3A_4776 = vector.shape_cast %select_n3A_4775 : vector<16xi32> to vector<16x1xi32>
      %gather3A_4777 = vector.shape_cast %broadcast_in_dim3A_4776 : vector<16x1xi32> to vector<16xi32>
      %gather3A_4778 = tpu.dynamic_gather %min3A_4765[%gather3A_4777] in [0] : vector<16xf32>, vector<16xi32> -> vector<16xf32>
      %min3A_4779 = arith.minimumf %min3A_4765, %gather3A_4778 : vector<16xf32>
      %xor3A_4780 = arith.constant 8 : i32
      %xor3A_4781 = vector.broadcast %xor3A_4780 : i32 to vector<16xi32>
      %xor3A_4782 = arith.xori %iota3A, %xor3A_4781 : vector<16xi32>
      %lt3A_4783 = arith.constant 0 : i32
      %lt3A_4784 = vector.broadcast %lt3A_4783 : i32 to vector<16xi32>
      %lt3A_4785 = arith.cmpi slt, %xor3A_4782, %lt3A_4784 : vector<16xi32>
      %add3A_4786 = arith.constant 16 : i32
      %add3A_4787 = vector.broadcast %add3A_4786 : i32 to vector<16xi32>
      %add3A_4788 = arith.addi %xor3A_4782, %add3A_4787 : vector<16xi32>
      %select_n3A_4789 = arith.select %lt3A_4785, %add3A_4788, %xor3A_4782 : vector<16xi1>, vector<16xi32>
      %broadcast_in_dim3A_4790 = vector.shape_cast %select_n3A_4789 : vector<16xi32> to vector<16x1xi32>
      %gather3A_4791 = vector.shape_cast %broadcast_in_dim3A_4790 : vector<16x1xi32> to vector<16xi32>
      %gather3A_4792 = tpu.dynamic_gather %min3A_4779[%gather3A_4791] in [0] : vector<16xf32>, vector<16xi32> -> vector<16xf32>
      %min3A_4793 = arith.minimumf %min3A_4779, %gather3A_4792 : vector<16xf32>
      %eq3A_4794 = arith.cmpf oeq, %select_n3A_4737, %min3A_4793 : vector<16xf32>
      %jit3A_4795 = arith.constant 16 : i32
      %broadcast_in_dim3A_4796 = vector.broadcast %jit3A_4795 : i32 to vector<16xi32>
      %select_n3A_4797 = arith.select %eq3A_4794, %iota3A, %broadcast_in_dim3A_4796 : vector<16xi1>, vector<16xi32>
      %xor3A_4798 = arith.constant 1 : i32
      %xor3A_4799 = vector.broadcast %xor3A_4798 : i32 to vector<16xi32>
      %xor3A_4800 = arith.xori %iota3A, %xor3A_4799 : vector<16xi32>
      %lt3A_4801 = arith.constant 0 : i32
      %lt3A_4802 = vector.broadcast %lt3A_4801 : i32 to vector<16xi32>
      %lt3A_4803 = arith.cmpi slt, %xor3A_4800, %lt3A_4802 : vector<16xi32>
      %add3A_4804 = arith.constant 16 : i32
      %add3A_4805 = vector.broadcast %add3A_4804 : i32 to vector<16xi32>
      %add3A_4806 = arith.addi %xor3A_4800, %add3A_4805 : vector<16xi32>
      %select_n3A_4807 = arith.select %lt3A_4803, %add3A_4806, %xor3A_4800 : vector<16xi1>, vector<16xi32>
      %broadcast_in_dim3A_4808 = vector.shape_cast %select_n3A_4807 : vector<16xi32> to vector<16x1xi32>
      %gather3A_4809 = vector.shape_cast %broadcast_in_dim3A_4808 : vector<16x1xi32> to vector<16xi32>
      %gather3A_4810 = tpu.dynamic_gather %select_n3A_4797[%gather3A_4809] in [0] : vector<16xi32>, vector<16xi32> -> vector<16xi32>
      %min3A_4811 = arith.minsi %select_n3A_4797, %gather3A_4810 : vector<16xi32>
      %xor3A_4812 = arith.constant 2 : i32
      %xor3A_4813 = vector.broadcast %xor3A_4812 : i32 to vector<16xi32>
      %xor3A_4814 = arith.xori %iota3A, %xor3A_4813 : vector<16xi32>
      %lt3A_4815 = arith.constant 0 : i32
      %lt3A_4816 = vector.broadcast %lt3A_4815 : i32 to vector<16xi32>
      %lt3A_4817 = arith.cmpi slt, %xor3A_4814, %lt3A_4816 : vector<16xi32>
      %add3A_4818 = arith.constant 16 : i32
      %add3A_4819 = vector.broadcast %add3A_4818 : i32 to vector<16xi32>
      %add3A_4820 = arith.addi %xor3A_4814, %add3A_4819 : vector<16xi32>
      %select_n3A_4821 = arith.select %lt3A_4817, %add3A_4820, %xor3A_4814 : vector<16xi1>, vector<16xi32>
      %broadcast_in_dim3A_4822 = vector.shape_cast %select_n3A_4821 : vector<16xi32> to vector<16x1xi32>
      %gather3A_4823 = vector.shape_cast %broadcast_in_dim3A_4822 : vector<16x1xi32> to vector<16xi32>
      %gather3A_4824 = tpu.dynamic_gather %min3A_4811[%gather3A_4823] in [0] : vector<16xi32>, vector<16xi32> -> vector<16xi32>
      %min3A_4825 = arith.minsi %min3A_4811, %gather3A_4824 : vector<16xi32>
      %xor3A_4826 = arith.constant 4 : i32
      %xor3A_4827 = vector.broadcast %xor3A_4826 : i32 to vector<16xi32>
      %xor3A_4828 = arith.xori %iota3A, %xor3A_4827 : vector<16xi32>
      %lt3A_4829 = arith.constant 0 : i32
      %lt3A_4830 = vector.broadcast %lt3A_4829 : i32 to vector<16xi32>
      %lt3A_4831 = arith.cmpi slt, %xor3A_4828, %lt3A_4830 : vector<16xi32>
      %add3A_4832 = arith.constant 16 : i32
      %add3A_4833 = vector.broadcast %add3A_4832 : i32 to vector<16xi32>
      %add3A_4834 = arith.addi %xor3A_4828, %add3A_4833 : vector<16xi32>
      %select_n3A_4835 = arith.select %lt3A_4831, %add3A_4834, %xor3A_4828 : vector<16xi1>, vector<16xi32>
      %broadcast_in_dim3A_4836 = vector.shape_cast %select_n3A_4835 : vector<16xi32> to vector<16x1xi32>
      %gather3A_4837 = vector.shape_cast %broadcast_in_dim3A_4836 : vector<16x1xi32> to vector<16xi32>
      %gather3A_4838 = tpu.dynamic_gather %min3A_4825[%gather3A_4837] in [0] : vector<16xi32>, vector<16xi32> -> vector<16xi32>
      %min3A_4839 = arith.minsi %min3A_4825, %gather3A_4838 : vector<16xi32>
      %xor3A_4840 = arith.constant 8 : i32
      %xor3A_4841 = vector.broadcast %xor3A_4840 : i32 to vector<16xi32>
      %xor3A_4842 = arith.xori %iota3A, %xor3A_4841 : vector<16xi32>
      %lt3A_4843 = arith.constant 0 : i32
      %lt3A_4844 = vector.broadcast %lt3A_4843 : i32 to vector<16xi32>
      %lt3A_4845 = arith.cmpi slt, %xor3A_4842, %lt3A_4844 : vector<16xi32>
      %add3A_4846 = arith.constant 16 : i32
      %add3A_4847 = vector.broadcast %add3A_4846 : i32 to vector<16xi32>
      %add3A_4848 = arith.addi %xor3A_4842, %add3A_4847 : vector<16xi32>
      %select_n3A_4849 = arith.select %lt3A_4845, %add3A_4848, %xor3A_4842 : vector<16xi1>, vector<16xi32>
      %broadcast_in_dim3A_4850 = vector.shape_cast %select_n3A_4849 : vector<16xi32> to vector<16x1xi32>
      %gather3A_4851 = vector.shape_cast %broadcast_in_dim3A_4850 : vector<16x1xi32> to vector<16xi32>
      %gather3A_4852 = tpu.dynamic_gather %min3A_4839[%gather3A_4851] in [0] : vector<16xi32>, vector<16xi32> -> vector<16xi32>
      %min3A_4853 = arith.minsi %min3A_4839, %gather3A_4852 : vector<16xi32>
      %eq3A_4854 = arith.constant 14 : i32
      %eq3A_4855 = vector.broadcast %eq3A_4854 : i32 to vector<16xi32>
      %eq3A_4856 = arith.cmpi eq, %iota3A, %eq3A_4855 : vector<16xi32>
      %select_n3A_4857 = arith.select %eq3A_4856, %min3A_4733, %select_n3A_4533 : vector<16xi1>, vector<16xi32>
      %eq3A_4858 = arith.constant 14 : i32
      %eq3A_4859 = vector.broadcast %eq3A_4858 : i32 to vector<16xi32>
      %eq3A_4860 = arith.cmpi eq, %iota3A, %eq3A_4859 : vector<16xi32>
      %select_n3A_4861 = arith.select %eq3A_4860, %min3A_4853, %select_n3A_4537 : vector<16xi1>, vector<16xi32>
      %mul3A_4862 = arith.constant 16 : i32
      %mul3A_4863 = arith.muli %scan3A_8, %mul3A_4862 : i32
      %add3A_4864 = arith.constant 15 : i32
      %add3A_4865 = arith.addi %mul3A_4863, %add3A_4864 : i32
      %get3A_4866 = arith.index_cast %add3A_4865 : i32 to index
      %get3A_4867 = arith.constant 0 : index
      %get3A_4868 = tpu.vector_load %arg6[%get3A_4866, %get3A_4867] {strides = array<i32>} : memref<320x16xf32, #tpu.memory_space<vmem>>, vector<1x16xf32>,
      %get3A_4869 = vector.shape_cast %get3A_4868 : vector<1x16xf32> to vector<16xf32>
      %add3A_4870 = arith.constant 1.000000e+00 : f32
      %add3A_4871 = vector.broadcast %add3A_4870 : f32 to vector<16xf32>
      %add3A_4872 = arith.addf %add3A_4871, %get3A_4869 : vector<16xf32>
      %div3A_4873 = arith.constant 1.000000e+00 : f32
      %div3A_4874 = vector.broadcast %div3A_4873 : f32 to vector<16xf32>
      %div3A_4875 = arith.divf %div3A_4874, %add3A_4872 : vector<16xf32>
      %xor3A_4876 = arith.constant 1 : i32
      %xor3A_4877 = vector.broadcast %xor3A_4876 : i32 to vector<16xi32>
      %xor3A_4878 = arith.xori %iota3A, %xor3A_4877 : vector<16xi32>
      %lt3A_4879 = arith.constant 0 : i32
      %lt3A_4880 = vector.broadcast %lt3A_4879 : i32 to vector<16xi32>
      %lt3A_4881 = arith.cmpi slt, %xor3A_4878, %lt3A_4880 : vector<16xi32>
      %add3A_4882 = arith.constant 16 : i32
      %add3A_4883 = vector.broadcast %add3A_4882 : i32 to vector<16xi32>
      %add3A_4884 = arith.addi %xor3A_4878, %add3A_4883 : vector<16xi32>
      %select_n3A_4885 = arith.select %lt3A_4881, %add3A_4884, %xor3A_4878 : vector<16xi1>, vector<16xi32>
      %broadcast_in_dim3A_4886 = vector.shape_cast %select_n3A_4885 : vector<16xi32> to vector<16x1xi32>
      %gather3A_4887 = vector.shape_cast %broadcast_in_dim3A_4886 : vector<16x1xi32> to vector<16xi32>
      %gather3A_4888 = tpu.dynamic_gather %div3A_4875[%gather3A_4887] in [0] : vector<16xf32>, vector<16xi32> -> vector<16xf32>
      %add3A_4889 = arith.addf %div3A_4875, %gather3A_4888 : vector<16xf32>
      %xor3A_4890 = arith.constant 2 : i32
      %xor3A_4891 = vector.broadcast %xor3A_4890 : i32 to vector<16xi32>
      %xor3A_4892 = arith.xori %iota3A, %xor3A_4891 : vector<16xi32>
      %lt3A_4893 = arith.constant 0 : i32
      %lt3A_4894 = vector.broadcast %lt3A_4893 : i32 to vector<16xi32>
      %lt3A_4895 = arith.cmpi slt, %xor3A_4892, %lt3A_4894 : vector<16xi32>
      %add3A_4896 = arith.constant 16 : i32
      %add3A_4897 = vector.broadcast %add3A_4896 : i32 to vector<16xi32>
      %add3A_4898 = arith.addi %xor3A_4892, %add3A_4897 : vector<16xi32>
      %select_n3A_4899 = arith.select %lt3A_4895, %add3A_4898, %xor3A_4892 : vector<16xi1>, vector<16xi32>
      %broadcast_in_dim3A_4900 = vector.shape_cast %select_n3A_4899 : vector<16xi32> to vector<16x1xi32>
      %gather3A_4901 = vector.shape_cast %broadcast_in_dim3A_4900 : vector<16x1xi32> to vector<16xi32>
      %gather3A_4902 = tpu.dynamic_gather %add3A_4889[%gather3A_4901] in [0] : vector<16xf32>, vector<16xi32> -> vector<16xf32>
      %add3A_4903 = arith.addf %add3A_4889, %gather3A_4902 : vector<16xf32>
      %xor3A_4904 = arith.constant 4 : i32
      %xor3A_4905 = vector.broadcast %xor3A_4904 : i32 to vector<16xi32>
      %xor3A_4906 = arith.xori %iota3A, %xor3A_4905 : vector<16xi32>
      %lt3A_4907 = arith.constant 0 : i32
      %lt3A_4908 = vector.broadcast %lt3A_4907 : i32 to vector<16xi32>
      %lt3A_4909 = arith.cmpi slt, %xor3A_4906, %lt3A_4908 : vector<16xi32>
      %add3A_4910 = arith.constant 16 : i32
      %add3A_4911 = vector.broadcast %add3A_4910 : i32 to vector<16xi32>
      %add3A_4912 = arith.addi %xor3A_4906, %add3A_4911 : vector<16xi32>
      %select_n3A_4913 = arith.select %lt3A_4909, %add3A_4912, %xor3A_4906 : vector<16xi1>, vector<16xi32>
      %broadcast_in_dim3A_4914 = vector.shape_cast %select_n3A_4913 : vector<16xi32> to vector<16x1xi32>
      %gather3A_4915 = vector.shape_cast %broadcast_in_dim3A_4914 : vector<16x1xi32> to vector<16xi32>
      %gather3A_4916 = tpu.dynamic_gather %add3A_4903[%gather3A_4915] in [0] : vector<16xf32>, vector<16xi32> -> vector<16xf32>
      %add3A_4917 = arith.addf %add3A_4903, %gather3A_4916 : vector<16xf32>
      %xor3A_4918 = arith.constant 8 : i32
      %xor3A_4919 = vector.broadcast %xor3A_4918 : i32 to vector<16xi32>
      %xor3A_4920 = arith.xori %iota3A, %xor3A_4919 : vector<16xi32>
      %lt3A_4921 = arith.constant 0 : i32
      %lt3A_4922 = vector.broadcast %lt3A_4921 : i32 to vector<16xi32>
      %lt3A_4923 = arith.cmpi slt, %xor3A_4920, %lt3A_4922 : vector<16xi32>
      %add3A_4924 = arith.constant 16 : i32
      %add3A_4925 = vector.broadcast %add3A_4924 : i32 to vector<16xi32>
      %add3A_4926 = arith.addi %xor3A_4920, %add3A_4925 : vector<16xi32>
      %select_n3A_4927 = arith.select %lt3A_4923, %add3A_4926, %xor3A_4920 : vector<16xi1>, vector<16xi32>
      %broadcast_in_dim3A_4928 = vector.shape_cast %select_n3A_4927 : vector<16xi32> to vector<16x1xi32>
      %gather3A_4929 = vector.shape_cast %broadcast_in_dim3A_4928 : vector<16x1xi32> to vector<16xi32>
      %gather3A_4930 = tpu.dynamic_gather %add3A_4917[%gather3A_4929] in [0] : vector<16xf32>, vector<16xi32> -> vector<16xf32>
      %add3A_4931 = arith.addf %add3A_4917, %gather3A_4930 : vector<16xf32>
      %div3A_4932 = arith.divf %div3A_4875, %add3A_4931 : vector<16xf32>
      %mul3A_4933 = arith.constant 16 : i32
      %mul3A_4934 = arith.muli %scan3A_8, %mul3A_4933 : i32
      %add3A_4935 = arith.constant 15 : i32
      %add3A_4936 = arith.addi %mul3A_4934, %add3A_4935 : i32
      %swap3A_4937 = arith.index_cast %add3A_4936 : i32 to index
      %swap3A_4938 = arith.constant 0 : index
      %swap3A_4939 = tpu.vector_load %arg7[%swap3A_4937, %swap3A_4938] {strides = array<i32>} : memref<320x16xf32, #tpu.memory_space<vmem>>, vector<1x16xf32>,
      %swap3A_4940 = vector.shape_cast %swap3A_4939 : vector<1x16xf32> to vector<16xf32>
      %swap3A_4941 = vector.shape_cast %div3A_4932 : vector<16xf32> to vector<1x16xf32>
      tpu.vector_store %arg7[%swap3A_4937, %swap3A_4938], %swap3A_4941 {strides = array<i32>} : memref<320x16xf32, #tpu.memory_space<vmem>>, vector<1x16xf32>,
      %xor3A_4942 = arith.constant 1 : i32
      %xor3A_4943 = vector.broadcast %xor3A_4942 : i32 to vector<16xi32>
      %xor3A_4944 = arith.xori %iota3A, %xor3A_4943 : vector<16xi32>
      %lt3A_4945 = arith.constant 0 : i32
      %lt3A_4946 = vector.broadcast %lt3A_4945 : i32 to vector<16xi32>
      %lt3A_4947 = arith.cmpi slt, %xor3A_4944, %lt3A_4946 : vector<16xi32>
      %add3A_4948 = arith.constant 16 : i32
      %add3A_4949 = vector.broadcast %add3A_4948 : i32 to vector<16xi32>
      %add3A_4950 = arith.addi %xor3A_4944, %add3A_4949 : vector<16xi32>
      %select_n3A_4951 = arith.select %lt3A_4947, %add3A_4950, %xor3A_4944 : vector<16xi1>, vector<16xi32>
      %broadcast_in_dim3A_4952 = vector.shape_cast %select_n3A_4951 : vector<16xi32> to vector<16x1xi32>
      %gather3A_4953 = vector.shape_cast %broadcast_in_dim3A_4952 : vector<16x1xi32> to vector<16xi32>
      %gather3A_4954 = tpu.dynamic_gather %get3A_4869[%gather3A_4953] in [0] : vector<16xf32>, vector<16xi32> -> vector<16xf32>
      %min3A_4955 = arith.minimumf %get3A_4869, %gather3A_4954 : vector<16xf32>
      %xor3A_4956 = arith.constant 2 : i32
      %xor3A_4957 = vector.broadcast %xor3A_4956 : i32 to vector<16xi32>
      %xor3A_4958 = arith.xori %iota3A, %xor3A_4957 : vector<16xi32>
      %lt3A_4959 = arith.constant 0 : i32
      %lt3A_4960 = vector.broadcast %lt3A_4959 : i32 to vector<16xi32>
      %lt3A_4961 = arith.cmpi slt, %xor3A_4958, %lt3A_4960 : vector<16xi32>
      %add3A_4962 = arith.constant 16 : i32
      %add3A_4963 = vector.broadcast %add3A_4962 : i32 to vector<16xi32>
      %add3A_4964 = arith.addi %xor3A_4958, %add3A_4963 : vector<16xi32>
      %select_n3A_4965 = arith.select %lt3A_4961, %add3A_4964, %xor3A_4958 : vector<16xi1>, vector<16xi32>
      %broadcast_in_dim3A_4966 = vector.shape_cast %select_n3A_4965 : vector<16xi32> to vector<16x1xi32>
      %gather3A_4967 = vector.shape_cast %broadcast_in_dim3A_4966 : vector<16x1xi32> to vector<16xi32>
      %gather3A_4968 = tpu.dynamic_gather %min3A_4955[%gather3A_4967] in [0] : vector<16xf32>, vector<16xi32> -> vector<16xf32>
      %min3A_4969 = arith.minimumf %min3A_4955, %gather3A_4968 : vector<16xf32>
      %xor3A_4970 = arith.constant 4 : i32
      %xor3A_4971 = vector.broadcast %xor3A_4970 : i32 to vector<16xi32>
      %xor3A_4972 = arith.xori %iota3A, %xor3A_4971 : vector<16xi32>
      %lt3A_4973 = arith.constant 0 : i32
      %lt3A_4974 = vector.broadcast %lt3A_4973 : i32 to vector<16xi32>
      %lt3A_4975 = arith.cmpi slt, %xor3A_4972, %lt3A_4974 : vector<16xi32>
      %add3A_4976 = arith.constant 16 : i32
      %add3A_4977 = vector.broadcast %add3A_4976 : i32 to vector<16xi32>
      %add3A_4978 = arith.addi %xor3A_4972, %add3A_4977 : vector<16xi32>
      %select_n3A_4979 = arith.select %lt3A_4975, %add3A_4978, %xor3A_4972 : vector<16xi1>, vector<16xi32>
      %broadcast_in_dim3A_4980 = vector.shape_cast %select_n3A_4979 : vector<16xi32> to vector<16x1xi32>
      %gather3A_4981 = vector.shape_cast %broadcast_in_dim3A_4980 : vector<16x1xi32> to vector<16xi32>
      %gather3A_4982 = tpu.dynamic_gather %min3A_4969[%gather3A_4981] in [0] : vector<16xf32>, vector<16xi32> -> vector<16xf32>
      %min3A_4983 = arith.minimumf %min3A_4969, %gather3A_4982 : vector<16xf32>
      %xor3A_4984 = arith.constant 8 : i32
      %xor3A_4985 = vector.broadcast %xor3A_4984 : i32 to vector<16xi32>
      %xor3A_4986 = arith.xori %iota3A, %xor3A_4985 : vector<16xi32>
      %lt3A_4987 = arith.constant 0 : i32
      %lt3A_4988 = vector.broadcast %lt3A_4987 : i32 to vector<16xi32>
      %lt3A_4989 = arith.cmpi slt, %xor3A_4986, %lt3A_4988 : vector<16xi32>
      %add3A_4990 = arith.constant 16 : i32
      %add3A_4991 = vector.broadcast %add3A_4990 : i32 to vector<16xi32>
      %add3A_4992 = arith.addi %xor3A_4986, %add3A_4991 : vector<16xi32>
      %select_n3A_4993 = arith.select %lt3A_4989, %add3A_4992, %xor3A_4986 : vector<16xi1>, vector<16xi32>
      %broadcast_in_dim3A_4994 = vector.shape_cast %select_n3A_4993 : vector<16xi32> to vector<16x1xi32>
      %gather3A_4995 = vector.shape_cast %broadcast_in_dim3A_4994 : vector<16x1xi32> to vector<16xi32>
      %gather3A_4996 = tpu.dynamic_gather %min3A_4983[%gather3A_4995] in [0] : vector<16xf32>, vector<16xi32> -> vector<16xf32>
      %min3A_4997 = arith.minimumf %min3A_4983, %gather3A_4996 : vector<16xf32>
      %eq3A_4998 = arith.cmpf oeq, %get3A_4869, %min3A_4997 : vector<16xf32>
      %jit3A_4999 = arith.constant 16 : i32
      %broadcast_in_dim3A_5000 = vector.broadcast %jit3A_4999 : i32 to vector<16xi32>
      %select_n3A_5001 = arith.select %eq3A_4998, %iota3A, %broadcast_in_dim3A_5000 : vector<16xi1>, vector<16xi32>
      %xor3A_5002 = arith.constant 1 : i32
      %xor3A_5003 = vector.broadcast %xor3A_5002 : i32 to vector<16xi32>
      %xor3A_5004 = arith.xori %iota3A, %xor3A_5003 : vector<16xi32>
      %lt3A_5005 = arith.constant 0 : i32
      %lt3A_5006 = vector.broadcast %lt3A_5005 : i32 to vector<16xi32>
      %lt3A_5007 = arith.cmpi slt, %xor3A_5004, %lt3A_5006 : vector<16xi32>
      %add3A_5008 = arith.constant 16 : i32
      %add3A_5009 = vector.broadcast %add3A_5008 : i32 to vector<16xi32>
      %add3A_5010 = arith.addi %xor3A_5004, %add3A_5009 : vector<16xi32>
      %select_n3A_5011 = arith.select %lt3A_5007, %add3A_5010, %xor3A_5004 : vector<16xi1>, vector<16xi32>
      %broadcast_in_dim3A_5012 = vector.shape_cast %select_n3A_5011 : vector<16xi32> to vector<16x1xi32>
      %gather3A_5013 = vector.shape_cast %broadcast_in_dim3A_5012 : vector<16x1xi32> to vector<16xi32>
      %gather3A_5014 = tpu.dynamic_gather %select_n3A_5001[%gather3A_5013] in [0] : vector<16xi32>, vector<16xi32> -> vector<16xi32>
      %min3A_5015 = arith.minsi %select_n3A_5001, %gather3A_5014 : vector<16xi32>
      %xor3A_5016 = arith.constant 2 : i32
      %xor3A_5017 = vector.broadcast %xor3A_5016 : i32 to vector<16xi32>
      %xor3A_5018 = arith.xori %iota3A, %xor3A_5017 : vector<16xi32>
      %lt3A_5019 = arith.constant 0 : i32
      %lt3A_5020 = vector.broadcast %lt3A_5019 : i32 to vector<16xi32>
      %lt3A_5021 = arith.cmpi slt, %xor3A_5018, %lt3A_5020 : vector<16xi32>
      %add3A_5022 = arith.constant 16 : i32
      %add3A_5023 = vector.broadcast %add3A_5022 : i32 to vector<16xi32>
      %add3A_5024 = arith.addi %xor3A_5018, %add3A_5023 : vector<16xi32>
      %select_n3A_5025 = arith.select %lt3A_5021, %add3A_5024, %xor3A_5018 : vector<16xi1>, vector<16xi32>
      %broadcast_in_dim3A_5026 = vector.shape_cast %select_n3A_5025 : vector<16xi32> to vector<16x1xi32>
      %gather3A_5027 = vector.shape_cast %broadcast_in_dim3A_5026 : vector<16x1xi32> to vector<16xi32>
      %gather3A_5028 = tpu.dynamic_gather %min3A_5015[%gather3A_5027] in [0] : vector<16xi32>, vector<16xi32> -> vector<16xi32>
      %min3A_5029 = arith.minsi %min3A_5015, %gather3A_5028 : vector<16xi32>
      %xor3A_5030 = arith.constant 4 : i32
      %xor3A_5031 = vector.broadcast %xor3A_5030 : i32 to vector<16xi32>
      %xor3A_5032 = arith.xori %iota3A, %xor3A_5031 : vector<16xi32>
      %lt3A_5033 = arith.constant 0 : i32
      %lt3A_5034 = vector.broadcast %lt3A_5033 : i32 to vector<16xi32>
      %lt3A_5035 = arith.cmpi slt, %xor3A_5032, %lt3A_5034 : vector<16xi32>
      %add3A_5036 = arith.constant 16 : i32
      %add3A_5037 = vector.broadcast %add3A_5036 : i32 to vector<16xi32>
      %add3A_5038 = arith.addi %xor3A_5032, %add3A_5037 : vector<16xi32>
      %select_n3A_5039 = arith.select %lt3A_5035, %add3A_5038, %xor3A_5032 : vector<16xi1>, vector<16xi32>
      %broadcast_in_dim3A_5040 = vector.shape_cast %select_n3A_5039 : vector<16xi32> to vector<16x1xi32>
      %gather3A_5041 = vector.shape_cast %broadcast_in_dim3A_5040 : vector<16x1xi32> to vector<16xi32>
      %gather3A_5042 = tpu.dynamic_gather %min3A_5029[%gather3A_5041] in [0] : vector<16xi32>, vector<16xi32> -> vector<16xi32>
      %min3A_5043 = arith.minsi %min3A_5029, %gather3A_5042 : vector<16xi32>
      %xor3A_5044 = arith.constant 8 : i32
      %xor3A_5045 = vector.broadcast %xor3A_5044 : i32 to vector<16xi32>
      %xor3A_5046 = arith.xori %iota3A, %xor3A_5045 : vector<16xi32>
      %lt3A_5047 = arith.constant 0 : i32
      %lt3A_5048 = vector.broadcast %lt3A_5047 : i32 to vector<16xi32>
      %lt3A_5049 = arith.cmpi slt, %xor3A_5046, %lt3A_5048 : vector<16xi32>
      %add3A_5050 = arith.constant 16 : i32
      %add3A_5051 = vector.broadcast %add3A_5050 : i32 to vector<16xi32>
      %add3A_5052 = arith.addi %xor3A_5046, %add3A_5051 : vector<16xi32>
      %select_n3A_5053 = arith.select %lt3A_5049, %add3A_5052, %xor3A_5046 : vector<16xi1>, vector<16xi32>
      %broadcast_in_dim3A_5054 = vector.shape_cast %select_n3A_5053 : vector<16xi32> to vector<16x1xi32>
      %gather3A_5055 = vector.shape_cast %broadcast_in_dim3A_5054 : vector<16x1xi32> to vector<16xi32>
      %gather3A_5056 = tpu.dynamic_gather %min3A_5043[%gather3A_5055] in [0] : vector<16xi32>, vector<16xi32> -> vector<16xi32>
      %min3A_5057 = arith.minsi %min3A_5043, %gather3A_5056 : vector<16xi32>
      %eq3A_5058 = arith.cmpi eq, %iota3A, %min3A_5057 : vector<16xi32>
      %jit3A_5059 = arith.constant 0x7F800000 : f32
      %broadcast_in_dim3A_5060 = vector.broadcast %jit3A_5059 : f32 to vector<16xf32>
      %select_n3A_5061 = arith.select %eq3A_5058, %broadcast_in_dim3A_5060, %get3A_4869 : vector<16xi1>, vector<16xf32>
      %xor3A_5062 = arith.constant 1 : i32
      %xor3A_5063 = vector.broadcast %xor3A_5062 : i32 to vector<16xi32>
      %xor3A_5064 = arith.xori %iota3A, %xor3A_5063 : vector<16xi32>
      %lt3A_5065 = arith.constant 0 : i32
      %lt3A_5066 = vector.broadcast %lt3A_5065 : i32 to vector<16xi32>
      %lt3A_5067 = arith.cmpi slt, %xor3A_5064, %lt3A_5066 : vector<16xi32>
      %add3A_5068 = arith.constant 16 : i32
      %add3A_5069 = vector.broadcast %add3A_5068 : i32 to vector<16xi32>
      %add3A_5070 = arith.addi %xor3A_5064, %add3A_5069 : vector<16xi32>
      %select_n3A_5071 = arith.select %lt3A_5067, %add3A_5070, %xor3A_5064 : vector<16xi1>, vector<16xi32>
      %broadcast_in_dim3A_5072 = vector.shape_cast %select_n3A_5071 : vector<16xi32> to vector<16x1xi32>
      %gather3A_5073 = vector.shape_cast %broadcast_in_dim3A_5072 : vector<16x1xi32> to vector<16xi32>
      %gather3A_5074 = tpu.dynamic_gather %select_n3A_5061[%gather3A_5073] in [0] : vector<16xf32>, vector<16xi32> -> vector<16xf32>
      %min3A_5075 = arith.minimumf %select_n3A_5061, %gather3A_5074 : vector<16xf32>
      %xor3A_5076 = arith.constant 2 : i32
      %xor3A_5077 = vector.broadcast %xor3A_5076 : i32 to vector<16xi32>
      %xor3A_5078 = arith.xori %iota3A, %xor3A_5077 : vector<16xi32>
      %lt3A_5079 = arith.constant 0 : i32
      %lt3A_5080 = vector.broadcast %lt3A_5079 : i32 to vector<16xi32>
      %lt3A_5081 = arith.cmpi slt, %xor3A_5078, %lt3A_5080 : vector<16xi32>
      %add3A_5082 = arith.constant 16 : i32
      %add3A_5083 = vector.broadcast %add3A_5082 : i32 to vector<16xi32>
      %add3A_5084 = arith.addi %xor3A_5078, %add3A_5083 : vector<16xi32>
      %select_n3A_5085 = arith.select %lt3A_5081, %add3A_5084, %xor3A_5078 : vector<16xi1>, vector<16xi32>
      %broadcast_in_dim3A_5086 = vector.shape_cast %select_n3A_5085 : vector<16xi32> to vector<16x1xi32>
      %gather3A_5087 = vector.shape_cast %broadcast_in_dim3A_5086 : vector<16x1xi32> to vector<16xi32>
      %gather3A_5088 = tpu.dynamic_gather %min3A_5075[%gather3A_5087] in [0] : vector<16xf32>, vector<16xi32> -> vector<16xf32>
      %min3A_5089 = arith.minimumf %min3A_5075, %gather3A_5088 : vector<16xf32>
      %xor3A_5090 = arith.constant 4 : i32
      %xor3A_5091 = vector.broadcast %xor3A_5090 : i32 to vector<16xi32>
      %xor3A_5092 = arith.xori %iota3A, %xor3A_5091 : vector<16xi32>
      %lt3A_5093 = arith.constant 0 : i32
      %lt3A_5094 = vector.broadcast %lt3A_5093 : i32 to vector<16xi32>
      %lt3A_5095 = arith.cmpi slt, %xor3A_5092, %lt3A_5094 : vector<16xi32>
      %add3A_5096 = arith.constant 16 : i32
      %add3A_5097 = vector.broadcast %add3A_5096 : i32 to vector<16xi32>
      %add3A_5098 = arith.addi %xor3A_5092, %add3A_5097 : vector<16xi32>
      %select_n3A_5099 = arith.select %lt3A_5095, %add3A_5098, %xor3A_5092 : vector<16xi1>, vector<16xi32>
      %broadcast_in_dim3A_5100 = vector.shape_cast %select_n3A_5099 : vector<16xi32> to vector<16x1xi32>
      %gather3A_5101 = vector.shape_cast %broadcast_in_dim3A_5100 : vector<16x1xi32> to vector<16xi32>
      %gather3A_5102 = tpu.dynamic_gather %min3A_5089[%gather3A_5101] in [0] : vector<16xf32>, vector<16xi32> -> vector<16xf32>
      %min3A_5103 = arith.minimumf %min3A_5089, %gather3A_5102 : vector<16xf32>
      %xor3A_5104 = arith.constant 8 : i32
      %xor3A_5105 = vector.broadcast %xor3A_5104 : i32 to vector<16xi32>
      %xor3A_5106 = arith.xori %iota3A, %xor3A_5105 : vector<16xi32>
      %lt3A_5107 = arith.constant 0 : i32
      %lt3A_5108 = vector.broadcast %lt3A_5107 : i32 to vector<16xi32>
      %lt3A_5109 = arith.cmpi slt, %xor3A_5106, %lt3A_5108 : vector<16xi32>
      %add3A_5110 = arith.constant 16 : i32
      %add3A_5111 = vector.broadcast %add3A_5110 : i32 to vector<16xi32>
      %add3A_5112 = arith.addi %xor3A_5106, %add3A_5111 : vector<16xi32>
      %select_n3A_5113 = arith.select %lt3A_5109, %add3A_5112, %xor3A_5106 : vector<16xi1>, vector<16xi32>
      %broadcast_in_dim3A_5114 = vector.shape_cast %select_n3A_5113 : vector<16xi32> to vector<16x1xi32>
      %gather3A_5115 = vector.shape_cast %broadcast_in_dim3A_5114 : vector<16x1xi32> to vector<16xi32>
      %gather3A_5116 = tpu.dynamic_gather %min3A_5103[%gather3A_5115] in [0] : vector<16xf32>, vector<16xi32> -> vector<16xf32>
      %min3A_5117 = arith.minimumf %min3A_5103, %gather3A_5116 : vector<16xf32>
      %eq3A_5118 = arith.cmpf oeq, %select_n3A_5061, %min3A_5117 : vector<16xf32>
      %jit3A_5119 = arith.constant 16 : i32
      %broadcast_in_dim3A_5120 = vector.broadcast %jit3A_5119 : i32 to vector<16xi32>
      %select_n3A_5121 = arith.select %eq3A_5118, %iota3A, %broadcast_in_dim3A_5120 : vector<16xi1>, vector<16xi32>
      %xor3A_5122 = arith.constant 1 : i32
      %xor3A_5123 = vector.broadcast %xor3A_5122 : i32 to vector<16xi32>
      %xor3A_5124 = arith.xori %iota3A, %xor3A_5123 : vector<16xi32>
      %lt3A_5125 = arith.constant 0 : i32
      %lt3A_5126 = vector.broadcast %lt3A_5125 : i32 to vector<16xi32>
      %lt3A_5127 = arith.cmpi slt, %xor3A_5124, %lt3A_5126 : vector<16xi32>
      %add3A_5128 = arith.constant 16 : i32
      %add3A_5129 = vector.broadcast %add3A_5128 : i32 to vector<16xi32>
      %add3A_5130 = arith.addi %xor3A_5124, %add3A_5129 : vector<16xi32>
      %select_n3A_5131 = arith.select %lt3A_5127, %add3A_5130, %xor3A_5124 : vector<16xi1>, vector<16xi32>
      %broadcast_in_dim3A_5132 = vector.shape_cast %select_n3A_5131 : vector<16xi32> to vector<16x1xi32>
      %gather3A_5133 = vector.shape_cast %broadcast_in_dim3A_5132 : vector<16x1xi32> to vector<16xi32>
      %gather3A_5134 = tpu.dynamic_gather %select_n3A_5121[%gather3A_5133] in [0] : vector<16xi32>, vector<16xi32> -> vector<16xi32>
      %min3A_5135 = arith.minsi %select_n3A_5121, %gather3A_5134 : vector<16xi32>
      %xor3A_5136 = arith.constant 2 : i32
      %xor3A_5137 = vector.broadcast %xor3A_5136 : i32 to vector<16xi32>
      %xor3A_5138 = arith.xori %iota3A, %xor3A_5137 : vector<16xi32>
      %lt3A_5139 = arith.constant 0 : i32
      %lt3A_5140 = vector.broadcast %lt3A_5139 : i32 to vector<16xi32>
      %lt3A_5141 = arith.cmpi slt, %xor3A_5138, %lt3A_5140 : vector<16xi32>
      %add3A_5142 = arith.constant 16 : i32
      %add3A_5143 = vector.broadcast %add3A_5142 : i32 to vector<16xi32>
      %add3A_5144 = arith.addi %xor3A_5138, %add3A_5143 : vector<16xi32>
      %select_n3A_5145 = arith.select %lt3A_5141, %add3A_5144, %xor3A_5138 : vector<16xi1>, vector<16xi32>
      %broadcast_in_dim3A_5146 = vector.shape_cast %select_n3A_5145 : vector<16xi32> to vector<16x1xi32>
      %gather3A_5147 = vector.shape_cast %broadcast_in_dim3A_5146 : vector<16x1xi32> to vector<16xi32>
      %gather3A_5148 = tpu.dynamic_gather %min3A_5135[%gather3A_5147] in [0] : vector<16xi32>, vector<16xi32> -> vector<16xi32>
      %min3A_5149 = arith.minsi %min3A_5135, %gather3A_5148 : vector<16xi32>
      %xor3A_5150 = arith.constant 4 : i32
      %xor3A_5151 = vector.broadcast %xor3A_5150 : i32 to vector<16xi32>
      %xor3A_5152 = arith.xori %iota3A, %xor3A_5151 : vector<16xi32>
      %lt3A_5153 = arith.constant 0 : i32
      %lt3A_5154 = vector.broadcast %lt3A_5153 : i32 to vector<16xi32>
      %lt3A_5155 = arith.cmpi slt, %xor3A_5152, %lt3A_5154 : vector<16xi32>
      %add3A_5156 = arith.constant 16 : i32
      %add3A_5157 = vector.broadcast %add3A_5156 : i32 to vector<16xi32>
      %add3A_5158 = arith.addi %xor3A_5152, %add3A_5157 : vector<16xi32>
      %select_n3A_5159 = arith.select %lt3A_5155, %add3A_5158, %xor3A_5152 : vector<16xi1>, vector<16xi32>
      %broadcast_in_dim3A_5160 = vector.shape_cast %select_n3A_5159 : vector<16xi32> to vector<16x1xi32>
      %gather3A_5161 = vector.shape_cast %broadcast_in_dim3A_5160 : vector<16x1xi32> to vector<16xi32>
      %gather3A_5162 = tpu.dynamic_gather %min3A_5149[%gather3A_5161] in [0] : vector<16xi32>, vector<16xi32> -> vector<16xi32>
      %min3A_5163 = arith.minsi %min3A_5149, %gather3A_5162 : vector<16xi32>
      %xor3A_5164 = arith.constant 8 : i32
      %xor3A_5165 = vector.broadcast %xor3A_5164 : i32 to vector<16xi32>
      %xor3A_5166 = arith.xori %iota3A, %xor3A_5165 : vector<16xi32>
      %lt3A_5167 = arith.constant 0 : i32
      %lt3A_5168 = vector.broadcast %lt3A_5167 : i32 to vector<16xi32>
      %lt3A_5169 = arith.cmpi slt, %xor3A_5166, %lt3A_5168 : vector<16xi32>
      %add3A_5170 = arith.constant 16 : i32
      %add3A_5171 = vector.broadcast %add3A_5170 : i32 to vector<16xi32>
      %add3A_5172 = arith.addi %xor3A_5166, %add3A_5171 : vector<16xi32>
      %select_n3A_5173 = arith.select %lt3A_5169, %add3A_5172, %xor3A_5166 : vector<16xi1>, vector<16xi32>
      %broadcast_in_dim3A_5174 = vector.shape_cast %select_n3A_5173 : vector<16xi32> to vector<16x1xi32>
      %gather3A_5175 = vector.shape_cast %broadcast_in_dim3A_5174 : vector<16x1xi32> to vector<16xi32>
      %gather3A_5176 = tpu.dynamic_gather %min3A_5163[%gather3A_5175] in [0] : vector<16xi32>, vector<16xi32> -> vector<16xi32>
      %min3A_5177 = arith.minsi %min3A_5163, %gather3A_5176 : vector<16xi32>
      %eq3A_5178 = arith.constant 15 : i32
      %eq3A_5179 = vector.broadcast %eq3A_5178 : i32 to vector<16xi32>
      %eq3A_5180 = arith.cmpi eq, %iota3A, %eq3A_5179 : vector<16xi32>
      %select_n3A_5181 = arith.select %eq3A_5180, %min3A_5057, %select_n3A_4857 : vector<16xi1>, vector<16xi32>
      %eq3A_5182 = arith.constant 15 : i32
      %eq3A_5183 = vector.broadcast %eq3A_5182 : i32 to vector<16xi32>
      %eq3A_5184 = arith.cmpi eq, %iota3A, %eq3A_5183 : vector<16xi32>
      %select_n3A_5185 = arith.select %eq3A_5184, %min3A_5177, %select_n3A_4861 : vector<16xi1>, vector<16xi32>
      %mul3A_5186 = arith.constant 16 : i32
      %mul3A_5187 = arith.muli %scan3A_8, %mul3A_5186 : i32
      %swap3A_5188 = arith.index_cast %mul3A_5187 : i32 to index
      %swap3A_5189 = tpu.vector_load %arg8[%swap3A_5188] {strides = array<i32>} : memref<320xi32, #tpu.memory_space<vmem>>, vector<16xi32>,
      %swap3A_5190 = vector.shape_cast %swap3A_5189 : vector<16xi32> to vector<16xi32>
      %swap3A_5191 = vector.shape_cast %select_n3A_5181 : vector<16xi32> to vector<16xi32>
      tpu.vector_store %arg8[%swap3A_5188], %swap3A_5191 {strides = array<i32>} : memref<320xi32, #tpu.memory_space<vmem>>, vector<16xi32>,
      %mul3A_5192 = arith.constant 16 : i32
      %mul3A_5193 = arith.muli %scan3A_8, %mul3A_5192 : i32
      %swap3A_5194 = arith.index_cast %mul3A_5193 : i32 to index
      %swap3A_5195 = tpu.vector_load %arg9[%swap3A_5194] {strides = array<i32>} : memref<320xi32, #tpu.memory_space<vmem>>, vector<16xi32>,
      %swap3A_5196 = vector.shape_cast %swap3A_5195 : vector<16xi32> to vector<16xi32>
      %swap3A_5197 = vector.shape_cast %select_n3A_5185 : vector<16xi32> to vector<16xi32>
      tpu.vector_store %arg9[%swap3A_5194], %swap3A_5197 {strides = array<i32>} : memref<320xi32, #tpu.memory_space<vmem>>, vector<16xi32>,
    }
    %scan3A_7 = arith.constant 20 : i32
    "tpu.region"() ({
      %run_scoped3A = tpu.sem_alloc : memref<!tpu.dma_semaphore, #tpu.memory_space<semaphore_mem>>
      %dma_start3A = arith.constant 0 : i32
      %dma_start3A_8 = tpu.memref_slice %arg3[%mul3A_2, %dma_start3A] : memref<10240x16xf32, #tpu.memory_space<hbm>> -> memref<320x16xf32, #tpu.memory_space<hbm>>
      %dma_start3A_9 = arith.constant 0 : i32
      %dma_start3A_10 = tpu.memref_slice %arg3[%mul3A_2, %dma_start3A_9] : memref<10240x16xf32, #tpu.memory_space<hbm>> -> memref<320x16xf32, #tpu.memory_space<hbm>>
      tpu.enqueue_dma source(%arg7 : memref<320x16xf32, #tpu.memory_space<vmem>>) target(%dma_start3A_10 : memref<320x16xf32, #tpu.memory_space<hbm>>) target_semaphore(%run_scoped3A : memref<!tpu.dma_semaphore, #tpu.memory_space<semaphore_mem>>)
      %dma_wait3A = arith.constant 0 : i32
      %dma_wait3A_11 = tpu.memref_slice %arg3[%mul3A_2, %dma_wait3A] : memref<10240x16xf32, #tpu.memory_space<hbm>> -> memref<320x16xf32, #tpu.memory_space<hbm>>
      %dma_wait3A_12 = arith.constant 0 : i32
      %dma_wait3A_13 = tpu.memref_slice %arg3[%mul3A_2, %dma_wait3A_12] : memref<10240x16xf32, #tpu.memory_space<hbm>> -> memref<320x16xf32, #tpu.memory_space<hbm>>
      tpu.wait_dma2 semaphore(%run_scoped3A : memref<!tpu.dma_semaphore, #tpu.memory_space<semaphore_mem>>) src(%arg7 : memref<320x16xf32, #tpu.memory_space<vmem>>) dst(%dma_wait3A_13 : memref<320x16xf32, #tpu.memory_space<hbm>>)
      tpu.yield
    }) : () -> ()
    "tpu.region"() ({
      %run_scoped3A = tpu.sem_alloc : memref<!tpu.dma_semaphore, #tpu.memory_space<semaphore_mem>>
      %dma_start3A = tpu.memref_slice %arg4[%mul3A_2] : memref<10240xi32, #tpu.memory_space<hbm>> -> memref<320xi32, #tpu.memory_space<hbm>>
      %dma_start3A_8 = tpu.memref_slice %arg4[%mul3A_2] : memref<10240xi32, #tpu.memory_space<hbm>> -> memref<320xi32, #tpu.memory_space<hbm>>
      tpu.enqueue_dma source(%arg8 : memref<320xi32, #tpu.memory_space<vmem>>) target(%dma_start3A_8 : memref<320xi32, #tpu.memory_space<hbm>>) target_semaphore(%run_scoped3A : memref<!tpu.dma_semaphore, #tpu.memory_space<semaphore_mem>>)
      %dma_wait3A = tpu.memref_slice %arg4[%mul3A_2] : memref<10240xi32, #tpu.memory_space<hbm>> -> memref<320xi32, #tpu.memory_space<hbm>>
      %dma_wait3A_9 = tpu.memref_slice %arg4[%mul3A_2] : memref<10240xi32, #tpu.memory_space<hbm>> -> memref<320xi32, #tpu.memory_space<hbm>>
      tpu.wait_dma2 semaphore(%run_scoped3A : memref<!tpu.dma_semaphore, #tpu.memory_space<semaphore_mem>>) src(%arg8 : memref<320xi32, #tpu.memory_space<vmem>>) dst(%dma_wait3A_9 : memref<320xi32, #tpu.memory_space<hbm>>)
      tpu.yield
    }) : () -> ()
    "tpu.region"() ({
      %run_scoped3A = tpu.sem_alloc : memref<!tpu.dma_semaphore, #tpu.memory_space<semaphore_mem>>
      %dma_start3A = tpu.memref_slice %arg5[%mul3A_2] : memref<10240xi32, #tpu.memory_space<hbm>> -> memref<320xi32, #tpu.memory_space<hbm>>
      %dma_start3A_8 = tpu.memref_slice %arg5[%mul3A_2] : memref<10240xi32, #tpu.memory_space<hbm>> -> memref<320xi32, #tpu.memory_space<hbm>>
      tpu.enqueue_dma source(%arg9 : memref<320xi32, #tpu.memory_space<vmem>>) target(%dma_start3A_8 : memref<320xi32, #tpu.memory_space<hbm>>) target_semaphore(%run_scoped3A : memref<!tpu.dma_semaphore, #tpu.memory_space<semaphore_mem>>)
      %dma_wait3A = tpu.memref_slice %arg5[%mul3A_2] : memref<10240xi32, #tpu.memory_space<hbm>> -> memref<320xi32, #tpu.memory_space<hbm>>
      %dma_wait3A_9 = tpu.memref_slice %arg5[%mul3A_2] : memref<10240xi32, #tpu.memory_space<hbm>> -> memref<320xi32, #tpu.memory_space<hbm>>
      tpu.wait_dma2 semaphore(%run_scoped3A : memref<!tpu.dma_semaphore, #tpu.memory_space<semaphore_mem>>) src(%arg9 : memref<320xi32, #tpu.memory_space<vmem>>) dst(%dma_wait3A_9 : memref<320xi32, #tpu.memory_space<hbm>>)
      tpu.yield
    }) : () -> ()
    return
  }
}

module attributes {stable_mosaic.version = 14 : i64} {
  func.func @_decoder_body(%arg0: i32, %arg1: memref<1x32x400xf32, #tpu.memory_space<vmem>>, %arg2: memref<32x10000xf32, #tpu.memory_space<vmem>>, %arg3: memref<32x64xf32, #tpu.memory_space<vmem>>, %arg4: memref<1x64xf32, #tpu.memory_space<vmem>>, %arg5: memref<64x128xf32, #tpu.memory_space<vmem>>, %arg6: memref<1x128xf32, #tpu.memory_space<vmem>>, %arg7: memref<400x10000xf32, #tpu.memory_space<vmem>>, %arg8: memref<400x128xf32, #tpu.memory_space<vmem>>) attributes {dimension_semantics = [#tpu.dimension_semantics<arbitrary>], iteration_bounds = array<i64: 25>, scalar_prefetch = 0 : i64, scratch_operands = 0 : i64, tpu.core_type = #tpu.core_type<tc>, window_params = [{transform_indices = @transform_0, window_bounds = array<i64: 1, 32, 400>}, {pipeline_mode = #tpu.pipeline_mode<synchronous>, transform_indices = @transform_1, window_bounds = array<i64: 32, 10000>}, {pipeline_mode = #tpu.pipeline_mode<synchronous>, transform_indices = @transform_2, window_bounds = array<i64: 32, 64>}, {pipeline_mode = #tpu.pipeline_mode<synchronous>, transform_indices = @transform_3, window_bounds = array<i64: 1, 64>}, {pipeline_mode = #tpu.pipeline_mode<synchronous>, transform_indices = @transform_4, window_bounds = array<i64: 64, 128>}, {pipeline_mode = #tpu.pipeline_mode<synchronous>, transform_indices = @transform_5, window_bounds = array<i64: 1, 128>}, {transform_indices = @transform_6, window_bounds = array<i64: 400, 10000>}, {transform_indices = @transform_7, window_bounds = array<i64: 400, 128>}]} {
    %get3A = arith.constant 0 : index
    %get3A_0 = arith.constant 0 : index
    %get3A_1 = arith.constant 0 : index
    %get3A_2 = vector.load %arg1[%get3A, %get3A_0, %get3A_1] : memref<1x32x400xf32, #tpu.memory_space<vmem>>, vector<1x32x400xf32>
    %get3A_3 = vector.shape_cast %get3A_2 : vector<1x32x400xf32> to vector<32x400xf32>
    %get3A_4 = arith.constant 0 : index
    %get3A_5 = arith.constant 0 : index
    %get3A_6 = vector.load %arg2[%get3A_4, %get3A_5] : memref<32x10000xf32, #tpu.memory_space<vmem>>, vector<32x10000xf32>
    %dot_general3A = arith.constant dense<0.000000e+00> : vector<400x10000xf32>
    %dot_general3A_7 = tpu.matmul %get3A_3, %get3A_6, %dot_general3A {dimension_numbers = #tpu.dot_dimension_numbers<[0], [0], [1], [1], [0, 1, 1, 1], [], []>, transpose_lhs_hint = false} : vector<32x400xf32>, vector<32x10000xf32>, vector<400x10000xf32> -> vector<400x10000xf32>
    %swap3A = arith.constant 0 : index
    %swap3A_8 = arith.constant 0 : index
    %swap3A_9 = vector.load %arg7[%swap3A, %swap3A_8] : memref<400x10000xf32, #tpu.memory_space<vmem>>, vector<400x10000xf32>
    tpu.vector_store %arg7[%swap3A, %swap3A_8], %dot_general3A_7 {strides = array<i32>} : memref<400x10000xf32, #tpu.memory_space<vmem>>, vector<400x10000xf32>,
    %transpose3A = tpu.transpose %get3A_3, [1, 0] : vector<32x400xf32> -> vector<400x32xf32>
    %get3A_10 = arith.constant 0 : index
    %get3A_11 = arith.constant 0 : index
    %get3A_12 = vector.load %arg3[%get3A_10, %get3A_11] : memref<32x64xf32, #tpu.memory_space<vmem>>, vector<32x64xf32>
    %dot_general3A_13 = arith.constant dense<0.000000e+00> : vector<400x64xf32>
    %dot_general3A_14 = tpu.matmul %transpose3A, %get3A_12, %dot_general3A_13 {dimension_numbers = #tpu.dot_dimension_numbers<[1], [0], [0], [1], [0, 0, 1, 1], [], []>, transpose_lhs_hint = false} : vector<400x32xf32>, vector<32x64xf32>, vector<400x64xf32> -> vector<400x64xf32>
    %get3A_15 = arith.constant 0 : index
    %get3A_16 = arith.constant 0 : index
    %get3A_17 = vector.load %arg4[%get3A_15, %get3A_16] : memref<1x64xf32, #tpu.memory_space<vmem>>, vector<1x64xf32>
    %add3A = vector.broadcast %get3A_17 : vector<1x64xf32> to vector<400x64xf32>
    %add3A_18 = arith.addf %dot_general3A_14, %add3A : vector<400x64xf32>
    %max3A = arith.constant 0.000000e+00 : f32
    %max3A_19 = vector.broadcast %max3A : f32 to vector<400x64xf32>
    %max3A_20 = arith.maximumf %add3A_18, %max3A_19 : vector<400x64xf32>
    %convert_element_type3A = arith.truncf %max3A_20 : vector<400x64xf32> to vector<400x64xbf16>
    %get3A_21 = arith.constant 0 : index
    %get3A_22 = arith.constant 0 : index
    %get3A_23 = vector.load %arg5[%get3A_21, %get3A_22] : memref<64x128xf32, #tpu.memory_space<vmem>>, vector<64x128xf32>
    %dot_general3A_24 = arith.constant dense<0.000000e+00> : vector<400x128xf32>
    %dot_general3A_25 = tpu.matmul %convert_element_type3A, %get3A_23, %dot_general3A_24 {dimension_numbers = #tpu.dot_dimension_numbers<[1], [0], [0], [1], [0, 0, 1, 1], [], []>, transpose_lhs_hint = false} : vector<400x64xbf16>, vector<64x128xf32>, vector<400x128xf32> -> vector<400x128xf32>
    %get3A_26 = arith.constant 0 : index
    %get3A_27 = arith.constant 0 : index
    %get3A_28 = vector.load %arg6[%get3A_26, %get3A_27] : memref<1x128xf32, #tpu.memory_space<vmem>>, vector<1x128xf32>
    %add3A_29 = vector.broadcast %get3A_28 : vector<1x128xf32> to vector<400x128xf32>
    %add3A_30 = arith.addf %dot_general3A_25, %add3A_29 : vector<400x128xf32>
    %swap3A_31 = arith.constant 0 : index
    %swap3A_32 = arith.constant 0 : index
    %swap3A_33 = vector.load %arg8[%swap3A_31, %swap3A_32] : memref<400x128xf32, #tpu.memory_space<vmem>>, vector<400x128xf32>
    tpu.vector_store %arg8[%swap3A_31, %swap3A_32], %add3A_30 {strides = array<i32>} : memref<400x128xf32, #tpu.memory_space<vmem>>, vector<400x128xf32>,
    return
  }
  func.func @transform_0(%arg0: i32) -> (i32, i32, i32) {
    %c0_i32 = arith.constant 0 : i32
    %c0_i32_0 = arith.constant 0 : i32
    %c0_i32_1 = arith.constant 0 : i32
    return %arg0, %c0_i32, %c0_i32_0 : i32, i32, i32
  }
  func.func @transform_1(%arg0: i32) -> (i32, i32) {
    %c0_i32 = arith.constant 0 : i32
    %c0_i32_0 = arith.constant 0 : i32
    %c0_i32_1 = arith.constant 0 : i32
    return %c0_i32, %c0_i32_0 : i32, i32
  }
  func.func @transform_2(%arg0: i32) -> (i32, i32) {
    %c0_i32 = arith.constant 0 : i32
    %c0_i32_0 = arith.constant 0 : i32
    %c0_i32_1 = arith.constant 0 : i32
    return %c0_i32, %c0_i32_0 : i32, i32
  }
  func.func @transform_3(%arg0: i32) -> (i32, i32) {
    %c0_i32 = arith.constant 0 : i32
    %c0_i32_0 = arith.constant 0 : i32
    %c0_i32_1 = arith.constant 0 : i32
    return %c0_i32, %c0_i32_0 : i32, i32
  }
  func.func @transform_4(%arg0: i32) -> (i32, i32) {
    %c0_i32 = arith.constant 0 : i32
    %c0_i32_0 = arith.constant 0 : i32
    %c0_i32_1 = arith.constant 0 : i32
    return %c0_i32, %c0_i32_0 : i32, i32
  }
  func.func @transform_5(%arg0: i32) -> (i32, i32) {
    %c0_i32 = arith.constant 0 : i32
    %c0_i32_0 = arith.constant 0 : i32
    %c0_i32_1 = arith.constant 0 : i32
    return %c0_i32, %c0_i32_0 : i32, i32
  }
  func.func @transform_6(%arg0: i32) -> (i32, i32) {
    %c0_i32 = arith.constant 0 : i32
    %c0_i32_0 = arith.constant 0 : i32
    return %arg0, %c0_i32 : i32, i32
  }
  func.func @transform_7(%arg0: i32) -> (i32, i32) {
    %c0_i32 = arith.constant 0 : i32
    %c0_i32_0 = arith.constant 0 : i32
    return %arg0, %c0_i32 : i32, i32
  }
}

</mosaic_0001>

<sc_bundles>
// kernel: kernel.4.cloned.1.call-start
scs
__scs_entry_jumppad:
0x0: {  	(pc) =	sbr.rel $0x88, $3  }
0x1: {  	(tag) =	ssettag $0x0;
	lr =	simm.s32 $0x1  }
0x2: {  	[smem:$0x3F98] =	sst lr;
	_ =	strace $0xD0000000  }
0x3: {  	_ = 	snop  }
0x4: {  	_ = 	snop  }
0x5: {  	_ = 	snop  }
0x6: {  	_ = 	snop  }
0x7: {  	_ = 	snop  }
__scs_overlays_trampoline_lowered:
0x8: {  	[smem:$0x3FA7] =	sst s0  }
0x9: {  	[smem:$0x3FA8] =	sst s1  }
0xa: {  	[smem:$0x3FA9] =	sst s2  }
0xb: {  	[smem:$0x3FAA] =	sst s3  }
0xc: {  	[smem:$0x3FAB] =	sst s4  }
0xd: {  	[smem:$0x3FAC] =	sst s5  }
0xe: {  	[smem:$0x3FAD] =	sst s6  }
0xf: {  	[smem:$0x3FAE] =	sst s7  }
0x10: {  	[smem:$0x3FAF] =	sst s8  }
0x11: {  	[smem:$0x3FB0] =	sst s9;
	s0 =	simm.s32 @!p0 $0x0  }
0x12: {  	s1 =	sld [smem:$0x3F96];
	s0 =	simm.s32 @p0 $0x1  }
0x13: {  	[smem:$0x3FB1] =	sst s0;
	s0 =	simm.s32 @!p1 $0x0  }
0x14: {  	s2 =	sld [smem:$0x3F95];
	s0 =	simm.s32 @p1 $0x1  }
0x15: {  	[smem:$0x3FB2] =	sst s0;
	s0 =	simm.s32 @!p2 $0x0  }
0x16: {  	s3 =	sld [smem:$0x3FDB];
	s0 =	simm.s32 @p2 $0x1  }
0x17: {  	s4 =	simm.s32 $0x1BF5;
	[smem:$0x3FB4] =	sst s0  }
0x18: {  	s0 =	sld [smem:$0x3F97];
	_ =	swait.ge [sflag:s4], $0x0  }
0x19: {  	s7 =	sld [smem:$0x3F98]  }
0x1a: {  	s8 =	sadd.s32 $0xFFFFE003, lr  }
0x1b: {  	s9 =	sadd.s32 $0xFFFFFEF7, lr;
	s5 =	simm.s32 $0xFFFFFFFF;
	p2 =	slt.u32 s8, $0xFFFFF086  }
0x1c: {  	p1 =	slt.u32 s9, $0xF7A;
	s5 =	simm.s32 @!p2 $0x0  }
0x1d: {  	s5 =	simm.s32 @p1 $0x1;
	p0 =	seq.s32 s7, s2  }
0x1e: {  	s7 =	smul.u32 @!p0 $0xF7A, s2;
	p2 =	seq.s32 @!p0 s5, $0x0  }
0x1f: {  	s9 =	smul.u32 $0xF7A, s1;
	s8 =	simm.s32 @!p0 $0x1BF5;
	p2 =	por !p2, p0  }
0x20: {  	[sflag:s8] =	ssyncset.s32 @!p0 $0xFFFFF086;
	s6 =	sadd.s32 @!p0 s3, s7;
	s7 =	simm.s32 @!p0 $0x108  }
0x21: {  	s3 =	sadd.s32 s3, s9;
	s6 =	sadd.s32 @!p0 $0x88, s6;
	s7 =	simm.s32 @p2 $0x1082  }
0x22: {  	[simem:s7], [sflag:s8] =	dma.local @!p0 [hbm:s6], $0xF7A  }
0x23: {  	s9 =	sor.u32 $0xD0000000, s2;
	s6 =	simm.s32 $0x108;
	_ =	swait.ge @!p0 [sflag:s8], $0x0  }
0x24: {  	s3 =	sadd.s32 $0x88, s3;
	s6 =	simm.s32 @!p1 $0x1082;
	[sflag:s4] =	ssyncset.s32 $0xFFFFF086  }
0x25: {  	[simem:s6], [sflag:s4] =	dma.local [hbm:s3], $0xF7A  }
0x26: {  	[smem:$0x3F98] =	sst s1;
	(tag) =	ssettag s2;
	_ =	strace s9  }
0x27: {  	s1 =	sld [smem:$0x3FA8]  }
0x28: {  	s2 =	sld [smem:$0x3FA9]  }
0x29: {  	s4 =	sld [smem:$0x3FAB]  }
0x2a: {  	p0 =	seq.s32 s5, $0x0;
	s5 =	sld [smem:$0x3FAC]  }
0x2b: {  	s6 =	sld [smem:$0x3FAD]  }
0x2c: {  	s7 =	sld [smem:$0x3FAE]  }
0x2d: {  	s3 =	simm.s32 $0x108;
	s8 =	sld [smem:$0x3FAF]  }
0x2e: {  	s3 =	simm.s32 @!p0 $0x1082;
	s9 =	sld [smem:$0x3FB0]  }
0x2f: {  	lr =	sadd.s32 s0, s3;
	s0 =	sld [smem:$0x3FA7]  }
0x30: {  	s3 =	sld [smem:$0x3FAA]  }
0x31: {  	[smem:$0x3FB3] =	sst s10  }
0x32: {  	s10 =	sld [smem:$0x3FB1];
	_ =	sdelay $0x3  }
0x33: {  	p0 =	seq.s32 s10, $0x1;
	s10 =	sld [smem:$0x3FB3];
	_ =	sdelay $0x3  }
0x34: {  	[smem:$0x3FB3] =	sst s10  }
0x35: {  	s10 =	sld [smem:$0x3FB2];
	_ =	sdelay $0x3  }
0x36: {  	p1 =	seq.s32 s10, $0x1;
	s10 =	sld [smem:$0x3FB3];
	_ =	sdelay $0x3  }
0x37: {  	[smem:$0x3FB3] =	sst s10  }
0x38: {  	s10 =	sld [smem:$0x3FB4]  }
0x39: {  	_ = 	snop;
	(pc) =	sbr.ind lr, $3  }
0x3a: {  	_ = 	snop  }
0x3b: {  	_ = 	snop  }
0x3c: {  	p2 =	seq.s32 s10, $0x1;
	s10 =	sld [smem:$0x3FB3]  }
0x3d: {  	_ =	shalt  }
0x3e: {  	_ =	shalt  }
0x3f: {  	_ =	shalt  }
0x40: {  	_ =	shalt  }
0x41: {  	_ =	shalt  }
0x42: {  	_ =	shalt  }
0x43: {  	_ =	shalt  }
0x44: {  	_ =	shalt  }
0x45: {  	_ =	shalt  }
0x46: {  	_ =	shalt  }
0x47: {  	_ =	shalt  }
0x48: {  	_ =	shalt  }
0x49: {  	_ =	shalt  }
0x4a: {  	_ =	shalt  }
0x4b: {  	_ =	shalt  }
0x4c: {  	_ =	shalt  }
0x4d: {  	_ =	shalt  }
0x4e: {  	_ =	shalt  }
0x4f: {  	_ =	shalt  }
0x50: {  	_ =	shalt  }
0x51: {  	_ =	shalt  }
0x52: {  	_ =	shalt  }
0x53: {  	_ =	shalt  }
0x54: {  	_ =	shalt  }
0x55: {  	_ =	shalt  }
0x56: {  	_ =	shalt  }
0x57: {  	_ =	shalt  }
0x58: {  	_ =	shalt  }
0x59: {  	_ =	shalt  }
0x5a: {  	_ =	shalt  }
0x5b: {  	_ =	shalt  }
0x5c: {  	_ =	shalt  }
0x5d: {  	_ =	shalt  }
0x5e: {  	_ =	shalt  }
0x5f: {  	_ =	shalt  }
0x60: {  	_ =	shalt  }
0x61: {  	_ =	shalt  }
0x62: {  	_ =	shalt  }
0x63: {  	_ =	shalt  }
0x64: {  	_ =	shalt  }
0x65: {  	_ =	shalt  }
0x66: {  	_ =	shalt  }
0x67: {  	_ =	shalt  }
0x68: {  	_ =	shalt  }
0x69: {  	_ =	shalt  }
0x6a: {  	_ =	shalt  }
0x6b: {  	_ =	shalt  }
0x6c: {  	_ =	shalt  }
0x6d: {  	_ =	shalt  }
0x6e: {  	_ =	shalt  }
0x6f: {  	_ =	shalt  }
0x70: {  	_ =	shalt  }
0x71: {  	_ =	shalt  }
0x72: {  	_ =	shalt  }
0x73: {  	_ =	shalt  }
0x74: {  	_ =	shalt  }
0x75: {  	_ =	shalt  }
0x76: {  	_ =	shalt  }
0x77: {  	_ =	shalt  }
0x78: {  	_ =	shalt  }
0x79: {  	_ =	shalt  }
0x7a: {  	_ =	shalt  }
0x7b: {  	_ =	shalt  }
0x7c: {  	_ =	shalt  }
0x7d: {  	_ =	shalt  }
0x7e: {  	_ =	shalt  }
0x7f: {  	_ =	shalt  }
0x80: {  	_ =	shalt  }
0x81: {  	_ =	shalt  }
0x82: {  	_ =	shalt  }
0x83: {  	_ =	shalt  }
0x84: {  	_ =	shalt  }
0x85: {  	_ =	shalt  }
0x86: {  	_ =	shalt  }
0x87: {  	_ =	shalt  }
.Lfunc_end0:
.L_simem_size_0:
called_computation_lowered:
.L_overlay_start_0:
0x88: {  	s2 =	sld [smem:$0x3FD9]  }
0x89: {  	s3 =	sld [smem:$0x3FFE];
	_ =	sdelay $0x1  }
0x8a: {  	s1 =	srdreg.scid  }
0x8b: {  	s0 =	sand.u32 $0x1, s1  }
0x8c: {  	s14 =	sshll.u32 s0, $0xA;
	s2 =	sadd.s32 s3, s2  }
0x8d: {  	s2 =	sadd.s32 s2, s14  }
0x8e: {  	[smem:$0x3FBF] =	sst s2  }
0x8f: {  	_ = 	snop  }
0x90: {  	s2 =	sld [smem:$0x3FD0];
	_ =	sdelay $0x2  }
0x91: {  	s15 =	simm.s32 $0xA;
	s4 =	simm.s32 $0x10  }
0x92: {  	[smem:s4], [sflag:s15] =	dma.local [hbm:s2], $0x1  }
0x93: {  	_ =	swait.eq [sflag:s15], $0x1  }
0x94: {  	[sflag:s15] =	ssyncset.done $0x0  }
0x95: {  	s16 =	sld [smem:$0x14];
	[sflag:s15] =	ssyncadd.s32 $0xFFFFFFFF  }
0x96: {  	s17 =	sld [smem:$0x15];
	(tm) =	ssettm $0x1  }
0x97: {  	s18 =	sld [smem:$0x3FFB];
	_ =	sdelay $0x3  }
0x98: {  	_ =	strace s18  }
0x99: {  	s4 =	sld [smem:$0x3FFC];
	_ =	sdelay $0x3  }
0x9a: {  	_ =	strace s4  }
0x9b: {  	s4 =	sld [smem:$0x3FFD];
	_ =	sdelay $0x3  }
0x9c: {  	_ =	strace s4  }
0x9d: {  	_ =	strace $0x8FFFFFFF  }
0x9e: {  	s19 =	sld [smem:$0x3FDB];
	_ =	sdelay $0x1  }
0x9f: {  	s5 =	simm.s32 $_scs_section_size  }
0xa0: {  	s6 =	simm.s32 $_size__tile_overlayer_lowered;
	s7 =	simm.s32 $_tile_overlayer_lowered  }
0xa1: {  	s22 =	simm.s32 $0x1BFF;
	s21 =	sshll.u32 s7, $0x1;
	s4 =	sadd.s32 s5, s19  }
0xa2: {  	s8 =	simm.s32 $0x0;
	s20 =	sshll.u32 s6, $0x1;
	s6 =	sadd.s32 s21, s4  }
0xa3: {  	[timem:s8], [sflag:s22] =	dma.local [hbm:s6], s20  }
0xa4: {  	_ =	swait.ge [sflag:s22], s20  }
0xa5: {  	s5 =	ssub.s32 $0x0, s20;
	[sflag:s22] =	ssyncset.done $0x0  }
0xa6: {  	[sflag:s22] =	ssyncadd.s32 s5;
	_ =	sdelay $0x1  }
0xa7: {  	s23 =	simm.s32 $0x1B8B  }
0xa8: {  	_ =	swait.ge [sflag:s23], $0x1  }
0xa9: {  	[sflag:s23] =	ssyncset.done $0x0  }
0xaa: {  	s25 =	simm.s32 $0x1B8E;
	s24 =	sld [smem:$0x3FFE];
	[sflag:s23] =	ssyncadd.s32 $0xFFFFFFFF  }
0xab: {  	s26 =	simm.s32 $execute0_lowered;
	[smem:$0x3FD2] =	sst s25  }
0xac: {  	s6 =	sshll.u32 s26, $0x1;
	_ =	strace $0x80000046;
	[dreg:$0x1] =	wrdreg $0xFFFFFFFF  }
0xad: {  	s28 =	simm.s32 $_size_execute0_lowered;
	s4 =	sadd.s32 s4, s6;
	[dreg:$0x0] =	wrdreg $0x0  }
0xae: {  	s6 =	sshll.u32 s28, $0x1;
	[dreg:$0x2] =	wrdreg s4  }
0xaf: {  	[dreg:$0x3] =	wrdreg s6  }
0xb0: {  	[dreg:$0x4] =	wrdreg $0xC0  }
0xb1: {  	_ =	task [dreg:s8], $0x5FFFF  }
0xb2: {  	[dreg:$0x1] =	wrdreg $0xFFFFFFFF  }
0xb3: {  	[dreg:$0x0] =	wrdreg $0x60  }
0xb4: {  	[dreg:$0x2] =	wrdreg s24  }
0xb5: {  	[dreg:$0x3] =	wrdreg s16  }
0xb6: {  	[dreg:$0x4] =	wrdreg s17  }
0xb7: {  	[dreg:$0x5] =	wrdreg $0x9  }
0xb8: {  	_ =	task.clear_ibuf [dreg:s8], $0x6FFFF;
	_ =	strace $0x90000046  }
0xb9: {  	s29 =	simm.s32 $0x9;
	_ =	strace $0x80000048  }
0xba: {  	_ =	swait.ge [sflag:s29], $0x1  }
0xbb: {  	[sflag:s29] =	ssyncadd.s32 $0xFFFFFFFF  }
0xbc: {  	_ =	strace $0x90000048  }
0xbd: {  	_ =	sfence  }
0xbe: {  	s30 =	sld [smem:$0x0];
	_ =	sdelay $0x2  }
0xbf: {  	s31 =	sshll.u32 s1, $0xD;
	s1 =	sshrl.u32 s1, $0x2  }
0xc0: {  	s3 =	sand.u32 $0x4000, s31;
	s1 =	sadd.s32 s1, s30  }
0xc1: {  	s0 =	sor.u32 s3, s0;
	s1 =	sshll.u32 s1, $0x11  }
0xc2: {  	s0 =	sor.u32 s1, s0  }
0xc3: {  	s0 =	sadd.s32 $0x8F2B, s0  }
0xc4: {  	[sflag:s0] =	ssyncadd.remote.s32 $0x1  }
0xc5: {  	_ =	sfence.sel $0xFFFF  }
0xc6: {  	[dreg:$0x0] =	wrdreg $0xFFFFFFFF;
	(pc) =	sbr.abs _section_cstart, $3  }
0xc7: {  	[dreg:$0x1] =	wrdreg $0xFFFFFFFF  }
0xc8: {  	_ =	task.clear_ibuf [dreg:s8], $0x2FFFF;
	_ =	strace $0x9FFFFFFF  }
0xc9: {  	(tm) =	ssettm $0x7FFFFFFF  }
tec
execute0_lowered:
.L_overlay_start_1:
0x0: {  	(tag) =	ssettag $0x1  }
0x1: {  	v0 =	vimm.s32 $0xEFCDAB89  }
0x2: {  	v1 =	vimm.s32 $0x67452301;
	v2 =	vimm.s32 $0xDCFE98BA;
	v3 =	vimm.s32 $0x54761032  }
0x3: {  	v4 =	vimm.s32 $0xBA98FEDC;
	v5 =	vimm.s32 $0x32107654;
	v6 =	vimm.s32 $0xFEDCBA98  }
0x4: {  	v7 =	vimm.s32 $0x76543210;
	vm1 =	vmmov $0x1;
	vm3 =	vmmov $0x3  }
0x5: {  	vm4 =	vmmov $0x7;
	vm5 =	vmmov $0xf;
	vm6 =	vmmov $0x1f  }
0x6: {  	vm7 =	vmmov $0x3f;
	v0 =	vunpack.c.l.s4.s8 v0;
	v1 =	vunpack.c.l.s4.s8 v1  }
0x7: {  	v2 =	vunpack.c.l.s4.s8 v2;
	v3 =	vunpack.c.l.s4.s8 v3;
	v4 =	vunpack.c.l.s4.s8 v4  }
0x8: {  	v5 =	vunpack.c.l.s4.s8 v5;
	v6 =	vunpack.c.l.s4.s8 v6;
	v0 =	vunpack.c.0.s8.s32 v0  }
0x9: {  	s3 =	rddreg [dreg:$0x0];
	s1 =	srdreg.scid;
	v1 =	vunpack.c.0.s8.s32 v1;
	v2 =	vunpack.c.0.s8.s32 v2;
	v3 =	vunpack.c.0.s8.s32 v3  }
0xa: {  	s0 =	stileid.u32;
	s5 =	rddreg [dreg:$0x1];
	v7 =	vunpack.c.l.s4.s8 v7;
	v4 =	vunpack.c.0.s8.s32 v4;
	v5 =	vunpack.c.0.s8.s32 v5  }
0xb: {  	s6 =	rddreg [dreg:$0x2];
	s4 =	sand.u32 $0x1, s1;
	s30 =	sshll.u32 s0, $0x1;
	v0 =	vcombine.low v1, v0;
	v1 =	vcombine.low v3, v2;
	v2 =	vunpack.c.0.s8.s32 v6  }
0xc: {  	s2 =	simm.s32 $0x0;
	vm8 =	vmmov $0x7f;
	s10 =	simm.s32 $0x14000;
	s7 =	sor.u32 s4, s30;
	v3 =	vcombine.low v5, v4;
	v4 =	vunpack.c.0.s8.s32 v7  }
0xd: {  	vm9 =	vmmov $0xff;
	vm10 =	vmmov $0x1ff;
	s11 =	simm.s32 $0x14180;
	s12 =	simm.s32 $0x0;
	s8 =	smul.u32 $0x1400, s7;
	v5 =	vand.u32 $0xF, v2  }
0xe: {  	[smem:$0x7FF] =	sst s2;
	s4 =	ssub.s32 $0x2, s4;
	s7 =	smul.u32 $0x28, s7;
	v2 =	vand.u32 $0xF, v3;
	v3 =	vcombine.low v5, v4;
	v5 =	vimm.s32 $0x0  }
0xf: {  	vm11 =	vmmov $0x3ff;
	vm12 =	vmmov $0x7ff;
	s1 =	rddreg [dreg:$0x3];
	_ =	strace $0x80000047;
	s31 =	sshrl.u32 s4, $0x1;
	v5 =	vsel vm1, $0xFFFFFFFF, v5  }
0x10: {  	vm13 =	vmmov $0xfff;
	vm0 =	vmmov $0x7fff;
	s9 =	ssub.s32 s4, s31;
	s8 =	sadd.s32 s8, s3;
	s5 =	sadd.s32 s5, s7;
	[tilespmem:$0x1FFE0] =	vst v5;
	v5 =	vimm.s32 $0x0  }
0x11: {  	vm14 =	vmmov $0x1fff;
	vm2 =	vmmov $0x3fff;
	s6 =	sadd.s32 s6, s7;
	s7 =	smax.u32 s9, $0x1;
	s9 =	simm.s32 $0xA000;
	v5 =	vsel vm0, $0xFFFFFFFF, v5  }
0x12: {  	s3 =	sadd.s32 $0x1600, s8;
	s4 =	sadd.s32 $0x29600, s8;
	s8 =	simm.s32 $0x1;
	v0 =	vand.u32 $0xF, v0;
	v1 =	vand.u32 $0xF, v1;
	v4 =	vlaneseq.u32;
	[tilespmem:$0x1FFF0] =	vst v5  }
.LBB2_1:
0x13: {  	[tilespmem:s2], [sflag:$0x1] =	stream.linear.gather [hbm4b:s3+s2], $0xA000, $0x38;
	[tilespmem:$0x14300] =	vst v63  }
0x14: {  	_ =	swait.ge [sflag:s8], $0xA000  }
0x15: {  	s13 =	simm.s32 $0x400;
	[sflag:s8] =	ssyncset.done $0x0  }
0x16: {  	s14 =	simm.s32 $0xA400;
	s15 =	simm.s32 $0x0;
	[sflag:s8] =	ssyncadd.s32 $0xFFFF6000  }
.LBB2_2:
0x17: {  	v6 =	vld [tilespmem:s13+$0xFFFFFC00];
	_ =	sdelay $0x4  }
0x18: {  	v5 =	vadd.f32 $1.000000000e+00, v6;
	_ =	sdelay $0x1  }
0x19: {  	(erf) = vrcp.f32 v5;
	_ =	sdelay $0x8  }
0x1a: {  	v5 =	vpop (erf)  }
0x1b: {  	v7 =	vperm.xlane v5, v0;
	_ =	sdelay $0x1  }
0x1c: {  	v7 =	vadd.f32 v5, v7;
	_ =	sdelay $0x1  }
0x1d: {  	v8 =	vperm.xlane v7, v1;
	_ =	sdelay $0x1  }
0x1e: {  	v7 =	vadd.f32 v7, v8;
	_ =	sdelay $0x1  }
0x1f: {  	v8 =	vperm.xlane v7, v2;
	_ =	sdelay $0x1  }
0x20: {  	v7 =	vadd.f32 v7, v8;
	_ =	sdelay $0x1  }
0x21: {  	v8 =	vperm.xlane v7, v3;
	_ =	sdelay $0x1  }
0x22: {  	v7 =	vadd.f32 v7, v8;
	_ =	sdelay $0x1  }
0x23: {  	(erf) = vrcp.f32 v7;
	_ =	sdelay $0x8  }
0x24: {  	v7 =	vpop (erf)  }
0x25: {  	v5 =	vmul.f32 v7, v5;
	_ =	sdelay $0x1  }
0x26: {  	[tilespmem:s14+$0xFFFFFC00] =	vst v5  }
0x27: {  	v7 =	vld [tilespmem:s13+$0xFFFFFC80];
	_ =	sdelay $0x4  }
0x28: {  	v5 =	vadd.f32 $1.000000000e+00, v7;
	_ =	sdelay $0x1  }
0x29: {  	(erf) = vrcp.f32 v5;
	_ =	sdelay $0x8  }
0x2a: {  	v5 =	vpop (erf)  }
0x2b: {  	v60 =	vperm.xlane v5, v0;
	_ =	sdelay $0x1  }
0x2c: {  	v8 =	vadd.f32 v5, v60;
	_ =	sdelay $0x1  }
0x2d: {  	v9 =	vperm.xlane v8, v1;
	_ =	sdelay $0x1  }
0x2e: {  	v8 =	vadd.f32 v8, v9;
	_ =	sdelay $0x1  }
0x2f: {  	v9 =	vperm.xlane v8, v2;
	_ =	sdelay $0x1  }
0x30: {  	v8 =	vadd.f32 v8, v9;
	_ =	sdelay $0x1  }
0x31: {  	v9 =	vperm.xlane v8, v3;
	_ =	sdelay $0x1  }
0x32: {  	v8 =	vadd.f32 v8, v9;
	_ =	sdelay $0x1  }
0x33: {  	(erf) = vrcp.f32 v8;
	_ =	sdelay $0x8  }
0x34: {  	v8 =	vpop (erf)  }
0x35: {  	v5 =	vmul.f32 v8, v5;
	_ =	sdelay $0x1  }
0x36: {  	[tilespmem:s14+$0xFFFFFC80] =	vst v5  }
0x37: {  	v9 =	vld [tilespmem:s13+$0xFFFFFD00];
	_ =	sdelay $0x4  }
0x38: {  	v5 =	vadd.f32 $1.000000000e+00, v9;
	_ =	sdelay $0x1  }
0x39: {  	(erf) = vrcp.f32 v5;
	_ =	sdelay $0x8  }
0x3a: {  	v5 =	vpop (erf)  }
0x3b: {  	v61 =	vperm.xlane v5, v0;
	_ =	sdelay $0x1  }
0x3c: {  	v8 =	vadd.f32 v5, v61;
	_ =	sdelay $0x1  }
0x3d: {  	v10 =	vperm.xlane v8, v1;
	_ =	sdelay $0x1  }
0x3e: {  	v8 =	vadd.f32 v8, v10;
	_ =	sdelay $0x1  }
0x3f: {  	v10 =	vperm.xlane v8, v2;
	_ =	sdelay $0x1  }
0x40: {  	v8 =	vadd.f32 v8, v10;
	_ =	sdelay $0x1  }
0x41: {  	v10 =	vperm.xlane v8, v3;
	_ =	sdelay $0x1  }
0x42: {  	v8 =	vadd.f32 v8, v10;
	_ =	sdelay $0x1  }
0x43: {  	(erf) = vrcp.f32 v8;
	_ =	sdelay $0x8  }
0x44: {  	v8 =	vpop (erf)  }
0x45: {  	v5 =	vmul.f32 v8, v5;
	_ =	sdelay $0x1  }
0x46: {  	[tilespmem:s14+$0xFFFFFD00] =	vst v5  }
0x47: {  	v11 =	vld [tilespmem:s13+$0xFFFFFD80];
	_ =	sdelay $0x4  }
0x48: {  	v5 =	vadd.f32 $1.000000000e+00, v11;
	_ =	sdelay $0x1  }
0x49: {  	(erf) = vrcp.f32 v5;
	_ =	sdelay $0x8  }
0x4a: {  	v5 =	vpop (erf)  }
0x4b: {  	v62 =	vperm.xlane v5, v0;
	_ =	sdelay $0x1  }
0x4c: {  	v8 =	vadd.f32 v5, v62;
	_ =	sdelay $0x1  }
0x4d: {  	v63 =	vperm.xlane v8, v1;
	_ =	sdelay $0x1  }
0x4e: {  	v8 =	vadd.f32 v8, v63;
	_ =	sdelay $0x1  }
0x4f: {  	v10 =	vperm.xlane v8, v2;
	_ =	sdelay $0x1  }
0x50: {  	v8 =	vadd.f32 v8, v10;
	_ =	sdelay $0x1  }
0x51: {  	v10 =	vperm.xlane v8, v3;
	_ =	sdelay $0x1  }
0x52: {  	v8 =	vadd.f32 v8, v10;
	_ =	sdelay $0x1  }
0x53: {  	(erf) = vrcp.f32 v8;
	_ =	sdelay $0x8  }
0x54: {  	v8 =	vpop (erf)  }
0x55: {  	v5 =	vmul.f32 v8, v5;
	_ =	sdelay $0x1  }
0x56: {  	[tilespmem:s14+$0xFFFFFD80] =	vst v5  }
0x57: {  	v14 =	vld [tilespmem:s13+$0xFFFFFE00];
	_ =	sdelay $0x4  }
0x58: {  	v5 =	vadd.f32 $1.000000000e+00, v14;
	_ =	sdelay $0x1  }
0x59: {  	(erf) = vrcp.f32 v5;
	_ =	sdelay $0x8  }
0x5a: {  	v5 =	vpop (erf)  }
0x5b: {  	v12 =	vperm.xlane v5, v0;
	_ =	sdelay $0x1  }
0x5c: {  	v8 =	vadd.f32 v5, v12;
	_ =	sdelay $0x1  }
0x5d: {  	v13 =	vperm.xlane v8, v1;
	_ =	sdelay $0x1  }
0x5e: {  	v8 =	vadd.f32 v8, v13;
	_ =	sdelay $0x1  }
0x5f: {  	v10 =	vperm.xlane v8, v2;
	_ =	sdelay $0x1  }
0x60: {  	v8 =	vadd.f32 v8, v10;
	_ =	sdelay $0x1  }
0x61: {  	v10 =	vperm.xlane v8, v3;
	_ =	sdelay $0x1  }
0x62: {  	v8 =	vadd.f32 v8, v10;
	_ =	sdelay $0x1  }
0x63: {  	(erf) = vrcp.f32 v8;
	_ =	sdelay $0x8  }
0x64: {  	v8 =	vpop (erf)  }
0x65: {  	v5 =	vmul.f32 v8, v5;
	_ =	sdelay $0x1  }
0x66: {  	[tilespmem:s14+$0xFFFFFE00] =	vst v5  }
0x67: {  	v17 =	vld [tilespmem:s13+$0xFFFFFE80];
	_ =	sdelay $0x4  }
0x68: {  	v5 =	vadd.f32 $1.000000000e+00, v17;
	_ =	sdelay $0x1  }
0x69: {  	(erf) = vrcp.f32 v5;
	_ =	sdelay $0x8  }
0x6a: {  	v5 =	vpop (erf)  }
0x6b: {  	v15 =	vperm.xlane v5, v0;
	_ =	sdelay $0x1  }
0x6c: {  	v8 =	vadd.f32 v5, v15;
	_ =	sdelay $0x1  }
0x6d: {  	v16 =	vperm.xlane v8, v1;
	_ =	sdelay $0x1  }
0x6e: {  	v8 =	vadd.f32 v8, v16;
	_ =	sdelay $0x1  }
0x6f: {  	v10 =	vperm.xlane v8, v2;
	_ =	sdelay $0x1  }
0x70: {  	v8 =	vadd.f32 v8, v10;
	_ =	sdelay $0x1  }
0x71: {  	v10 =	vperm.xlane v8, v3;
	_ =	sdelay $0x1  }
0x72: {  	v8 =	vadd.f32 v8, v10;
	_ =	sdelay $0x1  }
0x73: {  	(erf) = vrcp.f32 v8;
	_ =	sdelay $0x8  }
0x74: {  	v8 =	vpop (erf)  }
0x75: {  	v5 =	vmul.f32 v8, v5;
	_ =	sdelay $0x1  }
0x76: {  	[tilespmem:s14+$0xFFFFFE80] =	vst v5  }
0x77: {  	v21 =	vld [tilespmem:s13+$0xFFFFFF00];
	_ =	sdelay $0x4  }
0x78: {  	v5 =	vadd.f32 $1.000000000e+00, v21;
	_ =	sdelay $0x1  }
0x79: {  	(erf) = vrcp.f32 v5;
	_ =	sdelay $0x8  }
0x7a: {  	v5 =	vpop (erf)  }
0x7b: {  	v18 =	vperm.xlane v5, v0;
	_ =	sdelay $0x1  }
0x7c: {  	v8 =	vadd.f32 v5, v18;
	_ =	sdelay $0x1  }
0x7d: {  	v19 =	vperm.xlane v8, v1;
	_ =	sdelay $0x1  }
0x7e: {  	v8 =	vadd.f32 v8, v19;
	_ =	sdelay $0x1  }
0x7f: {  	v10 =	vperm.xlane v8, v2;
	_ =	sdelay $0x1  }
0x80: {  	v8 =	vadd.f32 v8, v10;
	_ =	sdelay $0x1  }
0x81: {  	v10 =	vperm.xlane v8, v3;
	_ =	sdelay $0x1  }
0x82: {  	v8 =	vadd.f32 v8, v10;
	_ =	sdelay $0x1  }
0x83: {  	(erf) = vrcp.f32 v8;
	_ =	sdelay $0x8  }
0x84: {  	v8 =	vpop (erf)  }
0x85: {  	v5 =	vmul.f32 v8, v5;
	_ =	sdelay $0x1  }
0x86: {  	[tilespmem:s14+$0xFFFFFF00] =	vst v5  }
0x87: {  	v19 =	vld [tilespmem:s13+$0xFFFFFF80];
	_ =	sdelay $0x4  }
0x88: {  	v5 =	vadd.f32 $1.000000000e+00, v19;
	_ =	sdelay $0x1  }
0x89: {  	(erf) = vrcp.f32 v5;
	_ =	sdelay $0x8  }
0x8a: {  	v5 =	vpop (erf)  }
0x8b: {  	v20 =	vperm.xlane v5, v0;
	_ =	sdelay $0x1  }
0x8c: {  	v8 =	vadd.f32 v5, v20;
	_ =	sdelay $0x1  }
0x8d: {  	v22 =	vperm.xlane v8, v1;
	_ =	sdelay $0x1  }
0x8e: {  	v8 =	vadd.f32 v8, v22;
	_ =	sdelay $0x1  }
0x8f: {  	v10 =	vperm.xlane v8, v2;
	_ =	sdelay $0x1  }
0x90: {  	v8 =	vadd.f32 v8, v10;
	_ =	sdelay $0x1  }
0x91: {  	v10 =	vperm.xlane v8, v3;
	_ =	sdelay $0x1  }
0x92: {  	v8 =	vadd.f32 v8, v10;
	_ =	sdelay $0x1  }
0x93: {  	(erf) = vrcp.f32 v8;
	_ =	sdelay $0x8  }
0x94: {  	v8 =	vpop (erf)  }
0x95: {  	v5 =	vmul.f32 v8, v5;
	_ =	sdelay $0x1  }
0x96: {  	[tilespmem:s14+$0xFFFFFF80] =	vst v5  }
0x97: {  	v15 =	vld [tilespmem:s13+$0x0];
	_ =	sdelay $0x4  }
0x98: {  	v5 =	vadd.f32 $1.000000000e+00, v15;
	_ =	sdelay $0x1  }
0x99: {  	(erf) = vrcp.f32 v5;
	_ =	sdelay $0x8  }
0x9a: {  	v5 =	vpop (erf)  }
0x9b: {  	v23 =	vperm.xlane v5, v0;
	_ =	sdelay $0x1  }
0x9c: {  	v8 =	vadd.f32 v5, v23;
	_ =	sdelay $0x1  }
0x9d: {  	v24 =	vperm.xlane v8, v1;
	_ =	sdelay $0x1  }
0x9e: {  	v8 =	vadd.f32 v8, v24;
	_ =	sdelay $0x1  }
0x9f: {  	v10 =	vperm.xlane v8, v2;
	_ =	sdelay $0x1  }
0xa0: {  	v8 =	vadd.f32 v8, v10;
	_ =	sdelay $0x1  }
0xa1: {  	v10 =	vperm.xlane v8, v3;
	_ =	sdelay $0x1  }
0xa2: {  	v8 =	vadd.f32 v8, v10;
	_ =	sdelay $0x1  }
0xa3: {  	(erf) = vrcp.f32 v8;
	_ =	sdelay $0x8  }
0xa4: {  	v8 =	vpop (erf)  }
0xa5: {  	v5 =	vmul.f32 v8, v5;
	_ =	sdelay $0x1  }
0xa6: {  	[tilespmem:s14+$0x0] =	vst v5  }
0xa7: {  	v10 =	vld [tilespmem:s13+$0x80];
	_ =	sdelay $0x4  }
0xa8: {  	v5 =	vadd.f32 $1.000000000e+00, v10;
	_ =	sdelay $0x1  }
0xa9: {  	(erf) = vrcp.f32 v5;
	_ =	sdelay $0x8  }
0xaa: {  	v5 =	vpop (erf)  }
0xab: {  	v25 =	vperm.xlane v5, v0;
	_ =	sdelay $0x1  }
0xac: {  	v8 =	vadd.f32 v5, v25;
	_ =	sdelay $0x1  }
0xad: {  	v12 =	vperm.xlane v8, v1;
	_ =	sdelay $0x1  }
0xae: {  	v8 =	vadd.f32 v8, v12;
	_ =	sdelay $0x1  }
0xaf: {  	v12 =	vperm.xlane v8, v2;
	_ =	sdelay $0x1  }
0xb0: {  	v8 =	vadd.f32 v8, v12;
	_ =	sdelay $0x1  }
0xb1: {  	v12 =	vperm.xlane v8, v3;
	_ =	sdelay $0x1  }
0xb2: {  	v8 =	vadd.f32 v8, v12;
	_ =	sdelay $0x1  }
0xb3: {  	(erf) = vrcp.f32 v8;
	_ =	sdelay $0x8  }
0xb4: {  	v8 =	vpop (erf)  }
0xb5: {  	v26 =	vperm.xlane v6, v0;
	v5 =	vmul.f32 v8, v5;
	_ =	sdelay $0x1  }
0xb6: {  	[tilespmem:s14+$0x80] =	vst v5;
	v5 =	vmin.f32 v6, v26  }
0xb7: {  	v8 =	vld [tilespmem:s13+$0x100];
	v27 =	vperm.xlane v5, v1;
	_ =	sdelay $0x1  }
0xb8: {  	v5 =	vmin.f32 v5, v27  }
0xb9: {  	v12 =	vperm.xlane v5, v2;
	_ =	sdelay $0x1  }
0xba: {  	v13 =	vadd.f32 $1.000000000e+00, v8;
	v5 =	vmin.f32 v5, v12  }
0xbb: {  	v12 =	vperm.xlane v5, v3  }
0xbc: {  	(erf) = vrcp.f32 v13  }
0xbd: {  	v5 =	vmin.f32 v5, v12  }
0xbe: {  	vm15 =	veq.f32 v6, v5  }
0xbf: {  	v5 =	vnsel vm15, $0x10, v4  }
0xc0: {  	v28 =	vperm.xlane v5, v0;
	_ =	sdelay $0x1  }
0xc1: {  	vm15 =	vlt.s32 v5, v28  }
0xc2: {  	v5 =	vsel vm15, v5, v28  }
0xc3: {  	v12 =	vperm.xlane v5, v1  }
0xc4: {  	v16 =	vperm.xlane v7, v0;
	v13 =	vpop (erf)  }
0xc5: {  	v18 =	vperm.xlane v13, v0;
	vm15 =	vlt.s32 v5, v12  }
0xc6: {  	v29 =	vmin.f32 v7, v16;
	v5 =	vsel vm15, v5, v12  }
0xc7: {  	v20 =	vperm.xlane v29, v1;
	v30 =	vadd.f32 v13, v18;
	v31 =	vperm.xlane v5, v2;
	_ =	sdelay $0x1  }
0xc8: {  	v12 =	vmin.f32 v29, v20;
	v22 =	vperm.xlane v30, v1;
	vm15 =	vlt.s32 v5, v31  }
0xc9: {  	v32 =	vperm.xlane v12, v2;
	v5 =	vsel vm15, v5, v31  }
0xca: {  	v16 =	vadd.f32 v30, v22;
	v33 =	vperm.xlane v5, v3  }
0xcb: {  	v12 =	vmin.f32 v12, v32  }
0xcc: {  	v35 =	vperm.xlane v12, v3;
	v34 =	vperm.xlane v16, v2;
	vm15 =	vlt.s32 v5, v33  }
0xcd: {  	v5 =	vsel vm15, v5, v33  }
0xce: {  	v12 =	vmin.f32 v12, v35;
	v16 =	vadd.f32 v16, v34;
	vm15 =	veq.s32 v5, v4  }
0xcf: {  	v6 =	vsel vm15, $0x7F800000, v6;
	vm15 =	veq.f32 v7, v12  }
0xd0: {  	v39 =	vperm.xlane v9, v0;
	v36 =	vperm.xlane v16, v3;
	v38 =	vnsel vm15, $0x10, v4  }
0xd1: {  	v37 =	vperm.xlane v6, v0;
	v23 =	vperm.xlane v38, v0  }
0xd2: {  	v41 =	vmin.f32 v9, v39;
	v12 =	vadd.f32 v16, v36  }
0xd3: {  	v22 =	vperm.xlane v41, v1;
	v40 =	vmin.f32 v6, v37;
	vm15 =	vlt.s32 v38, v23  }
0xd4: {  	v42 =	vperm.xlane v40, v1;
	(erf) = vrcp.f32 v12;
	v20 =	vsel vm15, v38, v23  }
0xd5: {  	v18 =	vmin.f32 v41, v22;
	v23 =	vperm.xlane v20, v1  }
0xd6: {  	v43 =	vperm.xlane v18, v2;
	v12 =	vmin.f32 v40, v42  }
0xd7: {  	v44 =	vperm.xlane v12, v2;
	vm15 =	vlt.s32 v20, v23  }
0xd8: {  	v16 =	vmin.f32 v18, v43;
	v20 =	vsel vm15, v20, v23  }
0xd9: {  	v46 =	vperm.xlane v16, v3;
	v12 =	vmin.f32 v12, v44;
	v45 =	vperm.xlane v20, v2  }
0xda: {  	v47 =	vperm.xlane v12, v3  }
0xdb: {  	v53 =	vperm.xlane v11, v0;
	v16 =	vmin.f32 v16, v46;
	vm15 =	vlt.s32 v20, v45  }
0xdc: {  	v12 =	vmin.f32 v12, v47;
	v18 =	vsel vm15, v20, v45;
	vm15 =	veq.f32 v9, v16  }
0xdd: {  	v48 =	vpop (erf);
	v20 =	vperm.xlane v18, v3;
	v49 =	vnsel vm15, $0x10, v4;
	vm15 =	veq.f32 v6, v12  }
0xde: {  	v13 =	vmul.f32 v48, v13;
	v50 =	vperm.xlane v49, v0;
	v51 =	vnsel vm15, $0x10, v4  }
0xdf: {  	vm15 =	vlt.s32 v18, v20;
	v52 =	vperm.xlane v51, v0  }
0xe0: {  	[tilespmem:s14+$0x100] =	vst v13;
	v6 =	vsel vm15, v18, v20;
	vm15 =	vlt.s32 v49, v50;
	v18 =	vmin.f32 v11, v53  }
0xe1: {  	v13 =	vld [tilespmem:s13+$0x180];
	vm0 =	veq.s32 v6, v4;
	v12 =	vsel vm15, v49, v50;
	vm15 =	vlt.s32 v51, v52  }
0xe2: {  	v24 =	vperm.xlane v18, v1;
	v54 =	vsel vm0, $0x7F800000, v7;
	v7 =	vperm.xlane v12, v1  }
0xe3: {  	v28 =	vperm.xlane v14, v0;
	v16 =	vsel vm15, v51, v52  }
0xe4: {  	v55 =	vperm.xlane v54, v0;
	v18 =	vmin.f32 v18, v24;
	vm0 =	vlt.s32 v12, v7  }
0xe5: {  	v23 =	vperm.xlane v16, v1;
	v24 =	vperm.xlane v18, v2;
	v7 =	vsel vm0, v12, v7  }
0xe6: {  	v22 =	vmin.f32 v54, v55;
	v56 =	vadd.f32 $1.000000000e+00, v13;
	v26 =	vperm.xlane v7, v2  }
0xe7: {  	v38 =	vmin.f32 v14, v28;
	vm0 =	vlt.s32 v16, v23;
	v25 =	vperm.xlane v22, v1  }
0xe8: {  	v18 =	vmin.f32 v18, v24;
	(erf) = vrcp.f32 v56;
	vm15 =	vlt.s32 v7, v26  }
0xe9: {  	v58 =	vperm.xlane v18, v3;
	v57 =	vmin.f32 v22, v25;
	v7 =	vsel vm15, v7, v26  }
0xea: {  	v16 =	vsel vm0, v16, v23;
	v22 =	vperm.xlane v57, v2;
	v60 =	vperm.xlane v7, v3  }
0xeb: {  	v28 =	vperm.xlane v38, v1;
	v59 =	vperm.xlane v16, v2;
	v18 =	vmin.f32 v18, v58  }
0xec: {  	vm1 =	veq.f32 v11, v18;
	v12 =	vmin.f32 v57, v22;
	vm15 =	vlt.s32 v7, v60  }
0xed: {  	v18 =	vnsel vm1, $0x10, v4;
	v61 =	vperm.xlane v12, v3;
	v7 =	vsel vm15, v7, v60  }
0xee: {  	vm0 =	vlt.s32 v16, v59;
	v62 =	vperm.xlane v18, v0;
	vm15 =	veq.s32 v7, v4  }
0xef: {  	v16 =	vsel vm0, v16, v59;
	v12 =	vmin.f32 v12, v61;
	v63 =	vsel vm15, $0x7F800000, v9  }
0xf0: {  	vm0 =	vlt.s32 v18, v62;
	vm1 =	veq.f32 v54, v12;
	v9 =	vperm.xlane v63, v0  }
0xf1: {  	v53 =	vperm.xlane v17, v0;
	v12 =	vsel vm0, v18, v62;
	v20 =	vnsel vm1, $0x10, v4;
	v33 =	vpop (erf)  }
0xf2: {  	v36 =	vperm.xlane v20, v0;
	v34 =	vperm.xlane v33, v0;
	v9 =	vmin.f32 v63, v9  }
0xf3: {  	v18 =	vperm.xlane v12, v1;
	v27 =	vperm.xlane v9, v1  }
0xf4: {  	v35 =	vperm.xlane v16, v3;
	vm0 =	vlt.s32 v20, v36;
	v24 =	vadd.f32 v33, v34  }
0xf5: {  	v20 =	vsel vm0, v20, v36;
	vm0 =	vlt.s32 v12, v18;
	v9 =	vmin.f32 v9, v27  }
0xf6: {  	v12 =	vsel vm0, v12, v18;
	v40 =	vperm.xlane v20, v1;
	v37 =	vperm.xlane v24, v1  }
0xf7: {  	v18 =	vmin.f32 v38, v28;
	v39 =	vperm.xlane v12, v2;
	v29 =	vperm.xlane v9, v2  }
0xf8: {  	v42 =	vperm.xlane v18, v2;
	vm15 =	vlt.s32 v20, v40;
	v24 =	vadd.f32 v24, v37  }
0xf9: {  	vm1 =	vlt.s32 v12, v39;
	v9 =	vmin.f32 v9, v29;
	v20 =	vsel vm15, v20, v40  }
0xfa: {  	v18 =	vmin.f32 v18, v42;
	v40 =	vperm.xlane v21, v0;
	v44 =	vperm.xlane v9, v3  }
0xfb: {  	v12 =	vsel vm1, v12, v39;
	v27 =	vperm.xlane v18, v3;
	v41 =	vperm.xlane v24, v2  }
0xfc: {  	vm0 =	vlt.s32 v16, v35;
	v30 =	vperm.xlane v20, v2;
	v43 =	vperm.xlane v12, v3  }
0xfd: {  	v42 =	vmin.f32 v21, v40;
	v26 =	vmin.f32 v9, v44;
	v24 =	vadd.f32 v24, v41  }
0xfe: {  	v45 =	vmin.f32 v18, v27;
	vm1 =	vlt.s32 v12, v43;
	vm15 =	veq.f32 v63, v26  }
0xff: {  	v9 =	vsel vm1, v12, v43;
	v12 =	vsel vm0, v16, v35;
	v28 =	vperm.xlane v24, v3  }
0x100: {  	v49 =	vnsel vm15, $0x10, v4;
	vm0 =	vlt.s32 v20, v30;
	vm1 =	veq.s32 v9, v4  }
0x101: {  	v11 =	vsel vm1, $0x7F800000, v11;
	vm1 =	veq.f32 v14, v45;
	v46 =	vadd.f32 v24, v28  }
0x102: {  	v51 =	vperm.xlane v49, v0;
	v47 =	vperm.xlane v11, v0;
	v48 =	vnsel vm1, $0x10, v4  }
0x103: {  	v20 =	vsel vm0, v20, v30;
	v50 =	vperm.xlane v48, v0;
	(erf) = vrcp.f32 v46  }
0x104: {  	v57 =	vperm.xlane v20, v3;
	vm1 =	vlt.s32 v49, v51;
	v22 =	vmin.f32 v11, v47  }
0x105: {  	v24 =	vmin.f32 v17, v53;
	v52 =	vperm.xlane v22, v1;
	vm0 =	vlt.s32 v48, v50  }
0x106: {  	v16 =	vsel vm1, v49, v51;
	v58 =	vperm.xlane v24, v1;
	v18 =	vsel vm0, v48, v50  }
0x107: {  	v55 =	vperm.xlane v16, v1;
	v22 =	vmin.f32 v22, v52;
	v54 =	vperm.xlane v18, v1  }
0x108: {  	v45 =	vperm.xlane v42, v1;
	v24 =	vmin.f32 v24, v58;
	v56 =	vperm.xlane v22, v2  }
0x109: {  	vm1 =	vlt.s32 v16, v55;
	v62 =	vperm.xlane v24, v2;
	vm0 =	vlt.s32 v18, v54  }
0x10a: {  	v26 =	vsel vm1, v16, v55;
	v22 =	vmin.f32 v22, v56;
	v18 =	vsel vm0, v18, v54  }
0x10b: {  	v32 =	vmin.f32 v24, v62;
	v59 =	vperm.xlane v22, v3;
	v60 =	vperm.xlane v18, v2  }
0x10c: {  	v63 =	vperm.xlane v26, v2;
	v24 =	vperm.xlane v32, v3;
	vm0 =	vlt.s32 v20, v57;
	v61 =	vpop (erf)  }
0x10d: {  	v22 =	vmin.f32 v22, v59;
	vm15 =	vlt.s32 v18, v60;
	v23 =	vmul.f32 v61, v33  }
0x10e: {  	vm1 =	veq.f32 v11, v22;
	v33 =	vsel vm15, v18, v60;
	v18 =	vsel vm0, v20, v57  }
0x10f: {  	v11 =	vmin.f32 v32, v24;
	v22 =	vnsel vm1, $0x10, v4;
	v27 =	vperm.xlane v33, v3  }
0x110: {  	vm1 =	vlt.s32 v26, v63;
	vm15 =	veq.f32 v17, v11;
	[tilespmem:s14+$0x180] =	vst v23;
	v34 =	vperm.xlane v22, v0  }
0x111: {  	v35 =	vsel vm1, v26, v63;
	v36 =	vnsel vm15, $0x10, v4;
	v16 =	vld [tilespmem:s13+$0x200];
	vm1 =	vlt.s32 v33, v27  }
0x112: {  	v37 =	vperm.xlane v36, v0;
	vm0 =	vlt.s32 v22, v34;
	v11 =	vsel vm1, v33, v27  }
0x113: {  	v22 =	vsel vm0, v22, v34;
	vm0 =	veq.s32 v11, v4  }
0x114: {  	v24 =	vmin.f32 v42, v45;
	v14 =	vsel vm0, $0x7F800000, v14;
	vm0 =	vlt.s32 v36, v37  }
0x115: {  	v48 =	vperm.xlane v24, v2;
	v41 =	vperm.xlane v14, v0;
	v23 =	vsel vm0, v36, v37  }
0x116: {  	v58 =	vperm.xlane v19, v0;
	v38 =	vadd.f32 $1.000000000e+00, v16;
	v44 =	vperm.xlane v23, v1  }
0x117: {  	v24 =	vmin.f32 v24, v48;
	v39 =	vperm.xlane v22, v1;
	v43 =	vmin.f32 v14, v41  }
0x118: {  	(erf) = vrcp.f32 v38;
	v46 =	vperm.xlane v43, v1;
	vm0 =	vlt.s32 v23, v44  }
0x119: {  	v29 =	vperm.xlane v35, v3;
	v26 =	vperm.xlane v24, v3;
	v23 =	vsel vm0, v23, v44  }
0x11a: {  	vm1 =	vlt.s32 v22, v39;
	v25 =	vmin.f32 v43, v46;
	v50 =	vperm.xlane v23, v2  }
0x11b: {  	v24 =	vmin.f32 v24, v26;
	v22 =	vsel vm1, v22, v39;
	v49 =	vperm.xlane v25, v2  }
0x11c: {  	v47 =	vperm.xlane v22, v2;
	vm0 =	vlt.s32 v35, v29;
	vm1 =	vlt.s32 v23, v50  }
0x11d: {  	v20 =	vsel vm0, v35, v29;
	v25 =	vmin.f32 v25, v49;
	v23 =	vsel vm1, v23, v50  }
0x11e: {  	vm0 =	vlt.s32 v22, v47;
	v27 =	vperm.xlane v25, v3;
	v51 =	vperm.xlane v23, v3  }
0x11f: {  	v46 =	vperm.xlane v15, v0;
	v22 =	vsel vm0, v22, v47;
	vm0 =	veq.f32 v21, v24  }
0x120: {  	v24 =	vnsel vm0, $0x10, v4;
	v25 =	vmin.f32 v25, v27;
	vm1 =	vlt.s32 v23, v51  }
0x121: {  	v53 =	vperm.xlane v24, v0;
	v28 =	vpop (erf);
	vm0 =	veq.f32 v14, v25;
	v14 =	vsel vm1, v23, v51  }
0x122: {  	v52 =	vperm.xlane v28, v0;
	v25 =	vnsel vm0, $0x10, v4;
	vm0 =	veq.s32 v14, v4  }
0x123: {  	v55 =	vperm.xlane v25, v0;
	v17 =	vsel vm0, $0x7F800000, v17;
	vm0 =	vlt.s32 v24, v53  }
0x124: {  	v26 =	vadd.f32 v28, v52;
	v31 =	vperm.xlane v17, v0;
	v23 =	vsel vm0, v24, v53  }
0x125: {  	v30 =	vperm.xlane v22, v3;
	v27 =	vmin.f32 v19, v58;
	v57 =	vperm.xlane v23, v1  }
0x126: {  	vm0 =	vlt.s32 v25, v55;
	v54 =	vperm.xlane v26, v1;
	v59 =	vmin.f32 v17, v31  }
0x127: {  	v25 =	vsel vm0, v25, v55;
	v32 =	vperm.xlane v59, v1;
	vm0 =	vlt.s32 v23, v57  }
0x128: {  	v61 =	vperm.xlane v27, v1;
	v56 =	vadd.f32 v26, v54;
	v23 =	vsel vm0, v23, v57  }
0x129: {  	v62 =	vperm.xlane v25, v1;
	v29 =	vmin.f32 v59, v32;
	v63 =	vperm.xlane v23, v2  }
0x12a: {  	v26 =	vmin.f32 v27, v61;
	v60 =	vperm.xlane v56, v2;
	v33 =	vperm.xlane v29, v2  }
0x12b: {  	vm0 =	vlt.s32 v25, v62;
	v34 =	vperm.xlane v26, v2;
	vm1 =	vlt.s32 v23, v63  }
0x12c: {  	v24 =	vadd.f32 v56, v60;
	v29 =	vmin.f32 v29, v33;
	v23 =	vsel vm1, v23, v63  }
0x12d: {  	v25 =	vsel vm0, v25, v62;
	v37 =	vperm.xlane v29, v3;
	v32 =	vperm.xlane v23, v3  }
0x12e: {  	v26 =	vmin.f32 v26, v34;
	v39 =	vperm.xlane v25, v2;
	v36 =	vperm.xlane v24, v3  }
0x12f: {  	v38 =	vperm.xlane v26, v3;
	v27 =	vmin.f32 v29, v37;
	vm0 =	vlt.s32 v23, v32  }
0x130: {  	v24 =	vadd.f32 v24, v36;
	vm1 =	veq.f32 v17, v27;
	v17 =	vsel vm0, v23, v32  }
0x131: {  	v40 =	vmin.f32 v26, v38;
	v41 =	vnsel vm1, $0x10, v4;
	vm0 =	veq.s32 v17, v4  }
0x132: {  	vm1 =	veq.f32 v19, v40;
	(erf) = vrcp.f32 v24;
	v42 =	vperm.xlane v41, v0  }
0x133: {  	v21 =	vsel vm0, $0x7F800000, v21;
	v43 =	vnsel vm1, $0x10, v4;
	vm0 =	vlt.s32 v22, v30  }
0x134: {  	v44 =	vperm.xlane v21, v0;
	v45 =	vperm.xlane v43, v0;
	v22 =	vsel vm0, v22, v30  }
0x135: {  	vm0 =	vlt.s32 v25, v39;
	v30 =	vmin.f32 v15, v46;
	vm1 =	vlt.s32 v41, v42  }
0x136: {  	v51 =	vperm.xlane v30, v1;
	v24 =	vsel vm0, v25, v39;
	v29 =	vmin.f32 v21, v44  }
0x137: {  	vm15 =	vlt.s32 v43, v45;
	v23 =	vsel vm1, v41, v42;
	v47 =	vperm.xlane v29, v1  }
0x138: {  	v54 =	vperm.xlane v24, v3;
	v27 =	vsel vm15, v43, v45;
	v48 =	vperm.xlane v23, v1  }
0x139: {  	v45 =	vperm.xlane v10, v0;
	v49 =	vperm.xlane v27, v1;
	v26 =	vmin.f32 v29, v47  }
0x13a: {  	vm1 =	vlt.s32 v23, v48;
	v29 =	vmin.f32 v30, v51;
	v52 =	vperm.xlane v26, v2  }
0x13b: {  	vm0 =	vlt.s32 v27, v49;
	v30 =	vperm.xlane v29, v2;
	v23 =	vsel vm1, v23, v48  }
0x13c: {  	v48 =	vmin.f32 v10, v45;
	v45 =	vperm.xlane v13, v0;
	v27 =	vsel vm0, v27, v49;
	v50 =	vpop (erf)  }
0x13d: {  	v53 =	vperm.xlane v27, v2;
	v28 =	vmul.f32 v50, v28  }
0x13e: {  	v32 =	vperm.xlane v48, v1;
	v26 =	vmin.f32 v26, v52;
	v29 =	vmin.f32 v29, v30  }
0x13f: {  	v55 =	vperm.xlane v26, v3;
	v57 =	vperm.xlane v29, v3;
	vm0 =	vlt.s32 v27, v53;
	[tilespmem:s14+$0x200] =	vst v28  }
0x140: {  	v56 =	vperm.xlane v23, v2;
	v32 =	vmin.f32 v48, v32;
	v27 =	vsel vm0, v27, v53;
	v25 =	vld [tilespmem:s13+$0x280]  }
0x141: {  	v26 =	vmin.f32 v26, v55;
	v28 =	vmin.f32 v29, v57;
	v58 =	vperm.xlane v27, v3  }
0x142: {  	vm0 =	vlt.s32 v23, v56;
	vm1 =	veq.f32 v21, v26;
	vm15 =	veq.f32 v15, v28  }
0x143: {  	v26 =	vnsel vm1, $0x10, v4;
	v61 =	vnsel vm15, $0x10, v4;
	vm1 =	vlt.s32 v27, v58  }
0x144: {  	v60 =	vperm.xlane v26, v0;
	v62 =	vperm.xlane v61, v0;
	v21 =	vsel vm1, v27, v58  }
0x145: {  	v63 =	vsel vm0, v23, v56;
	vm15 =	veq.s32 v21, v4;
	v59 =	vadd.f32 $1.000000000e+00, v25  }
0x146: {  	vm1 =	vlt.s32 v26, v60;
	vm0 =	vlt.s32 v61, v62;
	v19 =	vsel vm15, $0x7F800000, v19  }
0x147: {  	v26 =	vsel vm1, v26, v60;
	v39 =	vperm.xlane v19, v0;
	(erf) = vrcp.f32 v59  }
0x148: {  	v50 =	vperm.xlane v32, v2;
	v27 =	vsel vm0, v61, v62;
	v30 =	vperm.xlane v26, v1  }
0x149: {  	v55 =	vperm.xlane v8, v0;
	v42 =	vperm.xlane v27, v1;
	v41 =	vmin.f32 v19, v39  }
0x14a: {  	vm1 =	vlt.s32 v24, v54;
	vm0 =	vlt.s32 v26, v30;
	v44 =	vperm.xlane v41, v1  }
0x14b: {  	v23 =	vsel vm1, v24, v54;
	vm1 =	vlt.s32 v27, v42;
	v43 =	vsel vm0, v26, v30  }
0x14c: {  	v27 =	vsel vm1, v27, v42;
	v30 =	vperm.xlane v43, v2;
	v28 =	vmin.f32 v41, v44  }
0x14d: {  	v51 =	vmin.f32 v32, v50;
	v47 =	vperm.xlane v27, v2;
	v46 =	vperm.xlane v28, v2  }
0x14e: {  	v40 =	vperm.xlane v63, v3;
	v58 =	vmin.f32 v8, v55;
	vm1 =	vlt.s32 v43, v30  }
0x14f: {  	v26 =	vsel vm1, v43, v30;
	vm1 =	vlt.s32 v27, v47;
	v28 =	vmin.f32 v28, v46  }
0x150: {  	v62 =	vperm.xlane v58, v1;
	v27 =	vsel vm1, v27, v47;
	v33 =	vperm.xlane v28, v3;
	v35 =	vpop (erf)  }
0x151: {  	vm0 =	vlt.s32 v63, v40;
	v36 =	vperm.xlane v27, v3;
	v49 =	vperm.xlane v35, v0  }
0x152: {  	v54 =	vperm.xlane v51, v3;
	v24 =	vsel vm0, v63, v40;
	v28 =	vmin.f32 v28, v33  }
0x153: {  	vm1 =	vlt.s32 v27, v36;
	vm0 =	veq.f32 v19, v28;
	v30 =	vadd.f32 v35, v49  }
0x154: {  	v19 =	vsel vm1, v27, v36;
	v27 =	vmin.f32 v51, v54;
	v53 =	vnsel vm0, $0x10, v4  }
0x155: {  	vm0 =	veq.s32 v19, v4;
	v57 =	vperm.xlane v53, v0;
	v37 =	vperm.xlane v30, v1  }
0x156: {  	v15 =	vsel vm0, $0x7F800000, v15;
	vm0 =	veq.f32 v10, v27;
	v27 =	vmin.f32 v58, v62  }
0x157: {  	v60 =	vperm.xlane v15, v0;
	v61 =	vnsel vm0, $0x10, v4;
	v52 =	vadd.f32 v30, v37  }
0x158: {  	v32 =	vperm.xlane v27, v2;
	vm0 =	vlt.s32 v53, v57;
	v63 =	vperm.xlane v61, v0  }
0x159: {  	v30 =	vsel vm0, v53, v57;
	v29 =	vmin.f32 v15, v60;
	v56 =	vperm.xlane v52, v2  }
0x15a: {  	v27 =	vmin.f32 v27, v32;
	vm0 =	vlt.s32 v61, v63;
	v33 =	vperm.xlane v30, v1  }
0x15b: {  	v41 =	vperm.xlane v29, v1;
	v31 =	vsel vm0, v61, v63;
	v59 =	vadd.f32 v52, v56  }
0x15c: {  	v43 =	vperm.xlane v27, v3;
	v36 =	vperm.xlane v31, v1  }
0x15d: {  	vm0 =	vlt.s32 v30, v33;
	v42 =	vmin.f32 v29, v41;
	v40 =	vperm.xlane v59, v3  }
0x15e: {  	v27 =	vmin.f32 v27, v43;
	v29 =	vmin.f32 v13, v45;
	v30 =	vsel vm0, v30, v33  }
0x15f: {  	v50 =	vperm.xlane v29, v1;
	vm0 =	vlt.s32 v31, v36;
	v28 =	vadd.f32 v59, v40  }
0x160: {  	v31 =	vsel vm0, v31, v36;
	vm0 =	veq.f32 v8, v27  }
0x161: {  	v29 =	vmin.f32 v29, v50;
	v46 =	vperm.xlane v31, v2;
	(erf) = vrcp.f32 v28  }
0x162: {  	v44 =	vperm.xlane v42, v2;
	v48 =	vnsel vm0, $0x10, v4;
	v53 =	vperm.xlane v29, v2  }
0x163: {  	v34 =	vperm.xlane v26, v3;
	v49 =	vperm.xlane v48, v0;
	vm0 =	vlt.s32 v31, v46  }
0x164: {  	v29 =	vmin.f32 v29, v53;
	v28 =	vmin.f32 v42, v44;
	v51 =	vsel vm0, v31, v46  }
0x165: {  	vm0 =	vlt.s32 v48, v49;
	v47 =	vperm.xlane v28, v3;
	v31 =	vperm.xlane v51, v3  }
0x166: {  	v38 =	vperm.xlane v30, v2;
	v56 =	vperm.xlane v29, v3;
	v52 =	vsel vm0, v48, v49  }
0x167: {  	v33 =	vperm.xlane v52, v1;
	v27 =	vmin.f32 v28, v47;
	vm0 =	vlt.s32 v51, v31  }
0x168: {  	v29 =	vmin.f32 v29, v56;
	vm1 =	veq.f32 v15, v27;
	v15 =	vsel vm0, v51, v31  }
0x169: {  	v55 =	vnsel vm1, $0x10, v4;
	vm0 =	veq.s32 v15, v4;
	vm1 =	vlt.s32 v52, v33  }
0x16a: {  	v57 =	vsel vm0, $0x7F800000, v10;
	vm0 =	vlt.s32 v30, v38;
	v60 =	vperm.xlane v55, v0;
	v54 =	vpop (erf)  }
0x16b: {  	v58 =	vsel vm1, v52, v33;
	v59 =	vperm.xlane v57, v0;
	v35 =	vmul.f32 v54, v35  }
0x16c: {  	v33 =	vperm.xlane v58, v2;
	v30 =	vsel vm0, v30, v38;
	vm0 =	veq.f32 v13, v29  }
0x16d: {  	vm15 =	vlt.s32 v26, v34;
	v29 =	vnsel vm0, $0x10, v4;
	[tilespmem:s14+$0x280] =	vst v35  }
0x16e: {  	vm0 =	vlt.s32 v55, v60;
	v27 =	vmin.f32 v57, v59;
	vm1 =	vlt.s32 v58, v33;
	v28 =	vld [tilespmem:s13+$0x300]  }
0x16f: {  	v62 =	vperm.xlane v29, v0;
	v61 =	vperm.xlane v27, v1;
	v10 =	vsel vm1, v58, v33  }
0x170: {  	v43 =	vperm.xlane v30, v3;
	v31 =	vsel vm0, v55, v60;
	v63 =	vperm.xlane v10, v3  }
0x171: {  	v44 =	vperm.xlane v31, v1;
	vm0 =	vlt.s32 v29, v62;
	v27 =	vmin.f32 v27, v61  }
0x172: {  	v29 =	vsel vm0, v29, v62;
	vm1 =	vlt.s32 v10, v63;
	v41 =	vperm.xlane v27, v2  }
0x173: {  	v42 =	vperm.xlane v29, v1;
	v10 =	vsel vm1, v10, v63;
	v40 =	vadd.f32 $1.000000000e+00, v28  }
0x174: {  	vm1 =	vlt.s32 v30, v43;
	vm0 =	veq.s32 v10, v4;
	v33 =	vmin.f32 v27, v41  }
0x175: {  	v27 =	vsel vm15, v26, v34;
	v26 =	vsel vm1, v30, v43;
	(erf) = vrcp.f32 v40  }
0x176: {  	v45 =	vsel vm0, $0x7F800000, v8;
	vm0 =	vlt.s32 v29, v42;
	v46 =	vperm.xlane v33, v3  }
0x177: {  	v29 =	vsel vm0, v29, v42;
	vm0 =	vlt.s32 v31, v44;
	v47 =	vperm.xlane v45, v0  }
0x178: {  	v39 =	vperm.xlane v29, v2;
	v48 =	vsel vm0, v31, v44;
	v8 =	vmin.f32 v33, v46  }
0x179: {  	v46 =	vperm.xlane v16, v0;
	v49 =	vmin.f32 v45, v47;
	vm1 =	veq.f32 v57, v8  }
0x17a: {  	v51 =	vperm.xlane v48, v2;
	vm0 =	vlt.s32 v29, v39;
	v50 =	vperm.xlane v49, v1  }
0x17b: {  	v52 =	vnsel vm1, $0x10, v4;
	v38 =	vmin.f32 v16, v46;
	v29 =	vsel vm0, v29, v39  }
0x17c: {  	v54 =	vperm.xlane v52, v0;
	vm0 =	vlt.s32 v48, v51;
	v53 =	vperm.xlane v29, v3  }
0x17d: {  	v31 =	vmin.f32 v49, v50;
	v30 =	vsel vm0, v48, v51;
	v49 =	vperm.xlane v38, v1  }
0x17e: {  	v56 =	vperm.xlane v31, v2;
	v63 =	vperm.xlane v30, v3;
	vm1 =	vlt.s32 v29, v53;
	v35 =	vpop (erf)  }
0x17f: {  	v8 =	vsel vm1, v29, v53;
	vm1 =	vlt.s32 v52, v54;
	v55 =	vperm.xlane v35, v0  }
0x180: {  	v31 =	vmin.f32 v31, v56;
	v33 =	vsel vm1, v52, v54;
	vm1 =	veq.s32 v8, v4  }
0x181: {  	v58 =	vperm.xlane v31, v3;
	v59 =	vsel vm1, $0x7F800000, v13;
	v57 =	vadd.f32 v35, v55  }
0x182: {  	v61 =	vperm.xlane v33, v1;
	v62 =	vperm.xlane v59, v0  }
0x183: {  	v52 =	vperm.xlane v25, v0;
	v31 =	vmin.f32 v31, v58;
	v60 =	vperm.xlane v57, v1  }
0x184: {  	vm0 =	vlt.s32 v33, v61;
	vm1 =	veq.f32 v45, v31;
	v42 =	vmin.f32 v59, v62  }
0x185: {  	v31 =	vnsel vm1, $0x10, v4;
	v32 =	vsel vm0, v33, v61;
	v13 =	vadd.f32 v57, v60  }
0x186: {  	v33 =	vmin.f32 v38, v49;
	v43 =	vperm.xlane v42, v1;
	v45 =	vperm.xlane v31, v0  }
0x187: {  	vm0 =	vlt.s32 v30, v63;
	v38 =	vperm.xlane v33, v2;
	v44 =	vperm.xlane v13, v2  }
0x188: {  	v50 =	vperm.xlane v32, v2;
	v29 =	vmin.f32 v42, v43;
	vm1 =	vlt.s32 v31, v45  }
0x189: {  	v33 =	vmin.f32 v33, v38;
	v48 =	vperm.xlane v29, v2;
	v47 =	vadd.f32 v13, v44  }
0x18a: {  	v31 =	vsel vm1, v31, v45;
	v54 =	vperm.xlane v33, v3;
	v45 =	vperm.xlane v28, v0  }
0x18b: {  	v51 =	vperm.xlane v31, v1;
	v29 =	vmin.f32 v29, v48;
	v40 =	vperm.xlane v47, v3  }
0x18c: {  	v37 =	vperm.xlane v29, v3;
	v13 =	vsel vm0, v30, v63;
	vm0 =	vlt.s32 v32, v50  }
0x18d: {  	v30 =	vsel vm0, v32, v50;
	vm0 =	vlt.s32 v31, v51;
	v34 =	vadd.f32 v47, v40  }
0x18e: {  	v29 =	vmin.f32 v29, v37;
	v32 =	vmin.f32 v25, v52;
	v31 =	vsel vm0, v31, v51  }
0x18f: {  	vm0 =	veq.f32 v59, v29;
	v55 =	vperm.xlane v32, v1;
	(erf) = vrcp.f32 v34  }
0x190: {  	v33 =	vmin.f32 v33, v54;
	v53 =	vperm.xlane v30, v3;
	v36 =	vnsel vm0, $0x10, v4  }
0x191: {  	vm0 =	veq.f32 v16, v33;
	v56 =	vperm.xlane v36, v0;
	v32 =	vmin.f32 v32, v55  }
0x192: {  	v57 =	vperm.xlane v31, v2;
	vm1 =	vlt.s32 v30, v53;
	v59 =	vperm.xlane v32, v2  }
0x193: {  	v58 =	vnsel vm0, $0x10, v4;
	v29 =	vsel vm1, v30, v53;
	vm0 =	vlt.s32 v36, v56  }
0x194: {  	v60 =	vperm.xlane v58, v0;
	v61 =	vsel vm0, v36, v56;
	v32 =	vmin.f32 v32, v59  }
0x195: {  	vm1 =	vlt.s32 v31, v57;
	v36 =	vperm.xlane v61, v1;
	v62 =	vperm.xlane v32, v3  }
0x196: {  	v33 =	vmin.f32 v28, v45;
	v31 =	vsel vm1, v31, v57;
	vm0 =	vlt.s32 v58, v60  }
0x197: {  	v30 =	vsel vm0, v58, v60;
	vm0 =	vlt.s32 v61, v36;
	v32 =	vmin.f32 v32, v62  }
0x198: {  	v44 =	vperm.xlane v31, v3;
	v34 =	vsel vm0, v61, v36;
	vm0 =	veq.f32 v25, v32;
	v63 =	vpop (erf)  }
0x199: {  	v52 =	vld [tilespmem:$0x1FFE0];
	v43 =	vperm.xlane v30, v1;
	v32 =	vnsel vm0, $0x10, v4;
	v42 =	vmul.f32 v63, v35  }
0x19a: {  	v49 =	vperm.xlane v33, v1;
	v46 =	vperm.xlane v32, v0  }
0x19b: {  	vm1 =	vlt.s32 v30, v43;
	vm0 =	vlt.s32 v31, v44;
	v47 =	vperm.xlane v34, v2;
	[tilespmem:s14+$0x300] =	vst v42  }
0x19c: {  	v35 =	vsel vm1, v30, v43;
	v30 =	vsel vm0, v31, v44;
	vm0 =	vlt.s32 v32, v46;
	v36 =	vld [tilespmem:s13+$0x380]  }
0x19d: {  	vm1 =	vlt.s32 v34, v47;
	v31 =	vmin.f32 v33, v49;
	v48 =	vperm.xlane v35, v2  }
0x19e: {  	v32 =	vsel vm0, v32, v46;
	v34 =	vsel vm1, v34, v47;
	vm1 =	vnez.u8 v52  }
0x19f: {  	v53 =	vperm.xlane v31, v2;
	v50 =	vperm.xlane v32, v1;
	v6 =	vsel vm1, v5, v6  }
0x1a0: {  	v12 =	vsel vm1, v12, v18;
	v43 =	vperm.xlane v34, v3;
	vm0 =	vlt.s32 v35, v48  }
0x1a1: {  	v31 =	vmin.f32 v31, v53;
	v7 =	vsel vm3, v6, v7;
	v51 =	vperm.xlane v36, v0  }
0x1a2: {  	v35 =	vsel vm0, v35, v48;
	vm0 =	vlt.s32 v32, v50;
	v57 =	vperm.xlane v31, v3  }
0x1a3: {  	v54 =	vperm.xlane v35, v3;
	v32 =	vsel vm0, v32, v50;
	v33 =	vmin.f32 v36, v51  }
0x1a4: {  	v12 =	vsel vm3, v12, v20;
	v56 =	vperm.xlane v32, v2;
	v55 =	vperm.xlane v33, v1  }
0x1a5: {  	v7 =	vsel vm4, v7, v9;
	v31 =	vmin.f32 v31, v57;
	vm0 =	vlt.s32 v35, v54  }
0x1a6: {  	v5 =	vsel vm0, v35, v54;
	vm0 =	vlt.s32 v32, v56;
	v33 =	vmin.f32 v33, v55  }
0x1a7: {  	v59 =	vsel vm0, v32, v56;
	vm0 =	veq.f32 v28, v31;
	v58 =	vperm.xlane v33, v2  }
0x1a8: {  	v60 =	vperm.xlane v59, v3;
	v61 =	vnsel vm0, $0x10, v4;
	vm0 =	veq.s32 v5, v4  }
0x1a9: {  	v62 =	vperm.xlane v61, v0;
	v16 =	vsel vm0, $0x7F800000, v16;
	v33 =	vmin.f32 v33, v58  }
0x1aa: {  	vm0 =	vlt.s32 v59, v60;
	v41 =	vperm.xlane v16, v0;
	v63 =	vperm.xlane v33, v3  }
0x1ab: {  	v12 =	vsel vm4, v12, v22;
	v52 =	vadd.f32 $1.000000000e+00, v36;
	v6 =	vsel vm0, v59, v60  }
0x1ac: {  	vm0 =	vlt.s32 v61, v62;
	v31 =	vmin.f32 v16, v41;
	v38 =	vmin.f32 v33, v63  }
0x1ad: {  	v39 =	vsel vm0, v61, v62;
	v44 =	vperm.xlane v31, v1;
	vm0 =	veq.f32 v36, v38  }
0x1ae: {  	(erf) = vrcp.f32 v52;
	v40 =	vperm.xlane v39, v1;
	v18 =	vnsel vm0, $0x10, v4  }
0x1af: {  	v20 =	vmin.f32 v31, v44;
	vm0 =	veq.s32 v6, v4;
	v42 =	vperm.xlane v18, v0  }
0x1b0: {  	v48 =	vperm.xlane v20, v2;
	v25 =	vsel vm0, $0x7F800000, v25;
	vm0 =	vlt.s32 v39, v40  }
0x1b1: {  	v9 =	vsel vm0, v39, v40;
	v45 =	vperm.xlane v25, v0;
	vm0 =	vlt.s32 v18, v42  }
0x1b2: {  	v20 =	vmin.f32 v20, v48;
	v46 =	vperm.xlane v9, v2;
	v18 =	vsel vm0, v18, v42  }
0x1b3: {  	vm0 =	vlt.s32 v34, v43;
	v22 =	vmin.f32 v25, v45;
	v47 =	vperm.xlane v18, v1  }
0x1b4: {  	v33 =	vsel vm0, v34, v43;
	vm0 =	vlt.s32 v9, v46;
	v49 =	vperm.xlane v22, v1  }
0x1b5: {  	v50 =	vperm.xlane v20, v3;
	v9 =	vsel vm0, v9, v46;
	vm0 =	vlt.s32 v18, v47  }
0x1b6: {  	v32 =	vperm.xlane v9, v3;
	v22 =	vmin.f32 v22, v49;
	v18 =	vsel vm0, v18, v47  }
0x1b7: {  	v7 =	vsel vm5, v7, v11;
	v35 =	vperm.xlane v22, v2;
	v51 =	vperm.xlane v18, v2  }
0x1b8: {  	v12 =	vsel vm5, v12, v23;
	v20 =	vmin.f32 v20, v50;
	vm0 =	vlt.s32 v9, v32  }
0x1b9: {  	v9 =	vsel vm0, v9, v32;
	v22 =	vmin.f32 v22, v35;
	vm0 =	vlt.s32 v18, v51  }
0x1ba: {  	v53 =	vperm.xlane v22, v3;
	v18 =	vsel vm0, v18, v51;
	vm0 =	veq.f32 v16, v20  }
0x1bb: {  	v54 =	vperm.xlane v18, v3;
	v55 =	vnsel vm0, $0x10, v4;
	vm0 =	veq.s32 v9, v4  }
0x1bc: {  	v7 =	vsel vm6, v7, v14;
	v12 =	vsel vm6, v12, v24;
	v56 =	vsel vm0, $0x7F800000, v28  }
0x1bd: {  	v16 =	vmin.f32 v22, v53;
	vm0 =	vlt.s32 v18, v54;
	v58 =	vperm.xlane v56, v0  }
0x1be: {  	v7 =	vsel vm7, v7, v17;
	v18 =	vsel vm0, v18, v54;
	vm0 =	veq.f32 v25, v16  }
0x1bf: {  	v63 =	vpop (erf);
	v16 =	vnsel vm0, $0x10, v4;
	vm0 =	veq.s32 v18, v4;
	v20 =	vmin.f32 v56, v58  }
0x1c0: {  	v59 =	vsel vm0, $0x7F800000, v36;
	v62 =	vperm.xlane v20, v1;
	v36 =	vperm.xlane v63, v0  }
0x1c1: {  	v12 =	vsel vm7, v12, v27;
	v7 =	vsel vm8, v7, v21;
	v57 =	vperm.xlane v55, v0  }
0x1c2: {  	v61 =	vperm.xlane v59, v0;
	v14 =	vmin.f32 v20, v62;
	v20 =	vadd.f32 v63, v36  }
0x1c3: {  	v12 =	vsel vm8, v12, v26;
	v7 =	vsel vm9, v7, v19  }
0x1c4: {  	vm0 =	vlt.s32 v55, v57;
	v31 =	vmin.f32 v59, v61;
	v42 =	vperm.xlane v20, v1  }
0x1c5: {  	v60 =	vperm.xlane v16, v0;
	v11 =	vsel vm0, v55, v57;
	v37 =	vperm.xlane v31, v1  }
0x1c6: {  	v12 =	vsel vm9, v12, v13;
	v28 =	vperm.xlane v11, v1;
	v20 =	vadd.f32 v20, v42  }
0x1c7: {  	vm0 =	vlt.s32 v16, v60;
	v38 =	vperm.xlane v14, v2;
	v31 =	vmin.f32 v31, v37  }
0x1c8: {  	v16 =	vsel vm0, v16, v60;
	v40 =	vperm.xlane v31, v2;
	v45 =	vperm.xlane v20, v2  }
0x1c9: {  	vm0 =	vlt.s32 v11, v28;
	v39 =	vperm.xlane v16, v1;
	v14 =	vmin.f32 v14, v38  }
0x1ca: {  	v41 =	vperm.xlane v14, v3;
	v43 =	vmin.f32 v31, v40;
	v47 =	vadd.f32 v20, v45  }
0x1cb: {  	v7 =	vsel vm10, v7, v15;
	v11 =	vsel vm0, v11, v28;
	v25 =	vperm.xlane v43, v3  }
0x1cc: {  	vm0 =	vlt.s32 v16, v39;
	v14 =	vmin.f32 v14, v41;
	v49 =	vperm.xlane v47, v3  }
0x1cd: {  	v16 =	vsel vm0, v16, v39;
	vm0 =	veq.f32 v56, v14;
	v44 =	vmin.f32 v43, v25  }
0x1ce: {  	v14 =	vnsel vm0, $0x10, v4;
	vm0 =	veq.f32 v59, v44;
	v52 =	vadd.f32 v47, v49  }
0x1cf: {  	v7 =	vsel vm11, v7, v10;
	v46 =	vperm.xlane v14, v0;
	v48 =	vnsel vm0, $0x10, v4  }
0x1d0: {  	v7 =	vsel vm12, v7, v8;
	v50 =	vperm.xlane v48, v0;
	(erf) = vrcp.f32 v52  }
0x1d1: {  	v5 =	vsel vm13, v7, v5;
	v53 =	vperm.xlane v11, v2;
	vm0 =	vlt.s32 v14, v46  }
0x1d2: {  	v54 =	vperm.xlane v16, v2;
	v51 =	vsel vm0, v14, v46;
	vm0 =	vlt.s32 v48, v50  }
0x1d3: {  	v55 =	vperm.xlane v51, v1;
	v13 =	vsel vm0, v48, v50;
	vm0 =	vlt.s32 v11, v53  }
0x1d4: {  	v11 =	vsel vm0, v11, v53;
	vm0 =	vlt.s32 v16, v54;
	v56 =	vperm.xlane v13, v1  }
0x1d5: {  	v16 =	vsel vm0, v16, v54;
	v57 =	vperm.xlane v11, v3;
	vm0 =	vlt.s32 v51, v55  }
0x1d6: {  	v10 =	vsel vm0, v51, v55;
	v58 =	vperm.xlane v16, v3;
	vm0 =	vlt.s32 v13, v56  }
0x1d7: {  	v13 =	vsel vm0, v13, v56;
	vm0 =	vlt.s32 v11, v57;
	v59 =	vperm.xlane v10, v2  }
0x1d8: {  	v11 =	vsel vm0, v11, v57;
	vm0 =	vlt.s32 v16, v58;
	v60 =	vperm.xlane v13, v2  }
0x1d9: {  	v5 =	vsel vm14, v5, v6;
	v61 =	vsel vm0, v16, v58;
	vm0 =	vlt.s32 v10, v59;
	v6 =	vpop (erf)  }
0x1da: {  	v10 =	vsel vm0, v10, v59;
	vm0 =	vlt.s32 v13, v60;
	v6 =	vmul.f32 v6, v63;
	v63 =	vld [tilespmem:$0x1FFF0]  }
0x1db: {  	v12 =	vsel vm10, v12, v29;
	v13 =	vsel vm0, v13, v60;
	v7 =	vperm.xlane v10, v3  }
0x1dc: {  	v12 =	vsel vm11, v12, v30;
	v62 =	vperm.xlane v13, v3  }
0x1dd: {  	p0 =	sne.s32 s15, $0x4C0;
	v12 =	vsel vm12, v12, v33;
	v5 =	vsel vm2, v5, v9;
	vm0 =	vlt.s32 v10, v7  }
.Ltmp0:
0x1de: {  	v11 =	vsel vm13, v12, v11;
	v7 =	vsel vm0, v10, v7;
	vm0 =	vlt.s32 v13, v62;
	(pc) =	sbr.rel @p0 .LBB2_2-.Ltmp0, $4  }
0x1df: {  	v8 =	vsel vm14, v11, v61;
	[tilespmem:s14+$0x380] =	vst v6;
	v6 =	vsel vm0, v13, v62;
	vm0 =	vnez.u8 v63  }
0x1e0: {  	s16 =	sshra.s32 s15, $0x2;
	v7 =	vsel vm2, v8, v7;
	v5 =	vsel vm0, v5, v18  }
0x1e1: {  	v6 =	vsel vm0, v7, v6;
	[tilespmem:s16+$0x14000] =	vst v5  }
0x1e2: {  	s15 =	sadd.s32 $0x40, s15;
	s13 =	sadd.s32 $0x800, s13;
	s14 =	sadd.s32 $0x800, s14;
	[tilespmem:s16+$0x14180] =	vst v6  }
0x1e3: {  	[hbm4b:s4+s2] =	stream.linear.scatter [tilespmem:s9], [sflag:$0x1], $0xA000, $0x38;
	[tilespmem:$0x14300] =	vst v63  }
0x1e4: {  	_ =	swait.ge [sflag:s8], $0xA000  }
0x1e5: {  	[sflag:s8] =	ssyncset.done $0x0  }
0x1e6: {  	[sflag:s8] =	ssyncadd.s32 $0xFFFF6000  }
0x1e7: {  	[hbm4b:s5+s2] =	stream.linear.scatter [tilespmem:s10], [sflag:$0x1], $0x140, $0x38;
	[tilespmem:$0x14300] =	vst v63  }
0x1e8: {  	s12 =	sadd.s32 $0x1, s12;
	_ =	swait.ge [sflag:s8], $0x140  }
0x1e9: {  	p0 =	sne.s32 s12, s7;
	[sflag:s8] =	ssyncset.done $0x0  }
.Ltmp1:
0x1ea: {  	[sflag:s8] =	ssyncadd.s32 $0xFFFFFEC0;
	(pc) =	sbr.rel @p0 .LBB2_1-.Ltmp1, $4  }
0x1eb: {  	[hbm4b:s6+s2] =	stream.linear.scatter [tilespmem:s11], [sflag:$0x1], $0x140, $0x38;
	[tilespmem:$0x14300] =	vst v63  }
0x1ec: {  	_ =	swait.ge [sflag:s8], $0x140  }
0x1ed: {  	[sflag:s8] =	ssyncset.done $0x0  }
0x1ee: {  	[sflag:s8] =	ssyncadd.s32 $0xFFFFFEC0  }
0x1ef: {  	_ =	sfence.sel $0x180000  }
0x1f0: {  	[bflag:$0x0] =	sbarrier.arrive $0xFFFF  }
0x1f1: {  	p0 =	sne.s32 s0, $0x0;
	_ =	strace $0x90000047  }
0x1f2: {  	s0 =	sadd.s32 @!p0 $0x100000, s1;
	[bflag:$0x2] =	sbarrier.arrive $0xFFFF  }
0x1f3: {  	[sflag:s0] =	ssyncadd.tile.s32 @!p0 $0x1;
	_ =	shalt  }
.Lfunc_end2:
_tile_overlayer_lowered:
.L_overlay_start_2:
0x1f4: {  	(tag) =	ssettag $0x2  }
0x1f5: {  	s0 =	rddreg [dreg:$0x0];
	s2 =	stileid.u32  }
0x1f6: {  	s1 =	rddreg [dreg:$0x1];
	p0 =	sne.s32 s2, $0x0  }
0x1f7: {  	s3 =	rddreg [dreg:$0x2];
	[bflag:$0x3] =	sbarrier.arrive $0xFFFF;
	s2 =	simm.s32 @!p0 $0x1C01  }
0x1f8: {  	[timem:s3], [sflag:s2] =	dma.local @!p0 [hbm:s0], s1  }
0x1f9: {  	s0 =	simm.s32 @!p0 $0x1  }
0x1fa: {  	_ =	swait.ge @!p0 [sflag:s0], s1  }
0x1fb: {  	s1 =	ssub.s32 @!p0 $0x0, s1;
	[sflag:s0] =	ssyncset.done @!p0 $0x0  }
0x1fc: {  	[sflag:s0] =	ssyncadd.s32 @!p0 s1  }
0x1fd: {  	[bflag:$0x3] =	sbarrier.arrive $0xFFFF  }
0x1fe: {  	_ =	shalt  }

</sc_bundles>
